<compile_context>
chip_gen: v7x
topology: tpu7x:2x2x1
jax: 0.10.2.dev20260603
libtpu: 0.0.44.dev20260713+nightly
codegen_flags: <defaults>
</compile_context>

<pallas_src>
import functools

import jax
import jax.numpy as jnp
from jax import lax
from jax.experimental import pallas as pl
from jax.experimental.pallas import tpu as pltpu
from jax.experimental.pallas import tpu_sc as plsc

N = 10000
D = 128
E = 320000

NC = 2
NS = 16
NW = NC * NS
E_W = E // NW
E_W_P = 10240
R = 32
CHUNKS = E_W_P // R
NBUF = 4
NI = 8
GD = 2
ID = 4
N_PAD = 10240
TRASH = N_PAD - 1
ROWS_W = N_PAD // NS


def _tc_z_body(h_ref, w_ref, z_ref, zb_ref):
    z = lax.dot_general(h_ref[...], w_ref[...], (((1,), (1,)), ((), ())),
                        preferred_element_type=jnp.float32)
    z_ref[...] = z
    zb_ref[...] = z.astype(jnp.bfloat16)


def _tc_z(h, W):
    blk = 1000
    return pl.pallas_call(
        _tc_z_body,
        grid=(N // blk,),
        in_specs=[
            pl.BlockSpec((blk, D), lambda i: (i, 0)),
            pl.BlockSpec((D, D), lambda i: (0, 0)),
        ],
        out_specs=[
            pl.BlockSpec((blk, D), lambda i: (i, 0)),
            pl.BlockSpec((blk, D), lambda i: (i, 0)),
        ],
        out_shape=[
            jax.ShapeDtypeStruct((N, D), jnp.float32),
            jax.ShapeDtypeStruct((N, D), jnp.bfloat16),
        ],
    )(h, W)


def _tc_s_body(z_ref, am_ref, s_ref):
    s_ref[...] = lax.dot_general(am_ref[...], z_ref[...],
                                 (((0,), (1,)), ((), ())),
                                 preferred_element_type=jnp.float32)


def _tc_s(z, amat):
    return pl.pallas_call(
        _tc_s_body,
        out_shape=jax.ShapeDtypeStruct((2, N), jnp.float32),
    )(z, amat)


def _tc_sum2_body(p_ref, o_ref):
    o_ref[...] = p_ref[0] + p_ref[1]


def _tc_sum2(partials):
    blk = 1000
    return pl.pallas_call(
        _tc_sum2_body,
        grid=(N // blk,),
        in_specs=[pl.BlockSpec((2, blk, D), lambda i: (0, i, 0))],
        out_specs=pl.BlockSpec((blk, D), lambda i: (i, 0)),
        out_shape=jax.ShapeDtypeStruct((N, D), jnp.float32),
    )(partials[:, :N, :])


def _sc_edge_body(zb_hbm, s1_hbm, s2_hbm, src_hbm, dst_hbm, out_hbm,
                  s1_v, s2_v, srcc, dstc, alpha_v, rows_bf, rows_f,
                  gsem, ssem, isem_s, isem_d, acc):
    cid = lax.axis_index("c")
    sid = lax.axis_index("s")
    wid = sid * NC + cid
    ebase = wid * E_W_P

    pltpu.sync_copy(s1_hbm, s1_v)
    pltpu.sync_copy(s2_hbm, s2_v)

    for q in range(ID):
        pltpu.async_copy(src_hbm.at[pl.ds(ebase + q * R, R)], srcc[q], isem_s[q])
        pltpu.async_copy(dst_hbm.at[pl.ds(ebase + q * R, R)], dstc[q], isem_d[q])
    for q in range(GD):
        pltpu.make_async_copy(src_hbm.at[pl.ds(0, R)], srcc[q], isem_s[q]).wait()
        pltpu.async_copy(zb_hbm.at[srcc[q]], rows_bf[q], gsem[q])

    zeros16 = jnp.zeros((16,), jnp.float32)
    zbuf = rows_f[NBUF - 1]

    def _zero_row(r, _):
        for j in range(D // 16):
            zbuf[r, pl.ds(j * 16, 16)] = zeros16
        return 0

    lax.fori_loop(0, R, _zero_row, 0)
    for t in range(ROWS_W // R):
        pltpu.async_copy(zbuf, acc.at[pl.ds(sid * ROWS_W + t * R, R)],
                         ssem[NBUF - 1])
    for t in range(ROWS_W // R):
        pltpu.make_async_copy(zbuf, acc.at[pl.ds(sid * ROWS_W, R)],
                              ssem[NBUF - 1]).wait()
    plsc.subcore_barrier()

    nclamp = jnp.full((16,), N - 1, jnp.int32)
    col2 = 2 * lax.iota(jnp.int32, 16)

    def _group(g, _):
        for u in range(NI):
            c = g * NI + u
            b = u % NBUF
            i = u % NI
            gslot = (u + GD) % NBUF
            gidx = (u + GD) % NI
            islot = (u + ID) % NI

            @pl.when(c + GD < CHUNKS)
            def _issue_gather():
                pltpu.make_async_copy(src_hbm.at[pl.ds(0, R)], srcc[gidx],
                                      isem_s[gidx]).wait()
                pltpu.async_copy(zb_hbm.at[srcc[gidx]], rows_bf[gslot],
                                 gsem[gslot])

            pltpu.make_async_copy(dst_hbm.at[pl.ds(0, R)], dstc[i],
                                  isem_d[i]).wait()
            for k in range(R // 16):
                sidx = srcc[i][pl.ds(k * 16, 16)]
                didx = jnp.minimum(dstc[i][pl.ds(k * 16, 16)], nclamp)
                s1 = plsc.load_gather(s1_v, [sidx])
                s2 = plsc.load_gather(s2_v, [didx])
                e = s1 + s2
                e = jnp.maximum(e, e * 0.01)
                alpha_v[pl.ds(k * 16, 16)] = 1.0 / (1.0 + jnp.exp(-e))

            pltpu.make_async_copy(zb_hbm.at[srcc[i]], rows_bf[b],
                                  gsem[b]).wait()

            @pl.when(c >= NBUF)
            def _drain():
                pltpu.make_async_copy(rows_f[b], acc.at[dstc[i]],
                                      ssem[b]).wait()

            def _scale(r, _):
                av = plsc.load_gather(alpha_v, [jnp.full((16,), r, jnp.int32)])
                ridx = jnp.full((16,), r, jnp.int32)
                for j in range(D // 32):
                    xi = rows_bf[b][r, pl.ds(j * 16, 16)]
                    x = plsc.bitcast(xi, jnp.bfloat16)
                    lo, hi = plsc.unpack(x, format=plsc.PackFormat.INTERLEAVED)
                    plsc.store_scatter(rows_f[b], [ridx, j * 32 + col2],
                                       lo * av)
                    plsc.store_scatter(rows_f[b], [ridx, j * 32 + 1 + col2],
                                       hi * av)
                return 0

            lax.fori_loop(0, R, _scale, 0)
            pltpu.async_copy(rows_f[b], acc.at[dstc[i]], ssem[b], add=True)

            @pl.when(c + ID < CHUNKS)
            def _stage_idx():
                nb = ebase + (c + ID) * R
                pltpu.async_copy(src_hbm.at[pl.ds(nb, R)], srcc[islot],
                                 isem_s[islot])
                pltpu.async_copy(dst_hbm.at[pl.ds(nb, R)], dstc[islot],
                                 isem_d[islot])
        return 0

    lax.fori_loop(0, CHUNKS // NI, _group, 0)

    for b in range(NBUF):
        pltpu.make_async_copy(rows_f[b], acc.at[dstc[b]], ssem[b]).wait()
    plsc.subcore_barrier()
    for t in range(ROWS_W // R):
        start = sid * ROWS_W + t * R
        pltpu.async_copy(acc.at[pl.ds(start, R)], out_hbm.at[cid, pl.ds(start, R)],
                         gsem[0])
    for t in range(ROWS_W // R):
        pltpu.make_async_copy(acc.at[pl.ds(0, R)], out_hbm.at[cid, pl.ds(0, R)],
                              gsem[0]).wait()


@functools.partial(
    pl.kernel,
    out_type=jax.ShapeDtypeStruct((NC, N_PAD, D), jnp.float32),
    mesh=plsc.VectorSubcoreMesh(core_axis_name="c", subcore_axis_name="s",
                                num_cores=NC, num_subcores=NS),
    scratch_types=[
        pltpu.VMEM((N,), jnp.float32),
        pltpu.VMEM((N,), jnp.float32),
        [pltpu.VMEM((R,), jnp.int32) for _ in range(NI)],
        [pltpu.VMEM((R,), jnp.int32) for _ in range(NI)],
        pltpu.VMEM((R,), jnp.float32),
        [pltpu.VMEM((R, D // 2), jnp.int32) for _ in range(NBUF)],
        [pltpu.VMEM((R, D), jnp.float32) for _ in range(NBUF)],
        [pltpu.SemaphoreType.DMA for _ in range(NBUF)],
        [pltpu.SemaphoreType.DMA for _ in range(NBUF)],
        [pltpu.SemaphoreType.DMA for _ in range(NI)],
        [pltpu.SemaphoreType.DMA for _ in range(NI)],
        pltpu.VMEM_SHARED((N_PAD, D), jnp.float32),
    ],
    compiler_params=pltpu.CompilerParams(needs_layout_passes=False,
                                        use_tc_tiling_on_sc=False),
)
def _sc_edges(zb_hbm, s1_hbm, s2_hbm, src_hbm, dst_hbm, out_hbm,
              s1_v, s2_v, srcc, dstc, alpha_v, rows_bf, rows_f,
              gsem, ssem, isem_s, isem_d, acc):
    _sc_edge_body(zb_hbm, s1_hbm, s2_hbm, src_hbm, dst_hbm, out_hbm,
                  s1_v, s2_v, srcc, dstc, alpha_v, rows_bf, rows_f,
                  gsem, ssem, isem_s, isem_d, acc)


def kernel(h, edge_index, W, a):
    amat = a.reshape(2, D).T
    z, zb = _tc_z(h, W)
    s = _tc_s(z, amat)
    pad = E_W_P - E_W
    src = edge_index[0].astype(jnp.int32).reshape(NW, E_W)
    dst = edge_index[1].astype(jnp.int32).reshape(NW, E_W)
    src = jnp.pad(src, ((0, 0), (0, pad))).ravel()
    trash = N + jnp.arange(pad, dtype=jnp.int32) % (N_PAD - N)
    dst = jnp.concatenate(
        [dst, jnp.broadcast_to(trash, (NW, pad))], axis=1).ravel()
    zbi = lax.bitcast_convert_type(zb.reshape(N, D // 2, 2), jnp.int32)
    partials = _sc_edges(zbi, s[0], s[1], src, dst)
    return _tc_sum2(partials)

# --- scband reference (transcript-rebuilt; emitter-appended) ---
"""Pipeline reference for scband-gatlayer-22265110462672 (READ-ONLY COPY).

The authoritative reference and input builder live on the scoring server;
editing this copy changes nothing except your own understanding.
"""

import jax, jax.numpy as jnp
import numpy as np

N = 10000
E = 320000
D_IN = 128
D_OUT = 128


def setup_inputs(seed: int = 0) -> dict:
    key = jax.random.key(seed)
    k1, k2, k3, k4 = jax.random.split(key, 4)
    h = jax.random.normal(k1, (N, D_IN), dtype=jnp.float32)
    edge_index = jax.random.randint(k2, (2, E), 0, N)
    # Learned params: fc (Linear(in_dim, out_dim, bias=False)) weight [out, in],
    # attn_fc (Linear(2*out_dim, 1, bias=False)) weight [1, 2*out_dim]
    W = jax.random.normal(k3, (D_OUT, D_IN), dtype=jnp.float32) * 0.05
    a = jax.random.normal(k4, (1, 2 * D_OUT), dtype=jnp.float32) * 0.05
    return {"h": h, "edge_index": edge_index, "W": W, "a": a}


def reference(h, edge_index, W, a):
    # z = fc(h)
    z = h @ W.T  # [N, D_OUT]
    src = edge_index[0]
    dst = edge_index[1]
    # edge_attention: e = leaky_relu(attn_fc(concat(z[src], z[dst])))
    z_src = jnp.take(z, src, axis=0)  # [E, D_OUT] gather
    z_dst = jnp.take(z, dst, axis=0)  # [E, D_OUT] gather
    e = jnp.concatenate([z_src, z_dst], axis=1) @ a.T  # [E, 1]
    e = jax.nn.leaky_relu(e, negative_slope=0.01)
    # reduce: h_dst = sum over incoming edges of sigmoid(e) * z_src
    alpha = jax.nn.sigmoid(e)  # [E, 1]
    msgs = alpha * z_src  # [E, D_OUT]
    out = jax.ops.segment_sum(msgs, dst, num_segments=h.shape[0])  # scatter-add
    return out

if __name__ == "__main__":
    import jax
    _d = setup_inputs()
    print(jax.jit(kernel)(*tuple(_d.values())))

</pallas_src>

<mosaic_0001>
#map = affine_map<(d0, d1) -> (0, 0)>
#map1 = affine_map<(d0, d1) -> (0)>
#map2 = affine_map<(d0, d1) -> (0, 0, 0)>
module attributes {stable_mosaic.version = 14 : i64} {
  func.func @_sc_edges(%arg0: i32, %arg1: i32, %arg2: memref<10000x64xi32, #tpu.memory_space<hbm>>, %arg3: memref<10000xf32, #tpu.memory_space<hbm>>, %arg4: memref<10000xf32, #tpu.memory_space<hbm>>, %arg5: memref<327680xi32, #tpu.memory_space<hbm>>, %arg6: memref<327680xi32, #tpu.memory_space<hbm>>, %arg7: memref<2x10240x128xf32, #tpu.memory_space<hbm>>, %arg8: memref<10000xf32, #tpu.memory_space<vmem>>, %arg9: memref<10000xf32, #tpu.memory_space<vmem>>, %arg10: memref<32xi32, #tpu.memory_space<vmem>>, %arg11: memref<32xi32, #tpu.memory_space<vmem>>, %arg12: memref<32xi32, #tpu.memory_space<vmem>>, %arg13: memref<32xi32, #tpu.memory_space<vmem>>, %arg14: memref<32xi32, #tpu.memory_space<vmem>>, %arg15: memref<32xi32, #tpu.memory_space<vmem>>, %arg16: memref<32xi32, #tpu.memory_space<vmem>>, %arg17: memref<32xi32, #tpu.memory_space<vmem>>, %arg18: memref<32xi32, #tpu.memory_space<vmem>>, %arg19: memref<32xi32, #tpu.memory_space<vmem>>, %arg20: memref<32xi32, #tpu.memory_space<vmem>>, %arg21: memref<32xi32, #tpu.memory_space<vmem>>, %arg22: memref<32xi32, #tpu.memory_space<vmem>>, %arg23: memref<32xi32, #tpu.memory_space<vmem>>, %arg24: memref<32xi32, #tpu.memory_space<vmem>>, %arg25: memref<32xi32, #tpu.memory_space<vmem>>, %arg26: memref<32xf32, #tpu.memory_space<vmem>>, %arg27: memref<32x64xi32, #tpu.memory_space<vmem>>, %arg28: memref<32x64xi32, #tpu.memory_space<vmem>>, %arg29: memref<32x64xi32, #tpu.memory_space<vmem>>, %arg30: memref<32x64xi32, #tpu.memory_space<vmem>>, %arg31: memref<32x128xf32, #tpu.memory_space<vmem>>, %arg32: memref<32x128xf32, #tpu.memory_space<vmem>>, %arg33: memref<32x128xf32, #tpu.memory_space<vmem>>, %arg34: memref<32x128xf32, #tpu.memory_space<vmem>>, %arg35: memref<!tpu.dma_semaphore, #tpu.memory_space<semaphore_mem>>, %arg36: memref<!tpu.dma_semaphore, #tpu.memory_space<semaphore_mem>>, %arg37: memref<!tpu.dma_semaphore, #tpu.memory_space<semaphore_mem>>, %arg38: memref<!tpu.dma_semaphore, #tpu.memory_space<semaphore_mem>>, %arg39: memref<!tpu.dma_semaphore, #tpu.memory_space<semaphore_mem>>, %arg40: memref<!tpu.dma_semaphore, #tpu.memory_space<semaphore_mem>>, %arg41: memref<!tpu.dma_semaphore, #tpu.memory_space<semaphore_mem>>, %arg42: memref<!tpu.dma_semaphore, #tpu.memory_space<semaphore_mem>>, %arg43: memref<!tpu.dma_semaphore, #tpu.memory_space<semaphore_mem>>, %arg44: memref<!tpu.dma_semaphore, #tpu.memory_space<semaphore_mem>>, %arg45: memref<!tpu.dma_semaphore, #tpu.memory_space<semaphore_mem>>, %arg46: memref<!tpu.dma_semaphore, #tpu.memory_space<semaphore_mem>>, %arg47: memref<!tpu.dma_semaphore, #tpu.memory_space<semaphore_mem>>, %arg48: memref<!tpu.dma_semaphore, #tpu.memory_space<semaphore_mem>>, %arg49: memref<!tpu.dma_semaphore, #tpu.memory_space<semaphore_mem>>, %arg50: memref<!tpu.dma_semaphore, #tpu.memory_space<semaphore_mem>>, %arg51: memref<!tpu.dma_semaphore, #tpu.memory_space<semaphore_mem>>, %arg52: memref<!tpu.dma_semaphore, #tpu.memory_space<semaphore_mem>>, %arg53: memref<!tpu.dma_semaphore, #tpu.memory_space<semaphore_mem>>, %arg54: memref<!tpu.dma_semaphore, #tpu.memory_space<semaphore_mem>>, %arg55: memref<!tpu.dma_semaphore, #tpu.memory_space<semaphore_mem>>, %arg56: memref<!tpu.dma_semaphore, #tpu.memory_space<semaphore_mem>>, %arg57: memref<!tpu.dma_semaphore, #tpu.memory_space<semaphore_mem>>, %arg58: memref<!tpu.dma_semaphore, #tpu.memory_space<semaphore_mem>>, %arg59: memref<10240x128xf32, #tpu.memory_space<vmem_shared>>) attributes {dimension_semantics = [#tpu.dimension_semantics<core_parallel>, #tpu.dimension_semantics<subcore_parallel>], iteration_bounds = array<i64: 2, 16>, scalar_prefetch = 0 : i64, scratch_operands = 52 : i64, tpu.core_type = #tpu.core_type<sc_vector_subcore>, window_params = [{transform_indices = #map}, {transform_indices = #map1}, {transform_indices = #map1}, {transform_indices = #map1}, {transform_indices = #map1}, {transform_indices = #map2}]} {
    %mul3A = arith.constant 2 : i32
    %mul3A_0 = arith.muli %arg1, %mul3A : i32
    %add3A = arith.addi %mul3A_0, %arg0 : i32
    %mul3A_1 = arith.constant 10240 : i32
    %mul3A_2 = arith.muli %add3A, %mul3A_1 : i32
    "tpu.region"() ({
      %run_scoped3A = tpu.sem_alloc : memref<!tpu.dma_semaphore, #tpu.memory_space<semaphore_mem>>
      tpu.enqueue_dma source(%arg3 : memref<10000xf32, #tpu.memory_space<hbm>>) target(%arg8 : memref<10000xf32, #tpu.memory_space<vmem>>) target_semaphore(%run_scoped3A : memref<!tpu.dma_semaphore, #tpu.memory_space<semaphore_mem>>)
      tpu.wait_dma2 semaphore(%run_scoped3A : memref<!tpu.dma_semaphore, #tpu.memory_space<semaphore_mem>>) src(%arg3 : memref<10000xf32, #tpu.memory_space<hbm>>) dst(%arg8 : memref<10000xf32, #tpu.memory_space<vmem>>)
      tpu.yield
    }) : () -> ()
    "tpu.region"() ({
      %run_scoped3A = tpu.sem_alloc : memref<!tpu.dma_semaphore, #tpu.memory_space<semaphore_mem>>
      tpu.enqueue_dma source(%arg4 : memref<10000xf32, #tpu.memory_space<hbm>>) target(%arg9 : memref<10000xf32, #tpu.memory_space<vmem>>) target_semaphore(%run_scoped3A : memref<!tpu.dma_semaphore, #tpu.memory_space<semaphore_mem>>)
      tpu.wait_dma2 semaphore(%run_scoped3A : memref<!tpu.dma_semaphore, #tpu.memory_space<semaphore_mem>>) src(%arg4 : memref<10000xf32, #tpu.memory_space<hbm>>) dst(%arg9 : memref<10000xf32, #tpu.memory_space<vmem>>)
      tpu.yield
    }) : () -> ()
    %add3A_3 = arith.constant 0 : i32
    %add3A_4 = arith.addi %mul3A_2, %add3A_3 : i32
    %dma_start3A = tpu.memref_slice %arg5[%add3A_4] : memref<327680xi32, #tpu.memory_space<hbm>> -> memref<32xi32, #tpu.memory_space<hbm>>
    %dma_start3A_5 = tpu.memref_slice %arg5[%add3A_4] : memref<327680xi32, #tpu.memory_space<hbm>> -> memref<32xi32, #tpu.memory_space<hbm>>
    tpu.enqueue_dma source(%dma_start3A_5 : memref<32xi32, #tpu.memory_space<hbm>>) target(%arg10 : memref<32xi32, #tpu.memory_space<vmem>>) target_semaphore(%arg43 : memref<!tpu.dma_semaphore, #tpu.memory_space<semaphore_mem>>)
    %add3A_6 = arith.constant 0 : i32
    %add3A_7 = arith.addi %mul3A_2, %add3A_6 : i32
    %dma_start3A_8 = tpu.memref_slice %arg6[%add3A_7] : memref<327680xi32, #tpu.memory_space<hbm>> -> memref<32xi32, #tpu.memory_space<hbm>>
    %dma_start3A_9 = tpu.memref_slice %arg6[%add3A_7] : memref<327680xi32, #tpu.memory_space<hbm>> -> memref<32xi32, #tpu.memory_space<hbm>>
    tpu.enqueue_dma source(%dma_start3A_9 : memref<32xi32, #tpu.memory_space<hbm>>) target(%arg18 : memref<32xi32, #tpu.memory_space<vmem>>) target_semaphore(%arg51 : memref<!tpu.dma_semaphore, #tpu.memory_space<semaphore_mem>>)
    %add3A_10 = arith.constant 32 : i32
    %add3A_11 = arith.addi %mul3A_2, %add3A_10 : i32
    %dma_start3A_12 = tpu.memref_slice %arg5[%add3A_11] : memref<327680xi32, #tpu.memory_space<hbm>> -> memref<32xi32, #tpu.memory_space<hbm>>
    %dma_start3A_13 = tpu.memref_slice %arg5[%add3A_11] : memref<327680xi32, #tpu.memory_space<hbm>> -> memref<32xi32, #tpu.memory_space<hbm>>
    tpu.enqueue_dma source(%dma_start3A_13 : memref<32xi32, #tpu.memory_space<hbm>>) target(%arg11 : memref<32xi32, #tpu.memory_space<vmem>>) target_semaphore(%arg44 : memref<!tpu.dma_semaphore, #tpu.memory_space<semaphore_mem>>)
    %add3A_14 = arith.constant 32 : i32
    %add3A_15 = arith.addi %mul3A_2, %add3A_14 : i32
    %dma_start3A_16 = tpu.memref_slice %arg6[%add3A_15] : memref<327680xi32, #tpu.memory_space<hbm>> -> memref<32xi32, #tpu.memory_space<hbm>>
    %dma_start3A_17 = tpu.memref_slice %arg6[%add3A_15] : memref<327680xi32, #tpu.memory_space<hbm>> -> memref<32xi32, #tpu.memory_space<hbm>>
    tpu.enqueue_dma source(%dma_start3A_17 : memref<32xi32, #tpu.memory_space<hbm>>) target(%arg19 : memref<32xi32, #tpu.memory_space<vmem>>) target_semaphore(%arg52 : memref<!tpu.dma_semaphore, #tpu.memory_space<semaphore_mem>>)
    %add3A_18 = arith.constant 64 : i32
    %add3A_19 = arith.addi %mul3A_2, %add3A_18 : i32
    %dma_start3A_20 = tpu.memref_slice %arg5[%add3A_19] : memref<327680xi32, #tpu.memory_space<hbm>> -> memref<32xi32, #tpu.memory_space<hbm>>
    %dma_start3A_21 = tpu.memref_slice %arg5[%add3A_19] : memref<327680xi32, #tpu.memory_space<hbm>> -> memref<32xi32, #tpu.memory_space<hbm>>
    tpu.enqueue_dma source(%dma_start3A_21 : memref<32xi32, #tpu.memory_space<hbm>>) target(%arg12 : memref<32xi32, #tpu.memory_space<vmem>>) target_semaphore(%arg45 : memref<!tpu.dma_semaphore, #tpu.memory_space<semaphore_mem>>)
    %add3A_22 = arith.constant 64 : i32
    %add3A_23 = arith.addi %mul3A_2, %add3A_22 : i32
    %dma_start3A_24 = tpu.memref_slice %arg6[%add3A_23] : memref<327680xi32, #tpu.memory_space<hbm>> -> memref<32xi32, #tpu.memory_space<hbm>>
    %dma_start3A_25 = tpu.memref_slice %arg6[%add3A_23] : memref<327680xi32, #tpu.memory_space<hbm>> -> memref<32xi32, #tpu.memory_space<hbm>>
    tpu.enqueue_dma source(%dma_start3A_25 : memref<32xi32, #tpu.memory_space<hbm>>) target(%arg20 : memref<32xi32, #tpu.memory_space<vmem>>) target_semaphore(%arg53 : memref<!tpu.dma_semaphore, #tpu.memory_space<semaphore_mem>>)
    %add3A_26 = arith.constant 96 : i32
    %add3A_27 = arith.addi %mul3A_2, %add3A_26 : i32
    %dma_start3A_28 = tpu.memref_slice %arg5[%add3A_27] : memref<327680xi32, #tpu.memory_space<hbm>> -> memref<32xi32, #tpu.memory_space<hbm>>
    %dma_start3A_29 = tpu.memref_slice %arg5[%add3A_27] : memref<327680xi32, #tpu.memory_space<hbm>> -> memref<32xi32, #tpu.memory_space<hbm>>
    tpu.enqueue_dma source(%dma_start3A_29 : memref<32xi32, #tpu.memory_space<hbm>>) target(%arg13 : memref<32xi32, #tpu.memory_space<vmem>>) target_semaphore(%arg46 : memref<!tpu.dma_semaphore, #tpu.memory_space<semaphore_mem>>)
    %add3A_30 = arith.constant 96 : i32
    %add3A_31 = arith.addi %mul3A_2, %add3A_30 : i32
    %dma_start3A_32 = tpu.memref_slice %arg6[%add3A_31] : memref<327680xi32, #tpu.memory_space<hbm>> -> memref<32xi32, #tpu.memory_space<hbm>>
    %dma_start3A_33 = tpu.memref_slice %arg6[%add3A_31] : memref<327680xi32, #tpu.memory_space<hbm>> -> memref<32xi32, #tpu.memory_space<hbm>>
    tpu.enqueue_dma source(%dma_start3A_33 : memref<32xi32, #tpu.memory_space<hbm>>) target(%arg21 : memref<32xi32, #tpu.memory_space<vmem>>) target_semaphore(%arg54 : memref<!tpu.dma_semaphore, #tpu.memory_space<semaphore_mem>>)
    %dma_wait3A = arith.constant 0 : i32
    %dma_wait3A_34 = tpu.memref_slice %arg5[%dma_wait3A] : memref<327680xi32, #tpu.memory_space<hbm>> -> memref<32xi32, #tpu.memory_space<hbm>>
    %dma_wait3A_35 = arith.constant 0 : i32
    %dma_wait3A_36 = tpu.memref_slice %arg5[%dma_wait3A_35] : memref<327680xi32, #tpu.memory_space<hbm>> -> memref<32xi32, #tpu.memory_space<hbm>>
    tpu.wait_dma2 semaphore(%arg43 : memref<!tpu.dma_semaphore, #tpu.memory_space<semaphore_mem>>) src(%dma_wait3A_36 : memref<32xi32, #tpu.memory_space<hbm>>) dst(%arg10 : memref<32xi32, #tpu.memory_space<vmem>>)
    %dma_start3A_37 = arith.constant 0 : i32
    %dma_start3A_38 = arith.constant 0 : i32
    %dma_start3A_39 = tpu.memref_slice %arg2[%dma_start3A_37, %dma_start3A_38] : memref<10000x64xi32, #tpu.memory_space<hbm>> -> memref<10000x64xi32, #tpu.memory_space<hbm>>
    tpu.enqueue_indirect_dma source(%dma_start3A_39 : memref<10000x64xi32, #tpu.memory_space<hbm>>) target(%arg27 : memref<32x64xi32, #tpu.memory_space<vmem>>) offsets(%arg10 : memref<32xi32, #tpu.memory_space<vmem>>) semaphore(%arg35 : memref<!tpu.dma_semaphore, #tpu.memory_space<semaphore_mem>>)
    %dma_wait3A_40 = arith.constant 0 : i32
    %dma_wait3A_41 = tpu.memref_slice %arg5[%dma_wait3A_40] : memref<327680xi32, #tpu.memory_space<hbm>> -> memref<32xi32, #tpu.memory_space<hbm>>
    %dma_wait3A_42 = arith.constant 0 : i32
    %dma_wait3A_43 = tpu.memref_slice %arg5[%dma_wait3A_42] : memref<327680xi32, #tpu.memory_space<hbm>> -> memref<32xi32, #tpu.memory_space<hbm>>
    tpu.wait_dma2 semaphore(%arg44 : memref<!tpu.dma_semaphore, #tpu.memory_space<semaphore_mem>>) src(%dma_wait3A_43 : memref<32xi32, #tpu.memory_space<hbm>>) dst(%arg11 : memref<32xi32, #tpu.memory_space<vmem>>)
    %dma_start3A_44 = arith.constant 0 : i32
    %dma_start3A_45 = arith.constant 0 : i32
    %dma_start3A_46 = tpu.memref_slice %arg2[%dma_start3A_44, %dma_start3A_45] : memref<10000x64xi32, #tpu.memory_space<hbm>> -> memref<10000x64xi32, #tpu.memory_space<hbm>>
    tpu.enqueue_indirect_dma source(%dma_start3A_46 : memref<10000x64xi32, #tpu.memory_space<hbm>>) target(%arg28 : memref<32x64xi32, #tpu.memory_space<vmem>>) offsets(%arg11 : memref<32xi32, #tpu.memory_space<vmem>>) semaphore(%arg36 : memref<!tpu.dma_semaphore, #tpu.memory_space<semaphore_mem>>)
    %broadcast_in_dim3A = arith.constant 0.000000e+00 : f32
    %broadcast_in_dim3A_47 = vector.broadcast %broadcast_in_dim3A : f32 to vector<16xf32>
    %scan3A = arith.constant 0 : i32
    %scan3A_48 = arith.constant 0 : i32
    %scan3A_49 = arith.constant 32 : i32
    %scan3A_50 = arith.addi %scan3A_48, %scan3A_49 : i32
    %scan3A_51 = arith.constant 1 : i32
    %scan3A_52 = scf.for %scan3A_679 = %scan3A_48 to %scan3A_50 step %scan3A_51 iter_args(%scan3A_680 = %scan3A) -> (i32)  : i32 {
      %swap3A = arith.index_cast %scan3A_679 : i32 to index
      %swap3A_681 = arith.constant 0 : index
      %swap3A_682 = tpu.vector_load %arg34[%swap3A, %swap3A_681] {strides = array<i32>} : memref<32x128xf32, #tpu.memory_space<vmem>>, vector<16xf32>,
      tpu.vector_store %arg34[%swap3A, %swap3A_681], %broadcast_in_dim3A_47 {strides = array<i32>} : memref<32x128xf32, #tpu.memory_space<vmem>>, vector<16xf32>,
      %swap3A_683 = arith.index_cast %scan3A_679 : i32 to index
      %swap3A_684 = arith.constant 16 : index
      %swap3A_685 = tpu.vector_load %arg34[%swap3A_683, %swap3A_684] {strides = array<i32>} : memref<32x128xf32, #tpu.memory_space<vmem>>, vector<16xf32>,
      tpu.vector_store %arg34[%swap3A_683, %swap3A_684], %broadcast_in_dim3A_47 {strides = array<i32>} : memref<32x128xf32, #tpu.memory_space<vmem>>, vector<16xf32>,
      %swap3A_686 = arith.index_cast %scan3A_679 : i32 to index
      %swap3A_687 = arith.constant 32 : index
      %swap3A_688 = tpu.vector_load %arg34[%swap3A_686, %swap3A_687] {strides = array<i32>} : memref<32x128xf32, #tpu.memory_space<vmem>>, vector<16xf32>,
      tpu.vector_store %arg34[%swap3A_686, %swap3A_687], %broadcast_in_dim3A_47 {strides = array<i32>} : memref<32x128xf32, #tpu.memory_space<vmem>>, vector<16xf32>,
      %swap3A_689 = arith.index_cast %scan3A_679 : i32 to index
      %swap3A_690 = arith.constant 48 : index
      %swap3A_691 = tpu.vector_load %arg34[%swap3A_689, %swap3A_690] {strides = array<i32>} : memref<32x128xf32, #tpu.memory_space<vmem>>, vector<16xf32>,
      tpu.vector_store %arg34[%swap3A_689, %swap3A_690], %broadcast_in_dim3A_47 {strides = array<i32>} : memref<32x128xf32, #tpu.memory_space<vmem>>, vector<16xf32>,
      %swap3A_692 = arith.index_cast %scan3A_679 : i32 to index
      %swap3A_693 = arith.constant 64 : index
      %swap3A_694 = tpu.vector_load %arg34[%swap3A_692, %swap3A_693] {strides = array<i32>} : memref<32x128xf32, #tpu.memory_space<vmem>>, vector<16xf32>,
      tpu.vector_store %arg34[%swap3A_692, %swap3A_693], %broadcast_in_dim3A_47 {strides = array<i32>} : memref<32x128xf32, #tpu.memory_space<vmem>>, vector<16xf32>,
      %swap3A_695 = arith.index_cast %scan3A_679 : i32 to index
      %swap3A_696 = arith.constant 80 : index
      %swap3A_697 = tpu.vector_load %arg34[%swap3A_695, %swap3A_696] {strides = array<i32>} : memref<32x128xf32, #tpu.memory_space<vmem>>, vector<16xf32>,
      tpu.vector_store %arg34[%swap3A_695, %swap3A_696], %broadcast_in_dim3A_47 {strides = array<i32>} : memref<32x128xf32, #tpu.memory_space<vmem>>, vector<16xf32>,
      %swap3A_698 = arith.index_cast %scan3A_679 : i32 to index
      %swap3A_699 = arith.constant 96 : index
      %swap3A_700 = tpu.vector_load %arg34[%swap3A_698, %swap3A_699] {strides = array<i32>} : memref<32x128xf32, #tpu.memory_space<vmem>>, vector<16xf32>,
      tpu.vector_store %arg34[%swap3A_698, %swap3A_699], %broadcast_in_dim3A_47 {strides = array<i32>} : memref<32x128xf32, #tpu.memory_space<vmem>>, vector<16xf32>,
      %swap3A_701 = arith.index_cast %scan3A_679 : i32 to index
      %swap3A_702 = arith.constant 112 : index
      %swap3A_703 = tpu.vector_load %arg34[%swap3A_701, %swap3A_702] {strides = array<i32>} : memref<32x128xf32, #tpu.memory_space<vmem>>, vector<16xf32>,
      tpu.vector_store %arg34[%swap3A_701, %swap3A_702], %broadcast_in_dim3A_47 {strides = array<i32>} : memref<32x128xf32, #tpu.memory_space<vmem>>, vector<16xf32>,
      %scan3A_704 = arith.constant 0 : i32
      scf.yield %scan3A_704 : i32
    }
    %scan3A_53 = arith.constant 32 : i32
    %mul3A_54 = arith.constant 640 : i32
    %mul3A_55 = arith.muli %arg1, %mul3A_54 : i32
    %add3A_56 = arith.constant 0 : i32
    %add3A_57 = arith.addi %mul3A_55, %add3A_56 : i32
    %dma_start3A_58 = arith.constant 0 : i32
    %dma_start3A_59 = tpu.memref_slice %arg59[%add3A_57, %dma_start3A_58] : memref<10240x128xf32, #tpu.memory_space<vmem_shared>> -> memref<32x128xf32, #tpu.memory_space<vmem_shared>>
    %dma_start3A_60 = arith.constant 0 : i32
    %dma_start3A_61 = tpu.memref_slice %arg59[%add3A_57, %dma_start3A_60] : memref<10240x128xf32, #tpu.memory_space<vmem_shared>> -> memref<32x128xf32, #tpu.memory_space<vmem_shared>>
    tpu.enqueue_dma source(%arg34 : memref<32x128xf32, #tpu.memory_space<vmem>>) target(%dma_start3A_61 : memref<32x128xf32, #tpu.memory_space<vmem_shared>>) target_semaphore(%arg42 : memref<!tpu.dma_semaphore, #tpu.memory_space<semaphore_mem>>)
    %mul3A_62 = arith.constant 640 : i32
    %mul3A_63 = arith.muli %arg1, %mul3A_62 : i32
    %add3A_64 = arith.constant 32 : i32
    %add3A_65 = arith.addi %mul3A_63, %add3A_64 : i32
    %dma_start3A_66 = arith.constant 0 : i32
    %dma_start3A_67 = tpu.memref_slice %arg59[%add3A_65, %dma_start3A_66] : memref<10240x128xf32, #tpu.memory_space<vmem_shared>> -> memref<32x128xf32, #tpu.memory_space<vmem_shared>>
    %dma_start3A_68 = arith.constant 0 : i32
    %dma_start3A_69 = tpu.memref_slice %arg59[%add3A_65, %dma_start3A_68] : memref<10240x128xf32, #tpu.memory_space<vmem_shared>> -> memref<32x128xf32, #tpu.memory_space<vmem_shared>>
    tpu.enqueue_dma source(%arg34 : memref<32x128xf32, #tpu.memory_space<vmem>>) target(%dma_start3A_69 : memref<32x128xf32, #tpu.memory_space<vmem_shared>>) target_semaphore(%arg42 : memref<!tpu.dma_semaphore, #tpu.memory_space<semaphore_mem>>)
    %mul3A_70 = arith.constant 640 : i32
    %mul3A_71 = arith.muli %arg1, %mul3A_70 : i32
    %add3A_72 = arith.constant 64 : i32
    %add3A_73 = arith.addi %mul3A_71, %add3A_72 : i32
    %dma_start3A_74 = arith.constant 0 : i32
    %dma_start3A_75 = tpu.memref_slice %arg59[%add3A_73, %dma_start3A_74] : memref<10240x128xf32, #tpu.memory_space<vmem_shared>> -> memref<32x128xf32, #tpu.memory_space<vmem_shared>>
    %dma_start3A_76 = arith.constant 0 : i32
    %dma_start3A_77 = tpu.memref_slice %arg59[%add3A_73, %dma_start3A_76] : memref<10240x128xf32, #tpu.memory_space<vmem_shared>> -> memref<32x128xf32, #tpu.memory_space<vmem_shared>>
    tpu.enqueue_dma source(%arg34 : memref<32x128xf32, #tpu.memory_space<vmem>>) target(%dma_start3A_77 : memref<32x128xf32, #tpu.memory_space<vmem_shared>>) target_semaphore(%arg42 : memref<!tpu.dma_semaphore, #tpu.memory_space<semaphore_mem>>)
    %mul3A_78 = arith.constant 640 : i32
    %mul3A_79 = arith.muli %arg1, %mul3A_78 : i32
    %add3A_80 = arith.constant 96 : i32
    %add3A_81 = arith.addi %mul3A_79, %add3A_80 : i32
    %dma_start3A_82 = arith.constant 0 : i32
    %dma_start3A_83 = tpu.memref_slice %arg59[%add3A_81, %dma_start3A_82] : memref<10240x128xf32, #tpu.memory_space<vmem_shared>> -> memref<32x128xf32, #tpu.memory_space<vmem_shared>>
    %dma_start3A_84 = arith.constant 0 : i32
    %dma_start3A_85 = tpu.memref_slice %arg59[%add3A_81, %dma_start3A_84] : memref<10240x128xf32, #tpu.memory_space<vmem_shared>> -> memref<32x128xf32, #tpu.memory_space<vmem_shared>>
    tpu.enqueue_dma source(%arg34 : memref<32x128xf32, #tpu.memory_space<vmem>>) target(%dma_start3A_85 : memref<32x128xf32, #tpu.memory_space<vmem_shared>>) target_semaphore(%arg42 : memref<!tpu.dma_semaphore, #tpu.memory_space<semaphore_mem>>)
    %mul3A_86 = arith.constant 640 : i32
    %mul3A_87 = arith.muli %arg1, %mul3A_86 : i32
    %add3A_88 = arith.constant 128 : i32
    %add3A_89 = arith.addi %mul3A_87, %add3A_88 : i32
    %dma_start3A_90 = arith.constant 0 : i32
    %dma_start3A_91 = tpu.memref_slice %arg59[%add3A_89, %dma_start3A_90] : memref<10240x128xf32, #tpu.memory_space<vmem_shared>> -> memref<32x128xf32, #tpu.memory_space<vmem_shared>>
    %dma_start3A_92 = arith.constant 0 : i32
    %dma_start3A_93 = tpu.memref_slice %arg59[%add3A_89, %dma_start3A_92] : memref<10240x128xf32, #tpu.memory_space<vmem_shared>> -> memref<32x128xf32, #tpu.memory_space<vmem_shared>>
    tpu.enqueue_dma source(%arg34 : memref<32x128xf32, #tpu.memory_space<vmem>>) target(%dma_start3A_93 : memref<32x128xf32, #tpu.memory_space<vmem_shared>>) target_semaphore(%arg42 : memref<!tpu.dma_semaphore, #tpu.memory_space<semaphore_mem>>)
    %mul3A_94 = arith.constant 640 : i32
    %mul3A_95 = arith.muli %arg1, %mul3A_94 : i32
    %add3A_96 = arith.constant 160 : i32
    %add3A_97 = arith.addi %mul3A_95, %add3A_96 : i32
    %dma_start3A_98 = arith.constant 0 : i32
    %dma_start3A_99 = tpu.memref_slice %arg59[%add3A_97, %dma_start3A_98] : memref<10240x128xf32, #tpu.memory_space<vmem_shared>> -> memref<32x128xf32, #tpu.memory_space<vmem_shared>>
    %dma_start3A_100 = arith.constant 0 : i32
    %dma_start3A_101 = tpu.memref_slice %arg59[%add3A_97, %dma_start3A_100] : memref<10240x128xf32, #tpu.memory_space<vmem_shared>> -> memref<32x128xf32, #tpu.memory_space<vmem_shared>>
    tpu.enqueue_dma source(%arg34 : memref<32x128xf32, #tpu.memory_space<vmem>>) target(%dma_start3A_101 : memref<32x128xf32, #tpu.memory_space<vmem_shared>>) target_semaphore(%arg42 : memref<!tpu.dma_semaphore, #tpu.memory_space<semaphore_mem>>)
    %mul3A_102 = arith.constant 640 : i32
    %mul3A_103 = arith.muli %arg1, %mul3A_102 : i32
    %add3A_104 = arith.constant 192 : i32
    %add3A_105 = arith.addi %mul3A_103, %add3A_104 : i32
    %dma_start3A_106 = arith.constant 0 : i32
    %dma_start3A_107 = tpu.memref_slice %arg59[%add3A_105, %dma_start3A_106] : memref<10240x128xf32, #tpu.memory_space<vmem_shared>> -> memref<32x128xf32, #tpu.memory_space<vmem_shared>>
    %dma_start3A_108 = arith.constant 0 : i32
    %dma_start3A_109 = tpu.memref_slice %arg59[%add3A_105, %dma_start3A_108] : memref<10240x128xf32, #tpu.memory_space<vmem_shared>> -> memref<32x128xf32, #tpu.memory_space<vmem_shared>>
    tpu.enqueue_dma source(%arg34 : memref<32x128xf32, #tpu.memory_space<vmem>>) target(%dma_start3A_109 : memref<32x128xf32, #tpu.memory_space<vmem_shared>>) target_semaphore(%arg42 : memref<!tpu.dma_semaphore, #tpu.memory_space<semaphore_mem>>)
    %mul3A_110 = arith.constant 640 : i32
    %mul3A_111 = arith.muli %arg1, %mul3A_110 : i32
    %add3A_112 = arith.constant 224 : i32
    %add3A_113 = arith.addi %mul3A_111, %add3A_112 : i32
    %dma_start3A_114 = arith.constant 0 : i32
    %dma_start3A_115 = tpu.memref_slice %arg59[%add3A_113, %dma_start3A_114] : memref<10240x128xf32, #tpu.memory_space<vmem_shared>> -> memref<32x128xf32, #tpu.memory_space<vmem_shared>>
    %dma_start3A_116 = arith.constant 0 : i32
    %dma_start3A_117 = tpu.memref_slice %arg59[%add3A_113, %dma_start3A_116] : memref<10240x128xf32, #tpu.memory_space<vmem_shared>> -> memref<32x128xf32, #tpu.memory_space<vmem_shared>>
    tpu.enqueue_dma source(%arg34 : memref<32x128xf32, #tpu.memory_space<vmem>>) target(%dma_start3A_117 : memref<32x128xf32, #tpu.memory_space<vmem_shared>>) target_semaphore(%arg42 : memref<!tpu.dma_semaphore, #tpu.memory_space<semaphore_mem>>)
    %mul3A_118 = arith.constant 640 : i32
    %mul3A_119 = arith.muli %arg1, %mul3A_118 : i32
    %add3A_120 = arith.constant 256 : i32
    %add3A_121 = arith.addi %mul3A_119, %add3A_120 : i32
    %dma_start3A_122 = arith.constant 0 : i32
    %dma_start3A_123 = tpu.memref_slice %arg59[%add3A_121, %dma_start3A_122] : memref<10240x128xf32, #tpu.memory_space<vmem_shared>> -> memref<32x128xf32, #tpu.memory_space<vmem_shared>>
    %dma_start3A_124 = arith.constant 0 : i32
    %dma_start3A_125 = tpu.memref_slice %arg59[%add3A_121, %dma_start3A_124] : memref<10240x128xf32, #tpu.memory_space<vmem_shared>> -> memref<32x128xf32, #tpu.memory_space<vmem_shared>>
    tpu.enqueue_dma source(%arg34 : memref<32x128xf32, #tpu.memory_space<vmem>>) target(%dma_start3A_125 : memref<32x128xf32, #tpu.memory_space<vmem_shared>>) target_semaphore(%arg42 : memref<!tpu.dma_semaphore, #tpu.memory_space<semaphore_mem>>)
    %mul3A_126 = arith.constant 640 : i32
    %mul3A_127 = arith.muli %arg1, %mul3A_126 : i32
    %add3A_128 = arith.constant 288 : i32
    %add3A_129 = arith.addi %mul3A_127, %add3A_128 : i32
    %dma_start3A_130 = arith.constant 0 : i32
    %dma_start3A_131 = tpu.memref_slice %arg59[%add3A_129, %dma_start3A_130] : memref<10240x128xf32, #tpu.memory_space<vmem_shared>> -> memref<32x128xf32, #tpu.memory_space<vmem_shared>>
    %dma_start3A_132 = arith.constant 0 : i32
    %dma_start3A_133 = tpu.memref_slice %arg59[%add3A_129, %dma_start3A_132] : memref<10240x128xf32, #tpu.memory_space<vmem_shared>> -> memref<32x128xf32, #tpu.memory_space<vmem_shared>>
    tpu.enqueue_dma source(%arg34 : memref<32x128xf32, #tpu.memory_space<vmem>>) target(%dma_start3A_133 : memref<32x128xf32, #tpu.memory_space<vmem_shared>>) target_semaphore(%arg42 : memref<!tpu.dma_semaphore, #tpu.memory_space<semaphore_mem>>)
    %mul3A_134 = arith.constant 640 : i32
    %mul3A_135 = arith.muli %arg1, %mul3A_134 : i32
    %add3A_136 = arith.constant 320 : i32
    %add3A_137 = arith.addi %mul3A_135, %add3A_136 : i32
    %dma_start3A_138 = arith.constant 0 : i32
    %dma_start3A_139 = tpu.memref_slice %arg59[%add3A_137, %dma_start3A_138] : memref<10240x128xf32, #tpu.memory_space<vmem_shared>> -> memref<32x128xf32, #tpu.memory_space<vmem_shared>>
    %dma_start3A_140 = arith.constant 0 : i32
    %dma_start3A_141 = tpu.memref_slice %arg59[%add3A_137, %dma_start3A_140] : memref<10240x128xf32, #tpu.memory_space<vmem_shared>> -> memref<32x128xf32, #tpu.memory_space<vmem_shared>>
    tpu.enqueue_dma source(%arg34 : memref<32x128xf32, #tpu.memory_space<vmem>>) target(%dma_start3A_141 : memref<32x128xf32, #tpu.memory_space<vmem_shared>>) target_semaphore(%arg42 : memref<!tpu.dma_semaphore, #tpu.memory_space<semaphore_mem>>)
    %mul3A_142 = arith.constant 640 : i32
    %mul3A_143 = arith.muli %arg1, %mul3A_142 : i32
    %add3A_144 = arith.constant 352 : i32
    %add3A_145 = arith.addi %mul3A_143, %add3A_144 : i32
    %dma_start3A_146 = arith.constant 0 : i32
    %dma_start3A_147 = tpu.memref_slice %arg59[%add3A_145, %dma_start3A_146] : memref<10240x128xf32, #tpu.memory_space<vmem_shared>> -> memref<32x128xf32, #tpu.memory_space<vmem_shared>>
    %dma_start3A_148 = arith.constant 0 : i32
    %dma_start3A_149 = tpu.memref_slice %arg59[%add3A_145, %dma_start3A_148] : memref<10240x128xf32, #tpu.memory_space<vmem_shared>> -> memref<32x128xf32, #tpu.memory_space<vmem_shared>>
    tpu.enqueue_dma source(%arg34 : memref<32x128xf32, #tpu.memory_space<vmem>>) target(%dma_start3A_149 : memref<32x128xf32, #tpu.memory_space<vmem_shared>>) target_semaphore(%arg42 : memref<!tpu.dma_semaphore, #tpu.memory_space<semaphore_mem>>)
    %mul3A_150 = arith.constant 640 : i32
    %mul3A_151 = arith.muli %arg1, %mul3A_150 : i32
    %add3A_152 = arith.constant 384 : i32
    %add3A_153 = arith.addi %mul3A_151, %add3A_152 : i32
    %dma_start3A_154 = arith.constant 0 : i32
    %dma_start3A_155 = tpu.memref_slice %arg59[%add3A_153, %dma_start3A_154] : memref<10240x128xf32, #tpu.memory_space<vmem_shared>> -> memref<32x128xf32, #tpu.memory_space<vmem_shared>>
    %dma_start3A_156 = arith.constant 0 : i32
    %dma_start3A_157 = tpu.memref_slice %arg59[%add3A_153, %dma_start3A_156] : memref<10240x128xf32, #tpu.memory_space<vmem_shared>> -> memref<32x128xf32, #tpu.memory_space<vmem_shared>>
    tpu.enqueue_dma source(%arg34 : memref<32x128xf32, #tpu.memory_space<vmem>>) target(%dma_start3A_157 : memref<32x128xf32, #tpu.memory_space<vmem_shared>>) target_semaphore(%arg42 : memref<!tpu.dma_semaphore, #tpu.memory_space<semaphore_mem>>)
    %mul3A_158 = arith.constant 640 : i32
    %mul3A_159 = arith.muli %arg1, %mul3A_158 : i32
    %add3A_160 = arith.constant 416 : i32
    %add3A_161 = arith.addi %mul3A_159, %add3A_160 : i32
    %dma_start3A_162 = arith.constant 0 : i32
    %dma_start3A_163 = tpu.memref_slice %arg59[%add3A_161, %dma_start3A_162] : memref<10240x128xf32, #tpu.memory_space<vmem_shared>> -> memref<32x128xf32, #tpu.memory_space<vmem_shared>>
    %dma_start3A_164 = arith.constant 0 : i32
    %dma_start3A_165 = tpu.memref_slice %arg59[%add3A_161, %dma_start3A_164] : memref<10240x128xf32, #tpu.memory_space<vmem_shared>> -> memref<32x128xf32, #tpu.memory_space<vmem_shared>>
    tpu.enqueue_dma source(%arg34 : memref<32x128xf32, #tpu.memory_space<vmem>>) target(%dma_start3A_165 : memref<32x128xf32, #tpu.memory_space<vmem_shared>>) target_semaphore(%arg42 : memref<!tpu.dma_semaphore, #tpu.memory_space<semaphore_mem>>)
    %mul3A_166 = arith.constant 640 : i32
    %mul3A_167 = arith.muli %arg1, %mul3A_166 : i32
    %add3A_168 = arith.constant 448 : i32
    %add3A_169 = arith.addi %mul3A_167, %add3A_168 : i32
    %dma_start3A_170 = arith.constant 0 : i32
    %dma_start3A_171 = tpu.memref_slice %arg59[%add3A_169, %dma_start3A_170] : memref<10240x128xf32, #tpu.memory_space<vmem_shared>> -> memref<32x128xf32, #tpu.memory_space<vmem_shared>>
    %dma_start3A_172 = arith.constant 0 : i32
    %dma_start3A_173 = tpu.memref_slice %arg59[%add3A_169, %dma_start3A_172] : memref<10240x128xf32, #tpu.memory_space<vmem_shared>> -> memref<32x128xf32, #tpu.memory_space<vmem_shared>>
    tpu.enqueue_dma source(%arg34 : memref<32x128xf32, #tpu.memory_space<vmem>>) target(%dma_start3A_173 : memref<32x128xf32, #tpu.memory_space<vmem_shared>>) target_semaphore(%arg42 : memref<!tpu.dma_semaphore, #tpu.memory_space<semaphore_mem>>)
    %mul3A_174 = arith.constant 640 : i32
    %mul3A_175 = arith.muli %arg1, %mul3A_174 : i32
    %add3A_176 = arith.constant 480 : i32
    %add3A_177 = arith.addi %mul3A_175, %add3A_176 : i32
    %dma_start3A_178 = arith.constant 0 : i32
    %dma_start3A_179 = tpu.memref_slice %arg59[%add3A_177, %dma_start3A_178] : memref<10240x128xf32, #tpu.memory_space<vmem_shared>> -> memref<32x128xf32, #tpu.memory_space<vmem_shared>>
    %dma_start3A_180 = arith.constant 0 : i32
    %dma_start3A_181 = tpu.memref_slice %arg59[%add3A_177, %dma_start3A_180] : memref<10240x128xf32, #tpu.memory_space<vmem_shared>> -> memref<32x128xf32, #tpu.memory_space<vmem_shared>>
    tpu.enqueue_dma source(%arg34 : memref<32x128xf32, #tpu.memory_space<vmem>>) target(%dma_start3A_181 : memref<32x128xf32, #tpu.memory_space<vmem_shared>>) target_semaphore(%arg42 : memref<!tpu.dma_semaphore, #tpu.memory_space<semaphore_mem>>)
    %mul3A_182 = arith.constant 640 : i32
    %mul3A_183 = arith.muli %arg1, %mul3A_182 : i32
    %add3A_184 = arith.constant 512 : i32
    %add3A_185 = arith.addi %mul3A_183, %add3A_184 : i32
    %dma_start3A_186 = arith.constant 0 : i32
    %dma_start3A_187 = tpu.memref_slice %arg59[%add3A_185, %dma_start3A_186] : memref<10240x128xf32, #tpu.memory_space<vmem_shared>> -> memref<32x128xf32, #tpu.memory_space<vmem_shared>>
    %dma_start3A_188 = arith.constant 0 : i32
    %dma_start3A_189 = tpu.memref_slice %arg59[%add3A_185, %dma_start3A_188] : memref<10240x128xf32, #tpu.memory_space<vmem_shared>> -> memref<32x128xf32, #tpu.memory_space<vmem_shared>>
    tpu.enqueue_dma source(%arg34 : memref<32x128xf32, #tpu.memory_space<vmem>>) target(%dma_start3A_189 : memref<32x128xf32, #tpu.memory_space<vmem_shared>>) target_semaphore(%arg42 : memref<!tpu.dma_semaphore, #tpu.memory_space<semaphore_mem>>)
    %mul3A_190 = arith.constant 640 : i32
    %mul3A_191 = arith.muli %arg1, %mul3A_190 : i32
    %add3A_192 = arith.constant 544 : i32
    %add3A_193 = arith.addi %mul3A_191, %add3A_192 : i32
    %dma_start3A_194 = arith.constant 0 : i32
    %dma_start3A_195 = tpu.memref_slice %arg59[%add3A_193, %dma_start3A_194] : memref<10240x128xf32, #tpu.memory_space<vmem_shared>> -> memref<32x128xf32, #tpu.memory_space<vmem_shared>>
    %dma_start3A_196 = arith.constant 0 : i32
    %dma_start3A_197 = tpu.memref_slice %arg59[%add3A_193, %dma_start3A_196] : memref<10240x128xf32, #tpu.memory_space<vmem_shared>> -> memref<32x128xf32, #tpu.memory_space<vmem_shared>>
    tpu.enqueue_dma source(%arg34 : memref<32x128xf32, #tpu.memory_space<vmem>>) target(%dma_start3A_197 : memref<32x128xf32, #tpu.memory_space<vmem_shared>>) target_semaphore(%arg42 : memref<!tpu.dma_semaphore, #tpu.memory_space<semaphore_mem>>)
    %mul3A_198 = arith.constant 640 : i32
    %mul3A_199 = arith.muli %arg1, %mul3A_198 : i32
    %add3A_200 = arith.constant 576 : i32
    %add3A_201 = arith.addi %mul3A_199, %add3A_200 : i32
    %dma_start3A_202 = arith.constant 0 : i32
    %dma_start3A_203 = tpu.memref_slice %arg59[%add3A_201, %dma_start3A_202] : memref<10240x128xf32, #tpu.memory_space<vmem_shared>> -> memref<32x128xf32, #tpu.memory_space<vmem_shared>>
    %dma_start3A_204 = arith.constant 0 : i32
    %dma_start3A_205 = tpu.memref_slice %arg59[%add3A_201, %dma_start3A_204] : memref<10240x128xf32, #tpu.memory_space<vmem_shared>> -> memref<32x128xf32, #tpu.memory_space<vmem_shared>>
    tpu.enqueue_dma source(%arg34 : memref<32x128xf32, #tpu.memory_space<vmem>>) target(%dma_start3A_205 : memref<32x128xf32, #tpu.memory_space<vmem_shared>>) target_semaphore(%arg42 : memref<!tpu.dma_semaphore, #tpu.memory_space<semaphore_mem>>)
    %mul3A_206 = arith.constant 640 : i32
    %mul3A_207 = arith.muli %arg1, %mul3A_206 : i32
    %add3A_208 = arith.constant 608 : i32
    %add3A_209 = arith.addi %mul3A_207, %add3A_208 : i32
    %dma_start3A_210 = arith.constant 0 : i32
    %dma_start3A_211 = tpu.memref_slice %arg59[%add3A_209, %dma_start3A_210] : memref<10240x128xf32, #tpu.memory_space<vmem_shared>> -> memref<32x128xf32, #tpu.memory_space<vmem_shared>>
    %dma_start3A_212 = arith.constant 0 : i32
    %dma_start3A_213 = tpu.memref_slice %arg59[%add3A_209, %dma_start3A_212] : memref<10240x128xf32, #tpu.memory_space<vmem_shared>> -> memref<32x128xf32, #tpu.memory_space<vmem_shared>>
    tpu.enqueue_dma source(%arg34 : memref<32x128xf32, #tpu.memory_space<vmem>>) target(%dma_start3A_213 : memref<32x128xf32, #tpu.memory_space<vmem_shared>>) target_semaphore(%arg42 : memref<!tpu.dma_semaphore, #tpu.memory_space<semaphore_mem>>)
    %mul3A_214 = arith.constant 640 : i32
    %mul3A_215 = arith.muli %arg1, %mul3A_214 : i32
    %dma_wait3A_216 = arith.constant 0 : i32
    %dma_wait3A_217 = tpu.memref_slice %arg59[%mul3A_215, %dma_wait3A_216] : memref<10240x128xf32, #tpu.memory_space<vmem_shared>> -> memref<32x128xf32, #tpu.memory_space<vmem_shared>>
    %dma_wait3A_218 = arith.constant 0 : i32
    %dma_wait3A_219 = tpu.memref_slice %arg59[%mul3A_215, %dma_wait3A_218] : memref<10240x128xf32, #tpu.memory_space<vmem_shared>> -> memref<32x128xf32, #tpu.memory_space<vmem_shared>>
    tpu.wait_dma2 semaphore(%arg42 : memref<!tpu.dma_semaphore, #tpu.memory_space<semaphore_mem>>) src(%arg34 : memref<32x128xf32, #tpu.memory_space<vmem>>) dst(%dma_wait3A_219 : memref<32x128xf32, #tpu.memory_space<vmem_shared>>)
    %mul3A_220 = arith.constant 640 : i32
    %mul3A_221 = arith.muli %arg1, %mul3A_220 : i32
    %dma_wait3A_222 = arith.constant 0 : i32
    %dma_wait3A_223 = tpu.memref_slice %arg59[%mul3A_221, %dma_wait3A_222] : memref<10240x128xf32, #tpu.memory_space<vmem_shared>> -> memref<32x128xf32, #tpu.memory_space<vmem_shared>>
    %dma_wait3A_224 = arith.constant 0 : i32
    %dma_wait3A_225 = tpu.memref_slice %arg59[%mul3A_221, %dma_wait3A_224] : memref<10240x128xf32, #tpu.memory_space<vmem_shared>> -> memref<32x128xf32, #tpu.memory_space<vmem_shared>>
    tpu.wait_dma2 semaphore(%arg42 : memref<!tpu.dma_semaphore, #tpu.memory_space<semaphore_mem>>) src(%arg34 : memref<32x128xf32, #tpu.memory_space<vmem>>) dst(%dma_wait3A_225 : memref<32x128xf32, #tpu.memory_space<vmem_shared>>)
    %mul3A_226 = arith.constant 640 : i32
    %mul3A_227 = arith.muli %arg1, %mul3A_226 : i32
    %dma_wait3A_228 = arith.constant 0 : i32
    %dma_wait3A_229 = tpu.memref_slice %arg59[%mul3A_227, %dma_wait3A_228] : memref<10240x128xf32, #tpu.memory_space<vmem_shared>> -> memref<32x128xf32, #tpu.memory_space<vmem_shared>>
    %dma_wait3A_230 = arith.constant 0 : i32
    %dma_wait3A_231 = tpu.memref_slice %arg59[%mul3A_227, %dma_wait3A_230] : memref<10240x128xf32, #tpu.memory_space<vmem_shared>> -> memref<32x128xf32, #tpu.memory_space<vmem_shared>>
    tpu.wait_dma2 semaphore(%arg42 : memref<!tpu.dma_semaphore, #tpu.memory_space<semaphore_mem>>) src(%arg34 : memref<32x128xf32, #tpu.memory_space<vmem>>) dst(%dma_wait3A_231 : memref<32x128xf32, #tpu.memory_space<vmem_shared>>)
    %mul3A_232 = arith.constant 640 : i32
    %mul3A_233 = arith.muli %arg1, %mul3A_232 : i32
    %dma_wait3A_234 = arith.constant 0 : i32
    %dma_wait3A_235 = tpu.memref_slice %arg59[%mul3A_233, %dma_wait3A_234] : memref<10240x128xf32, #tpu.memory_space<vmem_shared>> -> memref<32x128xf32, #tpu.memory_space<vmem_shared>>
    %dma_wait3A_236 = arith.constant 0 : i32
    %dma_wait3A_237 = tpu.memref_slice %arg59[%mul3A_233, %dma_wait3A_236] : memref<10240x128xf32, #tpu.memory_space<vmem_shared>> -> memref<32x128xf32, #tpu.memory_space<vmem_shared>>
    tpu.wait_dma2 semaphore(%arg42 : memref<!tpu.dma_semaphore, #tpu.memory_space<semaphore_mem>>) src(%arg34 : memref<32x128xf32, #tpu.memory_space<vmem>>) dst(%dma_wait3A_237 : memref<32x128xf32, #tpu.memory_space<vmem_shared>>)
    %mul3A_238 = arith.constant 640 : i32
    %mul3A_239 = arith.muli %arg1, %mul3A_238 : i32
    %dma_wait3A_240 = arith.constant 0 : i32
    %dma_wait3A_241 = tpu.memref_slice %arg59[%mul3A_239, %dma_wait3A_240] : memref<10240x128xf32, #tpu.memory_space<vmem_shared>> -> memref<32x128xf32, #tpu.memory_space<vmem_shared>>
    %dma_wait3A_242 = arith.constant 0 : i32
    %dma_wait3A_243 = tpu.memref_slice %arg59[%mul3A_239, %dma_wait3A_242] : memref<10240x128xf32, #tpu.memory_space<vmem_shared>> -> memref<32x128xf32, #tpu.memory_space<vmem_shared>>
    tpu.wait_dma2 semaphore(%arg42 : memref<!tpu.dma_semaphore, #tpu.memory_space<semaphore_mem>>) src(%arg34 : memref<32x128xf32, #tpu.memory_space<vmem>>) dst(%dma_wait3A_243 : memref<32x128xf32, #tpu.memory_space<vmem_shared>>)
    %mul3A_244 = arith.constant 640 : i32
    %mul3A_245 = arith.muli %arg1, %mul3A_244 : i32
    %dma_wait3A_246 = arith.constant 0 : i32
    %dma_wait3A_247 = tpu.memref_slice %arg59[%mul3A_245, %dma_wait3A_246] : memref<10240x128xf32, #tpu.memory_space<vmem_shared>> -> memref<32x128xf32, #tpu.memory_space<vmem_shared>>
    %dma_wait3A_248 = arith.constant 0 : i32
    %dma_wait3A_249 = tpu.memref_slice %arg59[%mul3A_245, %dma_wait3A_248] : memref<10240x128xf32, #tpu.memory_space<vmem_shared>> -> memref<32x128xf32, #tpu.memory_space<vmem_shared>>
    tpu.wait_dma2 semaphore(%arg42 : memref<!tpu.dma_semaphore, #tpu.memory_space<semaphore_mem>>) src(%arg34 : memref<32x128xf32, #tpu.memory_space<vmem>>) dst(%dma_wait3A_249 : memref<32x128xf32, #tpu.memory_space<vmem_shared>>)
    %mul3A_250 = arith.constant 640 : i32
    %mul3A_251 = arith.muli %arg1, %mul3A_250 : i32
    %dma_wait3A_252 = arith.constant 0 : i32
    %dma_wait3A_253 = tpu.memref_slice %arg59[%mul3A_251, %dma_wait3A_252] : memref<10240x128xf32, #tpu.memory_space<vmem_shared>> -> memref<32x128xf32, #tpu.memory_space<vmem_shared>>
    %dma_wait3A_254 = arith.constant 0 : i32
    %dma_wait3A_255 = tpu.memref_slice %arg59[%mul3A_251, %dma_wait3A_254] : memref<10240x128xf32, #tpu.memory_space<vmem_shared>> -> memref<32x128xf32, #tpu.memory_space<vmem_shared>>
    tpu.wait_dma2 semaphore(%arg42 : memref<!tpu.dma_semaphore, #tpu.memory_space<semaphore_mem>>) src(%arg34 : memref<32x128xf32, #tpu.memory_space<vmem>>) dst(%dma_wait3A_255 : memref<32x128xf32, #tpu.memory_space<vmem_shared>>)
    %mul3A_256 = arith.constant 640 : i32
    %mul3A_257 = arith.muli %arg1, %mul3A_256 : i32
    %dma_wait3A_258 = arith.constant 0 : i32
    %dma_wait3A_259 = tpu.memref_slice %arg59[%mul3A_257, %dma_wait3A_258] : memref<10240x128xf32, #tpu.memory_space<vmem_shared>> -> memref<32x128xf32, #tpu.memory_space<vmem_shared>>
    %dma_wait3A_260 = arith.constant 0 : i32
    %dma_wait3A_261 = tpu.memref_slice %arg59[%mul3A_257, %dma_wait3A_260] : memref<10240x128xf32, #tpu.memory_space<vmem_shared>> -> memref<32x128xf32, #tpu.memory_space<vmem_shared>>
    tpu.wait_dma2 semaphore(%arg42 : memref<!tpu.dma_semaphore, #tpu.memory_space<semaphore_mem>>) src(%arg34 : memref<32x128xf32, #tpu.memory_space<vmem>>) dst(%dma_wait3A_261 : memref<32x128xf32, #tpu.memory_space<vmem_shared>>)
    %mul3A_262 = arith.constant 640 : i32
    %mul3A_263 = arith.muli %arg1, %mul3A_262 : i32
    %dma_wait3A_264 = arith.constant 0 : i32
    %dma_wait3A_265 = tpu.memref_slice %arg59[%mul3A_263, %dma_wait3A_264] : memref<10240x128xf32, #tpu.memory_space<vmem_shared>> -> memref<32x128xf32, #tpu.memory_space<vmem_shared>>
    %dma_wait3A_266 = arith.constant 0 : i32
    %dma_wait3A_267 = tpu.memref_slice %arg59[%mul3A_263, %dma_wait3A_266] : memref<10240x128xf32, #tpu.memory_space<vmem_shared>> -> memref<32x128xf32, #tpu.memory_space<vmem_shared>>
    tpu.wait_dma2 semaphore(%arg42 : memref<!tpu.dma_semaphore, #tpu.memory_space<semaphore_mem>>) src(%arg34 : memref<32x128xf32, #tpu.memory_space<vmem>>) dst(%dma_wait3A_267 : memref<32x128xf32, #tpu.memory_space<vmem_shared>>)
    %mul3A_268 = arith.constant 640 : i32
    %mul3A_269 = arith.muli %arg1, %mul3A_268 : i32
    %dma_wait3A_270 = arith.constant 0 : i32
    %dma_wait3A_271 = tpu.memref_slice %arg59[%mul3A_269, %dma_wait3A_270] : memref<10240x128xf32, #tpu.memory_space<vmem_shared>> -> memref<32x128xf32, #tpu.memory_space<vmem_shared>>
    %dma_wait3A_272 = arith.constant 0 : i32
    %dma_wait3A_273 = tpu.memref_slice %arg59[%mul3A_269, %dma_wait3A_272] : memref<10240x128xf32, #tpu.memory_space<vmem_shared>> -> memref<32x128xf32, #tpu.memory_space<vmem_shared>>
    tpu.wait_dma2 semaphore(%arg42 : memref<!tpu.dma_semaphore, #tpu.memory_space<semaphore_mem>>) src(%arg34 : memref<32x128xf32, #tpu.memory_space<vmem>>) dst(%dma_wait3A_273 : memref<32x128xf32, #tpu.memory_space<vmem_shared>>)
    %mul3A_274 = arith.constant 640 : i32
    %mul3A_275 = arith.muli %arg1, %mul3A_274 : i32
    %dma_wait3A_276 = arith.constant 0 : i32
    %dma_wait3A_277 = tpu.memref_slice %arg59[%mul3A_275, %dma_wait3A_276] : memref<10240x128xf32, #tpu.memory_space<vmem_shared>> -> memref<32x128xf32, #tpu.memory_space<vmem_shared>>
    %dma_wait3A_278 = arith.constant 0 : i32
    %dma_wait3A_279 = tpu.memref_slice %arg59[%mul3A_275, %dma_wait3A_278] : memref<10240x128xf32, #tpu.memory_space<vmem_shared>> -> memref<32x128xf32, #tpu.memory_space<vmem_shared>>
    tpu.wait_dma2 semaphore(%arg42 : memref<!tpu.dma_semaphore, #tpu.memory_space<semaphore_mem>>) src(%arg34 : memref<32x128xf32, #tpu.memory_space<vmem>>) dst(%dma_wait3A_279 : memref<32x128xf32, #tpu.memory_space<vmem_shared>>)
    %mul3A_280 = arith.constant 640 : i32
    %mul3A_281 = arith.muli %arg1, %mul3A_280 : i32
    %dma_wait3A_282 = arith.constant 0 : i32
    %dma_wait3A_283 = tpu.memref_slice %arg59[%mul3A_281, %dma_wait3A_282] : memref<10240x128xf32, #tpu.memory_space<vmem_shared>> -> memref<32x128xf32, #tpu.memory_space<vmem_shared>>
    %dma_wait3A_284 = arith.constant 0 : i32
    %dma_wait3A_285 = tpu.memref_slice %arg59[%mul3A_281, %dma_wait3A_284] : memref<10240x128xf32, #tpu.memory_space<vmem_shared>> -> memref<32x128xf32, #tpu.memory_space<vmem_shared>>
    tpu.wait_dma2 semaphore(%arg42 : memref<!tpu.dma_semaphore, #tpu.memory_space<semaphore_mem>>) src(%arg34 : memref<32x128xf32, #tpu.memory_space<vmem>>) dst(%dma_wait3A_285 : memref<32x128xf32, #tpu.memory_space<vmem_shared>>)
    %mul3A_286 = arith.constant 640 : i32
    %mul3A_287 = arith.muli %arg1, %mul3A_286 : i32
    %dma_wait3A_288 = arith.constant 0 : i32
    %dma_wait3A_289 = tpu.memref_slice %arg59[%mul3A_287, %dma_wait3A_288] : memref<10240x128xf32, #tpu.memory_space<vmem_shared>> -> memref<32x128xf32, #tpu.memory_space<vmem_shared>>
    %dma_wait3A_290 = arith.constant 0 : i32
    %dma_wait3A_291 = tpu.memref_slice %arg59[%mul3A_287, %dma_wait3A_290] : memref<10240x128xf32, #tpu.memory_space<vmem_shared>> -> memref<32x128xf32, #tpu.memory_space<vmem_shared>>
    tpu.wait_dma2 semaphore(%arg42 : memref<!tpu.dma_semaphore, #tpu.memory_space<semaphore_mem>>) src(%arg34 : memref<32x128xf32, #tpu.memory_space<vmem>>) dst(%dma_wait3A_291 : memref<32x128xf32, #tpu.memory_space<vmem_shared>>)
    %mul3A_292 = arith.constant 640 : i32
    %mul3A_293 = arith.muli %arg1, %mul3A_292 : i32
    %dma_wait3A_294 = arith.constant 0 : i32
    %dma_wait3A_295 = tpu.memref_slice %arg59[%mul3A_293, %dma_wait3A_294] : memref<10240x128xf32, #tpu.memory_space<vmem_shared>> -> memref<32x128xf32, #tpu.memory_space<vmem_shared>>
    %dma_wait3A_296 = arith.constant 0 : i32
    %dma_wait3A_297 = tpu.memref_slice %arg59[%mul3A_293, %dma_wait3A_296] : memref<10240x128xf32, #tpu.memory_space<vmem_shared>> -> memref<32x128xf32, #tpu.memory_space<vmem_shared>>
    tpu.wait_dma2 semaphore(%arg42 : memref<!tpu.dma_semaphore, #tpu.memory_space<semaphore_mem>>) src(%arg34 : memref<32x128xf32, #tpu.memory_space<vmem>>) dst(%dma_wait3A_297 : memref<32x128xf32, #tpu.memory_space<vmem_shared>>)
    %mul3A_298 = arith.constant 640 : i32
    %mul3A_299 = arith.muli %arg1, %mul3A_298 : i32
    %dma_wait3A_300 = arith.constant 0 : i32
    %dma_wait3A_301 = tpu.memref_slice %arg59[%mul3A_299, %dma_wait3A_300] : memref<10240x128xf32, #tpu.memory_space<vmem_shared>> -> memref<32x128xf32, #tpu.memory_space<vmem_shared>>
    %dma_wait3A_302 = arith.constant 0 : i32
    %dma_wait3A_303 = tpu.memref_slice %arg59[%mul3A_299, %dma_wait3A_302] : memref<10240x128xf32, #tpu.memory_space<vmem_shared>> -> memref<32x128xf32, #tpu.memory_space<vmem_shared>>
    tpu.wait_dma2 semaphore(%arg42 : memref<!tpu.dma_semaphore, #tpu.memory_space<semaphore_mem>>) src(%arg34 : memref<32x128xf32, #tpu.memory_space<vmem>>) dst(%dma_wait3A_303 : memref<32x128xf32, #tpu.memory_space<vmem_shared>>)
    %mul3A_304 = arith.constant 640 : i32
    %mul3A_305 = arith.muli %arg1, %mul3A_304 : i32
    %dma_wait3A_306 = arith.constant 0 : i32
    %dma_wait3A_307 = tpu.memref_slice %arg59[%mul3A_305, %dma_wait3A_306] : memref<10240x128xf32, #tpu.memory_space<vmem_shared>> -> memref<32x128xf32, #tpu.memory_space<vmem_shared>>
    %dma_wait3A_308 = arith.constant 0 : i32
    %dma_wait3A_309 = tpu.memref_slice %arg59[%mul3A_305, %dma_wait3A_308] : memref<10240x128xf32, #tpu.memory_space<vmem_shared>> -> memref<32x128xf32, #tpu.memory_space<vmem_shared>>
    tpu.wait_dma2 semaphore(%arg42 : memref<!tpu.dma_semaphore, #tpu.memory_space<semaphore_mem>>) src(%arg34 : memref<32x128xf32, #tpu.memory_space<vmem>>) dst(%dma_wait3A_309 : memref<32x128xf32, #tpu.memory_space<vmem_shared>>)
    %mul3A_310 = arith.constant 640 : i32
    %mul3A_311 = arith.muli %arg1, %mul3A_310 : i32
    %dma_wait3A_312 = arith.constant 0 : i32
    %dma_wait3A_313 = tpu.memref_slice %arg59[%mul3A_311, %dma_wait3A_312] : memref<10240x128xf32, #tpu.memory_space<vmem_shared>> -> memref<32x128xf32, #tpu.memory_space<vmem_shared>>
    %dma_wait3A_314 = arith.constant 0 : i32
    %dma_wait3A_315 = tpu.memref_slice %arg59[%mul3A_311, %dma_wait3A_314] : memref<10240x128xf32, #tpu.memory_space<vmem_shared>> -> memref<32x128xf32, #tpu.memory_space<vmem_shared>>
    tpu.wait_dma2 semaphore(%arg42 : memref<!tpu.dma_semaphore, #tpu.memory_space<semaphore_mem>>) src(%arg34 : memref<32x128xf32, #tpu.memory_space<vmem>>) dst(%dma_wait3A_315 : memref<32x128xf32, #tpu.memory_space<vmem_shared>>)
    %mul3A_316 = arith.constant 640 : i32
    %mul3A_317 = arith.muli %arg1, %mul3A_316 : i32
    %dma_wait3A_318 = arith.constant 0 : i32
    %dma_wait3A_319 = tpu.memref_slice %arg59[%mul3A_317, %dma_wait3A_318] : memref<10240x128xf32, #tpu.memory_space<vmem_shared>> -> memref<32x128xf32, #tpu.memory_space<vmem_shared>>
    %dma_wait3A_320 = arith.constant 0 : i32
    %dma_wait3A_321 = tpu.memref_slice %arg59[%mul3A_317, %dma_wait3A_320] : memref<10240x128xf32, #tpu.memory_space<vmem_shared>> -> memref<32x128xf32, #tpu.memory_space<vmem_shared>>
    tpu.wait_dma2 semaphore(%arg42 : memref<!tpu.dma_semaphore, #tpu.memory_space<semaphore_mem>>) src(%arg34 : memref<32x128xf32, #tpu.memory_space<vmem>>) dst(%dma_wait3A_321 : memref<32x128xf32, #tpu.memory_space<vmem_shared>>)
    %mul3A_322 = arith.constant 640 : i32
    %mul3A_323 = arith.muli %arg1, %mul3A_322 : i32
    %dma_wait3A_324 = arith.constant 0 : i32
    %dma_wait3A_325 = tpu.memref_slice %arg59[%mul3A_323, %dma_wait3A_324] : memref<10240x128xf32, #tpu.memory_space<vmem_shared>> -> memref<32x128xf32, #tpu.memory_space<vmem_shared>>
    %dma_wait3A_326 = arith.constant 0 : i32
    %dma_wait3A_327 = tpu.memref_slice %arg59[%mul3A_323, %dma_wait3A_326] : memref<10240x128xf32, #tpu.memory_space<vmem_shared>> -> memref<32x128xf32, #tpu.memory_space<vmem_shared>>
    tpu.wait_dma2 semaphore(%arg42 : memref<!tpu.dma_semaphore, #tpu.memory_space<semaphore_mem>>) src(%arg34 : memref<32x128xf32, #tpu.memory_space<vmem>>) dst(%dma_wait3A_327 : memref<32x128xf32, #tpu.memory_space<vmem_shared>>)
    %mul3A_328 = arith.constant 640 : i32
    %mul3A_329 = arith.muli %arg1, %mul3A_328 : i32
    %dma_wait3A_330 = arith.constant 0 : i32
    %dma_wait3A_331 = tpu.memref_slice %arg59[%mul3A_329, %dma_wait3A_330] : memref<10240x128xf32, #tpu.memory_space<vmem_shared>> -> memref<32x128xf32, #tpu.memory_space<vmem_shared>>
    %dma_wait3A_332 = arith.constant 0 : i32
    %dma_wait3A_333 = tpu.memref_slice %arg59[%mul3A_329, %dma_wait3A_332] : memref<10240x128xf32, #tpu.memory_space<vmem_shared>> -> memref<32x128xf32, #tpu.memory_space<vmem_shared>>
    tpu.wait_dma2 semaphore(%arg42 : memref<!tpu.dma_semaphore, #tpu.memory_space<semaphore_mem>>) src(%arg34 : memref<32x128xf32, #tpu.memory_space<vmem>>) dst(%dma_wait3A_333 : memref<32x128xf32, #tpu.memory_space<vmem_shared>>)
    %barrier3A = arith.constant 0 : index
    tpu.barrier barrier_id(%barrier3A)
    %broadcast_in_dim3A_334 = arith.constant 9999 : i32
    %broadcast_in_dim3A_335 = vector.broadcast %broadcast_in_dim3A_334 : i32 to vector<16xi32>
    %iota3A = tpu.iota {dimensions = array<i32: 0>} : vector<16xi32>
    %mul3A_336 = arith.constant 2 : i32
    %mul3A_337 = vector.broadcast %mul3A_336 : i32 to vector<16xi32>
    %mul3A_338 = arith.muli %mul3A_337, %iota3A : vector<16xi32>
    %scan3A_339 = arith.constant 0 : i32
    %scan3A_340 = arith.constant 0 : i32
    %scan3A_341 = arith.constant 40 : i32
    %scan3A_342 = arith.addi %scan3A_340, %scan3A_341 : i32
    %scan3A_343 = arith.constant 1 : i32
    %scan3A_344 = scf.for %scan3A_679 = %scan3A_340 to %scan3A_342 step %scan3A_343 iter_args(%scan3A_680 = %scan3A_339) -> (i32)  : i32 {
      %mul3A_681 = arith.constant 8 : i32
      %mul3A_682 = arith.muli %scan3A_679, %mul3A_681 : i32
      %add3A_683 = arith.constant 0 : i32
      %add3A_684 = arith.addi %mul3A_682, %add3A_683 : i32
      %add3A_685 = arith.constant 2 : i32
      %add3A_686 = arith.addi %add3A_684, %add3A_685 : i32
      %lt3A = arith.constant 320 : i32
      %lt3A_687 = arith.cmpi slt, %add3A_686, %lt3A : i32
      %convert_element_type3A = arith.extui %lt3A_687 : i1 to i32
      %cond3A = arith.constant 0 : i32
      %cond3A_688 = arith.cmpi ne, %convert_element_type3A, %cond3A : i32
      scf.if %cond3A_688 {
        %dma_wait3A_1374 = arith.constant 0 : i32
        %dma_wait3A_1375 = tpu.memref_slice %arg5[%dma_wait3A_1374] : memref<327680xi32, #tpu.memory_space<hbm>> -> memref<32xi32, #tpu.memory_space<hbm>>
        %dma_wait3A_1376 = arith.constant 0 : i32
        %dma_wait3A_1377 = tpu.memref_slice %arg5[%dma_wait3A_1376] : memref<327680xi32, #tpu.memory_space<hbm>> -> memref<32xi32, #tpu.memory_space<hbm>>
        tpu.wait_dma2 semaphore(%arg45 : memref<!tpu.dma_semaphore, #tpu.memory_space<semaphore_mem>>) src(%dma_wait3A_1377 : memref<32xi32, #tpu.memory_space<hbm>>) dst(%arg12 : memref<32xi32, #tpu.memory_space<vmem>>)
        %dma_start3A_1378 = arith.constant 0 : i32
        %dma_start3A_1379 = arith.constant 0 : i32
        %dma_start3A_1380 = tpu.memref_slice %arg2[%dma_start3A_1378, %dma_start3A_1379] : memref<10000x64xi32, #tpu.memory_space<hbm>> -> memref<10000x64xi32, #tpu.memory_space<hbm>>
        tpu.enqueue_indirect_dma source(%dma_start3A_1380 : memref<10000x64xi32, #tpu.memory_space<hbm>>) target(%arg29 : memref<32x64xi32, #tpu.memory_space<vmem>>) offsets(%arg12 : memref<32xi32, #tpu.memory_space<vmem>>) semaphore(%arg37 : memref<!tpu.dma_semaphore, #tpu.memory_space<semaphore_mem>>)
      } else {
      }
      %dma_wait3A_689 = arith.constant 0 : i32
      %dma_wait3A_690 = tpu.memref_slice %arg6[%dma_wait3A_689] : memref<327680xi32, #tpu.memory_space<hbm>> -> memref<32xi32, #tpu.memory_space<hbm>>
      %dma_wait3A_691 = arith.constant 0 : i32
      %dma_wait3A_692 = tpu.memref_slice %arg6[%dma_wait3A_691] : memref<327680xi32, #tpu.memory_space<hbm>> -> memref<32xi32, #tpu.memory_space<hbm>>
      tpu.wait_dma2 semaphore(%arg51 : memref<!tpu.dma_semaphore, #tpu.memory_space<semaphore_mem>>) src(%dma_wait3A_692 : memref<32xi32, #tpu.memory_space<hbm>>) dst(%arg18 : memref<32xi32, #tpu.memory_space<vmem>>)
      %get3A = arith.constant 0 : index
      %get3A_693 = tpu.vector_load %arg10[%get3A] {strides = array<i32>} : memref<32xi32, #tpu.memory_space<vmem>>, vector<16xi32>,
      %get3A_694 = arith.constant 0 : index
      %get3A_695 = tpu.vector_load %arg18[%get3A_694] {strides = array<i32>} : memref<32xi32, #tpu.memory_space<vmem>>, vector<16xi32>,
      %min3A = arith.minsi %get3A_695, %broadcast_in_dim3A_335 : vector<16xi32>
      %gather3A = tpu.vector_load_idx %arg8[%get3A_693] : memref<10000xf32, #tpu.memory_space<vmem>>[vector<16xi32>], vector<16xf32>,
      %gather3A_696 = tpu.vector_load_idx %arg9[%min3A] : memref<10000xf32, #tpu.memory_space<vmem>>[vector<16xi32>], vector<16xf32>,
      %add3A_697 = arith.addf %gather3A, %gather3A_696 : vector<16xf32>
      %mul3A_698 = arith.constant 0.00999999977 : f32
      %mul3A_699 = vector.broadcast %mul3A_698 : f32 to vector<16xf32>
      %mul3A_700 = arith.mulf %add3A_697, %mul3A_699 : vector<16xf32>
      %max3A = arith.maximumf %add3A_697, %mul3A_700 : vector<16xf32>
      %neg3A = arith.constant 0.000000e+00 : f32
      %neg3A_701 = vector.broadcast %neg3A : f32 to vector<16xf32>
      %neg3A_702 = arith.subf %neg3A_701, %max3A : vector<16xf32>
      %exp3A = math.exp %neg3A_702 : vector<16xf32>
      %add3A_703 = arith.constant 1.000000e+00 : f32
      %add3A_704 = vector.broadcast %add3A_703 : f32 to vector<16xf32>
      %add3A_705 = arith.addf %add3A_704, %exp3A : vector<16xf32>
      %div3A = arith.constant 1.000000e+00 : f32
      %div3A_706 = vector.broadcast %div3A : f32 to vector<16xf32>
      %div3A_707 = arith.divf %div3A_706, %add3A_705 : vector<16xf32>
      %swap3A = arith.constant 0 : index
      %swap3A_708 = tpu.vector_load %arg26[%swap3A] {strides = array<i32>} : memref<32xf32, #tpu.memory_space<vmem>>, vector<16xf32>,
      tpu.vector_store %arg26[%swap3A], %div3A_707 {strides = array<i32>} : memref<32xf32, #tpu.memory_space<vmem>>, vector<16xf32>,
      %get3A_709 = arith.constant 16 : index
      %get3A_710 = tpu.vector_load %arg10[%get3A_709] {strides = array<i32>} : memref<32xi32, #tpu.memory_space<vmem>>, vector<16xi32>,
      %get3A_711 = arith.constant 16 : index
      %get3A_712 = tpu.vector_load %arg18[%get3A_711] {strides = array<i32>} : memref<32xi32, #tpu.memory_space<vmem>>, vector<16xi32>,
      %min3A_713 = arith.minsi %get3A_712, %broadcast_in_dim3A_335 : vector<16xi32>
      %gather3A_714 = tpu.vector_load_idx %arg8[%get3A_710] : memref<10000xf32, #tpu.memory_space<vmem>>[vector<16xi32>], vector<16xf32>,
      %gather3A_715 = tpu.vector_load_idx %arg9[%min3A_713] : memref<10000xf32, #tpu.memory_space<vmem>>[vector<16xi32>], vector<16xf32>,
      %add3A_716 = arith.addf %gather3A_714, %gather3A_715 : vector<16xf32>
      %mul3A_717 = arith.constant 0.00999999977 : f32
      %mul3A_718 = vector.broadcast %mul3A_717 : f32 to vector<16xf32>
      %mul3A_719 = arith.mulf %add3A_716, %mul3A_718 : vector<16xf32>
      %max3A_720 = arith.maximumf %add3A_716, %mul3A_719 : vector<16xf32>
      %neg3A_721 = arith.constant 0.000000e+00 : f32
      %neg3A_722 = vector.broadcast %neg3A_721 : f32 to vector<16xf32>
      %neg3A_723 = arith.subf %neg3A_722, %max3A_720 : vector<16xf32>
      %exp3A_724 = math.exp %neg3A_723 : vector<16xf32>
      %add3A_725 = arith.constant 1.000000e+00 : f32
      %add3A_726 = vector.broadcast %add3A_725 : f32 to vector<16xf32>
      %add3A_727 = arith.addf %add3A_726, %exp3A_724 : vector<16xf32>
      %div3A_728 = arith.constant 1.000000e+00 : f32
      %div3A_729 = vector.broadcast %div3A_728 : f32 to vector<16xf32>
      %div3A_730 = arith.divf %div3A_729, %add3A_727 : vector<16xf32>
      %swap3A_731 = arith.constant 16 : index
      %swap3A_732 = tpu.vector_load %arg26[%swap3A_731] {strides = array<i32>} : memref<32xf32, #tpu.memory_space<vmem>>, vector<16xf32>,
      tpu.vector_store %arg26[%swap3A_731], %div3A_730 {strides = array<i32>} : memref<32xf32, #tpu.memory_space<vmem>>, vector<16xf32>,
      %dma_wait3A_733 = arith.constant 0 : i32
      %dma_wait3A_734 = arith.constant 0 : i32
      %dma_wait3A_735 = tpu.memref_slice %arg2[%dma_wait3A_733, %dma_wait3A_734] : memref<10000x64xi32, #tpu.memory_space<hbm>> -> memref<10000x64xi32, #tpu.memory_space<hbm>>
      tpu.wait_indirect_dma semaphore(%arg35 : memref<!tpu.dma_semaphore, #tpu.memory_space<semaphore_mem>>) src(%dma_wait3A_735 : memref<10000x64xi32, #tpu.memory_space<hbm>>) dst(%arg27 : memref<32x64xi32, #tpu.memory_space<vmem>>)
      %ge3A = arith.constant 4 : i32
      %ge3A_736 = arith.cmpi sge, %add3A_684, %ge3A : i32
      %convert_element_type3A_737 = arith.extui %ge3A_736 : i1 to i32
      %cond3A_738 = arith.constant 0 : i32
      %cond3A_739 = arith.cmpi ne, %convert_element_type3A_737, %cond3A_738 : i32
      scf.if %cond3A_739 {
        %dma_wait3A_1374 = arith.constant 0 : i32
        %dma_wait3A_1375 = arith.constant 0 : i32
        %dma_wait3A_1376 = tpu.memref_slice %arg59[%dma_wait3A_1374, %dma_wait3A_1375] : memref<10240x128xf32, #tpu.memory_space<vmem_shared>> -> memref<10240x128xf32, #tpu.memory_space<vmem_shared>>
        tpu.wait_indirect_dma semaphore(%arg39 : memref<!tpu.dma_semaphore, #tpu.memory_space<semaphore_mem>>) src(%arg31 : memref<32x128xf32, #tpu.memory_space<vmem>>) dst(%dma_wait3A_1376 : memref<10240x128xf32, #tpu.memory_space<vmem_shared>>)
      } else {
      }
      %scan3A_740 = arith.constant 0 : i32
      %scan3A_741 = arith.constant 0 : i32
      %scan3A_742 = arith.constant 32 : i32
      %scan3A_743 = arith.addi %scan3A_741, %scan3A_742 : i32
      %scan3A_744 = arith.constant 1 : i32
      %scan3A_745 = scf.for %scan3A_1374 = %scan3A_741 to %scan3A_743 step %scan3A_744 iter_args(%scan3A_1375 = %scan3A_740) -> (i32)  : i32 {
        %broadcast_in_dim3A_1376 = vector.broadcast %scan3A_1374 : i32 to vector<16xi32>
        %gather3A_1377 = tpu.vector_load_idx %arg26[%broadcast_in_dim3A_1376] : memref<32xf32, #tpu.memory_space<vmem>>[vector<16xi32>], vector<16xf32>,
        %broadcast_in_dim3A_1378 = vector.broadcast %scan3A_1374 : i32 to vector<16xi32>
        %get3A_1379 = arith.index_cast %scan3A_1374 : i32 to index
        %get3A_1380 = arith.constant 0 : index
        %get3A_1381 = tpu.vector_load %arg27[%get3A_1379, %get3A_1380] {strides = array<i32>} : memref<32x64xi32, #tpu.memory_space<vmem>>, vector<16xi32>,
        %bitcast3A = vector.bitcast %get3A_1381 : vector<16xi32> to vector<32xbf16>
        %unpack3A = tpu.unpack_subelements %bitcast3A, 0 {pack_format = #tpu.pack_format<interleaved>} : vector<32xbf16> -> vector<16xf32>
        %unpack3A_1382 = tpu.unpack_subelements %bitcast3A, 1 {pack_format = #tpu.pack_format<interleaved>} : vector<32xbf16> -> vector<16xf32>
        %add3A_1383 = arith.constant 0 : i32
        %add3A_1384 = vector.broadcast %add3A_1383 : i32 to vector<16xi32>
        %add3A_1385 = arith.addi %add3A_1384, %mul3A_338 : vector<16xi32>
        %mul3A_1386 = arith.mulf %unpack3A, %gather3A_1377 : vector<16xf32>
        tpu.vector_store_idx %arg31[%broadcast_in_dim3A_1378, %add3A_1385], %mul3A_1386 : memref<32x128xf32, #tpu.memory_space<vmem>>[vector<16xi32>, vector<16xi32>], vector<16xf32>,
        %add3A_1387 = arith.constant 1 : i32
        %add3A_1388 = vector.broadcast %add3A_1387 : i32 to vector<16xi32>
        %add3A_1389 = arith.addi %add3A_1388, %mul3A_338 : vector<16xi32>
        %mul3A_1390 = arith.mulf %unpack3A_1382, %gather3A_1377 : vector<16xf32>
        tpu.vector_store_idx %arg31[%broadcast_in_dim3A_1378, %add3A_1389], %mul3A_1390 : memref<32x128xf32, #tpu.memory_space<vmem>>[vector<16xi32>, vector<16xi32>], vector<16xf32>,
        %get3A_1391 = arith.index_cast %scan3A_1374 : i32 to index
        %get3A_1392 = arith.constant 16 : index
        %get3A_1393 = tpu.vector_load %arg27[%get3A_1391, %get3A_1392] {strides = array<i32>} : memref<32x64xi32, #tpu.memory_space<vmem>>, vector<16xi32>,
        %bitcast3A_1394 = vector.bitcast %get3A_1393 : vector<16xi32> to vector<32xbf16>
        %unpack3A_1395 = tpu.unpack_subelements %bitcast3A_1394, 0 {pack_format = #tpu.pack_format<interleaved>} : vector<32xbf16> -> vector<16xf32>
        %unpack3A_1396 = tpu.unpack_subelements %bitcast3A_1394, 1 {pack_format = #tpu.pack_format<interleaved>} : vector<32xbf16> -> vector<16xf32>
        %add3A_1397 = arith.constant 32 : i32
        %add3A_1398 = vector.broadcast %add3A_1397 : i32 to vector<16xi32>
        %add3A_1399 = arith.addi %add3A_1398, %mul3A_338 : vector<16xi32>
        %mul3A_1400 = arith.mulf %unpack3A_1395, %gather3A_1377 : vector<16xf32>
        tpu.vector_store_idx %arg31[%broadcast_in_dim3A_1378, %add3A_1399], %mul3A_1400 : memref<32x128xf32, #tpu.memory_space<vmem>>[vector<16xi32>, vector<16xi32>], vector<16xf32>,
        %add3A_1401 = arith.constant 33 : i32
        %add3A_1402 = vector.broadcast %add3A_1401 : i32 to vector<16xi32>
        %add3A_1403 = arith.addi %add3A_1402, %mul3A_338 : vector<16xi32>
        %mul3A_1404 = arith.mulf %unpack3A_1396, %gather3A_1377 : vector<16xf32>
        tpu.vector_store_idx %arg31[%broadcast_in_dim3A_1378, %add3A_1403], %mul3A_1404 : memref<32x128xf32, #tpu.memory_space<vmem>>[vector<16xi32>, vector<16xi32>], vector<16xf32>,
        %get3A_1405 = arith.index_cast %scan3A_1374 : i32 to index
        %get3A_1406 = arith.constant 32 : index
        %get3A_1407 = tpu.vector_load %arg27[%get3A_1405, %get3A_1406] {strides = array<i32>} : memref<32x64xi32, #tpu.memory_space<vmem>>, vector<16xi32>,
        %bitcast3A_1408 = vector.bitcast %get3A_1407 : vector<16xi32> to vector<32xbf16>
        %unpack3A_1409 = tpu.unpack_subelements %bitcast3A_1408, 0 {pack_format = #tpu.pack_format<interleaved>} : vector<32xbf16> -> vector<16xf32>
        %unpack3A_1410 = tpu.unpack_subelements %bitcast3A_1408, 1 {pack_format = #tpu.pack_format<interleaved>} : vector<32xbf16> -> vector<16xf32>
        %add3A_1411 = arith.constant 64 : i32
        %add3A_1412 = vector.broadcast %add3A_1411 : i32 to vector<16xi32>
        %add3A_1413 = arith.addi %add3A_1412, %mul3A_338 : vector<16xi32>
        %mul3A_1414 = arith.mulf %unpack3A_1409, %gather3A_1377 : vector<16xf32>
        tpu.vector_store_idx %arg31[%broadcast_in_dim3A_1378, %add3A_1413], %mul3A_1414 : memref<32x128xf32, #tpu.memory_space<vmem>>[vector<16xi32>, vector<16xi32>], vector<16xf32>,
        %add3A_1415 = arith.constant 65 : i32
        %add3A_1416 = vector.broadcast %add3A_1415 : i32 to vector<16xi32>
        %add3A_1417 = arith.addi %add3A_1416, %mul3A_338 : vector<16xi32>
        %mul3A_1418 = arith.mulf %unpack3A_1410, %gather3A_1377 : vector<16xf32>
        tpu.vector_store_idx %arg31[%broadcast_in_dim3A_1378, %add3A_1417], %mul3A_1418 : memref<32x128xf32, #tpu.memory_space<vmem>>[vector<16xi32>, vector<16xi32>], vector<16xf32>,
        %get3A_1419 = arith.index_cast %scan3A_1374 : i32 to index
        %get3A_1420 = arith.constant 48 : index
        %get3A_1421 = tpu.vector_load %arg27[%get3A_1419, %get3A_1420] {strides = array<i32>} : memref<32x64xi32, #tpu.memory_space<vmem>>, vector<16xi32>,
        %bitcast3A_1422 = vector.bitcast %get3A_1421 : vector<16xi32> to vector<32xbf16>
        %unpack3A_1423 = tpu.unpack_subelements %bitcast3A_1422, 0 {pack_format = #tpu.pack_format<interleaved>} : vector<32xbf16> -> vector<16xf32>
        %unpack3A_1424 = tpu.unpack_subelements %bitcast3A_1422, 1 {pack_format = #tpu.pack_format<interleaved>} : vector<32xbf16> -> vector<16xf32>
        %add3A_1425 = arith.constant 96 : i32
        %add3A_1426 = vector.broadcast %add3A_1425 : i32 to vector<16xi32>
        %add3A_1427 = arith.addi %add3A_1426, %mul3A_338 : vector<16xi32>
        %mul3A_1428 = arith.mulf %unpack3A_1423, %gather3A_1377 : vector<16xf32>
        tpu.vector_store_idx %arg31[%broadcast_in_dim3A_1378, %add3A_1427], %mul3A_1428 : memref<32x128xf32, #tpu.memory_space<vmem>>[vector<16xi32>, vector<16xi32>], vector<16xf32>,
        %add3A_1429 = arith.constant 97 : i32
        %add3A_1430 = vector.broadcast %add3A_1429 : i32 to vector<16xi32>
        %add3A_1431 = arith.addi %add3A_1430, %mul3A_338 : vector<16xi32>
        %mul3A_1432 = arith.mulf %unpack3A_1424, %gather3A_1377 : vector<16xf32>
        tpu.vector_store_idx %arg31[%broadcast_in_dim3A_1378, %add3A_1431], %mul3A_1432 : memref<32x128xf32, #tpu.memory_space<vmem>>[vector<16xi32>, vector<16xi32>], vector<16xf32>,
        %scan3A_1433 = arith.constant 0 : i32
        scf.yield %scan3A_1433 : i32
      }
      %scan3A_746 = arith.constant 32 : i32
      %dma_start3A_747 = arith.constant 0 : i32
      %dma_start3A_748 = arith.constant 0 : i32
      %dma_start3A_749 = tpu.memref_slice %arg59[%dma_start3A_747, %dma_start3A_748] : memref<10240x128xf32, #tpu.memory_space<vmem_shared>> -> memref<10240x128xf32, #tpu.memory_space<vmem_shared>>
      tpu.enqueue_indirect_dma source(%arg31 : memref<32x128xf32, #tpu.memory_space<vmem>>) target(%dma_start3A_749 : memref<10240x128xf32, #tpu.memory_space<vmem_shared>>) offsets(%arg18 : memref<32xi32, #tpu.memory_space<vmem>>) semaphore(%arg39 : memref<!tpu.dma_semaphore, #tpu.memory_space<semaphore_mem>>) {add = true}
      %add3A_750 = arith.constant 4 : i32
      %add3A_751 = arith.addi %add3A_684, %add3A_750 : i32
      %lt3A_752 = arith.constant 320 : i32
      %lt3A_753 = arith.cmpi slt, %add3A_751, %lt3A_752 : i32
      %convert_element_type3A_754 = arith.extui %lt3A_753 : i1 to i32
      %cond3A_755 = arith.constant 0 : i32
      %cond3A_756 = arith.cmpi ne, %convert_element_type3A_754, %cond3A_755 : i32
      scf.if %cond3A_756 {
        %add3A_1374 = arith.constant 4 : i32
        %add3A_1375 = arith.addi %add3A_684, %add3A_1374 : i32
        %mul3A_1376 = arith.constant 32 : i32
        %mul3A_1377 = arith.muli %add3A_1375, %mul3A_1376 : i32
        %add3A_1378 = arith.addi %mul3A_2, %mul3A_1377 : i32
        %dma_start3A_1379 = tpu.memref_slice %arg5[%add3A_1378] : memref<327680xi32, #tpu.memory_space<hbm>> -> memref<32xi32, #tpu.memory_space<hbm>>
        %dma_start3A_1380 = tpu.memref_slice %arg5[%add3A_1378] : memref<327680xi32, #tpu.memory_space<hbm>> -> memref<32xi32, #tpu.memory_space<hbm>>
        tpu.enqueue_dma source(%dma_start3A_1380 : memref<32xi32, #tpu.memory_space<hbm>>) target(%arg14 : memref<32xi32, #tpu.memory_space<vmem>>) target_semaphore(%arg47 : memref<!tpu.dma_semaphore, #tpu.memory_space<semaphore_mem>>)
        %dma_start3A_1381 = tpu.memref_slice %arg6[%add3A_1378] : memref<327680xi32, #tpu.memory_space<hbm>> -> memref<32xi32, #tpu.memory_space<hbm>>
        %dma_start3A_1382 = tpu.memref_slice %arg6[%add3A_1378] : memref<327680xi32, #tpu.memory_space<hbm>> -> memref<32xi32, #tpu.memory_space<hbm>>
        tpu.enqueue_dma source(%dma_start3A_1382 : memref<32xi32, #tpu.memory_space<hbm>>) target(%arg22 : memref<32xi32, #tpu.memory_space<vmem>>) target_semaphore(%arg55 : memref<!tpu.dma_semaphore, #tpu.memory_space<semaphore_mem>>)
      } else {
      }
      %mul3A_757 = arith.constant 8 : i32
      %mul3A_758 = arith.muli %scan3A_679, %mul3A_757 : i32
      %add3A_759 = arith.constant 1 : i32
      %add3A_760 = arith.addi %mul3A_758, %add3A_759 : i32
      %add3A_761 = arith.constant 2 : i32
      %add3A_762 = arith.addi %add3A_760, %add3A_761 : i32
      %lt3A_763 = arith.constant 320 : i32
      %lt3A_764 = arith.cmpi slt, %add3A_762, %lt3A_763 : i32
      %convert_element_type3A_765 = arith.extui %lt3A_764 : i1 to i32
      %cond3A_766 = arith.constant 0 : i32
      %cond3A_767 = arith.cmpi ne, %convert_element_type3A_765, %cond3A_766 : i32
      scf.if %cond3A_767 {
        %dma_wait3A_1374 = arith.constant 0 : i32
        %dma_wait3A_1375 = tpu.memref_slice %arg5[%dma_wait3A_1374] : memref<327680xi32, #tpu.memory_space<hbm>> -> memref<32xi32, #tpu.memory_space<hbm>>
        %dma_wait3A_1376 = arith.constant 0 : i32
        %dma_wait3A_1377 = tpu.memref_slice %arg5[%dma_wait3A_1376] : memref<327680xi32, #tpu.memory_space<hbm>> -> memref<32xi32, #tpu.memory_space<hbm>>
        tpu.wait_dma2 semaphore(%arg46 : memref<!tpu.dma_semaphore, #tpu.memory_space<semaphore_mem>>) src(%dma_wait3A_1377 : memref<32xi32, #tpu.memory_space<hbm>>) dst(%arg13 : memref<32xi32, #tpu.memory_space<vmem>>)
        %dma_start3A_1378 = arith.constant 0 : i32
        %dma_start3A_1379 = arith.constant 0 : i32
        %dma_start3A_1380 = tpu.memref_slice %arg2[%dma_start3A_1378, %dma_start3A_1379] : memref<10000x64xi32, #tpu.memory_space<hbm>> -> memref<10000x64xi32, #tpu.memory_space<hbm>>
        tpu.enqueue_indirect_dma source(%dma_start3A_1380 : memref<10000x64xi32, #tpu.memory_space<hbm>>) target(%arg30 : memref<32x64xi32, #tpu.memory_space<vmem>>) offsets(%arg13 : memref<32xi32, #tpu.memory_space<vmem>>) semaphore(%arg38 : memref<!tpu.dma_semaphore, #tpu.memory_space<semaphore_mem>>)
      } else {
      }
      %dma_wait3A_768 = arith.constant 0 : i32
      %dma_wait3A_769 = tpu.memref_slice %arg6[%dma_wait3A_768] : memref<327680xi32, #tpu.memory_space<hbm>> -> memref<32xi32, #tpu.memory_space<hbm>>
      %dma_wait3A_770 = arith.constant 0 : i32
      %dma_wait3A_771 = tpu.memref_slice %arg6[%dma_wait3A_770] : memref<327680xi32, #tpu.memory_space<hbm>> -> memref<32xi32, #tpu.memory_space<hbm>>
      tpu.wait_dma2 semaphore(%arg52 : memref<!tpu.dma_semaphore, #tpu.memory_space<semaphore_mem>>) src(%dma_wait3A_771 : memref<32xi32, #tpu.memory_space<hbm>>) dst(%arg19 : memref<32xi32, #tpu.memory_space<vmem>>)
      %get3A_772 = arith.constant 0 : index
      %get3A_773 = tpu.vector_load %arg11[%get3A_772] {strides = array<i32>} : memref<32xi32, #tpu.memory_space<vmem>>, vector<16xi32>,
      %get3A_774 = arith.constant 0 : index
      %get3A_775 = tpu.vector_load %arg19[%get3A_774] {strides = array<i32>} : memref<32xi32, #tpu.memory_space<vmem>>, vector<16xi32>,
      %min3A_776 = arith.minsi %get3A_775, %broadcast_in_dim3A_335 : vector<16xi32>
      %gather3A_777 = tpu.vector_load_idx %arg8[%get3A_773] : memref<10000xf32, #tpu.memory_space<vmem>>[vector<16xi32>], vector<16xf32>,
      %gather3A_778 = tpu.vector_load_idx %arg9[%min3A_776] : memref<10000xf32, #tpu.memory_space<vmem>>[vector<16xi32>], vector<16xf32>,
      %add3A_779 = arith.addf %gather3A_777, %gather3A_778 : vector<16xf32>
      %mul3A_780 = arith.constant 0.00999999977 : f32
      %mul3A_781 = vector.broadcast %mul3A_780 : f32 to vector<16xf32>
      %mul3A_782 = arith.mulf %add3A_779, %mul3A_781 : vector<16xf32>
      %max3A_783 = arith.maximumf %add3A_779, %mul3A_782 : vector<16xf32>
      %neg3A_784 = arith.constant 0.000000e+00 : f32
      %neg3A_785 = vector.broadcast %neg3A_784 : f32 to vector<16xf32>
      %neg3A_786 = arith.subf %neg3A_785, %max3A_783 : vector<16xf32>
      %exp3A_787 = math.exp %neg3A_786 : vector<16xf32>
      %add3A_788 = arith.constant 1.000000e+00 : f32
      %add3A_789 = vector.broadcast %add3A_788 : f32 to vector<16xf32>
      %add3A_790 = arith.addf %add3A_789, %exp3A_787 : vector<16xf32>
      %div3A_791 = arith.constant 1.000000e+00 : f32
      %div3A_792 = vector.broadcast %div3A_791 : f32 to vector<16xf32>
      %div3A_793 = arith.divf %div3A_792, %add3A_790 : vector<16xf32>
      %swap3A_794 = arith.constant 0 : index
      %swap3A_795 = tpu.vector_load %arg26[%swap3A_794] {strides = array<i32>} : memref<32xf32, #tpu.memory_space<vmem>>, vector<16xf32>,
      tpu.vector_store %arg26[%swap3A_794], %div3A_793 {strides = array<i32>} : memref<32xf32, #tpu.memory_space<vmem>>, vector<16xf32>,
      %get3A_796 = arith.constant 16 : index
      %get3A_797 = tpu.vector_load %arg11[%get3A_796] {strides = array<i32>} : memref<32xi32, #tpu.memory_space<vmem>>, vector<16xi32>,
      %get3A_798 = arith.constant 16 : index
      %get3A_799 = tpu.vector_load %arg19[%get3A_798] {strides = array<i32>} : memref<32xi32, #tpu.memory_space<vmem>>, vector<16xi32>,
      %min3A_800 = arith.minsi %get3A_799, %broadcast_in_dim3A_335 : vector<16xi32>
      %gather3A_801 = tpu.vector_load_idx %arg8[%get3A_797] : memref<10000xf32, #tpu.memory_space<vmem>>[vector<16xi32>], vector<16xf32>,
      %gather3A_802 = tpu.vector_load_idx %arg9[%min3A_800] : memref<10000xf32, #tpu.memory_space<vmem>>[vector<16xi32>], vector<16xf32>,
      %add3A_803 = arith.addf %gather3A_801, %gather3A_802 : vector<16xf32>
      %mul3A_804 = arith.constant 0.00999999977 : f32
      %mul3A_805 = vector.broadcast %mul3A_804 : f32 to vector<16xf32>
      %mul3A_806 = arith.mulf %add3A_803, %mul3A_805 : vector<16xf32>
      %max3A_807 = arith.maximumf %add3A_803, %mul3A_806 : vector<16xf32>
      %neg3A_808 = arith.constant 0.000000e+00 : f32
      %neg3A_809 = vector.broadcast %neg3A_808 : f32 to vector<16xf32>
      %neg3A_810 = arith.subf %neg3A_809, %max3A_807 : vector<16xf32>
      %exp3A_811 = math.exp %neg3A_810 : vector<16xf32>
      %add3A_812 = arith.constant 1.000000e+00 : f32
      %add3A_813 = vector.broadcast %add3A_812 : f32 to vector<16xf32>
      %add3A_814 = arith.addf %add3A_813, %exp3A_811 : vector<16xf32>
      %div3A_815 = arith.constant 1.000000e+00 : f32
      %div3A_816 = vector.broadcast %div3A_815 : f32 to vector<16xf32>
      %div3A_817 = arith.divf %div3A_816, %add3A_814 : vector<16xf32>
      %swap3A_818 = arith.constant 16 : index
      %swap3A_819 = tpu.vector_load %arg26[%swap3A_818] {strides = array<i32>} : memref<32xf32, #tpu.memory_space<vmem>>, vector<16xf32>,
      tpu.vector_store %arg26[%swap3A_818], %div3A_817 {strides = array<i32>} : memref<32xf32, #tpu.memory_space<vmem>>, vector<16xf32>,
      %dma_wait3A_820 = arith.constant 0 : i32
      %dma_wait3A_821 = arith.constant 0 : i32
      %dma_wait3A_822 = tpu.memref_slice %arg2[%dma_wait3A_820, %dma_wait3A_821] : memref<10000x64xi32, #tpu.memory_space<hbm>> -> memref<10000x64xi32, #tpu.memory_space<hbm>>
      tpu.wait_indirect_dma semaphore(%arg36 : memref<!tpu.dma_semaphore, #tpu.memory_space<semaphore_mem>>) src(%dma_wait3A_822 : memref<10000x64xi32, #tpu.memory_space<hbm>>) dst(%arg28 : memref<32x64xi32, #tpu.memory_space<vmem>>)
      %ge3A_823 = arith.constant 4 : i32
      %ge3A_824 = arith.cmpi sge, %add3A_760, %ge3A_823 : i32
      %convert_element_type3A_825 = arith.extui %ge3A_824 : i1 to i32
      %cond3A_826 = arith.constant 0 : i32
      %cond3A_827 = arith.cmpi ne, %convert_element_type3A_825, %cond3A_826 : i32
      scf.if %cond3A_827 {
        %dma_wait3A_1374 = arith.constant 0 : i32
        %dma_wait3A_1375 = arith.constant 0 : i32
        %dma_wait3A_1376 = tpu.memref_slice %arg59[%dma_wait3A_1374, %dma_wait3A_1375] : memref<10240x128xf32, #tpu.memory_space<vmem_shared>> -> memref<10240x128xf32, #tpu.memory_space<vmem_shared>>
        tpu.wait_indirect_dma semaphore(%arg40 : memref<!tpu.dma_semaphore, #tpu.memory_space<semaphore_mem>>) src(%arg32 : memref<32x128xf32, #tpu.memory_space<vmem>>) dst(%dma_wait3A_1376 : memref<10240x128xf32, #tpu.memory_space<vmem_shared>>)
      } else {
      }
      %scan3A_828 = arith.constant 0 : i32
      %scan3A_829 = arith.constant 0 : i32
      %scan3A_830 = arith.constant 32 : i32
      %scan3A_831 = arith.addi %scan3A_829, %scan3A_830 : i32
      %scan3A_832 = arith.constant 1 : i32
      %scan3A_833 = scf.for %scan3A_1374 = %scan3A_829 to %scan3A_831 step %scan3A_832 iter_args(%scan3A_1375 = %scan3A_828) -> (i32)  : i32 {
        %broadcast_in_dim3A_1376 = vector.broadcast %scan3A_1374 : i32 to vector<16xi32>
        %gather3A_1377 = tpu.vector_load_idx %arg26[%broadcast_in_dim3A_1376] : memref<32xf32, #tpu.memory_space<vmem>>[vector<16xi32>], vector<16xf32>,
        %broadcast_in_dim3A_1378 = vector.broadcast %scan3A_1374 : i32 to vector<16xi32>
        %get3A_1379 = arith.index_cast %scan3A_1374 : i32 to index
        %get3A_1380 = arith.constant 0 : index
        %get3A_1381 = tpu.vector_load %arg28[%get3A_1379, %get3A_1380] {strides = array<i32>} : memref<32x64xi32, #tpu.memory_space<vmem>>, vector<16xi32>,
        %bitcast3A = vector.bitcast %get3A_1381 : vector<16xi32> to vector<32xbf16>
        %unpack3A = tpu.unpack_subelements %bitcast3A, 0 {pack_format = #tpu.pack_format<interleaved>} : vector<32xbf16> -> vector<16xf32>
        %unpack3A_1382 = tpu.unpack_subelements %bitcast3A, 1 {pack_format = #tpu.pack_format<interleaved>} : vector<32xbf16> -> vector<16xf32>
        %add3A_1383 = arith.constant 0 : i32
        %add3A_1384 = vector.broadcast %add3A_1383 : i32 to vector<16xi32>
        %add3A_1385 = arith.addi %add3A_1384, %mul3A_338 : vector<16xi32>
        %mul3A_1386 = arith.mulf %unpack3A, %gather3A_1377 : vector<16xf32>
        tpu.vector_store_idx %arg32[%broadcast_in_dim3A_1378, %add3A_1385], %mul3A_1386 : memref<32x128xf32, #tpu.memory_space<vmem>>[vector<16xi32>, vector<16xi32>], vector<16xf32>,
        %add3A_1387 = arith.constant 1 : i32
        %add3A_1388 = vector.broadcast %add3A_1387 : i32 to vector<16xi32>
        %add3A_1389 = arith.addi %add3A_1388, %mul3A_338 : vector<16xi32>
        %mul3A_1390 = arith.mulf %unpack3A_1382, %gather3A_1377 : vector<16xf32>
        tpu.vector_store_idx %arg32[%broadcast_in_dim3A_1378, %add3A_1389], %mul3A_1390 : memref<32x128xf32, #tpu.memory_space<vmem>>[vector<16xi32>, vector<16xi32>], vector<16xf32>,
        %get3A_1391 = arith.index_cast %scan3A_1374 : i32 to index
        %get3A_1392 = arith.constant 16 : index
        %get3A_1393 = tpu.vector_load %arg28[%get3A_1391, %get3A_1392] {strides = array<i32>} : memref<32x64xi32, #tpu.memory_space<vmem>>, vector<16xi32>,
        %bitcast3A_1394 = vector.bitcast %get3A_1393 : vector<16xi32> to vector<32xbf16>
        %unpack3A_1395 = tpu.unpack_subelements %bitcast3A_1394, 0 {pack_format = #tpu.pack_format<interleaved>} : vector<32xbf16> -> vector<16xf32>
        %unpack3A_1396 = tpu.unpack_subelements %bitcast3A_1394, 1 {pack_format = #tpu.pack_format<interleaved>} : vector<32xbf16> -> vector<16xf32>
        %add3A_1397 = arith.constant 32 : i32
        %add3A_1398 = vector.broadcast %add3A_1397 : i32 to vector<16xi32>
        %add3A_1399 = arith.addi %add3A_1398, %mul3A_338 : vector<16xi32>
        %mul3A_1400 = arith.mulf %unpack3A_1395, %gather3A_1377 : vector<16xf32>
        tpu.vector_store_idx %arg32[%broadcast_in_dim3A_1378, %add3A_1399], %mul3A_1400 : memref<32x128xf32, #tpu.memory_space<vmem>>[vector<16xi32>, vector<16xi32>], vector<16xf32>,
        %add3A_1401 = arith.constant 33 : i32
        %add3A_1402 = vector.broadcast %add3A_1401 : i32 to vector<16xi32>
        %add3A_1403 = arith.addi %add3A_1402, %mul3A_338 : vector<16xi32>
        %mul3A_1404 = arith.mulf %unpack3A_1396, %gather3A_1377 : vector<16xf32>
        tpu.vector_store_idx %arg32[%broadcast_in_dim3A_1378, %add3A_1403], %mul3A_1404 : memref<32x128xf32, #tpu.memory_space<vmem>>[vector<16xi32>, vector<16xi32>], vector<16xf32>,
        %get3A_1405 = arith.index_cast %scan3A_1374 : i32 to index
        %get3A_1406 = arith.constant 32 : index
        %get3A_1407 = tpu.vector_load %arg28[%get3A_1405, %get3A_1406] {strides = array<i32>} : memref<32x64xi32, #tpu.memory_space<vmem>>, vector<16xi32>,
        %bitcast3A_1408 = vector.bitcast %get3A_1407 : vector<16xi32> to vector<32xbf16>
        %unpack3A_1409 = tpu.unpack_subelements %bitcast3A_1408, 0 {pack_format = #tpu.pack_format<interleaved>} : vector<32xbf16> -> vector<16xf32>
        %unpack3A_1410 = tpu.unpack_subelements %bitcast3A_1408, 1 {pack_format = #tpu.pack_format<interleaved>} : vector<32xbf16> -> vector<16xf32>
        %add3A_1411 = arith.constant 64 : i32
        %add3A_1412 = vector.broadcast %add3A_1411 : i32 to vector<16xi32>
        %add3A_1413 = arith.addi %add3A_1412, %mul3A_338 : vector<16xi32>
        %mul3A_1414 = arith.mulf %unpack3A_1409, %gather3A_1377 : vector<16xf32>
        tpu.vector_store_idx %arg32[%broadcast_in_dim3A_1378, %add3A_1413], %mul3A_1414 : memref<32x128xf32, #tpu.memory_space<vmem>>[vector<16xi32>, vector<16xi32>], vector<16xf32>,
        %add3A_1415 = arith.constant 65 : i32
        %add3A_1416 = vector.broadcast %add3A_1415 : i32 to vector<16xi32>
        %add3A_1417 = arith.addi %add3A_1416, %mul3A_338 : vector<16xi32>
        %mul3A_1418 = arith.mulf %unpack3A_1410, %gather3A_1377 : vector<16xf32>
        tpu.vector_store_idx %arg32[%broadcast_in_dim3A_1378, %add3A_1417], %mul3A_1418 : memref<32x128xf32, #tpu.memory_space<vmem>>[vector<16xi32>, vector<16xi32>], vector<16xf32>,
        %get3A_1419 = arith.index_cast %scan3A_1374 : i32 to index
        %get3A_1420 = arith.constant 48 : index
        %get3A_1421 = tpu.vector_load %arg28[%get3A_1419, %get3A_1420] {strides = array<i32>} : memref<32x64xi32, #tpu.memory_space<vmem>>, vector<16xi32>,
        %bitcast3A_1422 = vector.bitcast %get3A_1421 : vector<16xi32> to vector<32xbf16>
        %unpack3A_1423 = tpu.unpack_subelements %bitcast3A_1422, 0 {pack_format = #tpu.pack_format<interleaved>} : vector<32xbf16> -> vector<16xf32>
        %unpack3A_1424 = tpu.unpack_subelements %bitcast3A_1422, 1 {pack_format = #tpu.pack_format<interleaved>} : vector<32xbf16> -> vector<16xf32>
        %add3A_1425 = arith.constant 96 : i32
        %add3A_1426 = vector.broadcast %add3A_1425 : i32 to vector<16xi32>
        %add3A_1427 = arith.addi %add3A_1426, %mul3A_338 : vector<16xi32>
        %mul3A_1428 = arith.mulf %unpack3A_1423, %gather3A_1377 : vector<16xf32>
        tpu.vector_store_idx %arg32[%broadcast_in_dim3A_1378, %add3A_1427], %mul3A_1428 : memref<32x128xf32, #tpu.memory_space<vmem>>[vector<16xi32>, vector<16xi32>], vector<16xf32>,
        %add3A_1429 = arith.constant 97 : i32
        %add3A_1430 = vector.broadcast %add3A_1429 : i32 to vector<16xi32>
        %add3A_1431 = arith.addi %add3A_1430, %mul3A_338 : vector<16xi32>
        %mul3A_1432 = arith.mulf %unpack3A_1424, %gather3A_1377 : vector<16xf32>
        tpu.vector_store_idx %arg32[%broadcast_in_dim3A_1378, %add3A_1431], %mul3A_1432 : memref<32x128xf32, #tpu.memory_space<vmem>>[vector<16xi32>, vector<16xi32>], vector<16xf32>,
        %scan3A_1433 = arith.constant 0 : i32
        scf.yield %scan3A_1433 : i32
      }
      %scan3A_834 = arith.constant 32 : i32
      %dma_start3A_835 = arith.constant 0 : i32
      %dma_start3A_836 = arith.constant 0 : i32
      %dma_start3A_837 = tpu.memref_slice %arg59[%dma_start3A_835, %dma_start3A_836] : memref<10240x128xf32, #tpu.memory_space<vmem_shared>> -> memref<10240x128xf32, #tpu.memory_space<vmem_shared>>
      tpu.enqueue_indirect_dma source(%arg32 : memref<32x128xf32, #tpu.memory_space<vmem>>) target(%dma_start3A_837 : memref<10240x128xf32, #tpu.memory_space<vmem_shared>>) offsets(%arg19 : memref<32xi32, #tpu.memory_space<vmem>>) semaphore(%arg40 : memref<!tpu.dma_semaphore, #tpu.memory_space<semaphore_mem>>) {add = true}
      %add3A_838 = arith.constant 4 : i32
      %add3A_839 = arith.addi %add3A_760, %add3A_838 : i32
      %lt3A_840 = arith.constant 320 : i32
      %lt3A_841 = arith.cmpi slt, %add3A_839, %lt3A_840 : i32
      %convert_element_type3A_842 = arith.extui %lt3A_841 : i1 to i32
      %cond3A_843 = arith.constant 0 : i32
      %cond3A_844 = arith.cmpi ne, %convert_element_type3A_842, %cond3A_843 : i32
      scf.if %cond3A_844 {
        %add3A_1374 = arith.constant 4 : i32
        %add3A_1375 = arith.addi %add3A_760, %add3A_1374 : i32
        %mul3A_1376 = arith.constant 32 : i32
        %mul3A_1377 = arith.muli %add3A_1375, %mul3A_1376 : i32
        %add3A_1378 = arith.addi %mul3A_2, %mul3A_1377 : i32
        %dma_start3A_1379 = tpu.memref_slice %arg5[%add3A_1378] : memref<327680xi32, #tpu.memory_space<hbm>> -> memref<32xi32, #tpu.memory_space<hbm>>
        %dma_start3A_1380 = tpu.memref_slice %arg5[%add3A_1378] : memref<327680xi32, #tpu.memory_space<hbm>> -> memref<32xi32, #tpu.memory_space<hbm>>
        tpu.enqueue_dma source(%dma_start3A_1380 : memref<32xi32, #tpu.memory_space<hbm>>) target(%arg15 : memref<32xi32, #tpu.memory_space<vmem>>) target_semaphore(%arg48 : memref<!tpu.dma_semaphore, #tpu.memory_space<semaphore_mem>>)
        %dma_start3A_1381 = tpu.memref_slice %arg6[%add3A_1378] : memref<327680xi32, #tpu.memory_space<hbm>> -> memref<32xi32, #tpu.memory_space<hbm>>
        %dma_start3A_1382 = tpu.memref_slice %arg6[%add3A_1378] : memref<327680xi32, #tpu.memory_space<hbm>> -> memref<32xi32, #tpu.memory_space<hbm>>
        tpu.enqueue_dma source(%dma_start3A_1382 : memref<32xi32, #tpu.memory_space<hbm>>) target(%arg23 : memref<32xi32, #tpu.memory_space<vmem>>) target_semaphore(%arg56 : memref<!tpu.dma_semaphore, #tpu.memory_space<semaphore_mem>>)
      } else {
      }
      %mul3A_845 = arith.constant 8 : i32
      %mul3A_846 = arith.muli %scan3A_679, %mul3A_845 : i32
      %add3A_847 = arith.constant 2 : i32
      %add3A_848 = arith.addi %mul3A_846, %add3A_847 : i32
      %add3A_849 = arith.constant 2 : i32
      %add3A_850 = arith.addi %add3A_848, %add3A_849 : i32
      %lt3A_851 = arith.constant 320 : i32
      %lt3A_852 = arith.cmpi slt, %add3A_850, %lt3A_851 : i32
      %convert_element_type3A_853 = arith.extui %lt3A_852 : i1 to i32
      %cond3A_854 = arith.constant 0 : i32
      %cond3A_855 = arith.cmpi ne, %convert_element_type3A_853, %cond3A_854 : i32
      scf.if %cond3A_855 {
        %dma_wait3A_1374 = arith.constant 0 : i32
        %dma_wait3A_1375 = tpu.memref_slice %arg5[%dma_wait3A_1374] : memref<327680xi32, #tpu.memory_space<hbm>> -> memref<32xi32, #tpu.memory_space<hbm>>
        %dma_wait3A_1376 = arith.constant 0 : i32
        %dma_wait3A_1377 = tpu.memref_slice %arg5[%dma_wait3A_1376] : memref<327680xi32, #tpu.memory_space<hbm>> -> memref<32xi32, #tpu.memory_space<hbm>>
        tpu.wait_dma2 semaphore(%arg47 : memref<!tpu.dma_semaphore, #tpu.memory_space<semaphore_mem>>) src(%dma_wait3A_1377 : memref<32xi32, #tpu.memory_space<hbm>>) dst(%arg14 : memref<32xi32, #tpu.memory_space<vmem>>)
        %dma_start3A_1378 = arith.constant 0 : i32
        %dma_start3A_1379 = arith.constant 0 : i32
        %dma_start3A_1380 = tpu.memref_slice %arg2[%dma_start3A_1378, %dma_start3A_1379] : memref<10000x64xi32, #tpu.memory_space<hbm>> -> memref<10000x64xi32, #tpu.memory_space<hbm>>
        tpu.enqueue_indirect_dma source(%dma_start3A_1380 : memref<10000x64xi32, #tpu.memory_space<hbm>>) target(%arg27 : memref<32x64xi32, #tpu.memory_space<vmem>>) offsets(%arg14 : memref<32xi32, #tpu.memory_space<vmem>>) semaphore(%arg35 : memref<!tpu.dma_semaphore, #tpu.memory_space<semaphore_mem>>)
      } else {
      }
      %dma_wait3A_856 = arith.constant 0 : i32
      %dma_wait3A_857 = tpu.memref_slice %arg6[%dma_wait3A_856] : memref<327680xi32, #tpu.memory_space<hbm>> -> memref<32xi32, #tpu.memory_space<hbm>>
      %dma_wait3A_858 = arith.constant 0 : i32
      %dma_wait3A_859 = tpu.memref_slice %arg6[%dma_wait3A_858] : memref<327680xi32, #tpu.memory_space<hbm>> -> memref<32xi32, #tpu.memory_space<hbm>>
      tpu.wait_dma2 semaphore(%arg53 : memref<!tpu.dma_semaphore, #tpu.memory_space<semaphore_mem>>) src(%dma_wait3A_859 : memref<32xi32, #tpu.memory_space<hbm>>) dst(%arg20 : memref<32xi32, #tpu.memory_space<vmem>>)
      %get3A_860 = arith.constant 0 : index
      %get3A_861 = tpu.vector_load %arg12[%get3A_860] {strides = array<i32>} : memref<32xi32, #tpu.memory_space<vmem>>, vector<16xi32>,
      %get3A_862 = arith.constant 0 : index
      %get3A_863 = tpu.vector_load %arg20[%get3A_862] {strides = array<i32>} : memref<32xi32, #tpu.memory_space<vmem>>, vector<16xi32>,
      %min3A_864 = arith.minsi %get3A_863, %broadcast_in_dim3A_335 : vector<16xi32>
      %gather3A_865 = tpu.vector_load_idx %arg8[%get3A_861] : memref<10000xf32, #tpu.memory_space<vmem>>[vector<16xi32>], vector<16xf32>,
      %gather3A_866 = tpu.vector_load_idx %arg9[%min3A_864] : memref<10000xf32, #tpu.memory_space<vmem>>[vector<16xi32>], vector<16xf32>,
      %add3A_867 = arith.addf %gather3A_865, %gather3A_866 : vector<16xf32>
      %mul3A_868 = arith.constant 0.00999999977 : f32
      %mul3A_869 = vector.broadcast %mul3A_868 : f32 to vector<16xf32>
      %mul3A_870 = arith.mulf %add3A_867, %mul3A_869 : vector<16xf32>
      %max3A_871 = arith.maximumf %add3A_867, %mul3A_870 : vector<16xf32>
      %neg3A_872 = arith.constant 0.000000e+00 : f32
      %neg3A_873 = vector.broadcast %neg3A_872 : f32 to vector<16xf32>
      %neg3A_874 = arith.subf %neg3A_873, %max3A_871 : vector<16xf32>
      %exp3A_875 = math.exp %neg3A_874 : vector<16xf32>
      %add3A_876 = arith.constant 1.000000e+00 : f32
      %add3A_877 = vector.broadcast %add3A_876 : f32 to vector<16xf32>
      %add3A_878 = arith.addf %add3A_877, %exp3A_875 : vector<16xf32>
      %div3A_879 = arith.constant 1.000000e+00 : f32
      %div3A_880 = vector.broadcast %div3A_879 : f32 to vector<16xf32>
      %div3A_881 = arith.divf %div3A_880, %add3A_878 : vector<16xf32>
      %swap3A_882 = arith.constant 0 : index
      %swap3A_883 = tpu.vector_load %arg26[%swap3A_882] {strides = array<i32>} : memref<32xf32, #tpu.memory_space<vmem>>, vector<16xf32>,
      tpu.vector_store %arg26[%swap3A_882], %div3A_881 {strides = array<i32>} : memref<32xf32, #tpu.memory_space<vmem>>, vector<16xf32>,
      %get3A_884 = arith.constant 16 : index
      %get3A_885 = tpu.vector_load %arg12[%get3A_884] {strides = array<i32>} : memref<32xi32, #tpu.memory_space<vmem>>, vector<16xi32>,
      %get3A_886 = arith.constant 16 : index
      %get3A_887 = tpu.vector_load %arg20[%get3A_886] {strides = array<i32>} : memref<32xi32, #tpu.memory_space<vmem>>, vector<16xi32>,
      %min3A_888 = arith.minsi %get3A_887, %broadcast_in_dim3A_335 : vector<16xi32>
      %gather3A_889 = tpu.vector_load_idx %arg8[%get3A_885] : memref<10000xf32, #tpu.memory_space<vmem>>[vector<16xi32>], vector<16xf32>,
      %gather3A_890 = tpu.vector_load_idx %arg9[%min3A_888] : memref<10000xf32, #tpu.memory_space<vmem>>[vector<16xi32>], vector<16xf32>,
      %add3A_891 = arith.addf %gather3A_889, %gather3A_890 : vector<16xf32>
      %mul3A_892 = arith.constant 0.00999999977 : f32
      %mul3A_893 = vector.broadcast %mul3A_892 : f32 to vector<16xf32>
      %mul3A_894 = arith.mulf %add3A_891, %mul3A_893 : vector<16xf32>
      %max3A_895 = arith.maximumf %add3A_891, %mul3A_894 : vector<16xf32>
      %neg3A_896 = arith.constant 0.000000e+00 : f32
      %neg3A_897 = vector.broadcast %neg3A_896 : f32 to vector<16xf32>
      %neg3A_898 = arith.subf %neg3A_897, %max3A_895 : vector<16xf32>
      %exp3A_899 = math.exp %neg3A_898 : vector<16xf32>
      %add3A_900 = arith.constant 1.000000e+00 : f32
      %add3A_901 = vector.broadcast %add3A_900 : f32 to vector<16xf32>
      %add3A_902 = arith.addf %add3A_901, %exp3A_899 : vector<16xf32>
      %div3A_903 = arith.constant 1.000000e+00 : f32
      %div3A_904 = vector.broadcast %div3A_903 : f32 to vector<16xf32>
      %div3A_905 = arith.divf %div3A_904, %add3A_902 : vector<16xf32>
      %swap3A_906 = arith.constant 16 : index
      %swap3A_907 = tpu.vector_load %arg26[%swap3A_906] {strides = array<i32>} : memref<32xf32, #tpu.memory_space<vmem>>, vector<16xf32>,
      tpu.vector_store %arg26[%swap3A_906], %div3A_905 {strides = array<i32>} : memref<32xf32, #tpu.memory_space<vmem>>, vector<16xf32>,
      %dma_wait3A_908 = arith.constant 0 : i32
      %dma_wait3A_909 = arith.constant 0 : i32
      %dma_wait3A_910 = tpu.memref_slice %arg2[%dma_wait3A_908, %dma_wait3A_909] : memref<10000x64xi32, #tpu.memory_space<hbm>> -> memref<10000x64xi32, #tpu.memory_space<hbm>>
      tpu.wait_indirect_dma semaphore(%arg37 : memref<!tpu.dma_semaphore, #tpu.memory_space<semaphore_mem>>) src(%dma_wait3A_910 : memref<10000x64xi32, #tpu.memory_space<hbm>>) dst(%arg29 : memref<32x64xi32, #tpu.memory_space<vmem>>)
      %ge3A_911 = arith.constant 4 : i32
      %ge3A_912 = arith.cmpi sge, %add3A_848, %ge3A_911 : i32
      %convert_element_type3A_913 = arith.extui %ge3A_912 : i1 to i32
      %cond3A_914 = arith.constant 0 : i32
      %cond3A_915 = arith.cmpi ne, %convert_element_type3A_913, %cond3A_914 : i32
      scf.if %cond3A_915 {
        %dma_wait3A_1374 = arith.constant 0 : i32
        %dma_wait3A_1375 = arith.constant 0 : i32
        %dma_wait3A_1376 = tpu.memref_slice %arg59[%dma_wait3A_1374, %dma_wait3A_1375] : memref<10240x128xf32, #tpu.memory_space<vmem_shared>> -> memref<10240x128xf32, #tpu.memory_space<vmem_shared>>
        tpu.wait_indirect_dma semaphore(%arg41 : memref<!tpu.dma_semaphore, #tpu.memory_space<semaphore_mem>>) src(%arg33 : memref<32x128xf32, #tpu.memory_space<vmem>>) dst(%dma_wait3A_1376 : memref<10240x128xf32, #tpu.memory_space<vmem_shared>>)
      } else {
      }
      %scan3A_916 = arith.constant 0 : i32
      %scan3A_917 = arith.constant 0 : i32
      %scan3A_918 = arith.constant 32 : i32
      %scan3A_919 = arith.addi %scan3A_917, %scan3A_918 : i32
      %scan3A_920 = arith.constant 1 : i32
      %scan3A_921 = scf.for %scan3A_1374 = %scan3A_917 to %scan3A_919 step %scan3A_920 iter_args(%scan3A_1375 = %scan3A_916) -> (i32)  : i32 {
        %broadcast_in_dim3A_1376 = vector.broadcast %scan3A_1374 : i32 to vector<16xi32>
        %gather3A_1377 = tpu.vector_load_idx %arg26[%broadcast_in_dim3A_1376] : memref<32xf32, #tpu.memory_space<vmem>>[vector<16xi32>], vector<16xf32>,
        %broadcast_in_dim3A_1378 = vector.broadcast %scan3A_1374 : i32 to vector<16xi32>
        %get3A_1379 = arith.index_cast %scan3A_1374 : i32 to index
        %get3A_1380 = arith.constant 0 : index
        %get3A_1381 = tpu.vector_load %arg29[%get3A_1379, %get3A_1380] {strides = array<i32>} : memref<32x64xi32, #tpu.memory_space<vmem>>, vector<16xi32>,
        %bitcast3A = vector.bitcast %get3A_1381 : vector<16xi32> to vector<32xbf16>
        %unpack3A = tpu.unpack_subelements %bitcast3A, 0 {pack_format = #tpu.pack_format<interleaved>} : vector<32xbf16> -> vector<16xf32>
        %unpack3A_1382 = tpu.unpack_subelements %bitcast3A, 1 {pack_format = #tpu.pack_format<interleaved>} : vector<32xbf16> -> vector<16xf32>
        %add3A_1383 = arith.constant 0 : i32
        %add3A_1384 = vector.broadcast %add3A_1383 : i32 to vector<16xi32>
        %add3A_1385 = arith.addi %add3A_1384, %mul3A_338 : vector<16xi32>
        %mul3A_1386 = arith.mulf %unpack3A, %gather3A_1377 : vector<16xf32>
        tpu.vector_store_idx %arg33[%broadcast_in_dim3A_1378, %add3A_1385], %mul3A_1386 : memref<32x128xf32, #tpu.memory_space<vmem>>[vector<16xi32>, vector<16xi32>], vector<16xf32>,
        %add3A_1387 = arith.constant 1 : i32
        %add3A_1388 = vector.broadcast %add3A_1387 : i32 to vector<16xi32>
        %add3A_1389 = arith.addi %add3A_1388, %mul3A_338 : vector<16xi32>
        %mul3A_1390 = arith.mulf %unpack3A_1382, %gather3A_1377 : vector<16xf32>
        tpu.vector_store_idx %arg33[%broadcast_in_dim3A_1378, %add3A_1389], %mul3A_1390 : memref<32x128xf32, #tpu.memory_space<vmem>>[vector<16xi32>, vector<16xi32>], vector<16xf32>,
        %get3A_1391 = arith.index_cast %scan3A_1374 : i32 to index
        %get3A_1392 = arith.constant 16 : index
        %get3A_1393 = tpu.vector_load %arg29[%get3A_1391, %get3A_1392] {strides = array<i32>} : memref<32x64xi32, #tpu.memory_space<vmem>>, vector<16xi32>,
        %bitcast3A_1394 = vector.bitcast %get3A_1393 : vector<16xi32> to vector<32xbf16>
        %unpack3A_1395 = tpu.unpack_subelements %bitcast3A_1394, 0 {pack_format = #tpu.pack_format<interleaved>} : vector<32xbf16> -> vector<16xf32>
        %unpack3A_1396 = tpu.unpack_subelements %bitcast3A_1394, 1 {pack_format = #tpu.pack_format<interleaved>} : vector<32xbf16> -> vector<16xf32>
        %add3A_1397 = arith.constant 32 : i32
        %add3A_1398 = vector.broadcast %add3A_1397 : i32 to vector<16xi32>
        %add3A_1399 = arith.addi %add3A_1398, %mul3A_338 : vector<16xi32>
        %mul3A_1400 = arith.mulf %unpack3A_1395, %gather3A_1377 : vector<16xf32>
        tpu.vector_store_idx %arg33[%broadcast_in_dim3A_1378, %add3A_1399], %mul3A_1400 : memref<32x128xf32, #tpu.memory_space<vmem>>[vector<16xi32>, vector<16xi32>], vector<16xf32>,
        %add3A_1401 = arith.constant 33 : i32
        %add3A_1402 = vector.broadcast %add3A_1401 : i32 to vector<16xi32>
        %add3A_1403 = arith.addi %add3A_1402, %mul3A_338 : vector<16xi32>
        %mul3A_1404 = arith.mulf %unpack3A_1396, %gather3A_1377 : vector<16xf32>
        tpu.vector_store_idx %arg33[%broadcast_in_dim3A_1378, %add3A_1403], %mul3A_1404 : memref<32x128xf32, #tpu.memory_space<vmem>>[vector<16xi32>, vector<16xi32>], vector<16xf32>,
        %get3A_1405 = arith.index_cast %scan3A_1374 : i32 to index
        %get3A_1406 = arith.constant 32 : index
        %get3A_1407 = tpu.vector_load %arg29[%get3A_1405, %get3A_1406] {strides = array<i32>} : memref<32x64xi32, #tpu.memory_space<vmem>>, vector<16xi32>,
        %bitcast3A_1408 = vector.bitcast %get3A_1407 : vector<16xi32> to vector<32xbf16>
        %unpack3A_1409 = tpu.unpack_subelements %bitcast3A_1408, 0 {pack_format = #tpu.pack_format<interleaved>} : vector<32xbf16> -> vector<16xf32>
        %unpack3A_1410 = tpu.unpack_subelements %bitcast3A_1408, 1 {pack_format = #tpu.pack_format<interleaved>} : vector<32xbf16> -> vector<16xf32>
        %add3A_1411 = arith.constant 64 : i32
        %add3A_1412 = vector.broadcast %add3A_1411 : i32 to vector<16xi32>
        %add3A_1413 = arith.addi %add3A_1412, %mul3A_338 : vector<16xi32>
        %mul3A_1414 = arith.mulf %unpack3A_1409, %gather3A_1377 : vector<16xf32>
        tpu.vector_store_idx %arg33[%broadcast_in_dim3A_1378, %add3A_1413], %mul3A_1414 : memref<32x128xf32, #tpu.memory_space<vmem>>[vector<16xi32>, vector<16xi32>], vector<16xf32>,
        %add3A_1415 = arith.constant 65 : i32
        %add3A_1416 = vector.broadcast %add3A_1415 : i32 to vector<16xi32>
        %add3A_1417 = arith.addi %add3A_1416, %mul3A_338 : vector<16xi32>
        %mul3A_1418 = arith.mulf %unpack3A_1410, %gather3A_1377 : vector<16xf32>
        tpu.vector_store_idx %arg33[%broadcast_in_dim3A_1378, %add3A_1417], %mul3A_1418 : memref<32x128xf32, #tpu.memory_space<vmem>>[vector<16xi32>, vector<16xi32>], vector<16xf32>,
        %get3A_1419 = arith.index_cast %scan3A_1374 : i32 to index
        %get3A_1420 = arith.constant 48 : index
        %get3A_1421 = tpu.vector_load %arg29[%get3A_1419, %get3A_1420] {strides = array<i32>} : memref<32x64xi32, #tpu.memory_space<vmem>>, vector<16xi32>,
        %bitcast3A_1422 = vector.bitcast %get3A_1421 : vector<16xi32> to vector<32xbf16>
        %unpack3A_1423 = tpu.unpack_subelements %bitcast3A_1422, 0 {pack_format = #tpu.pack_format<interleaved>} : vector<32xbf16> -> vector<16xf32>
        %unpack3A_1424 = tpu.unpack_subelements %bitcast3A_1422, 1 {pack_format = #tpu.pack_format<interleaved>} : vector<32xbf16> -> vector<16xf32>
        %add3A_1425 = arith.constant 96 : i32
        %add3A_1426 = vector.broadcast %add3A_1425 : i32 to vector<16xi32>
        %add3A_1427 = arith.addi %add3A_1426, %mul3A_338 : vector<16xi32>
        %mul3A_1428 = arith.mulf %unpack3A_1423, %gather3A_1377 : vector<16xf32>
        tpu.vector_store_idx %arg33[%broadcast_in_dim3A_1378, %add3A_1427], %mul3A_1428 : memref<32x128xf32, #tpu.memory_space<vmem>>[vector<16xi32>, vector<16xi32>], vector<16xf32>,
        %add3A_1429 = arith.constant 97 : i32
        %add3A_1430 = vector.broadcast %add3A_1429 : i32 to vector<16xi32>
        %add3A_1431 = arith.addi %add3A_1430, %mul3A_338 : vector<16xi32>
        %mul3A_1432 = arith.mulf %unpack3A_1424, %gather3A_1377 : vector<16xf32>
        tpu.vector_store_idx %arg33[%broadcast_in_dim3A_1378, %add3A_1431], %mul3A_1432 : memref<32x128xf32, #tpu.memory_space<vmem>>[vector<16xi32>, vector<16xi32>], vector<16xf32>,
        %scan3A_1433 = arith.constant 0 : i32
        scf.yield %scan3A_1433 : i32
      }
      %scan3A_922 = arith.constant 32 : i32
      %dma_start3A_923 = arith.constant 0 : i32
      %dma_start3A_924 = arith.constant 0 : i32
      %dma_start3A_925 = tpu.memref_slice %arg59[%dma_start3A_923, %dma_start3A_924] : memref<10240x128xf32, #tpu.memory_space<vmem_shared>> -> memref<10240x128xf32, #tpu.memory_space<vmem_shared>>
      tpu.enqueue_indirect_dma source(%arg33 : memref<32x128xf32, #tpu.memory_space<vmem>>) target(%dma_start3A_925 : memref<10240x128xf32, #tpu.memory_space<vmem_shared>>) offsets(%arg20 : memref<32xi32, #tpu.memory_space<vmem>>) semaphore(%arg41 : memref<!tpu.dma_semaphore, #tpu.memory_space<semaphore_mem>>) {add = true}
      %add3A_926 = arith.constant 4 : i32
      %add3A_927 = arith.addi %add3A_848, %add3A_926 : i32
      %lt3A_928 = arith.constant 320 : i32
      %lt3A_929 = arith.cmpi slt, %add3A_927, %lt3A_928 : i32
      %convert_element_type3A_930 = arith.extui %lt3A_929 : i1 to i32
      %cond3A_931 = arith.constant 0 : i32
      %cond3A_932 = arith.cmpi ne, %convert_element_type3A_930, %cond3A_931 : i32
      scf.if %cond3A_932 {
        %add3A_1374 = arith.constant 4 : i32
        %add3A_1375 = arith.addi %add3A_848, %add3A_1374 : i32
        %mul3A_1376 = arith.constant 32 : i32
        %mul3A_1377 = arith.muli %add3A_1375, %mul3A_1376 : i32
        %add3A_1378 = arith.addi %mul3A_2, %mul3A_1377 : i32
        %dma_start3A_1379 = tpu.memref_slice %arg5[%add3A_1378] : memref<327680xi32, #tpu.memory_space<hbm>> -> memref<32xi32, #tpu.memory_space<hbm>>
        %dma_start3A_1380 = tpu.memref_slice %arg5[%add3A_1378] : memref<327680xi32, #tpu.memory_space<hbm>> -> memref<32xi32, #tpu.memory_space<hbm>>
        tpu.enqueue_dma source(%dma_start3A_1380 : memref<32xi32, #tpu.memory_space<hbm>>) target(%arg16 : memref<32xi32, #tpu.memory_space<vmem>>) target_semaphore(%arg49 : memref<!tpu.dma_semaphore, #tpu.memory_space<semaphore_mem>>)
        %dma_start3A_1381 = tpu.memref_slice %arg6[%add3A_1378] : memref<327680xi32, #tpu.memory_space<hbm>> -> memref<32xi32, #tpu.memory_space<hbm>>
        %dma_start3A_1382 = tpu.memref_slice %arg6[%add3A_1378] : memref<327680xi32, #tpu.memory_space<hbm>> -> memref<32xi32, #tpu.memory_space<hbm>>
        tpu.enqueue_dma source(%dma_start3A_1382 : memref<32xi32, #tpu.memory_space<hbm>>) target(%arg24 : memref<32xi32, #tpu.memory_space<vmem>>) target_semaphore(%arg57 : memref<!tpu.dma_semaphore, #tpu.memory_space<semaphore_mem>>)
      } else {
      }
      %mul3A_933 = arith.constant 8 : i32
      %mul3A_934 = arith.muli %scan3A_679, %mul3A_933 : i32
      %add3A_935 = arith.constant 3 : i32
      %add3A_936 = arith.addi %mul3A_934, %add3A_935 : i32
      %add3A_937 = arith.constant 2 : i32
      %add3A_938 = arith.addi %add3A_936, %add3A_937 : i32
      %lt3A_939 = arith.constant 320 : i32
      %lt3A_940 = arith.cmpi slt, %add3A_938, %lt3A_939 : i32
      %convert_element_type3A_941 = arith.extui %lt3A_940 : i1 to i32
      %cond3A_942 = arith.constant 0 : i32
      %cond3A_943 = arith.cmpi ne, %convert_element_type3A_941, %cond3A_942 : i32
      scf.if %cond3A_943 {
        %dma_wait3A_1374 = arith.constant 0 : i32
        %dma_wait3A_1375 = tpu.memref_slice %arg5[%dma_wait3A_1374] : memref<327680xi32, #tpu.memory_space<hbm>> -> memref<32xi32, #tpu.memory_space<hbm>>
        %dma_wait3A_1376 = arith.constant 0 : i32
        %dma_wait3A_1377 = tpu.memref_slice %arg5[%dma_wait3A_1376] : memref<327680xi32, #tpu.memory_space<hbm>> -> memref<32xi32, #tpu.memory_space<hbm>>
        tpu.wait_dma2 semaphore(%arg48 : memref<!tpu.dma_semaphore, #tpu.memory_space<semaphore_mem>>) src(%dma_wait3A_1377 : memref<32xi32, #tpu.memory_space<hbm>>) dst(%arg15 : memref<32xi32, #tpu.memory_space<vmem>>)
        %dma_start3A_1378 = arith.constant 0 : i32
        %dma_start3A_1379 = arith.constant 0 : i32
        %dma_start3A_1380 = tpu.memref_slice %arg2[%dma_start3A_1378, %dma_start3A_1379] : memref<10000x64xi32, #tpu.memory_space<hbm>> -> memref<10000x64xi32, #tpu.memory_space<hbm>>
        tpu.enqueue_indirect_dma source(%dma_start3A_1380 : memref<10000x64xi32, #tpu.memory_space<hbm>>) target(%arg28 : memref<32x64xi32, #tpu.memory_space<vmem>>) offsets(%arg15 : memref<32xi32, #tpu.memory_space<vmem>>) semaphore(%arg36 : memref<!tpu.dma_semaphore, #tpu.memory_space<semaphore_mem>>)
      } else {
      }
      %dma_wait3A_944 = arith.constant 0 : i32
      %dma_wait3A_945 = tpu.memref_slice %arg6[%dma_wait3A_944] : memref<327680xi32, #tpu.memory_space<hbm>> -> memref<32xi32, #tpu.memory_space<hbm>>
      %dma_wait3A_946 = arith.constant 0 : i32
      %dma_wait3A_947 = tpu.memref_slice %arg6[%dma_wait3A_946] : memref<327680xi32, #tpu.memory_space<hbm>> -> memref<32xi32, #tpu.memory_space<hbm>>
      tpu.wait_dma2 semaphore(%arg54 : memref<!tpu.dma_semaphore, #tpu.memory_space<semaphore_mem>>) src(%dma_wait3A_947 : memref<32xi32, #tpu.memory_space<hbm>>) dst(%arg21 : memref<32xi32, #tpu.memory_space<vmem>>)
      %get3A_948 = arith.constant 0 : index
      %get3A_949 = tpu.vector_load %arg13[%get3A_948] {strides = array<i32>} : memref<32xi32, #tpu.memory_space<vmem>>, vector<16xi32>,
      %get3A_950 = arith.constant 0 : index
      %get3A_951 = tpu.vector_load %arg21[%get3A_950] {strides = array<i32>} : memref<32xi32, #tpu.memory_space<vmem>>, vector<16xi32>,
      %min3A_952 = arith.minsi %get3A_951, %broadcast_in_dim3A_335 : vector<16xi32>
      %gather3A_953 = tpu.vector_load_idx %arg8[%get3A_949] : memref<10000xf32, #tpu.memory_space<vmem>>[vector<16xi32>], vector<16xf32>,
      %gather3A_954 = tpu.vector_load_idx %arg9[%min3A_952] : memref<10000xf32, #tpu.memory_space<vmem>>[vector<16xi32>], vector<16xf32>,
      %add3A_955 = arith.addf %gather3A_953, %gather3A_954 : vector<16xf32>
      %mul3A_956 = arith.constant 0.00999999977 : f32
      %mul3A_957 = vector.broadcast %mul3A_956 : f32 to vector<16xf32>
      %mul3A_958 = arith.mulf %add3A_955, %mul3A_957 : vector<16xf32>
      %max3A_959 = arith.maximumf %add3A_955, %mul3A_958 : vector<16xf32>
      %neg3A_960 = arith.constant 0.000000e+00 : f32
      %neg3A_961 = vector.broadcast %neg3A_960 : f32 to vector<16xf32>
      %neg3A_962 = arith.subf %neg3A_961, %max3A_959 : vector<16xf32>
      %exp3A_963 = math.exp %neg3A_962 : vector<16xf32>
      %add3A_964 = arith.constant 1.000000e+00 : f32
      %add3A_965 = vector.broadcast %add3A_964 : f32 to vector<16xf32>
      %add3A_966 = arith.addf %add3A_965, %exp3A_963 : vector<16xf32>
      %div3A_967 = arith.constant 1.000000e+00 : f32
      %div3A_968 = vector.broadcast %div3A_967 : f32 to vector<16xf32>
      %div3A_969 = arith.divf %div3A_968, %add3A_966 : vector<16xf32>
      %swap3A_970 = arith.constant 0 : index
      %swap3A_971 = tpu.vector_load %arg26[%swap3A_970] {strides = array<i32>} : memref<32xf32, #tpu.memory_space<vmem>>, vector<16xf32>,
      tpu.vector_store %arg26[%swap3A_970], %div3A_969 {strides = array<i32>} : memref<32xf32, #tpu.memory_space<vmem>>, vector<16xf32>,
      %get3A_972 = arith.constant 16 : index
      %get3A_973 = tpu.vector_load %arg13[%get3A_972] {strides = array<i32>} : memref<32xi32, #tpu.memory_space<vmem>>, vector<16xi32>,
      %get3A_974 = arith.constant 16 : index
      %get3A_975 = tpu.vector_load %arg21[%get3A_974] {strides = array<i32>} : memref<32xi32, #tpu.memory_space<vmem>>, vector<16xi32>,
      %min3A_976 = arith.minsi %get3A_975, %broadcast_in_dim3A_335 : vector<16xi32>
      %gather3A_977 = tpu.vector_load_idx %arg8[%get3A_973] : memref<10000xf32, #tpu.memory_space<vmem>>[vector<16xi32>], vector<16xf32>,
      %gather3A_978 = tpu.vector_load_idx %arg9[%min3A_976] : memref<10000xf32, #tpu.memory_space<vmem>>[vector<16xi32>], vector<16xf32>,
      %add3A_979 = arith.addf %gather3A_977, %gather3A_978 : vector<16xf32>
      %mul3A_980 = arith.constant 0.00999999977 : f32
      %mul3A_981 = vector.broadcast %mul3A_980 : f32 to vector<16xf32>
      %mul3A_982 = arith.mulf %add3A_979, %mul3A_981 : vector<16xf32>
      %max3A_983 = arith.maximumf %add3A_979, %mul3A_982 : vector<16xf32>
      %neg3A_984 = arith.constant 0.000000e+00 : f32
      %neg3A_985 = vector.broadcast %neg3A_984 : f32 to vector<16xf32>
      %neg3A_986 = arith.subf %neg3A_985, %max3A_983 : vector<16xf32>
      %exp3A_987 = math.exp %neg3A_986 : vector<16xf32>
      %add3A_988 = arith.constant 1.000000e+00 : f32
      %add3A_989 = vector.broadcast %add3A_988 : f32 to vector<16xf32>
      %add3A_990 = arith.addf %add3A_989, %exp3A_987 : vector<16xf32>
      %div3A_991 = arith.constant 1.000000e+00 : f32
      %div3A_992 = vector.broadcast %div3A_991 : f32 to vector<16xf32>
      %div3A_993 = arith.divf %div3A_992, %add3A_990 : vector<16xf32>
      %swap3A_994 = arith.constant 16 : index
      %swap3A_995 = tpu.vector_load %arg26[%swap3A_994] {strides = array<i32>} : memref<32xf32, #tpu.memory_space<vmem>>, vector<16xf32>,
      tpu.vector_store %arg26[%swap3A_994], %div3A_993 {strides = array<i32>} : memref<32xf32, #tpu.memory_space<vmem>>, vector<16xf32>,
      %dma_wait3A_996 = arith.constant 0 : i32
      %dma_wait3A_997 = arith.constant 0 : i32
      %dma_wait3A_998 = tpu.memref_slice %arg2[%dma_wait3A_996, %dma_wait3A_997] : memref<10000x64xi32, #tpu.memory_space<hbm>> -> memref<10000x64xi32, #tpu.memory_space<hbm>>
      tpu.wait_indirect_dma semaphore(%arg38 : memref<!tpu.dma_semaphore, #tpu.memory_space<semaphore_mem>>) src(%dma_wait3A_998 : memref<10000x64xi32, #tpu.memory_space<hbm>>) dst(%arg30 : memref<32x64xi32, #tpu.memory_space<vmem>>)
      %ge3A_999 = arith.constant 4 : i32
      %ge3A_1000 = arith.cmpi sge, %add3A_936, %ge3A_999 : i32
      %convert_element_type3A_1001 = arith.extui %ge3A_1000 : i1 to i32
      %cond3A_1002 = arith.constant 0 : i32
      %cond3A_1003 = arith.cmpi ne, %convert_element_type3A_1001, %cond3A_1002 : i32
      scf.if %cond3A_1003 {
        %dma_wait3A_1374 = arith.constant 0 : i32
        %dma_wait3A_1375 = arith.constant 0 : i32
        %dma_wait3A_1376 = tpu.memref_slice %arg59[%dma_wait3A_1374, %dma_wait3A_1375] : memref<10240x128xf32, #tpu.memory_space<vmem_shared>> -> memref<10240x128xf32, #tpu.memory_space<vmem_shared>>
        tpu.wait_indirect_dma semaphore(%arg42 : memref<!tpu.dma_semaphore, #tpu.memory_space<semaphore_mem>>) src(%arg34 : memref<32x128xf32, #tpu.memory_space<vmem>>) dst(%dma_wait3A_1376 : memref<10240x128xf32, #tpu.memory_space<vmem_shared>>)
      } else {
      }
      %scan3A_1004 = arith.constant 0 : i32
      %scan3A_1005 = arith.constant 0 : i32
      %scan3A_1006 = arith.constant 32 : i32
      %scan3A_1007 = arith.addi %scan3A_1005, %scan3A_1006 : i32
      %scan3A_1008 = arith.constant 1 : i32
      %scan3A_1009 = scf.for %scan3A_1374 = %scan3A_1005 to %scan3A_1007 step %scan3A_1008 iter_args(%scan3A_1375 = %scan3A_1004) -> (i32)  : i32 {
        %broadcast_in_dim3A_1376 = vector.broadcast %scan3A_1374 : i32 to vector<16xi32>
        %gather3A_1377 = tpu.vector_load_idx %arg26[%broadcast_in_dim3A_1376] : memref<32xf32, #tpu.memory_space<vmem>>[vector<16xi32>], vector<16xf32>,
        %broadcast_in_dim3A_1378 = vector.broadcast %scan3A_1374 : i32 to vector<16xi32>
        %get3A_1379 = arith.index_cast %scan3A_1374 : i32 to index
        %get3A_1380 = arith.constant 0 : index
        %get3A_1381 = tpu.vector_load %arg30[%get3A_1379, %get3A_1380] {strides = array<i32>} : memref<32x64xi32, #tpu.memory_space<vmem>>, vector<16xi32>,
        %bitcast3A = vector.bitcast %get3A_1381 : vector<16xi32> to vector<32xbf16>
        %unpack3A = tpu.unpack_subelements %bitcast3A, 0 {pack_format = #tpu.pack_format<interleaved>} : vector<32xbf16> -> vector<16xf32>
        %unpack3A_1382 = tpu.unpack_subelements %bitcast3A, 1 {pack_format = #tpu.pack_format<interleaved>} : vector<32xbf16> -> vector<16xf32>
        %add3A_1383 = arith.constant 0 : i32
        %add3A_1384 = vector.broadcast %add3A_1383 : i32 to vector<16xi32>
        %add3A_1385 = arith.addi %add3A_1384, %mul3A_338 : vector<16xi32>
        %mul3A_1386 = arith.mulf %unpack3A, %gather3A_1377 : vector<16xf32>
        tpu.vector_store_idx %arg34[%broadcast_in_dim3A_1378, %add3A_1385], %mul3A_1386 : memref<32x128xf32, #tpu.memory_space<vmem>>[vector<16xi32>, vector<16xi32>], vector<16xf32>,
        %add3A_1387 = arith.constant 1 : i32
        %add3A_1388 = vector.broadcast %add3A_1387 : i32 to vector<16xi32>
        %add3A_1389 = arith.addi %add3A_1388, %mul3A_338 : vector<16xi32>
        %mul3A_1390 = arith.mulf %unpack3A_1382, %gather3A_1377 : vector<16xf32>
        tpu.vector_store_idx %arg34[%broadcast_in_dim3A_1378, %add3A_1389], %mul3A_1390 : memref<32x128xf32, #tpu.memory_space<vmem>>[vector<16xi32>, vector<16xi32>], vector<16xf32>,
        %get3A_1391 = arith.index_cast %scan3A_1374 : i32 to index
        %get3A_1392 = arith.constant 16 : index
        %get3A_1393 = tpu.vector_load %arg30[%get3A_1391, %get3A_1392] {strides = array<i32>} : memref<32x64xi32, #tpu.memory_space<vmem>>, vector<16xi32>,
        %bitcast3A_1394 = vector.bitcast %get3A_1393 : vector<16xi32> to vector<32xbf16>
        %unpack3A_1395 = tpu.unpack_subelements %bitcast3A_1394, 0 {pack_format = #tpu.pack_format<interleaved>} : vector<32xbf16> -> vector<16xf32>
        %unpack3A_1396 = tpu.unpack_subelements %bitcast3A_1394, 1 {pack_format = #tpu.pack_format<interleaved>} : vector<32xbf16> -> vector<16xf32>
        %add3A_1397 = arith.constant 32 : i32
        %add3A_1398 = vector.broadcast %add3A_1397 : i32 to vector<16xi32>
        %add3A_1399 = arith.addi %add3A_1398, %mul3A_338 : vector<16xi32>
        %mul3A_1400 = arith.mulf %unpack3A_1395, %gather3A_1377 : vector<16xf32>
        tpu.vector_store_idx %arg34[%broadcast_in_dim3A_1378, %add3A_1399], %mul3A_1400 : memref<32x128xf32, #tpu.memory_space<vmem>>[vector<16xi32>, vector<16xi32>], vector<16xf32>,
        %add3A_1401 = arith.constant 33 : i32
        %add3A_1402 = vector.broadcast %add3A_1401 : i32 to vector<16xi32>
        %add3A_1403 = arith.addi %add3A_1402, %mul3A_338 : vector<16xi32>
        %mul3A_1404 = arith.mulf %unpack3A_1396, %gather3A_1377 : vector<16xf32>
        tpu.vector_store_idx %arg34[%broadcast_in_dim3A_1378, %add3A_1403], %mul3A_1404 : memref<32x128xf32, #tpu.memory_space<vmem>>[vector<16xi32>, vector<16xi32>], vector<16xf32>,
        %get3A_1405 = arith.index_cast %scan3A_1374 : i32 to index
        %get3A_1406 = arith.constant 32 : index
        %get3A_1407 = tpu.vector_load %arg30[%get3A_1405, %get3A_1406] {strides = array<i32>} : memref<32x64xi32, #tpu.memory_space<vmem>>, vector<16xi32>,
        %bitcast3A_1408 = vector.bitcast %get3A_1407 : vector<16xi32> to vector<32xbf16>
        %unpack3A_1409 = tpu.unpack_subelements %bitcast3A_1408, 0 {pack_format = #tpu.pack_format<interleaved>} : vector<32xbf16> -> vector<16xf32>
        %unpack3A_1410 = tpu.unpack_subelements %bitcast3A_1408, 1 {pack_format = #tpu.pack_format<interleaved>} : vector<32xbf16> -> vector<16xf32>
        %add3A_1411 = arith.constant 64 : i32
        %add3A_1412 = vector.broadcast %add3A_1411 : i32 to vector<16xi32>
        %add3A_1413 = arith.addi %add3A_1412, %mul3A_338 : vector<16xi32>
        %mul3A_1414 = arith.mulf %unpack3A_1409, %gather3A_1377 : vector<16xf32>
        tpu.vector_store_idx %arg34[%broadcast_in_dim3A_1378, %add3A_1413], %mul3A_1414 : memref<32x128xf32, #tpu.memory_space<vmem>>[vector<16xi32>, vector<16xi32>], vector<16xf32>,
        %add3A_1415 = arith.constant 65 : i32
        %add3A_1416 = vector.broadcast %add3A_1415 : i32 to vector<16xi32>
        %add3A_1417 = arith.addi %add3A_1416, %mul3A_338 : vector<16xi32>
        %mul3A_1418 = arith.mulf %unpack3A_1410, %gather3A_1377 : vector<16xf32>
        tpu.vector_store_idx %arg34[%broadcast_in_dim3A_1378, %add3A_1417], %mul3A_1418 : memref<32x128xf32, #tpu.memory_space<vmem>>[vector<16xi32>, vector<16xi32>], vector<16xf32>,
        %get3A_1419 = arith.index_cast %scan3A_1374 : i32 to index
        %get3A_1420 = arith.constant 48 : index
        %get3A_1421 = tpu.vector_load %arg30[%get3A_1419, %get3A_1420] {strides = array<i32>} : memref<32x64xi32, #tpu.memory_space<vmem>>, vector<16xi32>,
        %bitcast3A_1422 = vector.bitcast %get3A_1421 : vector<16xi32> to vector<32xbf16>
        %unpack3A_1423 = tpu.unpack_subelements %bitcast3A_1422, 0 {pack_format = #tpu.pack_format<interleaved>} : vector<32xbf16> -> vector<16xf32>
        %unpack3A_1424 = tpu.unpack_subelements %bitcast3A_1422, 1 {pack_format = #tpu.pack_format<interleaved>} : vector<32xbf16> -> vector<16xf32>
        %add3A_1425 = arith.constant 96 : i32
        %add3A_1426 = vector.broadcast %add3A_1425 : i32 to vector<16xi32>
        %add3A_1427 = arith.addi %add3A_1426, %mul3A_338 : vector<16xi32>
        %mul3A_1428 = arith.mulf %unpack3A_1423, %gather3A_1377 : vector<16xf32>
        tpu.vector_store_idx %arg34[%broadcast_in_dim3A_1378, %add3A_1427], %mul3A_1428 : memref<32x128xf32, #tpu.memory_space<vmem>>[vector<16xi32>, vector<16xi32>], vector<16xf32>,
        %add3A_1429 = arith.constant 97 : i32
        %add3A_1430 = vector.broadcast %add3A_1429 : i32 to vector<16xi32>
        %add3A_1431 = arith.addi %add3A_1430, %mul3A_338 : vector<16xi32>
        %mul3A_1432 = arith.mulf %unpack3A_1424, %gather3A_1377 : vector<16xf32>
        tpu.vector_store_idx %arg34[%broadcast_in_dim3A_1378, %add3A_1431], %mul3A_1432 : memref<32x128xf32, #tpu.memory_space<vmem>>[vector<16xi32>, vector<16xi32>], vector<16xf32>,
        %scan3A_1433 = arith.constant 0 : i32
        scf.yield %scan3A_1433 : i32
      }
      %scan3A_1010 = arith.constant 32 : i32
      %dma_start3A_1011 = arith.constant 0 : i32
      %dma_start3A_1012 = arith.constant 0 : i32
      %dma_start3A_1013 = tpu.memref_slice %arg59[%dma_start3A_1011, %dma_start3A_1012] : memref<10240x128xf32, #tpu.memory_space<vmem_shared>> -> memref<10240x128xf32, #tpu.memory_space<vmem_shared>>
      tpu.enqueue_indirect_dma source(%arg34 : memref<32x128xf32, #tpu.memory_space<vmem>>) target(%dma_start3A_1013 : memref<10240x128xf32, #tpu.memory_space<vmem_shared>>) offsets(%arg21 : memref<32xi32, #tpu.memory_space<vmem>>) semaphore(%arg42 : memref<!tpu.dma_semaphore, #tpu.memory_space<semaphore_mem>>) {add = true}
      %add3A_1014 = arith.constant 4 : i32
      %add3A_1015 = arith.addi %add3A_936, %add3A_1014 : i32
      %lt3A_1016 = arith.constant 320 : i32
      %lt3A_1017 = arith.cmpi slt, %add3A_1015, %lt3A_1016 : i32
      %convert_element_type3A_1018 = arith.extui %lt3A_1017 : i1 to i32
      %cond3A_1019 = arith.constant 0 : i32
      %cond3A_1020 = arith.cmpi ne, %convert_element_type3A_1018, %cond3A_1019 : i32
      scf.if %cond3A_1020 {
        %add3A_1374 = arith.constant 4 : i32
        %add3A_1375 = arith.addi %add3A_936, %add3A_1374 : i32
        %mul3A_1376 = arith.constant 32 : i32
        %mul3A_1377 = arith.muli %add3A_1375, %mul3A_1376 : i32
        %add3A_1378 = arith.addi %mul3A_2, %mul3A_1377 : i32
        %dma_start3A_1379 = tpu.memref_slice %arg5[%add3A_1378] : memref<327680xi32, #tpu.memory_space<hbm>> -> memref<32xi32, #tpu.memory_space<hbm>>
        %dma_start3A_1380 = tpu.memref_slice %arg5[%add3A_1378] : memref<327680xi32, #tpu.memory_space<hbm>> -> memref<32xi32, #tpu.memory_space<hbm>>
        tpu.enqueue_dma source(%dma_start3A_1380 : memref<32xi32, #tpu.memory_space<hbm>>) target(%arg17 : memref<32xi32, #tpu.memory_space<vmem>>) target_semaphore(%arg50 : memref<!tpu.dma_semaphore, #tpu.memory_space<semaphore_mem>>)
        %dma_start3A_1381 = tpu.memref_slice %arg6[%add3A_1378] : memref<327680xi32, #tpu.memory_space<hbm>> -> memref<32xi32, #tpu.memory_space<hbm>>
        %dma_start3A_1382 = tpu.memref_slice %arg6[%add3A_1378] : memref<327680xi32, #tpu.memory_space<hbm>> -> memref<32xi32, #tpu.memory_space<hbm>>
        tpu.enqueue_dma source(%dma_start3A_1382 : memref<32xi32, #tpu.memory_space<hbm>>) target(%arg25 : memref<32xi32, #tpu.memory_space<vmem>>) target_semaphore(%arg58 : memref<!tpu.dma_semaphore, #tpu.memory_space<semaphore_mem>>)
      } else {
      }
      %mul3A_1021 = arith.constant 8 : i32
      %mul3A_1022 = arith.muli %scan3A_679, %mul3A_1021 : i32
      %add3A_1023 = arith.constant 4 : i32
      %add3A_1024 = arith.addi %mul3A_1022, %add3A_1023 : i32
      %add3A_1025 = arith.constant 2 : i32
      %add3A_1026 = arith.addi %add3A_1024, %add3A_1025 : i32
      %lt3A_1027 = arith.constant 320 : i32
      %lt3A_1028 = arith.cmpi slt, %add3A_1026, %lt3A_1027 : i32
      %convert_element_type3A_1029 = arith.extui %lt3A_1028 : i1 to i32
      %cond3A_1030 = arith.constant 0 : i32
      %cond3A_1031 = arith.cmpi ne, %convert_element_type3A_1029, %cond3A_1030 : i32
      scf.if %cond3A_1031 {
        %dma_wait3A_1374 = arith.constant 0 : i32
        %dma_wait3A_1375 = tpu.memref_slice %arg5[%dma_wait3A_1374] : memref<327680xi32, #tpu.memory_space<hbm>> -> memref<32xi32, #tpu.memory_space<hbm>>
        %dma_wait3A_1376 = arith.constant 0 : i32
        %dma_wait3A_1377 = tpu.memref_slice %arg5[%dma_wait3A_1376] : memref<327680xi32, #tpu.memory_space<hbm>> -> memref<32xi32, #tpu.memory_space<hbm>>
        tpu.wait_dma2 semaphore(%arg49 : memref<!tpu.dma_semaphore, #tpu.memory_space<semaphore_mem>>) src(%dma_wait3A_1377 : memref<32xi32, #tpu.memory_space<hbm>>) dst(%arg16 : memref<32xi32, #tpu.memory_space<vmem>>)
        %dma_start3A_1378 = arith.constant 0 : i32
        %dma_start3A_1379 = arith.constant 0 : i32
        %dma_start3A_1380 = tpu.memref_slice %arg2[%dma_start3A_1378, %dma_start3A_1379] : memref<10000x64xi32, #tpu.memory_space<hbm>> -> memref<10000x64xi32, #tpu.memory_space<hbm>>
        tpu.enqueue_indirect_dma source(%dma_start3A_1380 : memref<10000x64xi32, #tpu.memory_space<hbm>>) target(%arg29 : memref<32x64xi32, #tpu.memory_space<vmem>>) offsets(%arg16 : memref<32xi32, #tpu.memory_space<vmem>>) semaphore(%arg37 : memref<!tpu.dma_semaphore, #tpu.memory_space<semaphore_mem>>)
      } else {
      }
      %dma_wait3A_1032 = arith.constant 0 : i32
      %dma_wait3A_1033 = tpu.memref_slice %arg6[%dma_wait3A_1032] : memref<327680xi32, #tpu.memory_space<hbm>> -> memref<32xi32, #tpu.memory_space<hbm>>
      %dma_wait3A_1034 = arith.constant 0 : i32
      %dma_wait3A_1035 = tpu.memref_slice %arg6[%dma_wait3A_1034] : memref<327680xi32, #tpu.memory_space<hbm>> -> memref<32xi32, #tpu.memory_space<hbm>>
      tpu.wait_dma2 semaphore(%arg55 : memref<!tpu.dma_semaphore, #tpu.memory_space<semaphore_mem>>) src(%dma_wait3A_1035 : memref<32xi32, #tpu.memory_space<hbm>>) dst(%arg22 : memref<32xi32, #tpu.memory_space<vmem>>)
      %get3A_1036 = arith.constant 0 : index
      %get3A_1037 = tpu.vector_load %arg14[%get3A_1036] {strides = array<i32>} : memref<32xi32, #tpu.memory_space<vmem>>, vector<16xi32>,
      %get3A_1038 = arith.constant 0 : index
      %get3A_1039 = tpu.vector_load %arg22[%get3A_1038] {strides = array<i32>} : memref<32xi32, #tpu.memory_space<vmem>>, vector<16xi32>,
      %min3A_1040 = arith.minsi %get3A_1039, %broadcast_in_dim3A_335 : vector<16xi32>
      %gather3A_1041 = tpu.vector_load_idx %arg8[%get3A_1037] : memref<10000xf32, #tpu.memory_space<vmem>>[vector<16xi32>], vector<16xf32>,
      %gather3A_1042 = tpu.vector_load_idx %arg9[%min3A_1040] : memref<10000xf32, #tpu.memory_space<vmem>>[vector<16xi32>], vector<16xf32>,
      %add3A_1043 = arith.addf %gather3A_1041, %gather3A_1042 : vector<16xf32>
      %mul3A_1044 = arith.constant 0.00999999977 : f32
      %mul3A_1045 = vector.broadcast %mul3A_1044 : f32 to vector<16xf32>
      %mul3A_1046 = arith.mulf %add3A_1043, %mul3A_1045 : vector<16xf32>
      %max3A_1047 = arith.maximumf %add3A_1043, %mul3A_1046 : vector<16xf32>
      %neg3A_1048 = arith.constant 0.000000e+00 : f32
      %neg3A_1049 = vector.broadcast %neg3A_1048 : f32 to vector<16xf32>
      %neg3A_1050 = arith.subf %neg3A_1049, %max3A_1047 : vector<16xf32>
      %exp3A_1051 = math.exp %neg3A_1050 : vector<16xf32>
      %add3A_1052 = arith.constant 1.000000e+00 : f32
      %add3A_1053 = vector.broadcast %add3A_1052 : f32 to vector<16xf32>
      %add3A_1054 = arith.addf %add3A_1053, %exp3A_1051 : vector<16xf32>
      %div3A_1055 = arith.constant 1.000000e+00 : f32
      %div3A_1056 = vector.broadcast %div3A_1055 : f32 to vector<16xf32>
      %div3A_1057 = arith.divf %div3A_1056, %add3A_1054 : vector<16xf32>
      %swap3A_1058 = arith.constant 0 : index
      %swap3A_1059 = tpu.vector_load %arg26[%swap3A_1058] {strides = array<i32>} : memref<32xf32, #tpu.memory_space<vmem>>, vector<16xf32>,
      tpu.vector_store %arg26[%swap3A_1058], %div3A_1057 {strides = array<i32>} : memref<32xf32, #tpu.memory_space<vmem>>, vector<16xf32>,
      %get3A_1060 = arith.constant 16 : index
      %get3A_1061 = tpu.vector_load %arg14[%get3A_1060] {strides = array<i32>} : memref<32xi32, #tpu.memory_space<vmem>>, vector<16xi32>,
      %get3A_1062 = arith.constant 16 : index
      %get3A_1063 = tpu.vector_load %arg22[%get3A_1062] {strides = array<i32>} : memref<32xi32, #tpu.memory_space<vmem>>, vector<16xi32>,
      %min3A_1064 = arith.minsi %get3A_1063, %broadcast_in_dim3A_335 : vector<16xi32>
      %gather3A_1065 = tpu.vector_load_idx %arg8[%get3A_1061] : memref<10000xf32, #tpu.memory_space<vmem>>[vector<16xi32>], vector<16xf32>,
      %gather3A_1066 = tpu.vector_load_idx %arg9[%min3A_1064] : memref<10000xf32, #tpu.memory_space<vmem>>[vector<16xi32>], vector<16xf32>,
      %add3A_1067 = arith.addf %gather3A_1065, %gather3A_1066 : vector<16xf32>
      %mul3A_1068 = arith.constant 0.00999999977 : f32
      %mul3A_1069 = vector.broadcast %mul3A_1068 : f32 to vector<16xf32>
      %mul3A_1070 = arith.mulf %add3A_1067, %mul3A_1069 : vector<16xf32>
      %max3A_1071 = arith.maximumf %add3A_1067, %mul3A_1070 : vector<16xf32>
      %neg3A_1072 = arith.constant 0.000000e+00 : f32
      %neg3A_1073 = vector.broadcast %neg3A_1072 : f32 to vector<16xf32>
      %neg3A_1074 = arith.subf %neg3A_1073, %max3A_1071 : vector<16xf32>
      %exp3A_1075 = math.exp %neg3A_1074 : vector<16xf32>
      %add3A_1076 = arith.constant 1.000000e+00 : f32
      %add3A_1077 = vector.broadcast %add3A_1076 : f32 to vector<16xf32>
      %add3A_1078 = arith.addf %add3A_1077, %exp3A_1075 : vector<16xf32>
      %div3A_1079 = arith.constant 1.000000e+00 : f32
      %div3A_1080 = vector.broadcast %div3A_1079 : f32 to vector<16xf32>
      %div3A_1081 = arith.divf %div3A_1080, %add3A_1078 : vector<16xf32>
      %swap3A_1082 = arith.constant 16 : index
      %swap3A_1083 = tpu.vector_load %arg26[%swap3A_1082] {strides = array<i32>} : memref<32xf32, #tpu.memory_space<vmem>>, vector<16xf32>,
      tpu.vector_store %arg26[%swap3A_1082], %div3A_1081 {strides = array<i32>} : memref<32xf32, #tpu.memory_space<vmem>>, vector<16xf32>,
      %dma_wait3A_1084 = arith.constant 0 : i32
      %dma_wait3A_1085 = arith.constant 0 : i32
      %dma_wait3A_1086 = tpu.memref_slice %arg2[%dma_wait3A_1084, %dma_wait3A_1085] : memref<10000x64xi32, #tpu.memory_space<hbm>> -> memref<10000x64xi32, #tpu.memory_space<hbm>>
      tpu.wait_indirect_dma semaphore(%arg35 : memref<!tpu.dma_semaphore, #tpu.memory_space<semaphore_mem>>) src(%dma_wait3A_1086 : memref<10000x64xi32, #tpu.memory_space<hbm>>) dst(%arg27 : memref<32x64xi32, #tpu.memory_space<vmem>>)
      %ge3A_1087 = arith.constant 4 : i32
      %ge3A_1088 = arith.cmpi sge, %add3A_1024, %ge3A_1087 : i32
      %convert_element_type3A_1089 = arith.extui %ge3A_1088 : i1 to i32
      %cond3A_1090 = arith.constant 0 : i32
      %cond3A_1091 = arith.cmpi ne, %convert_element_type3A_1089, %cond3A_1090 : i32
      scf.if %cond3A_1091 {
        %dma_wait3A_1374 = arith.constant 0 : i32
        %dma_wait3A_1375 = arith.constant 0 : i32
        %dma_wait3A_1376 = tpu.memref_slice %arg59[%dma_wait3A_1374, %dma_wait3A_1375] : memref<10240x128xf32, #tpu.memory_space<vmem_shared>> -> memref<10240x128xf32, #tpu.memory_space<vmem_shared>>
        tpu.wait_indirect_dma semaphore(%arg39 : memref<!tpu.dma_semaphore, #tpu.memory_space<semaphore_mem>>) src(%arg31 : memref<32x128xf32, #tpu.memory_space<vmem>>) dst(%dma_wait3A_1376 : memref<10240x128xf32, #tpu.memory_space<vmem_shared>>)
      } else {
      }
      %scan3A_1092 = arith.constant 0 : i32
      %scan3A_1093 = arith.constant 0 : i32
      %scan3A_1094 = arith.constant 32 : i32
      %scan3A_1095 = arith.addi %scan3A_1093, %scan3A_1094 : i32
      %scan3A_1096 = arith.constant 1 : i32
      %scan3A_1097 = scf.for %scan3A_1374 = %scan3A_1093 to %scan3A_1095 step %scan3A_1096 iter_args(%scan3A_1375 = %scan3A_1092) -> (i32)  : i32 {
        %broadcast_in_dim3A_1376 = vector.broadcast %scan3A_1374 : i32 to vector<16xi32>
        %gather3A_1377 = tpu.vector_load_idx %arg26[%broadcast_in_dim3A_1376] : memref<32xf32, #tpu.memory_space<vmem>>[vector<16xi32>], vector<16xf32>,
        %broadcast_in_dim3A_1378 = vector.broadcast %scan3A_1374 : i32 to vector<16xi32>
        %get3A_1379 = arith.index_cast %scan3A_1374 : i32 to index
        %get3A_1380 = arith.constant 0 : index
        %get3A_1381 = tpu.vector_load %arg27[%get3A_1379, %get3A_1380] {strides = array<i32>} : memref<32x64xi32, #tpu.memory_space<vmem>>, vector<16xi32>,
        %bitcast3A = vector.bitcast %get3A_1381 : vector<16xi32> to vector<32xbf16>
        %unpack3A = tpu.unpack_subelements %bitcast3A, 0 {pack_format = #tpu.pack_format<interleaved>} : vector<32xbf16> -> vector<16xf32>
        %unpack3A_1382 = tpu.unpack_subelements %bitcast3A, 1 {pack_format = #tpu.pack_format<interleaved>} : vector<32xbf16> -> vector<16xf32>
        %add3A_1383 = arith.constant 0 : i32
        %add3A_1384 = vector.broadcast %add3A_1383 : i32 to vector<16xi32>
        %add3A_1385 = arith.addi %add3A_1384, %mul3A_338 : vector<16xi32>
        %mul3A_1386 = arith.mulf %unpack3A, %gather3A_1377 : vector<16xf32>
        tpu.vector_store_idx %arg31[%broadcast_in_dim3A_1378, %add3A_1385], %mul3A_1386 : memref<32x128xf32, #tpu.memory_space<vmem>>[vector<16xi32>, vector<16xi32>], vector<16xf32>,
        %add3A_1387 = arith.constant 1 : i32
        %add3A_1388 = vector.broadcast %add3A_1387 : i32 to vector<16xi32>
        %add3A_1389 = arith.addi %add3A_1388, %mul3A_338 : vector<16xi32>
        %mul3A_1390 = arith.mulf %unpack3A_1382, %gather3A_1377 : vector<16xf32>
        tpu.vector_store_idx %arg31[%broadcast_in_dim3A_1378, %add3A_1389], %mul3A_1390 : memref<32x128xf32, #tpu.memory_space<vmem>>[vector<16xi32>, vector<16xi32>], vector<16xf32>,
        %get3A_1391 = arith.index_cast %scan3A_1374 : i32 to index
        %get3A_1392 = arith.constant 16 : index
        %get3A_1393 = tpu.vector_load %arg27[%get3A_1391, %get3A_1392] {strides = array<i32>} : memref<32x64xi32, #tpu.memory_space<vmem>>, vector<16xi32>,
        %bitcast3A_1394 = vector.bitcast %get3A_1393 : vector<16xi32> to vector<32xbf16>
        %unpack3A_1395 = tpu.unpack_subelements %bitcast3A_1394, 0 {pack_format = #tpu.pack_format<interleaved>} : vector<32xbf16> -> vector<16xf32>
        %unpack3A_1396 = tpu.unpack_subelements %bitcast3A_1394, 1 {pack_format = #tpu.pack_format<interleaved>} : vector<32xbf16> -> vector<16xf32>
        %add3A_1397 = arith.constant 32 : i32
        %add3A_1398 = vector.broadcast %add3A_1397 : i32 to vector<16xi32>
        %add3A_1399 = arith.addi %add3A_1398, %mul3A_338 : vector<16xi32>
        %mul3A_1400 = arith.mulf %unpack3A_1395, %gather3A_1377 : vector<16xf32>
        tpu.vector_store_idx %arg31[%broadcast_in_dim3A_1378, %add3A_1399], %mul3A_1400 : memref<32x128xf32, #tpu.memory_space<vmem>>[vector<16xi32>, vector<16xi32>], vector<16xf32>,
        %add3A_1401 = arith.constant 33 : i32
        %add3A_1402 = vector.broadcast %add3A_1401 : i32 to vector<16xi32>
        %add3A_1403 = arith.addi %add3A_1402, %mul3A_338 : vector<16xi32>
        %mul3A_1404 = arith.mulf %unpack3A_1396, %gather3A_1377 : vector<16xf32>
        tpu.vector_store_idx %arg31[%broadcast_in_dim3A_1378, %add3A_1403], %mul3A_1404 : memref<32x128xf32, #tpu.memory_space<vmem>>[vector<16xi32>, vector<16xi32>], vector<16xf32>,
        %get3A_1405 = arith.index_cast %scan3A_1374 : i32 to index
        %get3A_1406 = arith.constant 32 : index
        %get3A_1407 = tpu.vector_load %arg27[%get3A_1405, %get3A_1406] {strides = array<i32>} : memref<32x64xi32, #tpu.memory_space<vmem>>, vector<16xi32>,
        %bitcast3A_1408 = vector.bitcast %get3A_1407 : vector<16xi32> to vector<32xbf16>
        %unpack3A_1409 = tpu.unpack_subelements %bitcast3A_1408, 0 {pack_format = #tpu.pack_format<interleaved>} : vector<32xbf16> -> vector<16xf32>
        %unpack3A_1410 = tpu.unpack_subelements %bitcast3A_1408, 1 {pack_format = #tpu.pack_format<interleaved>} : vector<32xbf16> -> vector<16xf32>
        %add3A_1411 = arith.constant 64 : i32
        %add3A_1412 = vector.broadcast %add3A_1411 : i32 to vector<16xi32>
        %add3A_1413 = arith.addi %add3A_1412, %mul3A_338 : vector<16xi32>
        %mul3A_1414 = arith.mulf %unpack3A_1409, %gather3A_1377 : vector<16xf32>
        tpu.vector_store_idx %arg31[%broadcast_in_dim3A_1378, %add3A_1413], %mul3A_1414 : memref<32x128xf32, #tpu.memory_space<vmem>>[vector<16xi32>, vector<16xi32>], vector<16xf32>,
        %add3A_1415 = arith.constant 65 : i32
        %add3A_1416 = vector.broadcast %add3A_1415 : i32 to vector<16xi32>
        %add3A_1417 = arith.addi %add3A_1416, %mul3A_338 : vector<16xi32>
        %mul3A_1418 = arith.mulf %unpack3A_1410, %gather3A_1377 : vector<16xf32>
        tpu.vector_store_idx %arg31[%broadcast_in_dim3A_1378, %add3A_1417], %mul3A_1418 : memref<32x128xf32, #tpu.memory_space<vmem>>[vector<16xi32>, vector<16xi32>], vector<16xf32>,
        %get3A_1419 = arith.index_cast %scan3A_1374 : i32 to index
        %get3A_1420 = arith.constant 48 : index
        %get3A_1421 = tpu.vector_load %arg27[%get3A_1419, %get3A_1420] {strides = array<i32>} : memref<32x64xi32, #tpu.memory_space<vmem>>, vector<16xi32>,
        %bitcast3A_1422 = vector.bitcast %get3A_1421 : vector<16xi32> to vector<32xbf16>
        %unpack3A_1423 = tpu.unpack_subelements %bitcast3A_1422, 0 {pack_format = #tpu.pack_format<interleaved>} : vector<32xbf16> -> vector<16xf32>
        %unpack3A_1424 = tpu.unpack_subelements %bitcast3A_1422, 1 {pack_format = #tpu.pack_format<interleaved>} : vector<32xbf16> -> vector<16xf32>
        %add3A_1425 = arith.constant 96 : i32
        %add3A_1426 = vector.broadcast %add3A_1425 : i32 to vector<16xi32>
        %add3A_1427 = arith.addi %add3A_1426, %mul3A_338 : vector<16xi32>
        %mul3A_1428 = arith.mulf %unpack3A_1423, %gather3A_1377 : vector<16xf32>
        tpu.vector_store_idx %arg31[%broadcast_in_dim3A_1378, %add3A_1427], %mul3A_1428 : memref<32x128xf32, #tpu.memory_space<vmem>>[vector<16xi32>, vector<16xi32>], vector<16xf32>,
        %add3A_1429 = arith.constant 97 : i32
        %add3A_1430 = vector.broadcast %add3A_1429 : i32 to vector<16xi32>
        %add3A_1431 = arith.addi %add3A_1430, %mul3A_338 : vector<16xi32>
        %mul3A_1432 = arith.mulf %unpack3A_1424, %gather3A_1377 : vector<16xf32>
        tpu.vector_store_idx %arg31[%broadcast_in_dim3A_1378, %add3A_1431], %mul3A_1432 : memref<32x128xf32, #tpu.memory_space<vmem>>[vector<16xi32>, vector<16xi32>], vector<16xf32>,
        %scan3A_1433 = arith.constant 0 : i32
        scf.yield %scan3A_1433 : i32
      }
      %scan3A_1098 = arith.constant 32 : i32
      %dma_start3A_1099 = arith.constant 0 : i32
      %dma_start3A_1100 = arith.constant 0 : i32
      %dma_start3A_1101 = tpu.memref_slice %arg59[%dma_start3A_1099, %dma_start3A_1100] : memref<10240x128xf32, #tpu.memory_space<vmem_shared>> -> memref<10240x128xf32, #tpu.memory_space<vmem_shared>>
      tpu.enqueue_indirect_dma source(%arg31 : memref<32x128xf32, #tpu.memory_space<vmem>>) target(%dma_start3A_1101 : memref<10240x128xf32, #tpu.memory_space<vmem_shared>>) offsets(%arg22 : memref<32xi32, #tpu.memory_space<vmem>>) semaphore(%arg39 : memref<!tpu.dma_semaphore, #tpu.memory_space<semaphore_mem>>) {add = true}
      %add3A_1102 = arith.constant 4 : i32
      %add3A_1103 = arith.addi %add3A_1024, %add3A_1102 : i32
      %lt3A_1104 = arith.constant 320 : i32
      %lt3A_1105 = arith.cmpi slt, %add3A_1103, %lt3A_1104 : i32
      %convert_element_type3A_1106 = arith.extui %lt3A_1105 : i1 to i32
      %cond3A_1107 = arith.constant 0 : i32
      %cond3A_1108 = arith.cmpi ne, %convert_element_type3A_1106, %cond3A_1107 : i32
      scf.if %cond3A_1108 {
        %add3A_1374 = arith.constant 4 : i32
        %add3A_1375 = arith.addi %add3A_1024, %add3A_1374 : i32
        %mul3A_1376 = arith.constant 32 : i32
        %mul3A_1377 = arith.muli %add3A_1375, %mul3A_1376 : i32
        %add3A_1378 = arith.addi %mul3A_2, %mul3A_1377 : i32
        %dma_start3A_1379 = tpu.memref_slice %arg5[%add3A_1378] : memref<327680xi32, #tpu.memory_space<hbm>> -> memref<32xi32, #tpu.memory_space<hbm>>
        %dma_start3A_1380 = tpu.memref_slice %arg5[%add3A_1378] : memref<327680xi32, #tpu.memory_space<hbm>> -> memref<32xi32, #tpu.memory_space<hbm>>
        tpu.enqueue_dma source(%dma_start3A_1380 : memref<32xi32, #tpu.memory_space<hbm>>) target(%arg10 : memref<32xi32, #tpu.memory_space<vmem>>) target_semaphore(%arg43 : memref<!tpu.dma_semaphore, #tpu.memory_space<semaphore_mem>>)
        %dma_start3A_1381 = tpu.memref_slice %arg6[%add3A_1378] : memref<327680xi32, #tpu.memory_space<hbm>> -> memref<32xi32, #tpu.memory_space<hbm>>
        %dma_start3A_1382 = tpu.memref_slice %arg6[%add3A_1378] : memref<327680xi32, #tpu.memory_space<hbm>> -> memref<32xi32, #tpu.memory_space<hbm>>
        tpu.enqueue_dma source(%dma_start3A_1382 : memref<32xi32, #tpu.memory_space<hbm>>) target(%arg18 : memref<32xi32, #tpu.memory_space<vmem>>) target_semaphore(%arg51 : memref<!tpu.dma_semaphore, #tpu.memory_space<semaphore_mem>>)
      } else {
      }
      %mul3A_1109 = arith.constant 8 : i32
      %mul3A_1110 = arith.muli %scan3A_679, %mul3A_1109 : i32
      %add3A_1111 = arith.constant 5 : i32
      %add3A_1112 = arith.addi %mul3A_1110, %add3A_1111 : i32
      %add3A_1113 = arith.constant 2 : i32
      %add3A_1114 = arith.addi %add3A_1112, %add3A_1113 : i32
      %lt3A_1115 = arith.constant 320 : i32
      %lt3A_1116 = arith.cmpi slt, %add3A_1114, %lt3A_1115 : i32
      %convert_element_type3A_1117 = arith.extui %lt3A_1116 : i1 to i32
      %cond3A_1118 = arith.constant 0 : i32
      %cond3A_1119 = arith.cmpi ne, %convert_element_type3A_1117, %cond3A_1118 : i32
      scf.if %cond3A_1119 {
        %dma_wait3A_1374 = arith.constant 0 : i32
        %dma_wait3A_1375 = tpu.memref_slice %arg5[%dma_wait3A_1374] : memref<327680xi32, #tpu.memory_space<hbm>> -> memref<32xi32, #tpu.memory_space<hbm>>
        %dma_wait3A_1376 = arith.constant 0 : i32
        %dma_wait3A_1377 = tpu.memref_slice %arg5[%dma_wait3A_1376] : memref<327680xi32, #tpu.memory_space<hbm>> -> memref<32xi32, #tpu.memory_space<hbm>>
        tpu.wait_dma2 semaphore(%arg50 : memref<!tpu.dma_semaphore, #tpu.memory_space<semaphore_mem>>) src(%dma_wait3A_1377 : memref<32xi32, #tpu.memory_space<hbm>>) dst(%arg17 : memref<32xi32, #tpu.memory_space<vmem>>)
        %dma_start3A_1378 = arith.constant 0 : i32
        %dma_start3A_1379 = arith.constant 0 : i32
        %dma_start3A_1380 = tpu.memref_slice %arg2[%dma_start3A_1378, %dma_start3A_1379] : memref<10000x64xi32, #tpu.memory_space<hbm>> -> memref<10000x64xi32, #tpu.memory_space<hbm>>
        tpu.enqueue_indirect_dma source(%dma_start3A_1380 : memref<10000x64xi32, #tpu.memory_space<hbm>>) target(%arg30 : memref<32x64xi32, #tpu.memory_space<vmem>>) offsets(%arg17 : memref<32xi32, #tpu.memory_space<vmem>>) semaphore(%arg38 : memref<!tpu.dma_semaphore, #tpu.memory_space<semaphore_mem>>)
      } else {
      }
      %dma_wait3A_1120 = arith.constant 0 : i32
      %dma_wait3A_1121 = tpu.memref_slice %arg6[%dma_wait3A_1120] : memref<327680xi32, #tpu.memory_space<hbm>> -> memref<32xi32, #tpu.memory_space<hbm>>
      %dma_wait3A_1122 = arith.constant 0 : i32
      %dma_wait3A_1123 = tpu.memref_slice %arg6[%dma_wait3A_1122] : memref<327680xi32, #tpu.memory_space<hbm>> -> memref<32xi32, #tpu.memory_space<hbm>>
      tpu.wait_dma2 semaphore(%arg56 : memref<!tpu.dma_semaphore, #tpu.memory_space<semaphore_mem>>) src(%dma_wait3A_1123 : memref<32xi32, #tpu.memory_space<hbm>>) dst(%arg23 : memref<32xi32, #tpu.memory_space<vmem>>)
      %get3A_1124 = arith.constant 0 : index
      %get3A_1125 = tpu.vector_load %arg15[%get3A_1124] {strides = array<i32>} : memref<32xi32, #tpu.memory_space<vmem>>, vector<16xi32>,
      %get3A_1126 = arith.constant 0 : index
      %get3A_1127 = tpu.vector_load %arg23[%get3A_1126] {strides = array<i32>} : memref<32xi32, #tpu.memory_space<vmem>>, vector<16xi32>,
      %min3A_1128 = arith.minsi %get3A_1127, %broadcast_in_dim3A_335 : vector<16xi32>
      %gather3A_1129 = tpu.vector_load_idx %arg8[%get3A_1125] : memref<10000xf32, #tpu.memory_space<vmem>>[vector<16xi32>], vector<16xf32>,
      %gather3A_1130 = tpu.vector_load_idx %arg9[%min3A_1128] : memref<10000xf32, #tpu.memory_space<vmem>>[vector<16xi32>], vector<16xf32>,
      %add3A_1131 = arith.addf %gather3A_1129, %gather3A_1130 : vector<16xf32>
      %mul3A_1132 = arith.constant 0.00999999977 : f32
      %mul3A_1133 = vector.broadcast %mul3A_1132 : f32 to vector<16xf32>
      %mul3A_1134 = arith.mulf %add3A_1131, %mul3A_1133 : vector<16xf32>
      %max3A_1135 = arith.maximumf %add3A_1131, %mul3A_1134 : vector<16xf32>
      %neg3A_1136 = arith.constant 0.000000e+00 : f32
      %neg3A_1137 = vector.broadcast %neg3A_1136 : f32 to vector<16xf32>
      %neg3A_1138 = arith.subf %neg3A_1137, %max3A_1135 : vector<16xf32>
      %exp3A_1139 = math.exp %neg3A_1138 : vector<16xf32>
      %add3A_1140 = arith.constant 1.000000e+00 : f32
      %add3A_1141 = vector.broadcast %add3A_1140 : f32 to vector<16xf32>
      %add3A_1142 = arith.addf %add3A_1141, %exp3A_1139 : vector<16xf32>
      %div3A_1143 = arith.constant 1.000000e+00 : f32
      %div3A_1144 = vector.broadcast %div3A_1143 : f32 to vector<16xf32>
      %div3A_1145 = arith.divf %div3A_1144, %add3A_1142 : vector<16xf32>
      %swap3A_1146 = arith.constant 0 : index
      %swap3A_1147 = tpu.vector_load %arg26[%swap3A_1146] {strides = array<i32>} : memref<32xf32, #tpu.memory_space<vmem>>, vector<16xf32>,
      tpu.vector_store %arg26[%swap3A_1146], %div3A_1145 {strides = array<i32>} : memref<32xf32, #tpu.memory_space<vmem>>, vector<16xf32>,
      %get3A_1148 = arith.constant 16 : index
      %get3A_1149 = tpu.vector_load %arg15[%get3A_1148] {strides = array<i32>} : memref<32xi32, #tpu.memory_space<vmem>>, vector<16xi32>,
      %get3A_1150 = arith.constant 16 : index
      %get3A_1151 = tpu.vector_load %arg23[%get3A_1150] {strides = array<i32>} : memref<32xi32, #tpu.memory_space<vmem>>, vector<16xi32>,
      %min3A_1152 = arith.minsi %get3A_1151, %broadcast_in_dim3A_335 : vector<16xi32>
      %gather3A_1153 = tpu.vector_load_idx %arg8[%get3A_1149] : memref<10000xf32, #tpu.memory_space<vmem>>[vector<16xi32>], vector<16xf32>,
      %gather3A_1154 = tpu.vector_load_idx %arg9[%min3A_1152] : memref<10000xf32, #tpu.memory_space<vmem>>[vector<16xi32>], vector<16xf32>,
      %add3A_1155 = arith.addf %gather3A_1153, %gather3A_1154 : vector<16xf32>
      %mul3A_1156 = arith.constant 0.00999999977 : f32
      %mul3A_1157 = vector.broadcast %mul3A_1156 : f32 to vector<16xf32>
      %mul3A_1158 = arith.mulf %add3A_1155, %mul3A_1157 : vector<16xf32>
      %max3A_1159 = arith.maximumf %add3A_1155, %mul3A_1158 : vector<16xf32>
      %neg3A_1160 = arith.constant 0.000000e+00 : f32
      %neg3A_1161 = vector.broadcast %neg3A_1160 : f32 to vector<16xf32>
      %neg3A_1162 = arith.subf %neg3A_1161, %max3A_1159 : vector<16xf32>
      %exp3A_1163 = math.exp %neg3A_1162 : vector<16xf32>
      %add3A_1164 = arith.constant 1.000000e+00 : f32
      %add3A_1165 = vector.broadcast %add3A_1164 : f32 to vector<16xf32>
      %add3A_1166 = arith.addf %add3A_1165, %exp3A_1163 : vector<16xf32>
      %div3A_1167 = arith.constant 1.000000e+00 : f32
      %div3A_1168 = vector.broadcast %div3A_1167 : f32 to vector<16xf32>
      %div3A_1169 = arith.divf %div3A_1168, %add3A_1166 : vector<16xf32>
      %swap3A_1170 = arith.constant 16 : index
      %swap3A_1171 = tpu.vector_load %arg26[%swap3A_1170] {strides = array<i32>} : memref<32xf32, #tpu.memory_space<vmem>>, vector<16xf32>,
      tpu.vector_store %arg26[%swap3A_1170], %div3A_1169 {strides = array<i32>} : memref<32xf32, #tpu.memory_space<vmem>>, vector<16xf32>,
      %dma_wait3A_1172 = arith.constant 0 : i32
      %dma_wait3A_1173 = arith.constant 0 : i32
      %dma_wait3A_1174 = tpu.memref_slice %arg2[%dma_wait3A_1172, %dma_wait3A_1173] : memref<10000x64xi32, #tpu.memory_space<hbm>> -> memref<10000x64xi32, #tpu.memory_space<hbm>>
      tpu.wait_indirect_dma semaphore(%arg36 : memref<!tpu.dma_semaphore, #tpu.memory_space<semaphore_mem>>) src(%dma_wait3A_1174 : memref<10000x64xi32, #tpu.memory_space<hbm>>) dst(%arg28 : memref<32x64xi32, #tpu.memory_space<vmem>>)
      %ge3A_1175 = arith.constant 4 : i32
      %ge3A_1176 = arith.cmpi sge, %add3A_1112, %ge3A_1175 : i32
      %convert_element_type3A_1177 = arith.extui %ge3A_1176 : i1 to i32
      %cond3A_1178 = arith.constant 0 : i32
      %cond3A_1179 = arith.cmpi ne, %convert_element_type3A_1177, %cond3A_1178 : i32
      scf.if %cond3A_1179 {
        %dma_wait3A_1374 = arith.constant 0 : i32
        %dma_wait3A_1375 = arith.constant 0 : i32
        %dma_wait3A_1376 = tpu.memref_slice %arg59[%dma_wait3A_1374, %dma_wait3A_1375] : memref<10240x128xf32, #tpu.memory_space<vmem_shared>> -> memref<10240x128xf32, #tpu.memory_space<vmem_shared>>
        tpu.wait_indirect_dma semaphore(%arg40 : memref<!tpu.dma_semaphore, #tpu.memory_space<semaphore_mem>>) src(%arg32 : memref<32x128xf32, #tpu.memory_space<vmem>>) dst(%dma_wait3A_1376 : memref<10240x128xf32, #tpu.memory_space<vmem_shared>>)
      } else {
      }
      %scan3A_1180 = arith.constant 0 : i32
      %scan3A_1181 = arith.constant 0 : i32
      %scan3A_1182 = arith.constant 32 : i32
      %scan3A_1183 = arith.addi %scan3A_1181, %scan3A_1182 : i32
      %scan3A_1184 = arith.constant 1 : i32
      %scan3A_1185 = scf.for %scan3A_1374 = %scan3A_1181 to %scan3A_1183 step %scan3A_1184 iter_args(%scan3A_1375 = %scan3A_1180) -> (i32)  : i32 {
        %broadcast_in_dim3A_1376 = vector.broadcast %scan3A_1374 : i32 to vector<16xi32>
        %gather3A_1377 = tpu.vector_load_idx %arg26[%broadcast_in_dim3A_1376] : memref<32xf32, #tpu.memory_space<vmem>>[vector<16xi32>], vector<16xf32>,
        %broadcast_in_dim3A_1378 = vector.broadcast %scan3A_1374 : i32 to vector<16xi32>
        %get3A_1379 = arith.index_cast %scan3A_1374 : i32 to index
        %get3A_1380 = arith.constant 0 : index
        %get3A_1381 = tpu.vector_load %arg28[%get3A_1379, %get3A_1380] {strides = array<i32>} : memref<32x64xi32, #tpu.memory_space<vmem>>, vector<16xi32>,
        %bitcast3A = vector.bitcast %get3A_1381 : vector<16xi32> to vector<32xbf16>
        %unpack3A = tpu.unpack_subelements %bitcast3A, 0 {pack_format = #tpu.pack_format<interleaved>} : vector<32xbf16> -> vector<16xf32>
        %unpack3A_1382 = tpu.unpack_subelements %bitcast3A, 1 {pack_format = #tpu.pack_format<interleaved>} : vector<32xbf16> -> vector<16xf32>
        %add3A_1383 = arith.constant 0 : i32
        %add3A_1384 = vector.broadcast %add3A_1383 : i32 to vector<16xi32>
        %add3A_1385 = arith.addi %add3A_1384, %mul3A_338 : vector<16xi32>
        %mul3A_1386 = arith.mulf %unpack3A, %gather3A_1377 : vector<16xf32>
        tpu.vector_store_idx %arg32[%broadcast_in_dim3A_1378, %add3A_1385], %mul3A_1386 : memref<32x128xf32, #tpu.memory_space<vmem>>[vector<16xi32>, vector<16xi32>], vector<16xf32>,
        %add3A_1387 = arith.constant 1 : i32
        %add3A_1388 = vector.broadcast %add3A_1387 : i32 to vector<16xi32>
        %add3A_1389 = arith.addi %add3A_1388, %mul3A_338 : vector<16xi32>
        %mul3A_1390 = arith.mulf %unpack3A_1382, %gather3A_1377 : vector<16xf32>
        tpu.vector_store_idx %arg32[%broadcast_in_dim3A_1378, %add3A_1389], %mul3A_1390 : memref<32x128xf32, #tpu.memory_space<vmem>>[vector<16xi32>, vector<16xi32>], vector<16xf32>,
        %get3A_1391 = arith.index_cast %scan3A_1374 : i32 to index
        %get3A_1392 = arith.constant 16 : index
        %get3A_1393 = tpu.vector_load %arg28[%get3A_1391, %get3A_1392] {strides = array<i32>} : memref<32x64xi32, #tpu.memory_space<vmem>>, vector<16xi32>,
        %bitcast3A_1394 = vector.bitcast %get3A_1393 : vector<16xi32> to vector<32xbf16>
        %unpack3A_1395 = tpu.unpack_subelements %bitcast3A_1394, 0 {pack_format = #tpu.pack_format<interleaved>} : vector<32xbf16> -> vector<16xf32>
        %unpack3A_1396 = tpu.unpack_subelements %bitcast3A_1394, 1 {pack_format = #tpu.pack_format<interleaved>} : vector<32xbf16> -> vector<16xf32>
        %add3A_1397 = arith.constant 32 : i32
        %add3A_1398 = vector.broadcast %add3A_1397 : i32 to vector<16xi32>
        %add3A_1399 = arith.addi %add3A_1398, %mul3A_338 : vector<16xi32>
        %mul3A_1400 = arith.mulf %unpack3A_1395, %gather3A_1377 : vector<16xf32>
        tpu.vector_store_idx %arg32[%broadcast_in_dim3A_1378, %add3A_1399], %mul3A_1400 : memref<32x128xf32, #tpu.memory_space<vmem>>[vector<16xi32>, vector<16xi32>], vector<16xf32>,
        %add3A_1401 = arith.constant 33 : i32
        %add3A_1402 = vector.broadcast %add3A_1401 : i32 to vector<16xi32>
        %add3A_1403 = arith.addi %add3A_1402, %mul3A_338 : vector<16xi32>
        %mul3A_1404 = arith.mulf %unpack3A_1396, %gather3A_1377 : vector<16xf32>
        tpu.vector_store_idx %arg32[%broadcast_in_dim3A_1378, %add3A_1403], %mul3A_1404 : memref<32x128xf32, #tpu.memory_space<vmem>>[vector<16xi32>, vector<16xi32>], vector<16xf32>,
        %get3A_1405 = arith.index_cast %scan3A_1374 : i32 to index
        %get3A_1406 = arith.constant 32 : index
        %get3A_1407 = tpu.vector_load %arg28[%get3A_1405, %get3A_1406] {strides = array<i32>} : memref<32x64xi32, #tpu.memory_space<vmem>>, vector<16xi32>,
        %bitcast3A_1408 = vector.bitcast %get3A_1407 : vector<16xi32> to vector<32xbf16>
        %unpack3A_1409 = tpu.unpack_subelements %bitcast3A_1408, 0 {pack_format = #tpu.pack_format<interleaved>} : vector<32xbf16> -> vector<16xf32>
        %unpack3A_1410 = tpu.unpack_subelements %bitcast3A_1408, 1 {pack_format = #tpu.pack_format<interleaved>} : vector<32xbf16> -> vector<16xf32>
        %add3A_1411 = arith.constant 64 : i32
        %add3A_1412 = vector.broadcast %add3A_1411 : i32 to vector<16xi32>
        %add3A_1413 = arith.addi %add3A_1412, %mul3A_338 : vector<16xi32>
        %mul3A_1414 = arith.mulf %unpack3A_1409, %gather3A_1377 : vector<16xf32>
        tpu.vector_store_idx %arg32[%broadcast_in_dim3A_1378, %add3A_1413], %mul3A_1414 : memref<32x128xf32, #tpu.memory_space<vmem>>[vector<16xi32>, vector<16xi32>], vector<16xf32>,
        %add3A_1415 = arith.constant 65 : i32
        %add3A_1416 = vector.broadcast %add3A_1415 : i32 to vector<16xi32>
        %add3A_1417 = arith.addi %add3A_1416, %mul3A_338 : vector<16xi32>
        %mul3A_1418 = arith.mulf %unpack3A_1410, %gather3A_1377 : vector<16xf32>
        tpu.vector_store_idx %arg32[%broadcast_in_dim3A_1378, %add3A_1417], %mul3A_1418 : memref<32x128xf32, #tpu.memory_space<vmem>>[vector<16xi32>, vector<16xi32>], vector<16xf32>,
        %get3A_1419 = arith.index_cast %scan3A_1374 : i32 to index
        %get3A_1420 = arith.constant 48 : index
        %get3A_1421 = tpu.vector_load %arg28[%get3A_1419, %get3A_1420] {strides = array<i32>} : memref<32x64xi32, #tpu.memory_space<vmem>>, vector<16xi32>,
        %bitcast3A_1422 = vector.bitcast %get3A_1421 : vector<16xi32> to vector<32xbf16>
        %unpack3A_1423 = tpu.unpack_subelements %bitcast3A_1422, 0 {pack_format = #tpu.pack_format<interleaved>} : vector<32xbf16> -> vector<16xf32>
        %unpack3A_1424 = tpu.unpack_subelements %bitcast3A_1422, 1 {pack_format = #tpu.pack_format<interleaved>} : vector<32xbf16> -> vector<16xf32>
        %add3A_1425 = arith.constant 96 : i32
        %add3A_1426 = vector.broadcast %add3A_1425 : i32 to vector<16xi32>
        %add3A_1427 = arith.addi %add3A_1426, %mul3A_338 : vector<16xi32>
        %mul3A_1428 = arith.mulf %unpack3A_1423, %gather3A_1377 : vector<16xf32>
        tpu.vector_store_idx %arg32[%broadcast_in_dim3A_1378, %add3A_1427], %mul3A_1428 : memref<32x128xf32, #tpu.memory_space<vmem>>[vector<16xi32>, vector<16xi32>], vector<16xf32>,
        %add3A_1429 = arith.constant 97 : i32
        %add3A_1430 = vector.broadcast %add3A_1429 : i32 to vector<16xi32>
        %add3A_1431 = arith.addi %add3A_1430, %mul3A_338 : vector<16xi32>
        %mul3A_1432 = arith.mulf %unpack3A_1424, %gather3A_1377 : vector<16xf32>
        tpu.vector_store_idx %arg32[%broadcast_in_dim3A_1378, %add3A_1431], %mul3A_1432 : memref<32x128xf32, #tpu.memory_space<vmem>>[vector<16xi32>, vector<16xi32>], vector<16xf32>,
        %scan3A_1433 = arith.constant 0 : i32
        scf.yield %scan3A_1433 : i32
      }
      %scan3A_1186 = arith.constant 32 : i32
      %dma_start3A_1187 = arith.constant 0 : i32
      %dma_start3A_1188 = arith.constant 0 : i32
      %dma_start3A_1189 = tpu.memref_slice %arg59[%dma_start3A_1187, %dma_start3A_1188] : memref<10240x128xf32, #tpu.memory_space<vmem_shared>> -> memref<10240x128xf32, #tpu.memory_space<vmem_shared>>
      tpu.enqueue_indirect_dma source(%arg32 : memref<32x128xf32, #tpu.memory_space<vmem>>) target(%dma_start3A_1189 : memref<10240x128xf32, #tpu.memory_space<vmem_shared>>) offsets(%arg23 : memref<32xi32, #tpu.memory_space<vmem>>) semaphore(%arg40 : memref<!tpu.dma_semaphore, #tpu.memory_space<semaphore_mem>>) {add = true}
      %add3A_1190 = arith.constant 4 : i32
      %add3A_1191 = arith.addi %add3A_1112, %add3A_1190 : i32
      %lt3A_1192 = arith.constant 320 : i32
      %lt3A_1193 = arith.cmpi slt, %add3A_1191, %lt3A_1192 : i32
      %convert_element_type3A_1194 = arith.extui %lt3A_1193 : i1 to i32
      %cond3A_1195 = arith.constant 0 : i32
      %cond3A_1196 = arith.cmpi ne, %convert_element_type3A_1194, %cond3A_1195 : i32
      scf.if %cond3A_1196 {
        %add3A_1374 = arith.constant 4 : i32
        %add3A_1375 = arith.addi %add3A_1112, %add3A_1374 : i32
        %mul3A_1376 = arith.constant 32 : i32
        %mul3A_1377 = arith.muli %add3A_1375, %mul3A_1376 : i32
        %add3A_1378 = arith.addi %mul3A_2, %mul3A_1377 : i32
        %dma_start3A_1379 = tpu.memref_slice %arg5[%add3A_1378] : memref<327680xi32, #tpu.memory_space<hbm>> -> memref<32xi32, #tpu.memory_space<hbm>>
        %dma_start3A_1380 = tpu.memref_slice %arg5[%add3A_1378] : memref<327680xi32, #tpu.memory_space<hbm>> -> memref<32xi32, #tpu.memory_space<hbm>>
        tpu.enqueue_dma source(%dma_start3A_1380 : memref<32xi32, #tpu.memory_space<hbm>>) target(%arg11 : memref<32xi32, #tpu.memory_space<vmem>>) target_semaphore(%arg44 : memref<!tpu.dma_semaphore, #tpu.memory_space<semaphore_mem>>)
        %dma_start3A_1381 = tpu.memref_slice %arg6[%add3A_1378] : memref<327680xi32, #tpu.memory_space<hbm>> -> memref<32xi32, #tpu.memory_space<hbm>>
        %dma_start3A_1382 = tpu.memref_slice %arg6[%add3A_1378] : memref<327680xi32, #tpu.memory_space<hbm>> -> memref<32xi32, #tpu.memory_space<hbm>>
        tpu.enqueue_dma source(%dma_start3A_1382 : memref<32xi32, #tpu.memory_space<hbm>>) target(%arg19 : memref<32xi32, #tpu.memory_space<vmem>>) target_semaphore(%arg52 : memref<!tpu.dma_semaphore, #tpu.memory_space<semaphore_mem>>)
      } else {
      }
      %mul3A_1197 = arith.constant 8 : i32
      %mul3A_1198 = arith.muli %scan3A_679, %mul3A_1197 : i32
      %add3A_1199 = arith.constant 6 : i32
      %add3A_1200 = arith.addi %mul3A_1198, %add3A_1199 : i32
      %add3A_1201 = arith.constant 2 : i32
      %add3A_1202 = arith.addi %add3A_1200, %add3A_1201 : i32
      %lt3A_1203 = arith.constant 320 : i32
      %lt3A_1204 = arith.cmpi slt, %add3A_1202, %lt3A_1203 : i32
      %convert_element_type3A_1205 = arith.extui %lt3A_1204 : i1 to i32
      %cond3A_1206 = arith.constant 0 : i32
      %cond3A_1207 = arith.cmpi ne, %convert_element_type3A_1205, %cond3A_1206 : i32
      scf.if %cond3A_1207 {
        %dma_wait3A_1374 = arith.constant 0 : i32
        %dma_wait3A_1375 = tpu.memref_slice %arg5[%dma_wait3A_1374] : memref<327680xi32, #tpu.memory_space<hbm>> -> memref<32xi32, #tpu.memory_space<hbm>>
        %dma_wait3A_1376 = arith.constant 0 : i32
        %dma_wait3A_1377 = tpu.memref_slice %arg5[%dma_wait3A_1376] : memref<327680xi32, #tpu.memory_space<hbm>> -> memref<32xi32, #tpu.memory_space<hbm>>
        tpu.wait_dma2 semaphore(%arg43 : memref<!tpu.dma_semaphore, #tpu.memory_space<semaphore_mem>>) src(%dma_wait3A_1377 : memref<32xi32, #tpu.memory_space<hbm>>) dst(%arg10 : memref<32xi32, #tpu.memory_space<vmem>>)
        %dma_start3A_1378 = arith.constant 0 : i32
        %dma_start3A_1379 = arith.constant 0 : i32
        %dma_start3A_1380 = tpu.memref_slice %arg2[%dma_start3A_1378, %dma_start3A_1379] : memref<10000x64xi32, #tpu.memory_space<hbm>> -> memref<10000x64xi32, #tpu.memory_space<hbm>>
        tpu.enqueue_indirect_dma source(%dma_start3A_1380 : memref<10000x64xi32, #tpu.memory_space<hbm>>) target(%arg27 : memref<32x64xi32, #tpu.memory_space<vmem>>) offsets(%arg10 : memref<32xi32, #tpu.memory_space<vmem>>) semaphore(%arg35 : memref<!tpu.dma_semaphore, #tpu.memory_space<semaphore_mem>>)
      } else {
      }
      %dma_wait3A_1208 = arith.constant 0 : i32
      %dma_wait3A_1209 = tpu.memref_slice %arg6[%dma_wait3A_1208] : memref<327680xi32, #tpu.memory_space<hbm>> -> memref<32xi32, #tpu.memory_space<hbm>>
      %dma_wait3A_1210 = arith.constant 0 : i32
      %dma_wait3A_1211 = tpu.memref_slice %arg6[%dma_wait3A_1210] : memref<327680xi32, #tpu.memory_space<hbm>> -> memref<32xi32, #tpu.memory_space<hbm>>
      tpu.wait_dma2 semaphore(%arg57 : memref<!tpu.dma_semaphore, #tpu.memory_space<semaphore_mem>>) src(%dma_wait3A_1211 : memref<32xi32, #tpu.memory_space<hbm>>) dst(%arg24 : memref<32xi32, #tpu.memory_space<vmem>>)
      %get3A_1212 = arith.constant 0 : index
      %get3A_1213 = tpu.vector_load %arg16[%get3A_1212] {strides = array<i32>} : memref<32xi32, #tpu.memory_space<vmem>>, vector<16xi32>,
      %get3A_1214 = arith.constant 0 : index
      %get3A_1215 = tpu.vector_load %arg24[%get3A_1214] {strides = array<i32>} : memref<32xi32, #tpu.memory_space<vmem>>, vector<16xi32>,
      %min3A_1216 = arith.minsi %get3A_1215, %broadcast_in_dim3A_335 : vector<16xi32>
      %gather3A_1217 = tpu.vector_load_idx %arg8[%get3A_1213] : memref<10000xf32, #tpu.memory_space<vmem>>[vector<16xi32>], vector<16xf32>,
      %gather3A_1218 = tpu.vector_load_idx %arg9[%min3A_1216] : memref<10000xf32, #tpu.memory_space<vmem>>[vector<16xi32>], vector<16xf32>,
      %add3A_1219 = arith.addf %gather3A_1217, %gather3A_1218 : vector<16xf32>
      %mul3A_1220 = arith.constant 0.00999999977 : f32
      %mul3A_1221 = vector.broadcast %mul3A_1220 : f32 to vector<16xf32>
      %mul3A_1222 = arith.mulf %add3A_1219, %mul3A_1221 : vector<16xf32>
      %max3A_1223 = arith.maximumf %add3A_1219, %mul3A_1222 : vector<16xf32>
      %neg3A_1224 = arith.constant 0.000000e+00 : f32
      %neg3A_1225 = vector.broadcast %neg3A_1224 : f32 to vector<16xf32>
      %neg3A_1226 = arith.subf %neg3A_1225, %max3A_1223 : vector<16xf32>
      %exp3A_1227 = math.exp %neg3A_1226 : vector<16xf32>
      %add3A_1228 = arith.constant 1.000000e+00 : f32
      %add3A_1229 = vector.broadcast %add3A_1228 : f32 to vector<16xf32>
      %add3A_1230 = arith.addf %add3A_1229, %exp3A_1227 : vector<16xf32>
      %div3A_1231 = arith.constant 1.000000e+00 : f32
      %div3A_1232 = vector.broadcast %div3A_1231 : f32 to vector<16xf32>
      %div3A_1233 = arith.divf %div3A_1232, %add3A_1230 : vector<16xf32>
      %swap3A_1234 = arith.constant 0 : index
      %swap3A_1235 = tpu.vector_load %arg26[%swap3A_1234] {strides = array<i32>} : memref<32xf32, #tpu.memory_space<vmem>>, vector<16xf32>,
      tpu.vector_store %arg26[%swap3A_1234], %div3A_1233 {strides = array<i32>} : memref<32xf32, #tpu.memory_space<vmem>>, vector<16xf32>,
      %get3A_1236 = arith.constant 16 : index
      %get3A_1237 = tpu.vector_load %arg16[%get3A_1236] {strides = array<i32>} : memref<32xi32, #tpu.memory_space<vmem>>, vector<16xi32>,
      %get3A_1238 = arith.constant 16 : index
      %get3A_1239 = tpu.vector_load %arg24[%get3A_1238] {strides = array<i32>} : memref<32xi32, #tpu.memory_space<vmem>>, vector<16xi32>,
      %min3A_1240 = arith.minsi %get3A_1239, %broadcast_in_dim3A_335 : vector<16xi32>
      %gather3A_1241 = tpu.vector_load_idx %arg8[%get3A_1237] : memref<10000xf32, #tpu.memory_space<vmem>>[vector<16xi32>], vector<16xf32>,
      %gather3A_1242 = tpu.vector_load_idx %arg9[%min3A_1240] : memref<10000xf32, #tpu.memory_space<vmem>>[vector<16xi32>], vector<16xf32>,
      %add3A_1243 = arith.addf %gather3A_1241, %gather3A_1242 : vector<16xf32>
      %mul3A_1244 = arith.constant 0.00999999977 : f32
      %mul3A_1245 = vector.broadcast %mul3A_1244 : f32 to vector<16xf32>
      %mul3A_1246 = arith.mulf %add3A_1243, %mul3A_1245 : vector<16xf32>
      %max3A_1247 = arith.maximumf %add3A_1243, %mul3A_1246 : vector<16xf32>
      %neg3A_1248 = arith.constant 0.000000e+00 : f32
      %neg3A_1249 = vector.broadcast %neg3A_1248 : f32 to vector<16xf32>
      %neg3A_1250 = arith.subf %neg3A_1249, %max3A_1247 : vector<16xf32>
      %exp3A_1251 = math.exp %neg3A_1250 : vector<16xf32>
      %add3A_1252 = arith.constant 1.000000e+00 : f32
      %add3A_1253 = vector.broadcast %add3A_1252 : f32 to vector<16xf32>
      %add3A_1254 = arith.addf %add3A_1253, %exp3A_1251 : vector<16xf32>
      %div3A_1255 = arith.constant 1.000000e+00 : f32
      %div3A_1256 = vector.broadcast %div3A_1255 : f32 to vector<16xf32>
      %div3A_1257 = arith.divf %div3A_1256, %add3A_1254 : vector<16xf32>
      %swap3A_1258 = arith.constant 16 : index
      %swap3A_1259 = tpu.vector_load %arg26[%swap3A_1258] {strides = array<i32>} : memref<32xf32, #tpu.memory_space<vmem>>, vector<16xf32>,
      tpu.vector_store %arg26[%swap3A_1258], %div3A_1257 {strides = array<i32>} : memref<32xf32, #tpu.memory_space<vmem>>, vector<16xf32>,
      %dma_wait3A_1260 = arith.constant 0 : i32
      %dma_wait3A_1261 = arith.constant 0 : i32
      %dma_wait3A_1262 = tpu.memref_slice %arg2[%dma_wait3A_1260, %dma_wait3A_1261] : memref<10000x64xi32, #tpu.memory_space<hbm>> -> memref<10000x64xi32, #tpu.memory_space<hbm>>
      tpu.wait_indirect_dma semaphore(%arg37 : memref<!tpu.dma_semaphore, #tpu.memory_space<semaphore_mem>>) src(%dma_wait3A_1262 : memref<10000x64xi32, #tpu.memory_space<hbm>>) dst(%arg29 : memref<32x64xi32, #tpu.memory_space<vmem>>)
      %ge3A_1263 = arith.constant 4 : i32
      %ge3A_1264 = arith.cmpi sge, %add3A_1200, %ge3A_1263 : i32
      %convert_element_type3A_1265 = arith.extui %ge3A_1264 : i1 to i32
      %cond3A_1266 = arith.constant 0 : i32
      %cond3A_1267 = arith.cmpi ne, %convert_element_type3A_1265, %cond3A_1266 : i32
      scf.if %cond3A_1267 {
        %dma_wait3A_1374 = arith.constant 0 : i32
        %dma_wait3A_1375 = arith.constant 0 : i32
        %dma_wait3A_1376 = tpu.memref_slice %arg59[%dma_wait3A_1374, %dma_wait3A_1375] : memref<10240x128xf32, #tpu.memory_space<vmem_shared>> -> memref<10240x128xf32, #tpu.memory_space<vmem_shared>>
        tpu.wait_indirect_dma semaphore(%arg41 : memref<!tpu.dma_semaphore, #tpu.memory_space<semaphore_mem>>) src(%arg33 : memref<32x128xf32, #tpu.memory_space<vmem>>) dst(%dma_wait3A_1376 : memref<10240x128xf32, #tpu.memory_space<vmem_shared>>)
      } else {
      }
      %scan3A_1268 = arith.constant 0 : i32
      %scan3A_1269 = arith.constant 0 : i32
      %scan3A_1270 = arith.constant 32 : i32
      %scan3A_1271 = arith.addi %scan3A_1269, %scan3A_1270 : i32
      %scan3A_1272 = arith.constant 1 : i32
      %scan3A_1273 = scf.for %scan3A_1374 = %scan3A_1269 to %scan3A_1271 step %scan3A_1272 iter_args(%scan3A_1375 = %scan3A_1268) -> (i32)  : i32 {
        %broadcast_in_dim3A_1376 = vector.broadcast %scan3A_1374 : i32 to vector<16xi32>
        %gather3A_1377 = tpu.vector_load_idx %arg26[%broadcast_in_dim3A_1376] : memref<32xf32, #tpu.memory_space<vmem>>[vector<16xi32>], vector<16xf32>,
        %broadcast_in_dim3A_1378 = vector.broadcast %scan3A_1374 : i32 to vector<16xi32>
        %get3A_1379 = arith.index_cast %scan3A_1374 : i32 to index
        %get3A_1380 = arith.constant 0 : index
        %get3A_1381 = tpu.vector_load %arg29[%get3A_1379, %get3A_1380] {strides = array<i32>} : memref<32x64xi32, #tpu.memory_space<vmem>>, vector<16xi32>,
        %bitcast3A = vector.bitcast %get3A_1381 : vector<16xi32> to vector<32xbf16>
        %unpack3A = tpu.unpack_subelements %bitcast3A, 0 {pack_format = #tpu.pack_format<interleaved>} : vector<32xbf16> -> vector<16xf32>
        %unpack3A_1382 = tpu.unpack_subelements %bitcast3A, 1 {pack_format = #tpu.pack_format<interleaved>} : vector<32xbf16> -> vector<16xf32>
        %add3A_1383 = arith.constant 0 : i32
        %add3A_1384 = vector.broadcast %add3A_1383 : i32 to vector<16xi32>
        %add3A_1385 = arith.addi %add3A_1384, %mul3A_338 : vector<16xi32>
        %mul3A_1386 = arith.mulf %unpack3A, %gather3A_1377 : vector<16xf32>
        tpu.vector_store_idx %arg33[%broadcast_in_dim3A_1378, %add3A_1385], %mul3A_1386 : memref<32x128xf32, #tpu.memory_space<vmem>>[vector<16xi32>, vector<16xi32>], vector<16xf32>,
        %add3A_1387 = arith.constant 1 : i32
        %add3A_1388 = vector.broadcast %add3A_1387 : i32 to vector<16xi32>
        %add3A_1389 = arith.addi %add3A_1388, %mul3A_338 : vector<16xi32>
        %mul3A_1390 = arith.mulf %unpack3A_1382, %gather3A_1377 : vector<16xf32>
        tpu.vector_store_idx %arg33[%broadcast_in_dim3A_1378, %add3A_1389], %mul3A_1390 : memref<32x128xf32, #tpu.memory_space<vmem>>[vector<16xi32>, vector<16xi32>], vector<16xf32>,
        %get3A_1391 = arith.index_cast %scan3A_1374 : i32 to index
        %get3A_1392 = arith.constant 16 : index
        %get3A_1393 = tpu.vector_load %arg29[%get3A_1391, %get3A_1392] {strides = array<i32>} : memref<32x64xi32, #tpu.memory_space<vmem>>, vector<16xi32>,
        %bitcast3A_1394 = vector.bitcast %get3A_1393 : vector<16xi32> to vector<32xbf16>
        %unpack3A_1395 = tpu.unpack_subelements %bitcast3A_1394, 0 {pack_format = #tpu.pack_format<interleaved>} : vector<32xbf16> -> vector<16xf32>
        %unpack3A_1396 = tpu.unpack_subelements %bitcast3A_1394, 1 {pack_format = #tpu.pack_format<interleaved>} : vector<32xbf16> -> vector<16xf32>
        %add3A_1397 = arith.constant 32 : i32
        %add3A_1398 = vector.broadcast %add3A_1397 : i32 to vector<16xi32>
        %add3A_1399 = arith.addi %add3A_1398, %mul3A_338 : vector<16xi32>
        %mul3A_1400 = arith.mulf %unpack3A_1395, %gather3A_1377 : vector<16xf32>
        tpu.vector_store_idx %arg33[%broadcast_in_dim3A_1378, %add3A_1399], %mul3A_1400 : memref<32x128xf32, #tpu.memory_space<vmem>>[vector<16xi32>, vector<16xi32>], vector<16xf32>,
        %add3A_1401 = arith.constant 33 : i32
        %add3A_1402 = vector.broadcast %add3A_1401 : i32 to vector<16xi32>
        %add3A_1403 = arith.addi %add3A_1402, %mul3A_338 : vector<16xi32>
        %mul3A_1404 = arith.mulf %unpack3A_1396, %gather3A_1377 : vector<16xf32>
        tpu.vector_store_idx %arg33[%broadcast_in_dim3A_1378, %add3A_1403], %mul3A_1404 : memref<32x128xf32, #tpu.memory_space<vmem>>[vector<16xi32>, vector<16xi32>], vector<16xf32>,
        %get3A_1405 = arith.index_cast %scan3A_1374 : i32 to index
        %get3A_1406 = arith.constant 32 : index
        %get3A_1407 = tpu.vector_load %arg29[%get3A_1405, %get3A_1406] {strides = array<i32>} : memref<32x64xi32, #tpu.memory_space<vmem>>, vector<16xi32>,
        %bitcast3A_1408 = vector.bitcast %get3A_1407 : vector<16xi32> to vector<32xbf16>
        %unpack3A_1409 = tpu.unpack_subelements %bitcast3A_1408, 0 {pack_format = #tpu.pack_format<interleaved>} : vector<32xbf16> -> vector<16xf32>
        %unpack3A_1410 = tpu.unpack_subelements %bitcast3A_1408, 1 {pack_format = #tpu.pack_format<interleaved>} : vector<32xbf16> -> vector<16xf32>
        %add3A_1411 = arith.constant 64 : i32
        %add3A_1412 = vector.broadcast %add3A_1411 : i32 to vector<16xi32>
        %add3A_1413 = arith.addi %add3A_1412, %mul3A_338 : vector<16xi32>
        %mul3A_1414 = arith.mulf %unpack3A_1409, %gather3A_1377 : vector<16xf32>
        tpu.vector_store_idx %arg33[%broadcast_in_dim3A_1378, %add3A_1413], %mul3A_1414 : memref<32x128xf32, #tpu.memory_space<vmem>>[vector<16xi32>, vector<16xi32>], vector<16xf32>,
        %add3A_1415 = arith.constant 65 : i32
        %add3A_1416 = vector.broadcast %add3A_1415 : i32 to vector<16xi32>
        %add3A_1417 = arith.addi %add3A_1416, %mul3A_338 : vector<16xi32>
        %mul3A_1418 = arith.mulf %unpack3A_1410, %gather3A_1377 : vector<16xf32>
        tpu.vector_store_idx %arg33[%broadcast_in_dim3A_1378, %add3A_1417], %mul3A_1418 : memref<32x128xf32, #tpu.memory_space<vmem>>[vector<16xi32>, vector<16xi32>], vector<16xf32>,
        %get3A_1419 = arith.index_cast %scan3A_1374 : i32 to index
        %get3A_1420 = arith.constant 48 : index
        %get3A_1421 = tpu.vector_load %arg29[%get3A_1419, %get3A_1420] {strides = array<i32>} : memref<32x64xi32, #tpu.memory_space<vmem>>, vector<16xi32>,
        %bitcast3A_1422 = vector.bitcast %get3A_1421 : vector<16xi32> to vector<32xbf16>
        %unpack3A_1423 = tpu.unpack_subelements %bitcast3A_1422, 0 {pack_format = #tpu.pack_format<interleaved>} : vector<32xbf16> -> vector<16xf32>
        %unpack3A_1424 = tpu.unpack_subelements %bitcast3A_1422, 1 {pack_format = #tpu.pack_format<interleaved>} : vector<32xbf16> -> vector<16xf32>
        %add3A_1425 = arith.constant 96 : i32
        %add3A_1426 = vector.broadcast %add3A_1425 : i32 to vector<16xi32>
        %add3A_1427 = arith.addi %add3A_1426, %mul3A_338 : vector<16xi32>
        %mul3A_1428 = arith.mulf %unpack3A_1423, %gather3A_1377 : vector<16xf32>
        tpu.vector_store_idx %arg33[%broadcast_in_dim3A_1378, %add3A_1427], %mul3A_1428 : memref<32x128xf32, #tpu.memory_space<vmem>>[vector<16xi32>, vector<16xi32>], vector<16xf32>,
        %add3A_1429 = arith.constant 97 : i32
        %add3A_1430 = vector.broadcast %add3A_1429 : i32 to vector<16xi32>
        %add3A_1431 = arith.addi %add3A_1430, %mul3A_338 : vector<16xi32>
        %mul3A_1432 = arith.mulf %unpack3A_1424, %gather3A_1377 : vector<16xf32>
        tpu.vector_store_idx %arg33[%broadcast_in_dim3A_1378, %add3A_1431], %mul3A_1432 : memref<32x128xf32, #tpu.memory_space<vmem>>[vector<16xi32>, vector<16xi32>], vector<16xf32>,
        %scan3A_1433 = arith.constant 0 : i32
        scf.yield %scan3A_1433 : i32
      }
      %scan3A_1274 = arith.constant 32 : i32
      %dma_start3A_1275 = arith.constant 0 : i32
      %dma_start3A_1276 = arith.constant 0 : i32
      %dma_start3A_1277 = tpu.memref_slice %arg59[%dma_start3A_1275, %dma_start3A_1276] : memref<10240x128xf32, #tpu.memory_space<vmem_shared>> -> memref<10240x128xf32, #tpu.memory_space<vmem_shared>>
      tpu.enqueue_indirect_dma source(%arg33 : memref<32x128xf32, #tpu.memory_space<vmem>>) target(%dma_start3A_1277 : memref<10240x128xf32, #tpu.memory_space<vmem_shared>>) offsets(%arg24 : memref<32xi32, #tpu.memory_space<vmem>>) semaphore(%arg41 : memref<!tpu.dma_semaphore, #tpu.memory_space<semaphore_mem>>) {add = true}
      %add3A_1278 = arith.constant 4 : i32
      %add3A_1279 = arith.addi %add3A_1200, %add3A_1278 : i32
      %lt3A_1280 = arith.constant 320 : i32
      %lt3A_1281 = arith.cmpi slt, %add3A_1279, %lt3A_1280 : i32
      %convert_element_type3A_1282 = arith.extui %lt3A_1281 : i1 to i32
      %cond3A_1283 = arith.constant 0 : i32
      %cond3A_1284 = arith.cmpi ne, %convert_element_type3A_1282, %cond3A_1283 : i32
      scf.if %cond3A_1284 {
        %add3A_1374 = arith.constant 4 : i32
        %add3A_1375 = arith.addi %add3A_1200, %add3A_1374 : i32
        %mul3A_1376 = arith.constant 32 : i32
        %mul3A_1377 = arith.muli %add3A_1375, %mul3A_1376 : i32
        %add3A_1378 = arith.addi %mul3A_2, %mul3A_1377 : i32
        %dma_start3A_1379 = tpu.memref_slice %arg5[%add3A_1378] : memref<327680xi32, #tpu.memory_space<hbm>> -> memref<32xi32, #tpu.memory_space<hbm>>
        %dma_start3A_1380 = tpu.memref_slice %arg5[%add3A_1378] : memref<327680xi32, #tpu.memory_space<hbm>> -> memref<32xi32, #tpu.memory_space<hbm>>
        tpu.enqueue_dma source(%dma_start3A_1380 : memref<32xi32, #tpu.memory_space<hbm>>) target(%arg12 : memref<32xi32, #tpu.memory_space<vmem>>) target_semaphore(%arg45 : memref<!tpu.dma_semaphore, #tpu.memory_space<semaphore_mem>>)
        %dma_start3A_1381 = tpu.memref_slice %arg6[%add3A_1378] : memref<327680xi32, #tpu.memory_space<hbm>> -> memref<32xi32, #tpu.memory_space<hbm>>
        %dma_start3A_1382 = tpu.memref_slice %arg6[%add3A_1378] : memref<327680xi32, #tpu.memory_space<hbm>> -> memref<32xi32, #tpu.memory_space<hbm>>
        tpu.enqueue_dma source(%dma_start3A_1382 : memref<32xi32, #tpu.memory_space<hbm>>) target(%arg20 : memref<32xi32, #tpu.memory_space<vmem>>) target_semaphore(%arg53 : memref<!tpu.dma_semaphore, #tpu.memory_space<semaphore_mem>>)
      } else {
      }
      %mul3A_1285 = arith.constant 8 : i32
      %mul3A_1286 = arith.muli %scan3A_679, %mul3A_1285 : i32
      %add3A_1287 = arith.constant 7 : i32
      %add3A_1288 = arith.addi %mul3A_1286, %add3A_1287 : i32
      %add3A_1289 = arith.constant 2 : i32
      %add3A_1290 = arith.addi %add3A_1288, %add3A_1289 : i32
      %lt3A_1291 = arith.constant 320 : i32
      %lt3A_1292 = arith.cmpi slt, %add3A_1290, %lt3A_1291 : i32
      %convert_element_type3A_1293 = arith.extui %lt3A_1292 : i1 to i32
      %cond3A_1294 = arith.constant 0 : i32
      %cond3A_1295 = arith.cmpi ne, %convert_element_type3A_1293, %cond3A_1294 : i32
      scf.if %cond3A_1295 {
        %dma_wait3A_1374 = arith.constant 0 : i32
        %dma_wait3A_1375 = tpu.memref_slice %arg5[%dma_wait3A_1374] : memref<327680xi32, #tpu.memory_space<hbm>> -> memref<32xi32, #tpu.memory_space<hbm>>
        %dma_wait3A_1376 = arith.constant 0 : i32
        %dma_wait3A_1377 = tpu.memref_slice %arg5[%dma_wait3A_1376] : memref<327680xi32, #tpu.memory_space<hbm>> -> memref<32xi32, #tpu.memory_space<hbm>>
        tpu.wait_dma2 semaphore(%arg44 : memref<!tpu.dma_semaphore, #tpu.memory_space<semaphore_mem>>) src(%dma_wait3A_1377 : memref<32xi32, #tpu.memory_space<hbm>>) dst(%arg11 : memref<32xi32, #tpu.memory_space<vmem>>)
        %dma_start3A_1378 = arith.constant 0 : i32
        %dma_start3A_1379 = arith.constant 0 : i32
        %dma_start3A_1380 = tpu.memref_slice %arg2[%dma_start3A_1378, %dma_start3A_1379] : memref<10000x64xi32, #tpu.memory_space<hbm>> -> memref<10000x64xi32, #tpu.memory_space<hbm>>
        tpu.enqueue_indirect_dma source(%dma_start3A_1380 : memref<10000x64xi32, #tpu.memory_space<hbm>>) target(%arg28 : memref<32x64xi32, #tpu.memory_space<vmem>>) offsets(%arg11 : memref<32xi32, #tpu.memory_space<vmem>>) semaphore(%arg36 : memref<!tpu.dma_semaphore, #tpu.memory_space<semaphore_mem>>)
      } else {
      }
      %dma_wait3A_1296 = arith.constant 0 : i32
      %dma_wait3A_1297 = tpu.memref_slice %arg6[%dma_wait3A_1296] : memref<327680xi32, #tpu.memory_space<hbm>> -> memref<32xi32, #tpu.memory_space<hbm>>
      %dma_wait3A_1298 = arith.constant 0 : i32
      %dma_wait3A_1299 = tpu.memref_slice %arg6[%dma_wait3A_1298] : memref<327680xi32, #tpu.memory_space<hbm>> -> memref<32xi32, #tpu.memory_space<hbm>>
      tpu.wait_dma2 semaphore(%arg58 : memref<!tpu.dma_semaphore, #tpu.memory_space<semaphore_mem>>) src(%dma_wait3A_1299 : memref<32xi32, #tpu.memory_space<hbm>>) dst(%arg25 : memref<32xi32, #tpu.memory_space<vmem>>)
      %get3A_1300 = arith.constant 0 : index
      %get3A_1301 = tpu.vector_load %arg17[%get3A_1300] {strides = array<i32>} : memref<32xi32, #tpu.memory_space<vmem>>, vector<16xi32>,
      %get3A_1302 = arith.constant 0 : index
      %get3A_1303 = tpu.vector_load %arg25[%get3A_1302] {strides = array<i32>} : memref<32xi32, #tpu.memory_space<vmem>>, vector<16xi32>,
      %min3A_1304 = arith.minsi %get3A_1303, %broadcast_in_dim3A_335 : vector<16xi32>
      %gather3A_1305 = tpu.vector_load_idx %arg8[%get3A_1301] : memref<10000xf32, #tpu.memory_space<vmem>>[vector<16xi32>], vector<16xf32>,
      %gather3A_1306 = tpu.vector_load_idx %arg9[%min3A_1304] : memref<10000xf32, #tpu.memory_space<vmem>>[vector<16xi32>], vector<16xf32>,
      %add3A_1307 = arith.addf %gather3A_1305, %gather3A_1306 : vector<16xf32>
      %mul3A_1308 = arith.constant 0.00999999977 : f32
      %mul3A_1309 = vector.broadcast %mul3A_1308 : f32 to vector<16xf32>
      %mul3A_1310 = arith.mulf %add3A_1307, %mul3A_1309 : vector<16xf32>
      %max3A_1311 = arith.maximumf %add3A_1307, %mul3A_1310 : vector<16xf32>
      %neg3A_1312 = arith.constant 0.000000e+00 : f32
      %neg3A_1313 = vector.broadcast %neg3A_1312 : f32 to vector<16xf32>
      %neg3A_1314 = arith.subf %neg3A_1313, %max3A_1311 : vector<16xf32>
      %exp3A_1315 = math.exp %neg3A_1314 : vector<16xf32>
      %add3A_1316 = arith.constant 1.000000e+00 : f32
      %add3A_1317 = vector.broadcast %add3A_1316 : f32 to vector<16xf32>
      %add3A_1318 = arith.addf %add3A_1317, %exp3A_1315 : vector<16xf32>
      %div3A_1319 = arith.constant 1.000000e+00 : f32
      %div3A_1320 = vector.broadcast %div3A_1319 : f32 to vector<16xf32>
      %div3A_1321 = arith.divf %div3A_1320, %add3A_1318 : vector<16xf32>
      %swap3A_1322 = arith.constant 0 : index
      %swap3A_1323 = tpu.vector_load %arg26[%swap3A_1322] {strides = array<i32>} : memref<32xf32, #tpu.memory_space<vmem>>, vector<16xf32>,
      tpu.vector_store %arg26[%swap3A_1322], %div3A_1321 {strides = array<i32>} : memref<32xf32, #tpu.memory_space<vmem>>, vector<16xf32>,
      %get3A_1324 = arith.constant 16 : index
      %get3A_1325 = tpu.vector_load %arg17[%get3A_1324] {strides = array<i32>} : memref<32xi32, #tpu.memory_space<vmem>>, vector<16xi32>,
      %get3A_1326 = arith.constant 16 : index
      %get3A_1327 = tpu.vector_load %arg25[%get3A_1326] {strides = array<i32>} : memref<32xi32, #tpu.memory_space<vmem>>, vector<16xi32>,
      %min3A_1328 = arith.minsi %get3A_1327, %broadcast_in_dim3A_335 : vector<16xi32>
      %gather3A_1329 = tpu.vector_load_idx %arg8[%get3A_1325] : memref<10000xf32, #tpu.memory_space<vmem>>[vector<16xi32>], vector<16xf32>,
      %gather3A_1330 = tpu.vector_load_idx %arg9[%min3A_1328] : memref<10000xf32, #tpu.memory_space<vmem>>[vector<16xi32>], vector<16xf32>,
      %add3A_1331 = arith.addf %gather3A_1329, %gather3A_1330 : vector<16xf32>
      %mul3A_1332 = arith.constant 0.00999999977 : f32
      %mul3A_1333 = vector.broadcast %mul3A_1332 : f32 to vector<16xf32>
      %mul3A_1334 = arith.mulf %add3A_1331, %mul3A_1333 : vector<16xf32>
      %max3A_1335 = arith.maximumf %add3A_1331, %mul3A_1334 : vector<16xf32>
      %neg3A_1336 = arith.constant 0.000000e+00 : f32
      %neg3A_1337 = vector.broadcast %neg3A_1336 : f32 to vector<16xf32>
      %neg3A_1338 = arith.subf %neg3A_1337, %max3A_1335 : vector<16xf32>
      %exp3A_1339 = math.exp %neg3A_1338 : vector<16xf32>
      %add3A_1340 = arith.constant 1.000000e+00 : f32
      %add3A_1341 = vector.broadcast %add3A_1340 : f32 to vector<16xf32>
      %add3A_1342 = arith.addf %add3A_1341, %exp3A_1339 : vector<16xf32>
      %div3A_1343 = arith.constant 1.000000e+00 : f32
      %div3A_1344 = vector.broadcast %div3A_1343 : f32 to vector<16xf32>
      %div3A_1345 = arith.divf %div3A_1344, %add3A_1342 : vector<16xf32>
      %swap3A_1346 = arith.constant 16 : index
      %swap3A_1347 = tpu.vector_load %arg26[%swap3A_1346] {strides = array<i32>} : memref<32xf32, #tpu.memory_space<vmem>>, vector<16xf32>,
      tpu.vector_store %arg26[%swap3A_1346], %div3A_1345 {strides = array<i32>} : memref<32xf32, #tpu.memory_space<vmem>>, vector<16xf32>,
      %dma_wait3A_1348 = arith.constant 0 : i32
      %dma_wait3A_1349 = arith.constant 0 : i32
      %dma_wait3A_1350 = tpu.memref_slice %arg2[%dma_wait3A_1348, %dma_wait3A_1349] : memref<10000x64xi32, #tpu.memory_space<hbm>> -> memref<10000x64xi32, #tpu.memory_space<hbm>>
      tpu.wait_indirect_dma semaphore(%arg38 : memref<!tpu.dma_semaphore, #tpu.memory_space<semaphore_mem>>) src(%dma_wait3A_1350 : memref<10000x64xi32, #tpu.memory_space<hbm>>) dst(%arg30 : memref<32x64xi32, #tpu.memory_space<vmem>>)
      %ge3A_1351 = arith.constant 4 : i32
      %ge3A_1352 = arith.cmpi sge, %add3A_1288, %ge3A_1351 : i32
      %convert_element_type3A_1353 = arith.extui %ge3A_1352 : i1 to i32
      %cond3A_1354 = arith.constant 0 : i32
      %cond3A_1355 = arith.cmpi ne, %convert_element_type3A_1353, %cond3A_1354 : i32
      scf.if %cond3A_1355 {
        %dma_wait3A_1374 = arith.constant 0 : i32
        %dma_wait3A_1375 = arith.constant 0 : i32
        %dma_wait3A_1376 = tpu.memref_slice %arg59[%dma_wait3A_1374, %dma_wait3A_1375] : memref<10240x128xf32, #tpu.memory_space<vmem_shared>> -> memref<10240x128xf32, #tpu.memory_space<vmem_shared>>
        tpu.wait_indirect_dma semaphore(%arg42 : memref<!tpu.dma_semaphore, #tpu.memory_space<semaphore_mem>>) src(%arg34 : memref<32x128xf32, #tpu.memory_space<vmem>>) dst(%dma_wait3A_1376 : memref<10240x128xf32, #tpu.memory_space<vmem_shared>>)
      } else {
      }
      %scan3A_1356 = arith.constant 0 : i32
      %scan3A_1357 = arith.constant 0 : i32
      %scan3A_1358 = arith.constant 32 : i32
      %scan3A_1359 = arith.addi %scan3A_1357, %scan3A_1358 : i32
      %scan3A_1360 = arith.constant 1 : i32
      %scan3A_1361 = scf.for %scan3A_1374 = %scan3A_1357 to %scan3A_1359 step %scan3A_1360 iter_args(%scan3A_1375 = %scan3A_1356) -> (i32)  : i32 {
        %broadcast_in_dim3A_1376 = vector.broadcast %scan3A_1374 : i32 to vector<16xi32>
        %gather3A_1377 = tpu.vector_load_idx %arg26[%broadcast_in_dim3A_1376] : memref<32xf32, #tpu.memory_space<vmem>>[vector<16xi32>], vector<16xf32>,
        %broadcast_in_dim3A_1378 = vector.broadcast %scan3A_1374 : i32 to vector<16xi32>
        %get3A_1379 = arith.index_cast %scan3A_1374 : i32 to index
        %get3A_1380 = arith.constant 0 : index
        %get3A_1381 = tpu.vector_load %arg30[%get3A_1379, %get3A_1380] {strides = array<i32>} : memref<32x64xi32, #tpu.memory_space<vmem>>, vector<16xi32>,
        %bitcast3A = vector.bitcast %get3A_1381 : vector<16xi32> to vector<32xbf16>
        %unpack3A = tpu.unpack_subelements %bitcast3A, 0 {pack_format = #tpu.pack_format<interleaved>} : vector<32xbf16> -> vector<16xf32>
        %unpack3A_1382 = tpu.unpack_subelements %bitcast3A, 1 {pack_format = #tpu.pack_format<interleaved>} : vector<32xbf16> -> vector<16xf32>
        %add3A_1383 = arith.constant 0 : i32
        %add3A_1384 = vector.broadcast %add3A_1383 : i32 to vector<16xi32>
        %add3A_1385 = arith.addi %add3A_1384, %mul3A_338 : vector<16xi32>
        %mul3A_1386 = arith.mulf %unpack3A, %gather3A_1377 : vector<16xf32>
        tpu.vector_store_idx %arg34[%broadcast_in_dim3A_1378, %add3A_1385], %mul3A_1386 : memref<32x128xf32, #tpu.memory_space<vmem>>[vector<16xi32>, vector<16xi32>], vector<16xf32>,
        %add3A_1387 = arith.constant 1 : i32
        %add3A_1388 = vector.broadcast %add3A_1387 : i32 to vector<16xi32>
        %add3A_1389 = arith.addi %add3A_1388, %mul3A_338 : vector<16xi32>
        %mul3A_1390 = arith.mulf %unpack3A_1382, %gather3A_1377 : vector<16xf32>
        tpu.vector_store_idx %arg34[%broadcast_in_dim3A_1378, %add3A_1389], %mul3A_1390 : memref<32x128xf32, #tpu.memory_space<vmem>>[vector<16xi32>, vector<16xi32>], vector<16xf32>,
        %get3A_1391 = arith.index_cast %scan3A_1374 : i32 to index
        %get3A_1392 = arith.constant 16 : index
        %get3A_1393 = tpu.vector_load %arg30[%get3A_1391, %get3A_1392] {strides = array<i32>} : memref<32x64xi32, #tpu.memory_space<vmem>>, vector<16xi32>,
        %bitcast3A_1394 = vector.bitcast %get3A_1393 : vector<16xi32> to vector<32xbf16>
        %unpack3A_1395 = tpu.unpack_subelements %bitcast3A_1394, 0 {pack_format = #tpu.pack_format<interleaved>} : vector<32xbf16> -> vector<16xf32>
        %unpack3A_1396 = tpu.unpack_subelements %bitcast3A_1394, 1 {pack_format = #tpu.pack_format<interleaved>} : vector<32xbf16> -> vector<16xf32>
        %add3A_1397 = arith.constant 32 : i32
        %add3A_1398 = vector.broadcast %add3A_1397 : i32 to vector<16xi32>
        %add3A_1399 = arith.addi %add3A_1398, %mul3A_338 : vector<16xi32>
        %mul3A_1400 = arith.mulf %unpack3A_1395, %gather3A_1377 : vector<16xf32>
        tpu.vector_store_idx %arg34[%broadcast_in_dim3A_1378, %add3A_1399], %mul3A_1400 : memref<32x128xf32, #tpu.memory_space<vmem>>[vector<16xi32>, vector<16xi32>], vector<16xf32>,
        %add3A_1401 = arith.constant 33 : i32
        %add3A_1402 = vector.broadcast %add3A_1401 : i32 to vector<16xi32>
        %add3A_1403 = arith.addi %add3A_1402, %mul3A_338 : vector<16xi32>
        %mul3A_1404 = arith.mulf %unpack3A_1396, %gather3A_1377 : vector<16xf32>
        tpu.vector_store_idx %arg34[%broadcast_in_dim3A_1378, %add3A_1403], %mul3A_1404 : memref<32x128xf32, #tpu.memory_space<vmem>>[vector<16xi32>, vector<16xi32>], vector<16xf32>,
        %get3A_1405 = arith.index_cast %scan3A_1374 : i32 to index
        %get3A_1406 = arith.constant 32 : index
        %get3A_1407 = tpu.vector_load %arg30[%get3A_1405, %get3A_1406] {strides = array<i32>} : memref<32x64xi32, #tpu.memory_space<vmem>>, vector<16xi32>,
        %bitcast3A_1408 = vector.bitcast %get3A_1407 : vector<16xi32> to vector<32xbf16>
        %unpack3A_1409 = tpu.unpack_subelements %bitcast3A_1408, 0 {pack_format = #tpu.pack_format<interleaved>} : vector<32xbf16> -> vector<16xf32>
        %unpack3A_1410 = tpu.unpack_subelements %bitcast3A_1408, 1 {pack_format = #tpu.pack_format<interleaved>} : vector<32xbf16> -> vector<16xf32>
        %add3A_1411 = arith.constant 64 : i32
        %add3A_1412 = vector.broadcast %add3A_1411 : i32 to vector<16xi32>
        %add3A_1413 = arith.addi %add3A_1412, %mul3A_338 : vector<16xi32>
        %mul3A_1414 = arith.mulf %unpack3A_1409, %gather3A_1377 : vector<16xf32>
        tpu.vector_store_idx %arg34[%broadcast_in_dim3A_1378, %add3A_1413], %mul3A_1414 : memref<32x128xf32, #tpu.memory_space<vmem>>[vector<16xi32>, vector<16xi32>], vector<16xf32>,
        %add3A_1415 = arith.constant 65 : i32
        %add3A_1416 = vector.broadcast %add3A_1415 : i32 to vector<16xi32>
        %add3A_1417 = arith.addi %add3A_1416, %mul3A_338 : vector<16xi32>
        %mul3A_1418 = arith.mulf %unpack3A_1410, %gather3A_1377 : vector<16xf32>
        tpu.vector_store_idx %arg34[%broadcast_in_dim3A_1378, %add3A_1417], %mul3A_1418 : memref<32x128xf32, #tpu.memory_space<vmem>>[vector<16xi32>, vector<16xi32>], vector<16xf32>,
        %get3A_1419 = arith.index_cast %scan3A_1374 : i32 to index
        %get3A_1420 = arith.constant 48 : index
        %get3A_1421 = tpu.vector_load %arg30[%get3A_1419, %get3A_1420] {strides = array<i32>} : memref<32x64xi32, #tpu.memory_space<vmem>>, vector<16xi32>,
        %bitcast3A_1422 = vector.bitcast %get3A_1421 : vector<16xi32> to vector<32xbf16>
        %unpack3A_1423 = tpu.unpack_subelements %bitcast3A_1422, 0 {pack_format = #tpu.pack_format<interleaved>} : vector<32xbf16> -> vector<16xf32>
        %unpack3A_1424 = tpu.unpack_subelements %bitcast3A_1422, 1 {pack_format = #tpu.pack_format<interleaved>} : vector<32xbf16> -> vector<16xf32>
        %add3A_1425 = arith.constant 96 : i32
        %add3A_1426 = vector.broadcast %add3A_1425 : i32 to vector<16xi32>
        %add3A_1427 = arith.addi %add3A_1426, %mul3A_338 : vector<16xi32>
        %mul3A_1428 = arith.mulf %unpack3A_1423, %gather3A_1377 : vector<16xf32>
        tpu.vector_store_idx %arg34[%broadcast_in_dim3A_1378, %add3A_1427], %mul3A_1428 : memref<32x128xf32, #tpu.memory_space<vmem>>[vector<16xi32>, vector<16xi32>], vector<16xf32>,
        %add3A_1429 = arith.constant 97 : i32
        %add3A_1430 = vector.broadcast %add3A_1429 : i32 to vector<16xi32>
        %add3A_1431 = arith.addi %add3A_1430, %mul3A_338 : vector<16xi32>
        %mul3A_1432 = arith.mulf %unpack3A_1424, %gather3A_1377 : vector<16xf32>
        tpu.vector_store_idx %arg34[%broadcast_in_dim3A_1378, %add3A_1431], %mul3A_1432 : memref<32x128xf32, #tpu.memory_space<vmem>>[vector<16xi32>, vector<16xi32>], vector<16xf32>,
        %scan3A_1433 = arith.constant 0 : i32
        scf.yield %scan3A_1433 : i32
      }
      %scan3A_1362 = arith.constant 32 : i32
      %dma_start3A_1363 = arith.constant 0 : i32
      %dma_start3A_1364 = arith.constant 0 : i32
      %dma_start3A_1365 = tpu.memref_slice %arg59[%dma_start3A_1363, %dma_start3A_1364] : memref<10240x128xf32, #tpu.memory_space<vmem_shared>> -> memref<10240x128xf32, #tpu.memory_space<vmem_shared>>
      tpu.enqueue_indirect_dma source(%arg34 : memref<32x128xf32, #tpu.memory_space<vmem>>) target(%dma_start3A_1365 : memref<10240x128xf32, #tpu.memory_space<vmem_shared>>) offsets(%arg25 : memref<32xi32, #tpu.memory_space<vmem>>) semaphore(%arg42 : memref<!tpu.dma_semaphore, #tpu.memory_space<semaphore_mem>>) {add = true}
      %add3A_1366 = arith.constant 4 : i32
      %add3A_1367 = arith.addi %add3A_1288, %add3A_1366 : i32
      %lt3A_1368 = arith.constant 320 : i32
      %lt3A_1369 = arith.cmpi slt, %add3A_1367, %lt3A_1368 : i32
      %convert_element_type3A_1370 = arith.extui %lt3A_1369 : i1 to i32
      %cond3A_1371 = arith.constant 0 : i32
      %cond3A_1372 = arith.cmpi ne, %convert_element_type3A_1370, %cond3A_1371 : i32
      scf.if %cond3A_1372 {
        %add3A_1374 = arith.constant 4 : i32
        %add3A_1375 = arith.addi %add3A_1288, %add3A_1374 : i32
        %mul3A_1376 = arith.constant 32 : i32
        %mul3A_1377 = arith.muli %add3A_1375, %mul3A_1376 : i32
        %add3A_1378 = arith.addi %mul3A_2, %mul3A_1377 : i32
        %dma_start3A_1379 = tpu.memref_slice %arg5[%add3A_1378] : memref<327680xi32, #tpu.memory_space<hbm>> -> memref<32xi32, #tpu.memory_space<hbm>>
        %dma_start3A_1380 = tpu.memref_slice %arg5[%add3A_1378] : memref<327680xi32, #tpu.memory_space<hbm>> -> memref<32xi32, #tpu.memory_space<hbm>>
        tpu.enqueue_dma source(%dma_start3A_1380 : memref<32xi32, #tpu.memory_space<hbm>>) target(%arg13 : memref<32xi32, #tpu.memory_space<vmem>>) target_semaphore(%arg46 : memref<!tpu.dma_semaphore, #tpu.memory_space<semaphore_mem>>)
        %dma_start3A_1381 = tpu.memref_slice %arg6[%add3A_1378] : memref<327680xi32, #tpu.memory_space<hbm>> -> memref<32xi32, #tpu.memory_space<hbm>>
        %dma_start3A_1382 = tpu.memref_slice %arg6[%add3A_1378] : memref<327680xi32, #tpu.memory_space<hbm>> -> memref<32xi32, #tpu.memory_space<hbm>>
        tpu.enqueue_dma source(%dma_start3A_1382 : memref<32xi32, #tpu.memory_space<hbm>>) target(%arg21 : memref<32xi32, #tpu.memory_space<vmem>>) target_semaphore(%arg54 : memref<!tpu.dma_semaphore, #tpu.memory_space<semaphore_mem>>)
      } else {
      }
      %scan3A_1373 = arith.constant 0 : i32
      scf.yield %scan3A_1373 : i32
    }
    %scan3A_345 = arith.constant 40 : i32
    %dma_wait3A_346 = arith.constant 0 : i32
    %dma_wait3A_347 = arith.constant 0 : i32
    %dma_wait3A_348 = tpu.memref_slice %arg59[%dma_wait3A_346, %dma_wait3A_347] : memref<10240x128xf32, #tpu.memory_space<vmem_shared>> -> memref<10240x128xf32, #tpu.memory_space<vmem_shared>>
    tpu.wait_indirect_dma semaphore(%arg39 : memref<!tpu.dma_semaphore, #tpu.memory_space<semaphore_mem>>) src(%arg31 : memref<32x128xf32, #tpu.memory_space<vmem>>) dst(%dma_wait3A_348 : memref<10240x128xf32, #tpu.memory_space<vmem_shared>>)
    %dma_wait3A_349 = arith.constant 0 : i32
    %dma_wait3A_350 = arith.constant 0 : i32
    %dma_wait3A_351 = tpu.memref_slice %arg59[%dma_wait3A_349, %dma_wait3A_350] : memref<10240x128xf32, #tpu.memory_space<vmem_shared>> -> memref<10240x128xf32, #tpu.memory_space<vmem_shared>>
    tpu.wait_indirect_dma semaphore(%arg40 : memref<!tpu.dma_semaphore, #tpu.memory_space<semaphore_mem>>) src(%arg32 : memref<32x128xf32, #tpu.memory_space<vmem>>) dst(%dma_wait3A_351 : memref<10240x128xf32, #tpu.memory_space<vmem_shared>>)
    %dma_wait3A_352 = arith.constant 0 : i32
    %dma_wait3A_353 = arith.constant 0 : i32
    %dma_wait3A_354 = tpu.memref_slice %arg59[%dma_wait3A_352, %dma_wait3A_353] : memref<10240x128xf32, #tpu.memory_space<vmem_shared>> -> memref<10240x128xf32, #tpu.memory_space<vmem_shared>>
    tpu.wait_indirect_dma semaphore(%arg41 : memref<!tpu.dma_semaphore, #tpu.memory_space<semaphore_mem>>) src(%arg33 : memref<32x128xf32, #tpu.memory_space<vmem>>) dst(%dma_wait3A_354 : memref<10240x128xf32, #tpu.memory_space<vmem_shared>>)
    %dma_wait3A_355 = arith.constant 0 : i32
    %dma_wait3A_356 = arith.constant 0 : i32
    %dma_wait3A_357 = tpu.memref_slice %arg59[%dma_wait3A_355, %dma_wait3A_356] : memref<10240x128xf32, #tpu.memory_space<vmem_shared>> -> memref<10240x128xf32, #tpu.memory_space<vmem_shared>>
    tpu.wait_indirect_dma semaphore(%arg42 : memref<!tpu.dma_semaphore, #tpu.memory_space<semaphore_mem>>) src(%arg34 : memref<32x128xf32, #tpu.memory_space<vmem>>) dst(%dma_wait3A_357 : memref<10240x128xf32, #tpu.memory_space<vmem_shared>>)
    %barrier3A_358 = arith.constant 0 : index
    tpu.barrier barrier_id(%barrier3A_358)
    %mul3A_359 = arith.constant 640 : i32
    %mul3A_360 = arith.muli %arg1, %mul3A_359 : i32
    %add3A_361 = arith.constant 0 : i32
    %add3A_362 = arith.addi %mul3A_360, %add3A_361 : i32
    %dma_start3A_363 = arith.constant 0 : i32
    %dma_start3A_364 = tpu.memref_slice %arg7[%arg0, %add3A_362, %dma_start3A_363] : memref<2x10240x128xf32, #tpu.memory_space<hbm>> -> memref<1x32x128xf32, #tpu.memory_space<hbm>>
    %dma_start3A_365 = tpu.memref_squeeze %dma_start3A_364 : memref<1x32x128xf32, #tpu.memory_space<hbm>> -> memref<32x128xf32, #tpu.memory_space<hbm>>
    %dma_start3A_366 = arith.constant 0 : i32
    %dma_start3A_367 = tpu.memref_slice %arg59[%add3A_362, %dma_start3A_366] : memref<10240x128xf32, #tpu.memory_space<vmem_shared>> -> memref<32x128xf32, #tpu.memory_space<vmem_shared>>
    tpu.enqueue_dma source(%dma_start3A_367 : memref<32x128xf32, #tpu.memory_space<vmem_shared>>) target(%dma_start3A_365 : memref<32x128xf32, #tpu.memory_space<hbm>>) target_semaphore(%arg35 : memref<!tpu.dma_semaphore, #tpu.memory_space<semaphore_mem>>)
    %mul3A_368 = arith.constant 640 : i32
    %mul3A_369 = arith.muli %arg1, %mul3A_368 : i32
    %add3A_370 = arith.constant 32 : i32
    %add3A_371 = arith.addi %mul3A_369, %add3A_370 : i32
    %dma_start3A_372 = arith.constant 0 : i32
    %dma_start3A_373 = tpu.memref_slice %arg7[%arg0, %add3A_371, %dma_start3A_372] : memref<2x10240x128xf32, #tpu.memory_space<hbm>> -> memref<1x32x128xf32, #tpu.memory_space<hbm>>
    %dma_start3A_374 = tpu.memref_squeeze %dma_start3A_373 : memref<1x32x128xf32, #tpu.memory_space<hbm>> -> memref<32x128xf32, #tpu.memory_space<hbm>>
    %dma_start3A_375 = arith.constant 0 : i32
    %dma_start3A_376 = tpu.memref_slice %arg59[%add3A_371, %dma_start3A_375] : memref<10240x128xf32, #tpu.memory_space<vmem_shared>> -> memref<32x128xf32, #tpu.memory_space<vmem_shared>>
    tpu.enqueue_dma source(%dma_start3A_376 : memref<32x128xf32, #tpu.memory_space<vmem_shared>>) target(%dma_start3A_374 : memref<32x128xf32, #tpu.memory_space<hbm>>) target_semaphore(%arg35 : memref<!tpu.dma_semaphore, #tpu.memory_space<semaphore_mem>>)
    %mul3A_377 = arith.constant 640 : i32
    %mul3A_378 = arith.muli %arg1, %mul3A_377 : i32
    %add3A_379 = arith.constant 64 : i32
    %add3A_380 = arith.addi %mul3A_378, %add3A_379 : i32
    %dma_start3A_381 = arith.constant 0 : i32
    %dma_start3A_382 = tpu.memref_slice %arg7[%arg0, %add3A_380, %dma_start3A_381] : memref<2x10240x128xf32, #tpu.memory_space<hbm>> -> memref<1x32x128xf32, #tpu.memory_space<hbm>>
    %dma_start3A_383 = tpu.memref_squeeze %dma_start3A_382 : memref<1x32x128xf32, #tpu.memory_space<hbm>> -> memref<32x128xf32, #tpu.memory_space<hbm>>
    %dma_start3A_384 = arith.constant 0 : i32
    %dma_start3A_385 = tpu.memref_slice %arg59[%add3A_380, %dma_start3A_384] : memref<10240x128xf32, #tpu.memory_space<vmem_shared>> -> memref<32x128xf32, #tpu.memory_space<vmem_shared>>
    tpu.enqueue_dma source(%dma_start3A_385 : memref<32x128xf32, #tpu.memory_space<vmem_shared>>) target(%dma_start3A_383 : memref<32x128xf32, #tpu.memory_space<hbm>>) target_semaphore(%arg35 : memref<!tpu.dma_semaphore, #tpu.memory_space<semaphore_mem>>)
    %mul3A_386 = arith.constant 640 : i32
    %mul3A_387 = arith.muli %arg1, %mul3A_386 : i32
    %add3A_388 = arith.constant 96 : i32
    %add3A_389 = arith.addi %mul3A_387, %add3A_388 : i32
    %dma_start3A_390 = arith.constant 0 : i32
    %dma_start3A_391 = tpu.memref_slice %arg7[%arg0, %add3A_389, %dma_start3A_390] : memref<2x10240x128xf32, #tpu.memory_space<hbm>> -> memref<1x32x128xf32, #tpu.memory_space<hbm>>
    %dma_start3A_392 = tpu.memref_squeeze %dma_start3A_391 : memref<1x32x128xf32, #tpu.memory_space<hbm>> -> memref<32x128xf32, #tpu.memory_space<hbm>>
    %dma_start3A_393 = arith.constant 0 : i32
    %dma_start3A_394 = tpu.memref_slice %arg59[%add3A_389, %dma_start3A_393] : memref<10240x128xf32, #tpu.memory_space<vmem_shared>> -> memref<32x128xf32, #tpu.memory_space<vmem_shared>>
    tpu.enqueue_dma source(%dma_start3A_394 : memref<32x128xf32, #tpu.memory_space<vmem_shared>>) target(%dma_start3A_392 : memref<32x128xf32, #tpu.memory_space<hbm>>) target_semaphore(%arg35 : memref<!tpu.dma_semaphore, #tpu.memory_space<semaphore_mem>>)
    %mul3A_395 = arith.constant 640 : i32
    %mul3A_396 = arith.muli %arg1, %mul3A_395 : i32
    %add3A_397 = arith.constant 128 : i32
    %add3A_398 = arith.addi %mul3A_396, %add3A_397 : i32
    %dma_start3A_399 = arith.constant 0 : i32
    %dma_start3A_400 = tpu.memref_slice %arg7[%arg0, %add3A_398, %dma_start3A_399] : memref<2x10240x128xf32, #tpu.memory_space<hbm>> -> memref<1x32x128xf32, #tpu.memory_space<hbm>>
    %dma_start3A_401 = tpu.memref_squeeze %dma_start3A_400 : memref<1x32x128xf32, #tpu.memory_space<hbm>> -> memref<32x128xf32, #tpu.memory_space<hbm>>
    %dma_start3A_402 = arith.constant 0 : i32
    %dma_start3A_403 = tpu.memref_slice %arg59[%add3A_398, %dma_start3A_402] : memref<10240x128xf32, #tpu.memory_space<vmem_shared>> -> memref<32x128xf32, #tpu.memory_space<vmem_shared>>
    tpu.enqueue_dma source(%dma_start3A_403 : memref<32x128xf32, #tpu.memory_space<vmem_shared>>) target(%dma_start3A_401 : memref<32x128xf32, #tpu.memory_space<hbm>>) target_semaphore(%arg35 : memref<!tpu.dma_semaphore, #tpu.memory_space<semaphore_mem>>)
    %mul3A_404 = arith.constant 640 : i32
    %mul3A_405 = arith.muli %arg1, %mul3A_404 : i32
    %add3A_406 = arith.constant 160 : i32
    %add3A_407 = arith.addi %mul3A_405, %add3A_406 : i32
    %dma_start3A_408 = arith.constant 0 : i32
    %dma_start3A_409 = tpu.memref_slice %arg7[%arg0, %add3A_407, %dma_start3A_408] : memref<2x10240x128xf32, #tpu.memory_space<hbm>> -> memref<1x32x128xf32, #tpu.memory_space<hbm>>
    %dma_start3A_410 = tpu.memref_squeeze %dma_start3A_409 : memref<1x32x128xf32, #tpu.memory_space<hbm>> -> memref<32x128xf32, #tpu.memory_space<hbm>>
    %dma_start3A_411 = arith.constant 0 : i32
    %dma_start3A_412 = tpu.memref_slice %arg59[%add3A_407, %dma_start3A_411] : memref<10240x128xf32, #tpu.memory_space<vmem_shared>> -> memref<32x128xf32, #tpu.memory_space<vmem_shared>>
    tpu.enqueue_dma source(%dma_start3A_412 : memref<32x128xf32, #tpu.memory_space<vmem_shared>>) target(%dma_start3A_410 : memref<32x128xf32, #tpu.memory_space<hbm>>) target_semaphore(%arg35 : memref<!tpu.dma_semaphore, #tpu.memory_space<semaphore_mem>>)
    %mul3A_413 = arith.constant 640 : i32
    %mul3A_414 = arith.muli %arg1, %mul3A_413 : i32
    %add3A_415 = arith.constant 192 : i32
    %add3A_416 = arith.addi %mul3A_414, %add3A_415 : i32
    %dma_start3A_417 = arith.constant 0 : i32
    %dma_start3A_418 = tpu.memref_slice %arg7[%arg0, %add3A_416, %dma_start3A_417] : memref<2x10240x128xf32, #tpu.memory_space<hbm>> -> memref<1x32x128xf32, #tpu.memory_space<hbm>>
    %dma_start3A_419 = tpu.memref_squeeze %dma_start3A_418 : memref<1x32x128xf32, #tpu.memory_space<hbm>> -> memref<32x128xf32, #tpu.memory_space<hbm>>
    %dma_start3A_420 = arith.constant 0 : i32
    %dma_start3A_421 = tpu.memref_slice %arg59[%add3A_416, %dma_start3A_420] : memref<10240x128xf32, #tpu.memory_space<vmem_shared>> -> memref<32x128xf32, #tpu.memory_space<vmem_shared>>
    tpu.enqueue_dma source(%dma_start3A_421 : memref<32x128xf32, #tpu.memory_space<vmem_shared>>) target(%dma_start3A_419 : memref<32x128xf32, #tpu.memory_space<hbm>>) target_semaphore(%arg35 : memref<!tpu.dma_semaphore, #tpu.memory_space<semaphore_mem>>)
    %mul3A_422 = arith.constant 640 : i32
    %mul3A_423 = arith.muli %arg1, %mul3A_422 : i32
    %add3A_424 = arith.constant 224 : i32
    %add3A_425 = arith.addi %mul3A_423, %add3A_424 : i32
    %dma_start3A_426 = arith.constant 0 : i32
    %dma_start3A_427 = tpu.memref_slice %arg7[%arg0, %add3A_425, %dma_start3A_426] : memref<2x10240x128xf32, #tpu.memory_space<hbm>> -> memref<1x32x128xf32, #tpu.memory_space<hbm>>
    %dma_start3A_428 = tpu.memref_squeeze %dma_start3A_427 : memref<1x32x128xf32, #tpu.memory_space<hbm>> -> memref<32x128xf32, #tpu.memory_space<hbm>>
    %dma_start3A_429 = arith.constant 0 : i32
    %dma_start3A_430 = tpu.memref_slice %arg59[%add3A_425, %dma_start3A_429] : memref<10240x128xf32, #tpu.memory_space<vmem_shared>> -> memref<32x128xf32, #tpu.memory_space<vmem_shared>>
    tpu.enqueue_dma source(%dma_start3A_430 : memref<32x128xf32, #tpu.memory_space<vmem_shared>>) target(%dma_start3A_428 : memref<32x128xf32, #tpu.memory_space<hbm>>) target_semaphore(%arg35 : memref<!tpu.dma_semaphore, #tpu.memory_space<semaphore_mem>>)
    %mul3A_431 = arith.constant 640 : i32
    %mul3A_432 = arith.muli %arg1, %mul3A_431 : i32
    %add3A_433 = arith.constant 256 : i32
    %add3A_434 = arith.addi %mul3A_432, %add3A_433 : i32
    %dma_start3A_435 = arith.constant 0 : i32
    %dma_start3A_436 = tpu.memref_slice %arg7[%arg0, %add3A_434, %dma_start3A_435] : memref<2x10240x128xf32, #tpu.memory_space<hbm>> -> memref<1x32x128xf32, #tpu.memory_space<hbm>>
    %dma_start3A_437 = tpu.memref_squeeze %dma_start3A_436 : memref<1x32x128xf32, #tpu.memory_space<hbm>> -> memref<32x128xf32, #tpu.memory_space<hbm>>
    %dma_start3A_438 = arith.constant 0 : i32
    %dma_start3A_439 = tpu.memref_slice %arg59[%add3A_434, %dma_start3A_438] : memref<10240x128xf32, #tpu.memory_space<vmem_shared>> -> memref<32x128xf32, #tpu.memory_space<vmem_shared>>
    tpu.enqueue_dma source(%dma_start3A_439 : memref<32x128xf32, #tpu.memory_space<vmem_shared>>) target(%dma_start3A_437 : memref<32x128xf32, #tpu.memory_space<hbm>>) target_semaphore(%arg35 : memref<!tpu.dma_semaphore, #tpu.memory_space<semaphore_mem>>)
    %mul3A_440 = arith.constant 640 : i32
    %mul3A_441 = arith.muli %arg1, %mul3A_440 : i32
    %add3A_442 = arith.constant 288 : i32
    %add3A_443 = arith.addi %mul3A_441, %add3A_442 : i32
    %dma_start3A_444 = arith.constant 0 : i32
    %dma_start3A_445 = tpu.memref_slice %arg7[%arg0, %add3A_443, %dma_start3A_444] : memref<2x10240x128xf32, #tpu.memory_space<hbm>> -> memref<1x32x128xf32, #tpu.memory_space<hbm>>
    %dma_start3A_446 = tpu.memref_squeeze %dma_start3A_445 : memref<1x32x128xf32, #tpu.memory_space<hbm>> -> memref<32x128xf32, #tpu.memory_space<hbm>>
    %dma_start3A_447 = arith.constant 0 : i32
    %dma_start3A_448 = tpu.memref_slice %arg59[%add3A_443, %dma_start3A_447] : memref<10240x128xf32, #tpu.memory_space<vmem_shared>> -> memref<32x128xf32, #tpu.memory_space<vmem_shared>>
    tpu.enqueue_dma source(%dma_start3A_448 : memref<32x128xf32, #tpu.memory_space<vmem_shared>>) target(%dma_start3A_446 : memref<32x128xf32, #tpu.memory_space<hbm>>) target_semaphore(%arg35 : memref<!tpu.dma_semaphore, #tpu.memory_space<semaphore_mem>>)
    %mul3A_449 = arith.constant 640 : i32
    %mul3A_450 = arith.muli %arg1, %mul3A_449 : i32
    %add3A_451 = arith.constant 320 : i32
    %add3A_452 = arith.addi %mul3A_450, %add3A_451 : i32
    %dma_start3A_453 = arith.constant 0 : i32
    %dma_start3A_454 = tpu.memref_slice %arg7[%arg0, %add3A_452, %dma_start3A_453] : memref<2x10240x128xf32, #tpu.memory_space<hbm>> -> memref<1x32x128xf32, #tpu.memory_space<hbm>>
    %dma_start3A_455 = tpu.memref_squeeze %dma_start3A_454 : memref<1x32x128xf32, #tpu.memory_space<hbm>> -> memref<32x128xf32, #tpu.memory_space<hbm>>
    %dma_start3A_456 = arith.constant 0 : i32
    %dma_start3A_457 = tpu.memref_slice %arg59[%add3A_452, %dma_start3A_456] : memref<10240x128xf32, #tpu.memory_space<vmem_shared>> -> memref<32x128xf32, #tpu.memory_space<vmem_shared>>
    tpu.enqueue_dma source(%dma_start3A_457 : memref<32x128xf32, #tpu.memory_space<vmem_shared>>) target(%dma_start3A_455 : memref<32x128xf32, #tpu.memory_space<hbm>>) target_semaphore(%arg35 : memref<!tpu.dma_semaphore, #tpu.memory_space<semaphore_mem>>)
    %mul3A_458 = arith.constant 640 : i32
    %mul3A_459 = arith.muli %arg1, %mul3A_458 : i32
    %add3A_460 = arith.constant 352 : i32
    %add3A_461 = arith.addi %mul3A_459, %add3A_460 : i32
    %dma_start3A_462 = arith.constant 0 : i32
    %dma_start3A_463 = tpu.memref_slice %arg7[%arg0, %add3A_461, %dma_start3A_462] : memref<2x10240x128xf32, #tpu.memory_space<hbm>> -> memref<1x32x128xf32, #tpu.memory_space<hbm>>
    %dma_start3A_464 = tpu.memref_squeeze %dma_start3A_463 : memref<1x32x128xf32, #tpu.memory_space<hbm>> -> memref<32x128xf32, #tpu.memory_space<hbm>>
    %dma_start3A_465 = arith.constant 0 : i32
    %dma_start3A_466 = tpu.memref_slice %arg59[%add3A_461, %dma_start3A_465] : memref<10240x128xf32, #tpu.memory_space<vmem_shared>> -> memref<32x128xf32, #tpu.memory_space<vmem_shared>>
    tpu.enqueue_dma source(%dma_start3A_466 : memref<32x128xf32, #tpu.memory_space<vmem_shared>>) target(%dma_start3A_464 : memref<32x128xf32, #tpu.memory_space<hbm>>) target_semaphore(%arg35 : memref<!tpu.dma_semaphore, #tpu.memory_space<semaphore_mem>>)
    %mul3A_467 = arith.constant 640 : i32
    %mul3A_468 = arith.muli %arg1, %mul3A_467 : i32
    %add3A_469 = arith.constant 384 : i32
    %add3A_470 = arith.addi %mul3A_468, %add3A_469 : i32
    %dma_start3A_471 = arith.constant 0 : i32
    %dma_start3A_472 = tpu.memref_slice %arg7[%arg0, %add3A_470, %dma_start3A_471] : memref<2x10240x128xf32, #tpu.memory_space<hbm>> -> memref<1x32x128xf32, #tpu.memory_space<hbm>>
    %dma_start3A_473 = tpu.memref_squeeze %dma_start3A_472 : memref<1x32x128xf32, #tpu.memory_space<hbm>> -> memref<32x128xf32, #tpu.memory_space<hbm>>
    %dma_start3A_474 = arith.constant 0 : i32
    %dma_start3A_475 = tpu.memref_slice %arg59[%add3A_470, %dma_start3A_474] : memref<10240x128xf32, #tpu.memory_space<vmem_shared>> -> memref<32x128xf32, #tpu.memory_space<vmem_shared>>
    tpu.enqueue_dma source(%dma_start3A_475 : memref<32x128xf32, #tpu.memory_space<vmem_shared>>) target(%dma_start3A_473 : memref<32x128xf32, #tpu.memory_space<hbm>>) target_semaphore(%arg35 : memref<!tpu.dma_semaphore, #tpu.memory_space<semaphore_mem>>)
    %mul3A_476 = arith.constant 640 : i32
    %mul3A_477 = arith.muli %arg1, %mul3A_476 : i32
    %add3A_478 = arith.constant 416 : i32
    %add3A_479 = arith.addi %mul3A_477, %add3A_478 : i32
    %dma_start3A_480 = arith.constant 0 : i32
    %dma_start3A_481 = tpu.memref_slice %arg7[%arg0, %add3A_479, %dma_start3A_480] : memref<2x10240x128xf32, #tpu.memory_space<hbm>> -> memref<1x32x128xf32, #tpu.memory_space<hbm>>
    %dma_start3A_482 = tpu.memref_squeeze %dma_start3A_481 : memref<1x32x128xf32, #tpu.memory_space<hbm>> -> memref<32x128xf32, #tpu.memory_space<hbm>>
    %dma_start3A_483 = arith.constant 0 : i32
    %dma_start3A_484 = tpu.memref_slice %arg59[%add3A_479, %dma_start3A_483] : memref<10240x128xf32, #tpu.memory_space<vmem_shared>> -> memref<32x128xf32, #tpu.memory_space<vmem_shared>>
    tpu.enqueue_dma source(%dma_start3A_484 : memref<32x128xf32, #tpu.memory_space<vmem_shared>>) target(%dma_start3A_482 : memref<32x128xf32, #tpu.memory_space<hbm>>) target_semaphore(%arg35 : memref<!tpu.dma_semaphore, #tpu.memory_space<semaphore_mem>>)
    %mul3A_485 = arith.constant 640 : i32
    %mul3A_486 = arith.muli %arg1, %mul3A_485 : i32
    %add3A_487 = arith.constant 448 : i32
    %add3A_488 = arith.addi %mul3A_486, %add3A_487 : i32
    %dma_start3A_489 = arith.constant 0 : i32
    %dma_start3A_490 = tpu.memref_slice %arg7[%arg0, %add3A_488, %dma_start3A_489] : memref<2x10240x128xf32, #tpu.memory_space<hbm>> -> memref<1x32x128xf32, #tpu.memory_space<hbm>>
    %dma_start3A_491 = tpu.memref_squeeze %dma_start3A_490 : memref<1x32x128xf32, #tpu.memory_space<hbm>> -> memref<32x128xf32, #tpu.memory_space<hbm>>
    %dma_start3A_492 = arith.constant 0 : i32
    %dma_start3A_493 = tpu.memref_slice %arg59[%add3A_488, %dma_start3A_492] : memref<10240x128xf32, #tpu.memory_space<vmem_shared>> -> memref<32x128xf32, #tpu.memory_space<vmem_shared>>
    tpu.enqueue_dma source(%dma_start3A_493 : memref<32x128xf32, #tpu.memory_space<vmem_shared>>) target(%dma_start3A_491 : memref<32x128xf32, #tpu.memory_space<hbm>>) target_semaphore(%arg35 : memref<!tpu.dma_semaphore, #tpu.memory_space<semaphore_mem>>)
    %mul3A_494 = arith.constant 640 : i32
    %mul3A_495 = arith.muli %arg1, %mul3A_494 : i32
    %add3A_496 = arith.constant 480 : i32
    %add3A_497 = arith.addi %mul3A_495, %add3A_496 : i32
    %dma_start3A_498 = arith.constant 0 : i32
    %dma_start3A_499 = tpu.memref_slice %arg7[%arg0, %add3A_497, %dma_start3A_498] : memref<2x10240x128xf32, #tpu.memory_space<hbm>> -> memref<1x32x128xf32, #tpu.memory_space<hbm>>
    %dma_start3A_500 = tpu.memref_squeeze %dma_start3A_499 : memref<1x32x128xf32, #tpu.memory_space<hbm>> -> memref<32x128xf32, #tpu.memory_space<hbm>>
    %dma_start3A_501 = arith.constant 0 : i32
    %dma_start3A_502 = tpu.memref_slice %arg59[%add3A_497, %dma_start3A_501] : memref<10240x128xf32, #tpu.memory_space<vmem_shared>> -> memref<32x128xf32, #tpu.memory_space<vmem_shared>>
    tpu.enqueue_dma source(%dma_start3A_502 : memref<32x128xf32, #tpu.memory_space<vmem_shared>>) target(%dma_start3A_500 : memref<32x128xf32, #tpu.memory_space<hbm>>) target_semaphore(%arg35 : memref<!tpu.dma_semaphore, #tpu.memory_space<semaphore_mem>>)
    %mul3A_503 = arith.constant 640 : i32
    %mul3A_504 = arith.muli %arg1, %mul3A_503 : i32
    %add3A_505 = arith.constant 512 : i32
    %add3A_506 = arith.addi %mul3A_504, %add3A_505 : i32
    %dma_start3A_507 = arith.constant 0 : i32
    %dma_start3A_508 = tpu.memref_slice %arg7[%arg0, %add3A_506, %dma_start3A_507] : memref<2x10240x128xf32, #tpu.memory_space<hbm>> -> memref<1x32x128xf32, #tpu.memory_space<hbm>>
    %dma_start3A_509 = tpu.memref_squeeze %dma_start3A_508 : memref<1x32x128xf32, #tpu.memory_space<hbm>> -> memref<32x128xf32, #tpu.memory_space<hbm>>
    %dma_start3A_510 = arith.constant 0 : i32
    %dma_start3A_511 = tpu.memref_slice %arg59[%add3A_506, %dma_start3A_510] : memref<10240x128xf32, #tpu.memory_space<vmem_shared>> -> memref<32x128xf32, #tpu.memory_space<vmem_shared>>
    tpu.enqueue_dma source(%dma_start3A_511 : memref<32x128xf32, #tpu.memory_space<vmem_shared>>) target(%dma_start3A_509 : memref<32x128xf32, #tpu.memory_space<hbm>>) target_semaphore(%arg35 : memref<!tpu.dma_semaphore, #tpu.memory_space<semaphore_mem>>)
    %mul3A_512 = arith.constant 640 : i32
    %mul3A_513 = arith.muli %arg1, %mul3A_512 : i32
    %add3A_514 = arith.constant 544 : i32
    %add3A_515 = arith.addi %mul3A_513, %add3A_514 : i32
    %dma_start3A_516 = arith.constant 0 : i32
    %dma_start3A_517 = tpu.memref_slice %arg7[%arg0, %add3A_515, %dma_start3A_516] : memref<2x10240x128xf32, #tpu.memory_space<hbm>> -> memref<1x32x128xf32, #tpu.memory_space<hbm>>
    %dma_start3A_518 = tpu.memref_squeeze %dma_start3A_517 : memref<1x32x128xf32, #tpu.memory_space<hbm>> -> memref<32x128xf32, #tpu.memory_space<hbm>>
    %dma_start3A_519 = arith.constant 0 : i32
    %dma_start3A_520 = tpu.memref_slice %arg59[%add3A_515, %dma_start3A_519] : memref<10240x128xf32, #tpu.memory_space<vmem_shared>> -> memref<32x128xf32, #tpu.memory_space<vmem_shared>>
    tpu.enqueue_dma source(%dma_start3A_520 : memref<32x128xf32, #tpu.memory_space<vmem_shared>>) target(%dma_start3A_518 : memref<32x128xf32, #tpu.memory_space<hbm>>) target_semaphore(%arg35 : memref<!tpu.dma_semaphore, #tpu.memory_space<semaphore_mem>>)
    %mul3A_521 = arith.constant 640 : i32
    %mul3A_522 = arith.muli %arg1, %mul3A_521 : i32
    %add3A_523 = arith.constant 576 : i32
    %add3A_524 = arith.addi %mul3A_522, %add3A_523 : i32
    %dma_start3A_525 = arith.constant 0 : i32
    %dma_start3A_526 = tpu.memref_slice %arg7[%arg0, %add3A_524, %dma_start3A_525] : memref<2x10240x128xf32, #tpu.memory_space<hbm>> -> memref<1x32x128xf32, #tpu.memory_space<hbm>>
    %dma_start3A_527 = tpu.memref_squeeze %dma_start3A_526 : memref<1x32x128xf32, #tpu.memory_space<hbm>> -> memref<32x128xf32, #tpu.memory_space<hbm>>
    %dma_start3A_528 = arith.constant 0 : i32
    %dma_start3A_529 = tpu.memref_slice %arg59[%add3A_524, %dma_start3A_528] : memref<10240x128xf32, #tpu.memory_space<vmem_shared>> -> memref<32x128xf32, #tpu.memory_space<vmem_shared>>
    tpu.enqueue_dma source(%dma_start3A_529 : memref<32x128xf32, #tpu.memory_space<vmem_shared>>) target(%dma_start3A_527 : memref<32x128xf32, #tpu.memory_space<hbm>>) target_semaphore(%arg35 : memref<!tpu.dma_semaphore, #tpu.memory_space<semaphore_mem>>)
    %mul3A_530 = arith.constant 640 : i32
    %mul3A_531 = arith.muli %arg1, %mul3A_530 : i32
    %add3A_532 = arith.constant 608 : i32
    %add3A_533 = arith.addi %mul3A_531, %add3A_532 : i32
    %dma_start3A_534 = arith.constant 0 : i32
    %dma_start3A_535 = tpu.memref_slice %arg7[%arg0, %add3A_533, %dma_start3A_534] : memref<2x10240x128xf32, #tpu.memory_space<hbm>> -> memref<1x32x128xf32, #tpu.memory_space<hbm>>
    %dma_start3A_536 = tpu.memref_squeeze %dma_start3A_535 : memref<1x32x128xf32, #tpu.memory_space<hbm>> -> memref<32x128xf32, #tpu.memory_space<hbm>>
    %dma_start3A_537 = arith.constant 0 : i32
    %dma_start3A_538 = tpu.memref_slice %arg59[%add3A_533, %dma_start3A_537] : memref<10240x128xf32, #tpu.memory_space<vmem_shared>> -> memref<32x128xf32, #tpu.memory_space<vmem_shared>>
    tpu.enqueue_dma source(%dma_start3A_538 : memref<32x128xf32, #tpu.memory_space<vmem_shared>>) target(%dma_start3A_536 : memref<32x128xf32, #tpu.memory_space<hbm>>) target_semaphore(%arg35 : memref<!tpu.dma_semaphore, #tpu.memory_space<semaphore_mem>>)
    %dma_wait3A_539 = arith.constant 0 : i32
    %dma_wait3A_540 = arith.constant 0 : i32
    %dma_wait3A_541 = tpu.memref_slice %arg7[%arg0, %dma_wait3A_539, %dma_wait3A_540] : memref<2x10240x128xf32, #tpu.memory_space<hbm>> -> memref<1x32x128xf32, #tpu.memory_space<hbm>>
    %dma_wait3A_542 = tpu.memref_squeeze %dma_wait3A_541 : memref<1x32x128xf32, #tpu.memory_space<hbm>> -> memref<32x128xf32, #tpu.memory_space<hbm>>
    %dma_wait3A_543 = arith.constant 0 : i32
    %dma_wait3A_544 = arith.constant 0 : i32
    %dma_wait3A_545 = tpu.memref_slice %arg59[%dma_wait3A_543, %dma_wait3A_544] : memref<10240x128xf32, #tpu.memory_space<vmem_shared>> -> memref<32x128xf32, #tpu.memory_space<vmem_shared>>
    tpu.wait_dma2 semaphore(%arg35 : memref<!tpu.dma_semaphore, #tpu.memory_space<semaphore_mem>>) src(%dma_wait3A_545 : memref<32x128xf32, #tpu.memory_space<vmem_shared>>) dst(%dma_wait3A_542 : memref<32x128xf32, #tpu.memory_space<hbm>>)
    %dma_wait3A_546 = arith.constant 0 : i32
    %dma_wait3A_547 = arith.constant 0 : i32
    %dma_wait3A_548 = tpu.memref_slice %arg7[%arg0, %dma_wait3A_546, %dma_wait3A_547] : memref<2x10240x128xf32, #tpu.memory_space<hbm>> -> memref<1x32x128xf32, #tpu.memory_space<hbm>>
    %dma_wait3A_549 = tpu.memref_squeeze %dma_wait3A_548 : memref<1x32x128xf32, #tpu.memory_space<hbm>> -> memref<32x128xf32, #tpu.memory_space<hbm>>
    %dma_wait3A_550 = arith.constant 0 : i32
    %dma_wait3A_551 = arith.constant 0 : i32
    %dma_wait3A_552 = tpu.memref_slice %arg59[%dma_wait3A_550, %dma_wait3A_551] : memref<10240x128xf32, #tpu.memory_space<vmem_shared>> -> memref<32x128xf32, #tpu.memory_space<vmem_shared>>
    tpu.wait_dma2 semaphore(%arg35 : memref<!tpu.dma_semaphore, #tpu.memory_space<semaphore_mem>>) src(%dma_wait3A_552 : memref<32x128xf32, #tpu.memory_space<vmem_shared>>) dst(%dma_wait3A_549 : memref<32x128xf32, #tpu.memory_space<hbm>>)
    %dma_wait3A_553 = arith.constant 0 : i32
    %dma_wait3A_554 = arith.constant 0 : i32
    %dma_wait3A_555 = tpu.memref_slice %arg7[%arg0, %dma_wait3A_553, %dma_wait3A_554] : memref<2x10240x128xf32, #tpu.memory_space<hbm>> -> memref<1x32x128xf32, #tpu.memory_space<hbm>>
    %dma_wait3A_556 = tpu.memref_squeeze %dma_wait3A_555 : memref<1x32x128xf32, #tpu.memory_space<hbm>> -> memref<32x128xf32, #tpu.memory_space<hbm>>
    %dma_wait3A_557 = arith.constant 0 : i32
    %dma_wait3A_558 = arith.constant 0 : i32
    %dma_wait3A_559 = tpu.memref_slice %arg59[%dma_wait3A_557, %dma_wait3A_558] : memref<10240x128xf32, #tpu.memory_space<vmem_shared>> -> memref<32x128xf32, #tpu.memory_space<vmem_shared>>
    tpu.wait_dma2 semaphore(%arg35 : memref<!tpu.dma_semaphore, #tpu.memory_space<semaphore_mem>>) src(%dma_wait3A_559 : memref<32x128xf32, #tpu.memory_space<vmem_shared>>) dst(%dma_wait3A_556 : memref<32x128xf32, #tpu.memory_space<hbm>>)
    %dma_wait3A_560 = arith.constant 0 : i32
    %dma_wait3A_561 = arith.constant 0 : i32
    %dma_wait3A_562 = tpu.memref_slice %arg7[%arg0, %dma_wait3A_560, %dma_wait3A_561] : memref<2x10240x128xf32, #tpu.memory_space<hbm>> -> memref<1x32x128xf32, #tpu.memory_space<hbm>>
    %dma_wait3A_563 = tpu.memref_squeeze %dma_wait3A_562 : memref<1x32x128xf32, #tpu.memory_space<hbm>> -> memref<32x128xf32, #tpu.memory_space<hbm>>
    %dma_wait3A_564 = arith.constant 0 : i32
    %dma_wait3A_565 = arith.constant 0 : i32
    %dma_wait3A_566 = tpu.memref_slice %arg59[%dma_wait3A_564, %dma_wait3A_565] : memref<10240x128xf32, #tpu.memory_space<vmem_shared>> -> memref<32x128xf32, #tpu.memory_space<vmem_shared>>
    tpu.wait_dma2 semaphore(%arg35 : memref<!tpu.dma_semaphore, #tpu.memory_space<semaphore_mem>>) src(%dma_wait3A_566 : memref<32x128xf32, #tpu.memory_space<vmem_shared>>) dst(%dma_wait3A_563 : memref<32x128xf32, #tpu.memory_space<hbm>>)
    %dma_wait3A_567 = arith.constant 0 : i32
    %dma_wait3A_568 = arith.constant 0 : i32
    %dma_wait3A_569 = tpu.memref_slice %arg7[%arg0, %dma_wait3A_567, %dma_wait3A_568] : memref<2x10240x128xf32, #tpu.memory_space<hbm>> -> memref<1x32x128xf32, #tpu.memory_space<hbm>>
    %dma_wait3A_570 = tpu.memref_squeeze %dma_wait3A_569 : memref<1x32x128xf32, #tpu.memory_space<hbm>> -> memref<32x128xf32, #tpu.memory_space<hbm>>
    %dma_wait3A_571 = arith.constant 0 : i32
    %dma_wait3A_572 = arith.constant 0 : i32
    %dma_wait3A_573 = tpu.memref_slice %arg59[%dma_wait3A_571, %dma_wait3A_572] : memref<10240x128xf32, #tpu.memory_space<vmem_shared>> -> memref<32x128xf32, #tpu.memory_space<vmem_shared>>
    tpu.wait_dma2 semaphore(%arg35 : memref<!tpu.dma_semaphore, #tpu.memory_space<semaphore_mem>>) src(%dma_wait3A_573 : memref<32x128xf32, #tpu.memory_space<vmem_shared>>) dst(%dma_wait3A_570 : memref<32x128xf32, #tpu.memory_space<hbm>>)
    %dma_wait3A_574 = arith.constant 0 : i32
    %dma_wait3A_575 = arith.constant 0 : i32
    %dma_wait3A_576 = tpu.memref_slice %arg7[%arg0, %dma_wait3A_574, %dma_wait3A_575] : memref<2x10240x128xf32, #tpu.memory_space<hbm>> -> memref<1x32x128xf32, #tpu.memory_space<hbm>>
    %dma_wait3A_577 = tpu.memref_squeeze %dma_wait3A_576 : memref<1x32x128xf32, #tpu.memory_space<hbm>> -> memref<32x128xf32, #tpu.memory_space<hbm>>
    %dma_wait3A_578 = arith.constant 0 : i32
    %dma_wait3A_579 = arith.constant 0 : i32
    %dma_wait3A_580 = tpu.memref_slice %arg59[%dma_wait3A_578, %dma_wait3A_579] : memref<10240x128xf32, #tpu.memory_space<vmem_shared>> -> memref<32x128xf32, #tpu.memory_space<vmem_shared>>
    tpu.wait_dma2 semaphore(%arg35 : memref<!tpu.dma_semaphore, #tpu.memory_space<semaphore_mem>>) src(%dma_wait3A_580 : memref<32x128xf32, #tpu.memory_space<vmem_shared>>) dst(%dma_wait3A_577 : memref<32x128xf32, #tpu.memory_space<hbm>>)
    %dma_wait3A_581 = arith.constant 0 : i32
    %dma_wait3A_582 = arith.constant 0 : i32
    %dma_wait3A_583 = tpu.memref_slice %arg7[%arg0, %dma_wait3A_581, %dma_wait3A_582] : memref<2x10240x128xf32, #tpu.memory_space<hbm>> -> memref<1x32x128xf32, #tpu.memory_space<hbm>>
    %dma_wait3A_584 = tpu.memref_squeeze %dma_wait3A_583 : memref<1x32x128xf32, #tpu.memory_space<hbm>> -> memref<32x128xf32, #tpu.memory_space<hbm>>
    %dma_wait3A_585 = arith.constant 0 : i32
    %dma_wait3A_586 = arith.constant 0 : i32
    %dma_wait3A_587 = tpu.memref_slice %arg59[%dma_wait3A_585, %dma_wait3A_586] : memref<10240x128xf32, #tpu.memory_space<vmem_shared>> -> memref<32x128xf32, #tpu.memory_space<vmem_shared>>
    tpu.wait_dma2 semaphore(%arg35 : memref<!tpu.dma_semaphore, #tpu.memory_space<semaphore_mem>>) src(%dma_wait3A_587 : memref<32x128xf32, #tpu.memory_space<vmem_shared>>) dst(%dma_wait3A_584 : memref<32x128xf32, #tpu.memory_space<hbm>>)
    %dma_wait3A_588 = arith.constant 0 : i32
    %dma_wait3A_589 = arith.constant 0 : i32
    %dma_wait3A_590 = tpu.memref_slice %arg7[%arg0, %dma_wait3A_588, %dma_wait3A_589] : memref<2x10240x128xf32, #tpu.memory_space<hbm>> -> memref<1x32x128xf32, #tpu.memory_space<hbm>>
    %dma_wait3A_591 = tpu.memref_squeeze %dma_wait3A_590 : memref<1x32x128xf32, #tpu.memory_space<hbm>> -> memref<32x128xf32, #tpu.memory_space<hbm>>
    %dma_wait3A_592 = arith.constant 0 : i32
    %dma_wait3A_593 = arith.constant 0 : i32
    %dma_wait3A_594 = tpu.memref_slice %arg59[%dma_wait3A_592, %dma_wait3A_593] : memref<10240x128xf32, #tpu.memory_space<vmem_shared>> -> memref<32x128xf32, #tpu.memory_space<vmem_shared>>
    tpu.wait_dma2 semaphore(%arg35 : memref<!tpu.dma_semaphore, #tpu.memory_space<semaphore_mem>>) src(%dma_wait3A_594 : memref<32x128xf32, #tpu.memory_space<vmem_shared>>) dst(%dma_wait3A_591 : memref<32x128xf32, #tpu.memory_space<hbm>>)
    %dma_wait3A_595 = arith.constant 0 : i32
    %dma_wait3A_596 = arith.constant 0 : i32
    %dma_wait3A_597 = tpu.memref_slice %arg7[%arg0, %dma_wait3A_595, %dma_wait3A_596] : memref<2x10240x128xf32, #tpu.memory_space<hbm>> -> memref<1x32x128xf32, #tpu.memory_space<hbm>>
    %dma_wait3A_598 = tpu.memref_squeeze %dma_wait3A_597 : memref<1x32x128xf32, #tpu.memory_space<hbm>> -> memref<32x128xf32, #tpu.memory_space<hbm>>
    %dma_wait3A_599 = arith.constant 0 : i32
    %dma_wait3A_600 = arith.constant 0 : i32
    %dma_wait3A_601 = tpu.memref_slice %arg59[%dma_wait3A_599, %dma_wait3A_600] : memref<10240x128xf32, #tpu.memory_space<vmem_shared>> -> memref<32x128xf32, #tpu.memory_space<vmem_shared>>
    tpu.wait_dma2 semaphore(%arg35 : memref<!tpu.dma_semaphore, #tpu.memory_space<semaphore_mem>>) src(%dma_wait3A_601 : memref<32x128xf32, #tpu.memory_space<vmem_shared>>) dst(%dma_wait3A_598 : memref<32x128xf32, #tpu.memory_space<hbm>>)
    %dma_wait3A_602 = arith.constant 0 : i32
    %dma_wait3A_603 = arith.constant 0 : i32
    %dma_wait3A_604 = tpu.memref_slice %arg7[%arg0, %dma_wait3A_602, %dma_wait3A_603] : memref<2x10240x128xf32, #tpu.memory_space<hbm>> -> memref<1x32x128xf32, #tpu.memory_space<hbm>>
    %dma_wait3A_605 = tpu.memref_squeeze %dma_wait3A_604 : memref<1x32x128xf32, #tpu.memory_space<hbm>> -> memref<32x128xf32, #tpu.memory_space<hbm>>
    %dma_wait3A_606 = arith.constant 0 : i32
    %dma_wait3A_607 = arith.constant 0 : i32
    %dma_wait3A_608 = tpu.memref_slice %arg59[%dma_wait3A_606, %dma_wait3A_607] : memref<10240x128xf32, #tpu.memory_space<vmem_shared>> -> memref<32x128xf32, #tpu.memory_space<vmem_shared>>
    tpu.wait_dma2 semaphore(%arg35 : memref<!tpu.dma_semaphore, #tpu.memory_space<semaphore_mem>>) src(%dma_wait3A_608 : memref<32x128xf32, #tpu.memory_space<vmem_shared>>) dst(%dma_wait3A_605 : memref<32x128xf32, #tpu.memory_space<hbm>>)
    %dma_wait3A_609 = arith.constant 0 : i32
    %dma_wait3A_610 = arith.constant 0 : i32
    %dma_wait3A_611 = tpu.memref_slice %arg7[%arg0, %dma_wait3A_609, %dma_wait3A_610] : memref<2x10240x128xf32, #tpu.memory_space<hbm>> -> memref<1x32x128xf32, #tpu.memory_space<hbm>>
    %dma_wait3A_612 = tpu.memref_squeeze %dma_wait3A_611 : memref<1x32x128xf32, #tpu.memory_space<hbm>> -> memref<32x128xf32, #tpu.memory_space<hbm>>
    %dma_wait3A_613 = arith.constant 0 : i32
    %dma_wait3A_614 = arith.constant 0 : i32
    %dma_wait3A_615 = tpu.memref_slice %arg59[%dma_wait3A_613, %dma_wait3A_614] : memref<10240x128xf32, #tpu.memory_space<vmem_shared>> -> memref<32x128xf32, #tpu.memory_space<vmem_shared>>
    tpu.wait_dma2 semaphore(%arg35 : memref<!tpu.dma_semaphore, #tpu.memory_space<semaphore_mem>>) src(%dma_wait3A_615 : memref<32x128xf32, #tpu.memory_space<vmem_shared>>) dst(%dma_wait3A_612 : memref<32x128xf32, #tpu.memory_space<hbm>>)
    %dma_wait3A_616 = arith.constant 0 : i32
    %dma_wait3A_617 = arith.constant 0 : i32
    %dma_wait3A_618 = tpu.memref_slice %arg7[%arg0, %dma_wait3A_616, %dma_wait3A_617] : memref<2x10240x128xf32, #tpu.memory_space<hbm>> -> memref<1x32x128xf32, #tpu.memory_space<hbm>>
    %dma_wait3A_619 = tpu.memref_squeeze %dma_wait3A_618 : memref<1x32x128xf32, #tpu.memory_space<hbm>> -> memref<32x128xf32, #tpu.memory_space<hbm>>
    %dma_wait3A_620 = arith.constant 0 : i32
    %dma_wait3A_621 = arith.constant 0 : i32
    %dma_wait3A_622 = tpu.memref_slice %arg59[%dma_wait3A_620, %dma_wait3A_621] : memref<10240x128xf32, #tpu.memory_space<vmem_shared>> -> memref<32x128xf32, #tpu.memory_space<vmem_shared>>
    tpu.wait_dma2 semaphore(%arg35 : memref<!tpu.dma_semaphore, #tpu.memory_space<semaphore_mem>>) src(%dma_wait3A_622 : memref<32x128xf32, #tpu.memory_space<vmem_shared>>) dst(%dma_wait3A_619 : memref<32x128xf32, #tpu.memory_space<hbm>>)
    %dma_wait3A_623 = arith.constant 0 : i32
    %dma_wait3A_624 = arith.constant 0 : i32
    %dma_wait3A_625 = tpu.memref_slice %arg7[%arg0, %dma_wait3A_623, %dma_wait3A_624] : memref<2x10240x128xf32, #tpu.memory_space<hbm>> -> memref<1x32x128xf32, #tpu.memory_space<hbm>>
    %dma_wait3A_626 = tpu.memref_squeeze %dma_wait3A_625 : memref<1x32x128xf32, #tpu.memory_space<hbm>> -> memref<32x128xf32, #tpu.memory_space<hbm>>
    %dma_wait3A_627 = arith.constant 0 : i32
    %dma_wait3A_628 = arith.constant 0 : i32
    %dma_wait3A_629 = tpu.memref_slice %arg59[%dma_wait3A_627, %dma_wait3A_628] : memref<10240x128xf32, #tpu.memory_space<vmem_shared>> -> memref<32x128xf32, #tpu.memory_space<vmem_shared>>
    tpu.wait_dma2 semaphore(%arg35 : memref<!tpu.dma_semaphore, #tpu.memory_space<semaphore_mem>>) src(%dma_wait3A_629 : memref<32x128xf32, #tpu.memory_space<vmem_shared>>) dst(%dma_wait3A_626 : memref<32x128xf32, #tpu.memory_space<hbm>>)
    %dma_wait3A_630 = arith.constant 0 : i32
    %dma_wait3A_631 = arith.constant 0 : i32
    %dma_wait3A_632 = tpu.memref_slice %arg7[%arg0, %dma_wait3A_630, %dma_wait3A_631] : memref<2x10240x128xf32, #tpu.memory_space<hbm>> -> memref<1x32x128xf32, #tpu.memory_space<hbm>>
    %dma_wait3A_633 = tpu.memref_squeeze %dma_wait3A_632 : memref<1x32x128xf32, #tpu.memory_space<hbm>> -> memref<32x128xf32, #tpu.memory_space<hbm>>
    %dma_wait3A_634 = arith.constant 0 : i32
    %dma_wait3A_635 = arith.constant 0 : i32
    %dma_wait3A_636 = tpu.memref_slice %arg59[%dma_wait3A_634, %dma_wait3A_635] : memref<10240x128xf32, #tpu.memory_space<vmem_shared>> -> memref<32x128xf32, #tpu.memory_space<vmem_shared>>
    tpu.wait_dma2 semaphore(%arg35 : memref<!tpu.dma_semaphore, #tpu.memory_space<semaphore_mem>>) src(%dma_wait3A_636 : memref<32x128xf32, #tpu.memory_space<vmem_shared>>) dst(%dma_wait3A_633 : memref<32x128xf32, #tpu.memory_space<hbm>>)
    %dma_wait3A_637 = arith.constant 0 : i32
    %dma_wait3A_638 = arith.constant 0 : i32
    %dma_wait3A_639 = tpu.memref_slice %arg7[%arg0, %dma_wait3A_637, %dma_wait3A_638] : memref<2x10240x128xf32, #tpu.memory_space<hbm>> -> memref<1x32x128xf32, #tpu.memory_space<hbm>>
    %dma_wait3A_640 = tpu.memref_squeeze %dma_wait3A_639 : memref<1x32x128xf32, #tpu.memory_space<hbm>> -> memref<32x128xf32, #tpu.memory_space<hbm>>
    %dma_wait3A_641 = arith.constant 0 : i32
    %dma_wait3A_642 = arith.constant 0 : i32
    %dma_wait3A_643 = tpu.memref_slice %arg59[%dma_wait3A_641, %dma_wait3A_642] : memref<10240x128xf32, #tpu.memory_space<vmem_shared>> -> memref<32x128xf32, #tpu.memory_space<vmem_shared>>
    tpu.wait_dma2 semaphore(%arg35 : memref<!tpu.dma_semaphore, #tpu.memory_space<semaphore_mem>>) src(%dma_wait3A_643 : memref<32x128xf32, #tpu.memory_space<vmem_shared>>) dst(%dma_wait3A_640 : memref<32x128xf32, #tpu.memory_space<hbm>>)
    %dma_wait3A_644 = arith.constant 0 : i32
    %dma_wait3A_645 = arith.constant 0 : i32
    %dma_wait3A_646 = tpu.memref_slice %arg7[%arg0, %dma_wait3A_644, %dma_wait3A_645] : memref<2x10240x128xf32, #tpu.memory_space<hbm>> -> memref<1x32x128xf32, #tpu.memory_space<hbm>>
    %dma_wait3A_647 = tpu.memref_squeeze %dma_wait3A_646 : memref<1x32x128xf32, #tpu.memory_space<hbm>> -> memref<32x128xf32, #tpu.memory_space<hbm>>
    %dma_wait3A_648 = arith.constant 0 : i32
    %dma_wait3A_649 = arith.constant 0 : i32
    %dma_wait3A_650 = tpu.memref_slice %arg59[%dma_wait3A_648, %dma_wait3A_649] : memref<10240x128xf32, #tpu.memory_space<vmem_shared>> -> memref<32x128xf32, #tpu.memory_space<vmem_shared>>
    tpu.wait_dma2 semaphore(%arg35 : memref<!tpu.dma_semaphore, #tpu.memory_space<semaphore_mem>>) src(%dma_wait3A_650 : memref<32x128xf32, #tpu.memory_space<vmem_shared>>) dst(%dma_wait3A_647 : memref<32x128xf32, #tpu.memory_space<hbm>>)
    %dma_wait3A_651 = arith.constant 0 : i32
    %dma_wait3A_652 = arith.constant 0 : i32
    %dma_wait3A_653 = tpu.memref_slice %arg7[%arg0, %dma_wait3A_651, %dma_wait3A_652] : memref<2x10240x128xf32, #tpu.memory_space<hbm>> -> memref<1x32x128xf32, #tpu.memory_space<hbm>>
    %dma_wait3A_654 = tpu.memref_squeeze %dma_wait3A_653 : memref<1x32x128xf32, #tpu.memory_space<hbm>> -> memref<32x128xf32, #tpu.memory_space<hbm>>
    %dma_wait3A_655 = arith.constant 0 : i32
    %dma_wait3A_656 = arith.constant 0 : i32
    %dma_wait3A_657 = tpu.memref_slice %arg59[%dma_wait3A_655, %dma_wait3A_656] : memref<10240x128xf32, #tpu.memory_space<vmem_shared>> -> memref<32x128xf32, #tpu.memory_space<vmem_shared>>
    tpu.wait_dma2 semaphore(%arg35 : memref<!tpu.dma_semaphore, #tpu.memory_space<semaphore_mem>>) src(%dma_wait3A_657 : memref<32x128xf32, #tpu.memory_space<vmem_shared>>) dst(%dma_wait3A_654 : memref<32x128xf32, #tpu.memory_space<hbm>>)
    %dma_wait3A_658 = arith.constant 0 : i32
    %dma_wait3A_659 = arith.constant 0 : i32
    %dma_wait3A_660 = tpu.memref_slice %arg7[%arg0, %dma_wait3A_658, %dma_wait3A_659] : memref<2x10240x128xf32, #tpu.memory_space<hbm>> -> memref<1x32x128xf32, #tpu.memory_space<hbm>>
    %dma_wait3A_661 = tpu.memref_squeeze %dma_wait3A_660 : memref<1x32x128xf32, #tpu.memory_space<hbm>> -> memref<32x128xf32, #tpu.memory_space<hbm>>
    %dma_wait3A_662 = arith.constant 0 : i32
    %dma_wait3A_663 = arith.constant 0 : i32
    %dma_wait3A_664 = tpu.memref_slice %arg59[%dma_wait3A_662, %dma_wait3A_663] : memref<10240x128xf32, #tpu.memory_space<vmem_shared>> -> memref<32x128xf32, #tpu.memory_space<vmem_shared>>
    tpu.wait_dma2 semaphore(%arg35 : memref<!tpu.dma_semaphore, #tpu.memory_space<semaphore_mem>>) src(%dma_wait3A_664 : memref<32x128xf32, #tpu.memory_space<vmem_shared>>) dst(%dma_wait3A_661 : memref<32x128xf32, #tpu.memory_space<hbm>>)
    %dma_wait3A_665 = arith.constant 0 : i32
    %dma_wait3A_666 = arith.constant 0 : i32
    %dma_wait3A_667 = tpu.memref_slice %arg7[%arg0, %dma_wait3A_665, %dma_wait3A_666] : memref<2x10240x128xf32, #tpu.memory_space<hbm>> -> memref<1x32x128xf32, #tpu.memory_space<hbm>>
    %dma_wait3A_668 = tpu.memref_squeeze %dma_wait3A_667 : memref<1x32x128xf32, #tpu.memory_space<hbm>> -> memref<32x128xf32, #tpu.memory_space<hbm>>
    %dma_wait3A_669 = arith.constant 0 : i32
    %dma_wait3A_670 = arith.constant 0 : i32
    %dma_wait3A_671 = tpu.memref_slice %arg59[%dma_wait3A_669, %dma_wait3A_670] : memref<10240x128xf32, #tpu.memory_space<vmem_shared>> -> memref<32x128xf32, #tpu.memory_space<vmem_shared>>
    tpu.wait_dma2 semaphore(%arg35 : memref<!tpu.dma_semaphore, #tpu.memory_space<semaphore_mem>>) src(%dma_wait3A_671 : memref<32x128xf32, #tpu.memory_space<vmem_shared>>) dst(%dma_wait3A_668 : memref<32x128xf32, #tpu.memory_space<hbm>>)
    %dma_wait3A_672 = arith.constant 0 : i32
    %dma_wait3A_673 = arith.constant 0 : i32
    %dma_wait3A_674 = tpu.memref_slice %arg7[%arg0, %dma_wait3A_672, %dma_wait3A_673] : memref<2x10240x128xf32, #tpu.memory_space<hbm>> -> memref<1x32x128xf32, #tpu.memory_space<hbm>>
    %dma_wait3A_675 = tpu.memref_squeeze %dma_wait3A_674 : memref<1x32x128xf32, #tpu.memory_space<hbm>> -> memref<32x128xf32, #tpu.memory_space<hbm>>
    %dma_wait3A_676 = arith.constant 0 : i32
    %dma_wait3A_677 = arith.constant 0 : i32
    %dma_wait3A_678 = tpu.memref_slice %arg59[%dma_wait3A_676, %dma_wait3A_677] : memref<10240x128xf32, #tpu.memory_space<vmem_shared>> -> memref<32x128xf32, #tpu.memory_space<vmem_shared>>
    tpu.wait_dma2 semaphore(%arg35 : memref<!tpu.dma_semaphore, #tpu.memory_space<semaphore_mem>>) src(%dma_wait3A_678 : memref<32x128xf32, #tpu.memory_space<vmem_shared>>) dst(%dma_wait3A_675 : memref<32x128xf32, #tpu.memory_space<hbm>>)
    return
  }
}

module attributes {stable_mosaic.version = 14 : i64} {
  func.func @_tc_z_body(%arg0: i32, %arg1: memref<1000x128xf32, #tpu.memory_space<vmem>>, %arg2: memref<128x128xf32, #tpu.memory_space<vmem>>, %arg3: memref<1000x128xf32, #tpu.memory_space<vmem>>, %arg4: memref<1000x128xbf16, #tpu.memory_space<vmem>>) attributes {dimension_semantics = [#tpu.dimension_semantics<arbitrary>], iteration_bounds = array<i64: 10>, scalar_prefetch = 0 : i64, scratch_operands = 0 : i64, tpu.core_type = #tpu.core_type<tc>, window_params = [{transform_indices = @transform_0, window_bounds = array<i64: 1000, 128>}, {pipeline_mode = #tpu.pipeline_mode<synchronous>, transform_indices = @transform_1, window_bounds = array<i64: 128, 128>}, {transform_indices = @transform_2, window_bounds = array<i64: 1000, 128>}, {transform_indices = @transform_3, window_bounds = array<i64: 1000, 128>}]} {
    %get3A = arith.constant 0 : index
    %get3A_0 = arith.constant 0 : index
    %get3A_1 = vector.load %arg1[%get3A, %get3A_0] : memref<1000x128xf32, #tpu.memory_space<vmem>>, vector<1000x128xf32>
    %get3A_2 = arith.constant 0 : index
    %get3A_3 = arith.constant 0 : index
    %get3A_4 = vector.load %arg2[%get3A_2, %get3A_3] : memref<128x128xf32, #tpu.memory_space<vmem>>, vector<128x128xf32>
    %dot_general3A = arith.constant dense<0.000000e+00> : vector<1000x128xf32>
    %dot_general3A_5 = tpu.matmul %get3A_1, %get3A_4, %dot_general3A {dimension_numbers = #tpu.dot_dimension_numbers<[1], [1], [0], [0], [0, 0, 1, 0], [], []>, transpose_lhs_hint = false} : vector<1000x128xf32>, vector<128x128xf32>, vector<1000x128xf32> -> vector<1000x128xf32>
    %swap3A = arith.constant 0 : index
    %swap3A_6 = arith.constant 0 : index
    %swap3A_7 = vector.load %arg3[%swap3A, %swap3A_6] : memref<1000x128xf32, #tpu.memory_space<vmem>>, vector<1000x128xf32>
    tpu.vector_store %arg3[%swap3A, %swap3A_6], %dot_general3A_5 {strides = array<i32>} : memref<1000x128xf32, #tpu.memory_space<vmem>>, vector<1000x128xf32>,
    %convert_element_type3A = arith.truncf %dot_general3A_5 : vector<1000x128xf32> to vector<1000x128xbf16>
    %swap3A_8 = arith.constant 0 : index
    %swap3A_9 = arith.constant 0 : index
    %swap3A_10 = vector.load %arg4[%swap3A_8, %swap3A_9] : memref<1000x128xbf16, #tpu.memory_space<vmem>>, vector<1000x128xbf16>
    tpu.vector_store %arg4[%swap3A_8, %swap3A_9], %convert_element_type3A {strides = array<i32>} : memref<1000x128xbf16, #tpu.memory_space<vmem>>, vector<1000x128xbf16>,
    return
  }
  func.func @transform_0(%arg0: i32) -> (i32, i32) {
    %c0_i32 = arith.constant 0 : i32
    %c0_i32_0 = arith.constant 0 : i32
    return %arg0, %c0_i32 : i32, i32
  }
  func.func @transform_1(%arg0: i32) -> (i32, i32) {
    %c0_i32 = arith.constant 0 : i32
    %c0_i32_0 = arith.constant 0 : i32
    %c0_i32_1 = arith.constant 0 : i32
    return %c0_i32, %c0_i32_0 : i32, i32
  }
  func.func @transform_2(%arg0: i32) -> (i32, i32) {
    %c0_i32 = arith.constant 0 : i32
    %c0_i32_0 = arith.constant 0 : i32
    return %arg0, %c0_i32 : i32, i32
  }
  func.func @transform_3(%arg0: i32) -> (i32, i32) {
    %c0_i32 = arith.constant 0 : i32
    %c0_i32_0 = arith.constant 0 : i32
    return %arg0, %c0_i32 : i32, i32
  }
}

module attributes {stable_mosaic.version = 14 : i64} {
  func.func @_tc_s_body(%arg0: memref<10000x128xf32, #tpu.memory_space<vmem>>, %arg1: memref<128x2xf32, #tpu.memory_space<vmem>>, %arg2: memref<2x10000xf32, #tpu.memory_space<vmem>>) attributes {dimension_semantics = [], scalar_prefetch = 0 : i64, scratch_operands = 0 : i64, tpu.core_type = #tpu.core_type<tc>} {
    %get3A = arith.constant 0 : index
    %get3A_0 = arith.constant 0 : index
    %get3A_1 = vector.load %arg1[%get3A, %get3A_0] : memref<128x2xf32, #tpu.memory_space<vmem>>, vector<128x2xf32>
    %get3A_2 = arith.constant 0 : index
    %get3A_3 = arith.constant 0 : index
    %get3A_4 = vector.load %arg0[%get3A_2, %get3A_3] : memref<10000x128xf32, #tpu.memory_space<vmem>>, vector<10000x128xf32>
    %dot_general3A = arith.constant dense<0.000000e+00> : vector<2x10000xf32>
    %dot_general3A_5 = tpu.matmul %get3A_1, %get3A_4, %dot_general3A {dimension_numbers = #tpu.dot_dimension_numbers<[0], [1], [1], [0], [0, 1, 1, 0], [], []>, transpose_lhs_hint = false} : vector<128x2xf32>, vector<10000x128xf32>, vector<2x10000xf32> -> vector<2x10000xf32>
    %swap3A = arith.constant 0 : index
    %swap3A_6 = arith.constant 0 : index
    %swap3A_7 = vector.load %arg2[%swap3A, %swap3A_6] : memref<2x10000xf32, #tpu.memory_space<vmem>>, vector<2x10000xf32>
    tpu.vector_store %arg2[%swap3A, %swap3A_6], %dot_general3A_5 {strides = array<i32>} : memref<2x10000xf32, #tpu.memory_space<vmem>>, vector<2x10000xf32>,
    return
  }
}

module attributes {stable_mosaic.version = 14 : i64} {
  func.func @_tc_sum2_body(%arg0: i32, %arg1: memref<2x1000x128xf32, #tpu.memory_space<vmem>>, %arg2: memref<1000x128xf32, #tpu.memory_space<vmem>>) attributes {dimension_semantics = [#tpu.dimension_semantics<arbitrary>], iteration_bounds = array<i64: 10>, scalar_prefetch = 0 : i64, scratch_operands = 0 : i64, tpu.core_type = #tpu.core_type<tc>, window_params = [{transform_indices = @transform_0, window_bounds = array<i64: 2, 1000, 128>}, {transform_indices = @transform_1, window_bounds = array<i64: 1000, 128>}]} {
    %get3A = arith.constant 0 : index
    %get3A_0 = arith.constant 0 : index
    %get3A_1 = arith.constant 0 : index
    %get3A_2 = vector.load %arg1[%get3A, %get3A_0, %get3A_1] : memref<2x1000x128xf32, #tpu.memory_space<vmem>>, vector<1x1000x128xf32>
    %get3A_3 = vector.shape_cast %get3A_2 : vector<1x1000x128xf32> to vector<1000x128xf32>
    %get3A_4 = arith.constant 1 : index
    %get3A_5 = arith.constant 0 : index
    %get3A_6 = arith.constant 0 : index
    %get3A_7 = vector.load %arg1[%get3A_4, %get3A_5, %get3A_6] : memref<2x1000x128xf32, #tpu.memory_space<vmem>>, vector<1x1000x128xf32>
    %get3A_8 = vector.shape_cast %get3A_7 : vector<1x1000x128xf32> to vector<1000x128xf32>
    %add3A = arith.addf %get3A_3, %get3A_8 : vector<1000x128xf32>
    %swap3A = arith.constant 0 : index
    %swap3A_9 = arith.constant 0 : index
    %swap3A_10 = vector.load %arg2[%swap3A, %swap3A_9] : memref<1000x128xf32, #tpu.memory_space<vmem>>, vector<1000x128xf32>
    tpu.vector_store %arg2[%swap3A, %swap3A_9], %add3A {strides = array<i32>} : memref<1000x128xf32, #tpu.memory_space<vmem>>, vector<1000x128xf32>,
    return
  }
  func.func @transform_0(%arg0: i32) -> (i32, i32, i32) {
    %c0_i32 = arith.constant 0 : i32
    %c0_i32_0 = arith.constant 0 : i32
    %c0_i32_1 = arith.constant 0 : i32
    return %c0_i32, %arg0, %c0_i32_0 : i32, i32, i32
  }
  func.func @transform_1(%arg0: i32) -> (i32, i32) {
    %c0_i32 = arith.constant 0 : i32
    %c0_i32_0 = arith.constant 0 : i32
    return %arg0, %c0_i32 : i32, i32
  }
}

</mosaic_0001>

<sc_bundles>
// kernel: kernel.6.cloned.1.call-start
scs
__scs_entry_jumppad:
0x0: {  	(pc) =	sbr.rel $0x88, $3  }
0x1: {  	(tag) =	ssettag $0x0;
	lr =	simm.s32 $0x1  }
0x2: {  	[smem:$0x3F9D] =	sst lr;
	_ =	strace $0xD0000000  }
0x3: {  	_ = 	snop  }
0x4: {  	_ = 	snop  }
0x5: {  	_ = 	snop  }
0x6: {  	_ = 	snop  }
0x7: {  	_ = 	snop  }
__scs_overlays_trampoline_lowered:
0x8: {  	[smem:$0x3FAC] =	sst s0  }
0x9: {  	[smem:$0x3FAD] =	sst s1  }
0xa: {  	[smem:$0x3FAE] =	sst s2  }
0xb: {  	[smem:$0x3FAF] =	sst s3  }
0xc: {  	[smem:$0x3FB0] =	sst s4  }
0xd: {  	[smem:$0x3FB1] =	sst s5  }
0xe: {  	[smem:$0x3FB2] =	sst s6  }
0xf: {  	[smem:$0x3FB3] =	sst s7  }
0x10: {  	[smem:$0x3FB4] =	sst s8  }
0x11: {  	[smem:$0x3FB5] =	sst s9;
	s0 =	simm.s32 @!p0 $0x0  }
0x12: {  	s1 =	sld [smem:$0x3F9B];
	s0 =	simm.s32 @p0 $0x1  }
0x13: {  	[smem:$0x3FB6] =	sst s0;
	s0 =	simm.s32 @!p1 $0x0  }
0x14: {  	s2 =	sld [smem:$0x3F9A];
	s0 =	simm.s32 @p1 $0x1  }
0x15: {  	[smem:$0x3FB7] =	sst s0;
	s0 =	simm.s32 @!p2 $0x0  }
0x16: {  	s3 =	sld [smem:$0x3FDB];
	s0 =	simm.s32 @p2 $0x1  }
0x17: {  	s4 =	simm.s32 $0x1BF5;
	[smem:$0x3FB9] =	sst s0  }
0x18: {  	s0 =	sld [smem:$0x3F9C];
	_ =	swait.ge [sflag:s4], $0x0  }
0x19: {  	s7 =	sld [smem:$0x3F9D]  }
0x1a: {  	s8 =	sadd.s32 $0xFFFFE003, lr  }
0x1b: {  	s9 =	sadd.s32 $0xFFFFFEF7, lr;
	s5 =	simm.s32 $0xFFFFFFFF;
	p2 =	slt.u32 s8, $0xFFFFF086  }
0x1c: {  	p1 =	slt.u32 s9, $0xF7A;
	s5 =	simm.s32 @!p2 $0x0  }
0x1d: {  	s5 =	simm.s32 @p1 $0x1;
	p0 =	seq.s32 s7, s2  }
0x1e: {  	s7 =	smul.u32 @!p0 $0xF7A, s2;
	p2 =	seq.s32 @!p0 s5, $0x0  }
0x1f: {  	s9 =	smul.u32 $0xF7A, s1;
	s8 =	simm.s32 @!p0 $0x1BF5;
	p2 =	por !p2, p0  }
0x20: {  	[sflag:s8] =	ssyncset.s32 @!p0 $0xFFFFF086;
	s6 =	sadd.s32 @!p0 s3, s7;
	s7 =	simm.s32 @!p0 $0x108  }
0x21: {  	s3 =	sadd.s32 s3, s9;
	s6 =	sadd.s32 @!p0 $0x88, s6;
	s7 =	simm.s32 @p2 $0x1082  }
0x22: {  	[simem:s7], [sflag:s8] =	dma.local @!p0 [hbm:s6], $0xF7A  }
0x23: {  	s9 =	sor.u32 $0xD0000000, s2;
	s6 =	simm.s32 $0x108;
	_ =	swait.ge @!p0 [sflag:s8], $0x0  }
0x24: {  	s3 =	sadd.s32 $0x88, s3;
	s6 =	simm.s32 @!p1 $0x1082;
	[sflag:s4] =	ssyncset.s32 $0xFFFFF086  }
0x25: {  	[simem:s6], [sflag:s4] =	dma.local [hbm:s3], $0xF7A  }
0x26: {  	[smem:$0x3F9D] =	sst s1;
	(tag) =	ssettag s2;
	_ =	strace s9  }
0x27: {  	s1 =	sld [smem:$0x3FAD]  }
0x28: {  	s2 =	sld [smem:$0x3FAE]  }
0x29: {  	s4 =	sld [smem:$0x3FB0]  }
0x2a: {  	p0 =	seq.s32 s5, $0x0;
	s5 =	sld [smem:$0x3FB1]  }
0x2b: {  	s6 =	sld [smem:$0x3FB2]  }
0x2c: {  	s7 =	sld [smem:$0x3FB3]  }
0x2d: {  	s3 =	simm.s32 $0x108;
	s8 =	sld [smem:$0x3FB4]  }
0x2e: {  	s3 =	simm.s32 @!p0 $0x1082;
	s9 =	sld [smem:$0x3FB5]  }
0x2f: {  	lr =	sadd.s32 s0, s3;
	s0 =	sld [smem:$0x3FAC]  }
0x30: {  	s3 =	sld [smem:$0x3FAF]  }
0x31: {  	[smem:$0x3FB8] =	sst s10  }
0x32: {  	s10 =	sld [smem:$0x3FB6];
	_ =	sdelay $0x3  }
0x33: {  	p0 =	seq.s32 s10, $0x1;
	s10 =	sld [smem:$0x3FB8];
	_ =	sdelay $0x3  }
0x34: {  	[smem:$0x3FB8] =	sst s10  }
0x35: {  	s10 =	sld [smem:$0x3FB7];
	_ =	sdelay $0x3  }
0x36: {  	p1 =	seq.s32 s10, $0x1;
	s10 =	sld [smem:$0x3FB8];
	_ =	sdelay $0x3  }
0x37: {  	[smem:$0x3FB8] =	sst s10  }
0x38: {  	s10 =	sld [smem:$0x3FB9]  }
0x39: {  	_ = 	snop;
	(pc) =	sbr.ind lr, $3  }
0x3a: {  	_ = 	snop  }
0x3b: {  	_ = 	snop  }
0x3c: {  	p2 =	seq.s32 s10, $0x1;
	s10 =	sld [smem:$0x3FB8]  }
0x3d: {  	_ =	shalt  }
0x3e: {  	_ =	shalt  }
0x3f: {  	_ =	shalt  }
0x40: {  	_ =	shalt  }
0x41: {  	_ =	shalt  }
0x42: {  	_ =	shalt  }
0x43: {  	_ =	shalt  }
0x44: {  	_ =	shalt  }
0x45: {  	_ =	shalt  }
0x46: {  	_ =	shalt  }
0x47: {  	_ =	shalt  }
0x48: {  	_ =	shalt  }
0x49: {  	_ =	shalt  }
0x4a: {  	_ =	shalt  }
0x4b: {  	_ =	shalt  }
0x4c: {  	_ =	shalt  }
0x4d: {  	_ =	shalt  }
0x4e: {  	_ =	shalt  }
0x4f: {  	_ =	shalt  }
0x50: {  	_ =	shalt  }
0x51: {  	_ =	shalt  }
0x52: {  	_ =	shalt  }
0x53: {  	_ =	shalt  }
0x54: {  	_ =	shalt  }
0x55: {  	_ =	shalt  }
0x56: {  	_ =	shalt  }
0x57: {  	_ =	shalt  }
0x58: {  	_ =	shalt  }
0x59: {  	_ =	shalt  }
0x5a: {  	_ =	shalt  }
0x5b: {  	_ =	shalt  }
0x5c: {  	_ =	shalt  }
0x5d: {  	_ =	shalt  }
0x5e: {  	_ =	shalt  }
0x5f: {  	_ =	shalt  }
0x60: {  	_ =	shalt  }
0x61: {  	_ =	shalt  }
0x62: {  	_ =	shalt  }
0x63: {  	_ =	shalt  }
0x64: {  	_ =	shalt  }
0x65: {  	_ =	shalt  }
0x66: {  	_ =	shalt  }
0x67: {  	_ =	shalt  }
0x68: {  	_ =	shalt  }
0x69: {  	_ =	shalt  }
0x6a: {  	_ =	shalt  }
0x6b: {  	_ =	shalt  }
0x6c: {  	_ =	shalt  }
0x6d: {  	_ =	shalt  }
0x6e: {  	_ =	shalt  }
0x6f: {  	_ =	shalt  }
0x70: {  	_ =	shalt  }
0x71: {  	_ =	shalt  }
0x72: {  	_ =	shalt  }
0x73: {  	_ =	shalt  }
0x74: {  	_ =	shalt  }
0x75: {  	_ =	shalt  }
0x76: {  	_ =	shalt  }
0x77: {  	_ =	shalt  }
0x78: {  	_ =	shalt  }
0x79: {  	_ =	shalt  }
0x7a: {  	_ =	shalt  }
0x7b: {  	_ =	shalt  }
0x7c: {  	_ =	shalt  }
0x7d: {  	_ =	shalt  }
0x7e: {  	_ =	shalt  }
0x7f: {  	_ =	shalt  }
0x80: {  	_ =	shalt  }
0x81: {  	_ =	shalt  }
0x82: {  	_ =	shalt  }
0x83: {  	_ =	shalt  }
0x84: {  	_ =	shalt  }
0x85: {  	_ =	shalt  }
0x86: {  	_ =	shalt  }
0x87: {  	_ =	shalt  }
.Lfunc_end0:
.L_simem_size_0:
called_computation_lowered:
.L_overlay_start_0:
0x88: {  	s2 =	sld [smem:$0x3FD9]  }
0x89: {  	s3 =	sld [smem:$0x3FFE];
	_ =	sdelay $0x1  }
0x8a: {  	s1 =	srdreg.scid  }
0x8b: {  	s0 =	sand.u32 $0x1, s1  }
0x8c: {  	s17 =	sshll.u32 s0, $0xA;
	s2 =	sadd.s32 s3, s2  }
0x8d: {  	s2 =	sadd.s32 s2, s17  }
0x8e: {  	[smem:$0x3FC4] =	sst s2  }
0x8f: {  	_ = 	snop  }
0x90: {  	s2 =	sld [smem:$0x3FD0];
	(tm) =	ssettm $0x1  }
0x91: {  	s18 =	sld [smem:$0x3FFB];
	_ =	sdelay $0x3  }
0x92: {  	_ =	strace s18  }
0x93: {  	s3 =	sld [smem:$0x3FFC];
	_ =	sdelay $0x3  }
0x94: {  	_ =	strace s3  }
0x95: {  	s3 =	sld [smem:$0x3FFD];
	_ =	sdelay $0x3  }
0x96: {  	_ =	strace s3  }
0x97: {  	_ =	strace $0x8FFFFFFF  }
0x98: {  	s19 =	sld [smem:$0x3FDB];
	_ =	sdelay $0x1  }
0x99: {  	s4 =	simm.s32 $_scs_section_size  }
0x9a: {  	s5 =	simm.s32 $_size__tile_overlayer_lowered;
	s6 =	simm.s32 $_tile_overlayer_lowered  }
0x9b: {  	s22 =	simm.s32 $0x1BFF;
	s21 =	sshll.u32 s6, $0x1;
	s3 =	sadd.s32 s4, s19  }
0x9c: {  	s7 =	simm.s32 $0x0;
	s20 =	sshll.u32 s5, $0x1;
	s5 =	sadd.s32 s21, s3  }
0x9d: {  	[timem:s7], [sflag:s22] =	dma.local [hbm:s5], s20  }
0x9e: {  	_ =	swait.ge [sflag:s22], s20  }
0x9f: {  	s4 =	ssub.s32 $0x0, s20;
	[sflag:s22] =	ssyncset.done $0x0  }
0xa0: {  	[sflag:s22] =	ssyncadd.s32 s4;
	_ =	sdelay $0x1  }
0xa1: {  	s23 =	simm.s32 $0x1B8B  }
0xa2: {  	_ =	swait.ge [sflag:s23], $0x1  }
0xa3: {  	[sflag:s23] =	ssyncset.done $0x0  }
0xa4: {  	s25 =	simm.s32 $0x1B8E;
	s24 =	sld [smem:$0x3FFE];
	[sflag:s23] =	ssyncadd.s32 $0xFFFFFFFF  }
0xa5: {  	s26 =	simm.s32 $execute0_lowered;
	[smem:$0x3FD2] =	sst s25  }
0xa6: {  	s5 =	sshll.u32 s26, $0x1;
	_ =	strace $0x80000046;
	[dreg:$0x1] =	wrdreg $0xFFFFFFFF  }
0xa7: {  	s28 =	simm.s32 $_size_execute0_lowered;
	s3 =	sadd.s32 s3, s5;
	[dreg:$0x0] =	wrdreg $0x0  }
0xa8: {  	s5 =	sshll.u32 s28, $0x1;
	[dreg:$0x2] =	wrdreg s3  }
0xa9: {  	[dreg:$0x3] =	wrdreg s5  }
0xaa: {  	[dreg:$0x4] =	wrdreg $0xC0  }
0xab: {  	_ =	task [dreg:s7], $0x5FFFF  }
0xac: {  	[dreg:$0x1] =	wrdreg $0xFFFFFFFF  }
0xad: {  	[dreg:$0x0] =	wrdreg $0x60  }
0xae: {  	[dreg:$0x2] =	wrdreg s2  }
0xaf: {  	[dreg:$0x3] =	wrdreg s24  }
0xb0: {  	[dreg:$0x4] =	wrdreg $0xB0400  }
0xb1: {  	[dreg:$0x5] =	wrdreg $0x9  }
0xb2: {  	_ =	task.clear_ibuf [dreg:s7], $0x6FFFF;
	_ =	strace $0x90000046  }
0xb3: {  	s29 =	simm.s32 $0x9;
	_ =	strace $0x80000048  }
0xb4: {  	_ =	swait.ge [sflag:s29], $0x1  }
0xb5: {  	[sflag:s29] =	ssyncadd.s32 $0xFFFFFFFF  }
0xb6: {  	_ =	strace $0x90000048  }
0xb7: {  	_ =	sfence  }
0xb8: {  	s30 =	sld [smem:$0x0];
	_ =	sdelay $0x2  }
0xb9: {  	s31 =	sshll.u32 s1, $0xD;
	s1 =	sshrl.u32 s1, $0x2  }
0xba: {  	s3 =	sand.u32 $0x4000, s31;
	s1 =	sadd.s32 s1, s30  }
0xbb: {  	s0 =	sor.u32 s3, s0;
	s1 =	sshll.u32 s1, $0x11  }
0xbc: {  	s0 =	sor.u32 s1, s0  }
0xbd: {  	s0 =	sadd.s32 $0x8F2B, s0  }
0xbe: {  	[sflag:s0] =	ssyncadd.remote.s32 $0x1  }
0xbf: {  	_ =	sfence.sel $0xFFFF  }
0xc0: {  	[dreg:$0x0] =	wrdreg $0xFFFFFFFF;
	(pc) =	sbr.abs _section_cstart, $3  }
0xc1: {  	[dreg:$0x1] =	wrdreg $0xFFFFFFFF  }
0xc2: {  	_ =	task.clear_ibuf [dreg:s7], $0x2FFFF;
	_ =	strace $0x9FFFFFFF  }
0xc3: {  	(tm) =	ssettm $0x7FFFFFFF  }
tec
execute0_lowered:
.L_overlay_start_1:
0x0: {  	(tag) =	ssettag $0x1  }
0x1: {  	s1 =	rddreg [dreg:$0x1];
	s2 =	simm.s32 $0x0;
	s0 =	srdreg.scid  }
0x2: {  	s4 =	stileid.u32;
	[smem:$0x7FF] =	sst s2;
	s8 =	sand.u32 $0x1, s0  }
0x3: {  	s3 =	sshll.u32 s4, $0x1;
	s4 =	smul.u32 $0x14000, s4;
	s14 =	sadd.s32 $0x14C00, s1  }
0x4: {  	s0 =	ssub.s32 $0x2, s8;
	s3 =	sor.u32 s8, s3;
	s15 =	smul.u32 $0x140000, s8  }
0x5: {  	s5 =	sshrl.u32 s0, $0x1;
	s6 =	sor.u32 $0x2000, s4;
	s7 =	sor.u32 $0x3000, s4  }
0x6: {  	s8 =	sadd.s32 $0x4000, s4;
	s9 =	sadd.s32 $0x5000, s4;
	s10 =	sadd.s32 $0x6000, s4  }
0x7: {  	s11 =	sadd.s32 $0x7000, s4;
	s12 =	sadd.s32 $0x8000, s4;
	s13 =	sadd.s32 $0x9000, s4  }
0x8: {  	s0 =	ssub.s32 s0, s5;
	s5 =	sor.u32 $0x1000, s4;
	s16 =	sadd.s32 s4, s15  }
0x9: {  	s25 =	sadd.s32 s15, s6;
	s30 =	sadd.s32 s15, s7;
	s19 =	sadd.s32 s15, s8  }
0xa: {  	s21 =	sadd.s32 s15, s9;
	s23 =	sadd.s32 s15, s10;
	s16 =	sshrl.u32 s16, $0x3  }
0xb: {  	s17 =	sadd.s32 s15, s5;
	s26 =	sshrl.u32 s25, $0x3;
	s20 =	sshrl.u32 s19, $0x3  }
0xc: {  	s19 =	sadd.s32 s15, s13;
	s16 =	sadd.s32 s14, s16;
	s24 =	sshrl.u32 s17, $0x3  }
0xd: {  	s17 =	sshrl.u32 s19, $0x3;
	[dreg:$0x4] =	wrdreg s16;
	s16 =	sadd.s32 s14, s24  }
0xe: {  	s18 =	sshrl.u32 s30, $0x3;
	s17 =	sadd.s32 s14, s17;
	[dreg:$0x5] =	wrdreg s16  }
0xf: {  	s22 =	sshrl.u32 s21, $0x3;
	s16 =	sadd.s32 s14, s26;
	[dreg:$0xd] =	wrdreg s17  }
0x10: {  	s25 =	sadd.s32 s15, s11;
	[dreg:$0x6] =	wrdreg s16;
	s16 =	sadd.s32 s14, s18  }
0x11: {  	s30 =	sadd.s32 s15, s12;
	[dreg:$0x7] =	wrdreg s16;
	s16 =	sadd.s32 s14, s20  }
0x12: {  	s24 =	sshrl.u32 s23, $0x3;
	[dreg:$0x8] =	wrdreg s16;
	s16 =	sadd.s32 s14, s22  }
0x13: {  	s26 =	sshrl.u32 s25, $0x3;
	[dreg:$0x9] =	wrdreg s16;
	s16 =	sadd.s32 s14, s24  }
0x14: {  	s18 =	sshrl.u32 s30, $0x3;
	[dreg:$0xa] =	wrdreg s16;
	s16 =	sadd.s32 s14, s26  }
0x15: {  	[dreg:$0xb] =	wrdreg s16;
	s16 =	sadd.s32 s14, s18  }
0x16: {  	s17 =	sadd.s32 $0xB000, s4;
	[dreg:$0xc] =	wrdreg s16;
	s16 =	sadd.s32 $0xA000, s4  }
0x17: {  	s28 =	sadd.s32 $0x12000, s4;
	s20 =	sadd.s32 s15, s17;
	s18 =	sadd.s32 s15, s16  }
0x18: {  	s20 =	sshrl.u32 s20, $0x3;
	s19 =	sshrl.u32 s18, $0x3;
	s18 =	sadd.s32 $0xC000, s4  }
0x19: {  	s26 =	sadd.s32 $0x10000, s4;
	s19 =	sadd.s32 s14, s19;
	s21 =	sadd.s32 s15, s18  }
0x1a: {  	[dreg:$0xe] =	wrdreg s19;
	s19 =	sadd.s32 s14, s20;
	s22 =	sshrl.u32 s21, $0x3  }
0x1b: {  	s20 =	sadd.s32 $0xD000, s4;
	[dreg:$0xf] =	wrdreg s19;
	s19 =	sadd.s32 s14, s22  }
0x1c: {  	s21 =	sadd.s32 s15, s20;
	[dreg:$0x10] =	wrdreg s19;
	s19 =	sadd.s32 $0xE000, s4  }
0x1d: {  	s22 =	sadd.s32 $0xF000, s4;
	s21 =	sshrl.u32 s21, $0x3;
	s23 =	sadd.s32 s15, s19  }
0x1e: {  	s24 =	sadd.s32 s15, s22;
	s21 =	sadd.s32 s14, s21;
	s23 =	sshrl.u32 s23, $0x3  }
0x1f: {  	s25 =	sshrl.u32 s24, $0x3;
	[dreg:$0x11] =	wrdreg s21;
	s21 =	sadd.s32 s14, s23  }
0x20: {  	s30 =	sadd.s32 s15, s26;
	[dreg:$0x12] =	wrdreg s21;
	s21 =	sadd.s32 s14, s25  }
0x21: {  	s23 =	sshrl.u32 s30, $0x3;
	[dreg:$0x13] =	wrdreg s21;
	s21 =	sadd.s32 $0x11000, s4  }
0x22: {  	s29 =	sadd.s32 $0x13000, s4;
	s23 =	sadd.s32 s14, s23;
	s24 =	sadd.s32 s15, s21  }
0x23: {  	s25 =	sadd.s32 s15, s28;
	[dreg:$0x14] =	wrdreg s23;
	s24 =	sshrl.u32 s24, $0x3  }
0x24: {  	s30 =	sshrl.u32 s25, $0x3;
	s23 =	sadd.s32 s14, s24;
	s24 =	rddreg [dreg:$0x2]  }
0x25: {  	s15 =	sadd.s32 s15, s29;
	[dreg:$0x15] =	wrdreg s23;
	s23 =	sadd.s32 s14, s30  }
0x26: {  	s15 =	sshrl.u32 s15, $0x3;
	[dreg:$0x16] =	wrdreg s23  }
0x27: {  	s14 =	sadd.s32 s14, s15;
	s23 =	rddreg [dreg:$0x0]  }
0x28: {  	s4 =	sadd.s32 s4, s24;
	[dreg:$0x17] =	wrdreg s14  }
0x29: {  	s5 =	sadd.s32 s5, s24;
	_ =	strace $0x80000047;
	[smem:$0x7DF] =	sst s4  }
0x2a: {  	s6 =	sadd.s32 s6, s24;
	[smem:$0x7E0] =	sst s5  }
0x2b: {  	s7 =	sadd.s32 s7, s24;
	[smem:$0x7E1] =	sst s6  }
0x2c: {  	s8 =	sadd.s32 s8, s24;
	[smem:$0x7E2] =	sst s7  }
0x2d: {  	s3 =	smul.u32 $0x2800, s3;
	s9 =	sadd.s32 s9, s24;
	[smem:$0x7E3] =	sst s8  }
0x2e: {  	s0 =	smax.u32 s0, $0x1;
	s25 =	sadd.s32 $0xA000, s1;
	[smem:$0x7E4] =	sst s9  }
0x2f: {  	s30 =	sshrl.u32 s3, $0x3;
	s22 =	sadd.s32 s22, s24;
	[smem:$0x7F9] =	sst s0  }
0x30: {  	s21 =	sadd.s32 s21, s24;
	s31 =	sor.u32 $0x4, s30;
	[smem:$0x7FC] =	sst s22  }
0x31: {  	s15 =	sadd.s32 s25, s31;
	[smem:$0x7FD] =	sst s21  }
0x32: {  	s5 =	sadd.s32 s13, s24;
	[dreg:$0x18] =	wrdreg s15  }
0x33: {  	s6 =	sadd.s32 s16, s24;
	[smem:$0x7E8] =	sst s5  }
0x34: {  	s7 =	sadd.s32 s17, s24;
	[smem:$0x7E9] =	sst s6  }
0x35: {  	s8 =	sadd.s32 s18, s24;
	[smem:$0x7EA] =	sst s7  }
0x36: {  	s9 =	sadd.s32 s20, s24;
	[smem:$0x7EB] =	sst s8  }
0x37: {  	s13 =	sadd.s32 s29, s24;
	[smem:$0x7EC] =	sst s9  }
0x38: {  	s16 =	sor.u32 $0xC0, s3;
	[smem:$0x7F0] =	sst s13  }
0x39: {  	s14 =	sor.u32 $0x8, s30;
	s17 =	sor.u32 $0xE0, s3;
	[smem:$0x7F3] =	sst s16  }
0x3a: {  	s18 =	sor.u32 $0x100, s3;
	s20 =	sor.u32 $0x140, s3;
	[smem:$0x7F4] =	sst s17  }
0x3b: {  	s29 =	simm.s32 $0x5020;
	s4 =	simm.s32 $0x9040;
	[smem:$0x7F5] =	sst s18  }
0x3c: {  	s15 =	sadd.s32 s1, s31;
	[smem:$0x7F7] =	sst s20;
	s8 =	simm.s32 $0x2710  }
0x3d: {  	s18 =	simm.s32 $0xA040;
	[dreg:$0x19] =	wrdreg s15;
	s15 =	sadd.s32 s25, s30  }
0x3e: {  	s7 =	simm.s32 $0x7040;
	[dreg:$0x1a] =	wrdreg s15;
	s15 =	sadd.s32 s1, s30  }
0x3f: {  	[dreg:$0x1b] =	wrdreg s15;
	s15 =	sor.u32 $0xC, s30;
	s30 =	sadd.s32 s25, s14  }
0x40: {  	s17 =	simm.s32 $0x2;
	s14 =	sadd.s32 s1, s14;
	[dreg:$0x1c] =	wrdreg s30  }
0x41: {  	s6 =	simm.s32 $0x8040;
	[dreg:$0x1d] =	wrdreg s14;
	s30 =	sadd.s32 s25, s15  }
0x42: {  	s9 =	simm.s32 $0x4;
	s14 =	sadd.s32 s10, s24;
	[dreg:$0x1e] =	wrdreg s30  }
0x43: {  	s31 =	simm.s32 $0x15;
	s10 =	sadd.s32 s19, s24;
	[smem:$0x7E5] =	sst s14  }
0x44: {  	s5 =	simm.s32 $0x5;
	s19 =	sor.u32 $0x120, s3;
	[smem:$0x7ED] =	sst s10  }
0x45: {  	s13 =	simm.s32 $0x10;
	s30 =	sadd.s32 s1, s15;
	[smem:$0x7F6] =	sst s19  }
0x46: {  	s20 =	simm.s32 $0x17;
	s15 =	sadd.s32 s11, s24;
	[dreg:$0x1f] =	wrdreg s30  }
0x47: {  	s11 =	sadd.s32 s26, s24;
	s14 =	sor.u32 $0x80, s3;
	[smem:$0x7E6] =	sst s15  }
0x48: {  	s26 =	sadd.s32 $0x14600, s1;
	s19 =	simm.s32 $0x8;
	[smem:$0x7EE] =	sst s11  }
0x49: {  	s10 =	simm.s32 $0x16;
	s30 =	sadd.s32 s12, s24;
	[smem:$0x7F1] =	sst s14  }
0x4a: {  	v0 =	vlaneseq.u32;
	s12 =	sadd.s32 s28, s24;
	s15 =	sor.u32 $0xA0, s3;
	[smem:$0x7FA] =	sst s26  }
.Ltmp0:
0x4b: {  	v0 =	vmul.u32 $0x2, v0;
	s3 =	sor.u32 $0x160, s3;
	[smem:$0x7E7] =	sst s30;
	(pc) =	sbr.rel .LBB2_1-.Ltmp0, $4  }
0x4c: {  	s28 =	simm.s32 $0x1;
	s26 =	simm.s32 $0x7;
	[smem:$0x7EF] =	sst s12  }
0x4d: {  	v1 =	vimm.f32 $0.0e+00;
	v2 =	vor.u32 $0x1, v0;
	s11 =	simm.s32 $0x18;
	s14 =	simm.s32 $0x0;
	[smem:$0x7F2] =	sst s15  }
0x4e: {  	v3 =	vor.u32 $0x20, v0;
	v4 =	vor.u32 $0x21, v0;
	v5 =	vor.u32 $0x40, v0;
	[smem:$0x7F8] =	sst s3;
	s30 =	sadd.s32 $0x14000, s1;
	s15 =	simm.s32 $0x20  }
0x4f: {  	v6 =	vor.u32 $0x41, v0;
	v7 =	vor.u32 $0x60, v0;
	v8 =	vor.u32 $0x61, v0;
	s3 =	simm.s32 $0x3;
	s12 =	simm.s32 $0x6;
	[smem:$0x7FB] =	sst s30  }
.LBB2_22:
0x50: {  	_ =	swait.ge [sflag:s5], $0x1000  }
0x51: {  	[sflag:s5] =	ssyncset.done $0x0  }
0x52: {  	[sflag:s5] =	ssyncadd.s32 $0xFFFFF000  }
0x53: {  	_ =	swait.ge [sflag:s12], $0x1000  }
0x54: {  	[sflag:s12] =	ssyncset.done $0x0  }
0x55: {  	[sflag:s12] =	ssyncadd.s32 $0xFFFFF000  }
0x56: {  	_ =	swait.ge [sflag:s26], $0x1000  }
0x57: {  	[sflag:s26] =	ssyncset.done $0x0  }
0x58: {  	[sflag:s26] =	ssyncadd.s32 $0xFFFFF000  }
0x59: {  	_ =	swait.ge [sflag:s19], $0x1000  }
0x5a: {  	[sflag:s19] =	ssyncset.done $0x0  }
0x5b: {  	[sflag:s19] =	ssyncadd.s32 $0xFFFFF000  }
0x5c: {  	[bflag:$0x0] =	sbarrier.arrive $0xFFFF  }
0x5d: {  	s14 =	sld [smem:$0x7DF]  }
0x5e: {  	s0 =	stileid.u32  }
0x5f: {  	s0 =	sshll.u32 s0, $0x6  }
0x60: {  	s0 =	sor.u32 $0x1C01, s0;
	s16 =	rddreg [dreg:$0x4];
	s14 =	sshrl.u32 s14, $0x3  }
0x61: {  	[hbm:s16], [sflag:s0] =	dma.local [spmem:s14], $0x200  }
0x62: {  	s14 =	sld [smem:$0x7E0];
	_ =	sdelay $0x2  }
0x63: {  	s16 =	rddreg [dreg:$0x5];
	s14 =	sshrl.u32 s14, $0x3  }
0x64: {  	[hbm:s16], [sflag:s0] =	dma.local [spmem:s14], $0x200  }
0x65: {  	s14 =	sld [smem:$0x7E1];
	_ =	sdelay $0x2  }
0x66: {  	s16 =	rddreg [dreg:$0x6];
	s14 =	sshrl.u32 s14, $0x3  }
0x67: {  	[hbm:s16], [sflag:s0] =	dma.local [spmem:s14], $0x200  }
0x68: {  	s14 =	sld [smem:$0x7E2];
	_ =	sdelay $0x2  }
0x69: {  	s16 =	rddreg [dreg:$0x7];
	s14 =	sshrl.u32 s14, $0x3  }
0x6a: {  	[hbm:s16], [sflag:s0] =	dma.local [spmem:s14], $0x200  }
0x6b: {  	s14 =	sld [smem:$0x7E3];
	_ =	sdelay $0x2  }
0x6c: {  	s16 =	rddreg [dreg:$0x8];
	s14 =	sshrl.u32 s14, $0x3  }
0x6d: {  	[hbm:s16], [sflag:s0] =	dma.local [spmem:s14], $0x200  }
0x6e: {  	s14 =	sld [smem:$0x7E4];
	_ =	sdelay $0x2  }
0x6f: {  	s16 =	rddreg [dreg:$0x9];
	s14 =	sshrl.u32 s14, $0x3  }
0x70: {  	[hbm:s16], [sflag:s0] =	dma.local [spmem:s14], $0x200  }
0x71: {  	s14 =	sld [smem:$0x7E5];
	_ =	sdelay $0x2  }
0x72: {  	s16 =	rddreg [dreg:$0xa];
	s14 =	sshrl.u32 s14, $0x3  }
0x73: {  	[hbm:s16], [sflag:s0] =	dma.local [spmem:s14], $0x200  }
0x74: {  	s14 =	sld [smem:$0x7E6];
	_ =	sdelay $0x2  }
0x75: {  	s16 =	rddreg [dreg:$0xb];
	s14 =	sshrl.u32 s14, $0x3  }
0x76: {  	[hbm:s16], [sflag:s0] =	dma.local [spmem:s14], $0x200  }
0x77: {  	s14 =	sld [smem:$0x7E7];
	_ =	sdelay $0x2  }
0x78: {  	s16 =	rddreg [dreg:$0xc];
	s14 =	sshrl.u32 s14, $0x3  }
0x79: {  	[hbm:s16], [sflag:s0] =	dma.local [spmem:s14], $0x200  }
0x7a: {  	s14 =	sld [smem:$0x7E8];
	_ =	sdelay $0x2  }
0x7b: {  	s16 =	rddreg [dreg:$0xd];
	s14 =	sshrl.u32 s14, $0x3  }
0x7c: {  	[hbm:s16], [sflag:s0] =	dma.local [spmem:s14], $0x200  }
0x7d: {  	s14 =	sld [smem:$0x7E9];
	_ =	sdelay $0x2  }
0x7e: {  	s16 =	rddreg [dreg:$0xe];
	s14 =	sshrl.u32 s14, $0x3  }
0x7f: {  	[hbm:s16], [sflag:s0] =	dma.local [spmem:s14], $0x200  }
0x80: {  	s14 =	sld [smem:$0x7EA];
	_ =	sdelay $0x2  }
0x81: {  	s16 =	rddreg [dreg:$0xf];
	s14 =	sshrl.u32 s14, $0x3  }
0x82: {  	[hbm:s16], [sflag:s0] =	dma.local [spmem:s14], $0x200  }
0x83: {  	s14 =	sld [smem:$0x7EB];
	_ =	sdelay $0x2  }
0x84: {  	s16 =	rddreg [dreg:$0x10];
	s14 =	sshrl.u32 s14, $0x3  }
0x85: {  	[hbm:s16], [sflag:s0] =	dma.local [spmem:s14], $0x200  }
0x86: {  	s14 =	sld [smem:$0x7EC];
	_ =	sdelay $0x2  }
0x87: {  	s16 =	rddreg [dreg:$0x11];
	s14 =	sshrl.u32 s14, $0x3  }
0x88: {  	[hbm:s16], [sflag:s0] =	dma.local [spmem:s14], $0x200  }
0x89: {  	s14 =	sld [smem:$0x7ED];
	_ =	sdelay $0x2  }
0x8a: {  	s16 =	rddreg [dreg:$0x12];
	s14 =	sshrl.u32 s14, $0x3  }
0x8b: {  	[hbm:s16], [sflag:s0] =	dma.local [spmem:s14], $0x200  }
0x8c: {  	s22 =	sld [smem:$0x7FC];
	_ =	sdelay $0x2  }
0x8d: {  	s16 =	rddreg [dreg:$0x13];
	s21 =	sshrl.u32 s22, $0x3  }
0x8e: {  	[hbm:s16], [sflag:s0] =	dma.local [spmem:s21], $0x200  }
0x8f: {  	s14 =	sld [smem:$0x7EE];
	_ =	sdelay $0x2  }
0x90: {  	s16 =	rddreg [dreg:$0x14];
	s14 =	sshrl.u32 s14, $0x3  }
0x91: {  	[hbm:s16], [sflag:s0] =	dma.local [spmem:s14], $0x200  }
0x92: {  	s21 =	sld [smem:$0x7FD];
	_ =	sdelay $0x2  }
0x93: {  	s16 =	rddreg [dreg:$0x15];
	s30 =	sshrl.u32 s21, $0x3  }
0x94: {  	[hbm:s16], [sflag:s0] =	dma.local [spmem:s30], $0x200  }
0x95: {  	s14 =	sld [smem:$0x7EF];
	_ =	sdelay $0x2  }
0x96: {  	s16 =	rddreg [dreg:$0x16];
	s14 =	sshrl.u32 s14, $0x3  }
0x97: {  	[hbm:s16], [sflag:s0] =	dma.local [spmem:s14], $0x200  }
0x98: {  	s14 =	sld [smem:$0x7F0];
	_ =	sdelay $0x2  }
0x99: {  	s16 =	rddreg [dreg:$0x17];
	s14 =	sshrl.u32 s14, $0x3  }
0x9a: {  	[hbm:s16], [sflag:s0] =	dma.local [spmem:s14], $0x200  }
0x9b: {  	_ =	swait.ge [sflag:s28], $0x200  }
0x9c: {  	[sflag:s28] =	ssyncset.done $0x0  }
0x9d: {  	[sflag:s28] =	ssyncadd.s32 $0xFFFFFE00  }
0x9e: {  	_ =	swait.ge [sflag:s28], $0x200  }
0x9f: {  	[sflag:s28] =	ssyncset.done $0x0  }
0xa0: {  	[sflag:s28] =	ssyncadd.s32 $0xFFFFFE00  }
0xa1: {  	_ =	swait.ge [sflag:s28], $0x200  }
0xa2: {  	[sflag:s28] =	ssyncset.done $0x0  }
0xa3: {  	[sflag:s28] =	ssyncadd.s32 $0xFFFFFE00  }
0xa4: {  	_ =	swait.ge [sflag:s28], $0x200  }
0xa5: {  	[sflag:s28] =	ssyncset.done $0x0  }
0xa6: {  	[sflag:s28] =	ssyncadd.s32 $0xFFFFFE00  }
0xa7: {  	_ =	swait.ge [sflag:s28], $0x200  }
0xa8: {  	[sflag:s28] =	ssyncset.done $0x0  }
0xa9: {  	[sflag:s28] =	ssyncadd.s32 $0xFFFFFE00  }
0xaa: {  	_ =	swait.ge [sflag:s28], $0x200  }
0xab: {  	[sflag:s28] =	ssyncset.done $0x0  }
0xac: {  	[sflag:s28] =	ssyncadd.s32 $0xFFFFFE00  }
0xad: {  	_ =	swait.ge [sflag:s28], $0x200  }
0xae: {  	[sflag:s28] =	ssyncset.done $0x0  }
0xaf: {  	[sflag:s28] =	ssyncadd.s32 $0xFFFFFE00  }
0xb0: {  	_ =	swait.ge [sflag:s28], $0x200  }
0xb1: {  	[sflag:s28] =	ssyncset.done $0x0  }
0xb2: {  	[sflag:s28] =	ssyncadd.s32 $0xFFFFFE00  }
0xb3: {  	_ =	swait.ge [sflag:s28], $0x200  }
0xb4: {  	[sflag:s28] =	ssyncset.done $0x0  }
0xb5: {  	[sflag:s28] =	ssyncadd.s32 $0xFFFFFE00  }
0xb6: {  	_ =	swait.ge [sflag:s28], $0x200  }
0xb7: {  	[sflag:s28] =	ssyncset.done $0x0  }
0xb8: {  	[sflag:s28] =	ssyncadd.s32 $0xFFFFFE00  }
0xb9: {  	_ =	swait.ge [sflag:s28], $0x200  }
0xba: {  	[sflag:s28] =	ssyncset.done $0x0  }
0xbb: {  	[sflag:s28] =	ssyncadd.s32 $0xFFFFFE00  }
0xbc: {  	_ =	swait.ge [sflag:s28], $0x200  }
0xbd: {  	[sflag:s28] =	ssyncset.done $0x0  }
0xbe: {  	[sflag:s28] =	ssyncadd.s32 $0xFFFFFE00  }
0xbf: {  	_ =	swait.ge [sflag:s28], $0x200  }
0xc0: {  	[sflag:s28] =	ssyncset.done $0x0  }
0xc1: {  	[sflag:s28] =	ssyncadd.s32 $0xFFFFFE00  }
0xc2: {  	_ =	swait.ge [sflag:s28], $0x200  }
0xc3: {  	[sflag:s28] =	ssyncset.done $0x0  }
0xc4: {  	[sflag:s28] =	ssyncadd.s32 $0xFFFFFE00  }
0xc5: {  	_ =	swait.ge [sflag:s28], $0x200  }
0xc6: {  	[sflag:s28] =	ssyncset.done $0x0  }
0xc7: {  	[sflag:s28] =	ssyncadd.s32 $0xFFFFFE00  }
0xc8: {  	_ =	swait.ge [sflag:s28], $0x200  }
0xc9: {  	[sflag:s28] =	ssyncset.done $0x0  }
0xca: {  	[sflag:s28] =	ssyncadd.s32 $0xFFFFFE00  }
0xcb: {  	_ =	swait.ge [sflag:s28], $0x200  }
0xcc: {  	[sflag:s28] =	ssyncset.done $0x0  }
0xcd: {  	[sflag:s28] =	ssyncadd.s32 $0xFFFFFE00  }
0xce: {  	_ =	swait.ge [sflag:s28], $0x200  }
0xcf: {  	[sflag:s28] =	ssyncset.done $0x0  }
0xd0: {  	[sflag:s28] =	ssyncadd.s32 $0xFFFFFE00  }
0xd1: {  	_ =	swait.ge [sflag:s28], $0x200  }
0xd2: {  	[sflag:s28] =	ssyncset.done $0x0  }
0xd3: {  	[sflag:s28] =	ssyncadd.s32 $0xFFFFFE00  }
0xd4: {  	_ =	swait.ge [sflag:s28], $0x200  }
0xd5: {  	s16 =	sld [smem:$0x7DE]  }
0xd6: {  	s30 =	sld [smem:$0x7F9];
	_ =	sdelay $0x1  }
0xd7: {  	s14 =	sadd.s32 $0x1, s16  }
0xd8: {  	p0 =	sne.s32 s14, s30  }
.Ltmp1:
0xd9: {  	_ = 	snop;
	(pc) =	sbr.rel @!p0 .LBB2_23-.Ltmp1, $3  }
0xda: {  	_ =	sdelay $0x1  }
0xdb: {  	[sflag:s28] =	ssyncset.done $0x0  }
0xdc: {  	[sflag:s28] =	ssyncadd.s32 $0xFFFFFE00  }
.LBB2_1:
0xdd: {  	s0 =	sld [smem:$0x7FA];
	_ =	sdelay $0x1  }
0xde: {  	[smem:$0x7DE] =	sst s14;
	s16 =	simm.s32 $0x19  }
0xdf: {  	[tilespmem:s2], [sflag:$0x19] =	stream.linear.gather [hbm4b:s0+s2], $0x2710, $0x38;
	[tilespmem:$0x1F040] =	vst v63  }
0xe0: {  	_ =	swait.ge [sflag:s16], $0x2710  }
0xe1: {  	s30 =	sld [smem:$0x7FB]  }
0xe2: {  	[sflag:s16] =	ssyncset.done $0x0  }
0xe3: {  	[sflag:s16] =	ssyncadd.s32 $0xFFFFD8F0  }
0xe4: {  	[tilespmem:s8], [sflag:$0x19] =	stream.linear.gather [hbm4b:s30+s2], $0x2710, $0x38;
	[tilespmem:$0x1F040] =	vst v63  }
0xe5: {  	_ =	swait.ge [sflag:s16], $0x2710  }
0xe6: {  	[sflag:s16] =	ssyncset.done $0x0  }
0xe7: {  	s14 =	simm.s32 $0x4E20;
	[sflag:s16] =	ssyncadd.s32 $0xFFFFD8F0;
	s16 =	rddreg [dreg:$0x1a]  }
0xe8: {  	[tilespmem:s14], [sflag:$0x9] =	stream.linear.gather [hbm4b:s16+s2], $0x20, $0x38;
	[tilespmem:$0x1F040] =	vst v63  }
0xe9: {  	s30 =	rddreg [dreg:$0x1b];
	s16 =	simm.s32 $0x4F20  }
0xea: {  	[tilespmem:s16], [sflag:$0x11] =	stream.linear.gather [hbm4b:s30+s2], $0x20, $0x38;
	[tilespmem:$0x1F040] =	vst v63  }
0xeb: {  	s30 =	rddreg [dreg:$0x18];
	s16 =	simm.s32 $0x4E40  }
0xec: {  	[tilespmem:s16], [sflag:$0xA] =	stream.linear.gather [hbm4b:s30+s2], $0x20, $0x38;
	[tilespmem:$0x1F040] =	vst v63  }
0xed: {  	s0 =	rddreg [dreg:$0x19];
	s30 =	simm.s32 $0x4F40  }
0xee: {  	[tilespmem:s30], [sflag:$0x12] =	stream.linear.gather [hbm4b:s0+s2], $0x20, $0x38;
	[tilespmem:$0x1F040] =	vst v63  }
0xef: {  	s0 =	rddreg [dreg:$0x1c];
	s30 =	simm.s32 $0x4E60  }
0xf0: {  	[tilespmem:s30], [sflag:$0xB] =	stream.linear.gather [hbm4b:s0+s2], $0x20, $0x38;
	[tilespmem:$0x1F040] =	vst v63  }
0xf1: {  	s0 =	rddreg [dreg:$0x1d];
	s30 =	simm.s32 $0x4F60  }
0xf2: {  	[tilespmem:s30], [sflag:$0x13] =	stream.linear.gather [hbm4b:s0+s2], $0x20, $0x38;
	[tilespmem:$0x1F040] =	vst v63  }
0xf3: {  	s0 =	rddreg [dreg:$0x1e];
	s30 =	simm.s32 $0x4E80  }
0xf4: {  	[tilespmem:s30], [sflag:$0xC] =	stream.linear.gather [hbm4b:s0+s2], $0x20, $0x38;
	[tilespmem:$0x1F040] =	vst v63  }
0xf5: {  	s0 =	rddreg [dreg:$0x1f];
	s30 =	simm.s32 $0x4F80  }
0xf6: {  	[tilespmem:s30], [sflag:$0x14] =	stream.linear.gather [hbm4b:s0+s2], $0x20, $0x38;
	[tilespmem:$0x1F040] =	vst v63  }
0xf7: {  	s30 =	simm.s32 $0x9  }
0xf8: {  	_ =	swait.ge [sflag:s30], $0x20  }
0xf9: {  	[sflag:s30] =	ssyncset.done $0x0  }
0xfa: {  	[sflag:s30] =	ssyncadd.s32 $0xFFFFFFE0;
	s30 =	simm.s32 $0x5040  }
0xfb: {  	[tilespmem:s30], [sflag:$0x1] =	stream.indirect.gather [hbm4b:s23+s15], $0x40, s14, s15, $0xb8;
	[tilespmem:$0x1F040] =	vst v63  }
0xfc: {  	s14 =	simm.s32 $0xA  }
0xfd: {  	_ =	swait.ge [sflag:s14], $0x20  }
0xfe: {  	s0 =	simm.s32 $0x0;
	[sflag:s14] =	ssyncset.done $0x0  }
0xff: {  	s30 =	simm.s32 $0x5840;
	[sflag:s14] =	ssyncadd.s32 $0xFFFFFFE0;
	s14 =	simm.s32 $0x200  }
0x100: {  	[tilespmem:s30], [sflag:$0x2] =	stream.indirect.gather [hbm4b:s23+s15], $0x40, s16, s15, $0xb8;
	[tilespmem:$0x1F040] =	vst v63  }
.LBB2_2:
0x101: {  	p0 =	sne.s32 s14, $0x3E00;
	[tilespmem:s0+$0xA0B0] =	vst v1  }
0x102: {  	[tilespmem:s0+$0xA040] =	vst v1  }
0x103: {  	[tilespmem:s0+$0xA050] =	vst v1  }
.Ltmp2:
0x104: {  	[tilespmem:s0+$0xA060] =	vst v1;
	(pc) =	sbr.rel @p0 .LBB2_2-.Ltmp2, $4  }
0x105: {  	[tilespmem:s0+$0xA070] =	vst v1  }
0x106: {  	[tilespmem:s0+$0xA080] =	vst v1  }
0x107: {  	[tilespmem:s0+$0xA090] =	vst v1  }
0x108: {  	[tilespmem:s0+$0xA0A0] =	vst v1;
	s0 =	sshra.s32 s14, $0x2;
	s14 =	sadd.s32 $0x200, s14  }
0x109: {  	[tilespmem:s0+$0xA0B0] =	vst v1  }
0x10a: {  	[tilespmem:s0+$0xA040] =	vst v1  }
0x10b: {  	[tilespmem:s0+$0xA050] =	vst v1  }
0x10c: {  	[tilespmem:s0+$0xA060] =	vst v1  }
0x10d: {  	[tilespmem:s0+$0xA070] =	vst v1  }
0x10e: {  	[tilespmem:s0+$0xA080] =	vst v1;
	s16 =	sld [smem:$0x7DF]  }
0x10f: {  	[tilespmem:s0+$0xA090] =	vst v1  }
0x110: {  	[tilespmem:s0+$0xA0A0] =	vst v1;
	s30 =	sld [smem:$0x7E0]  }
0x111: {  	[spmem:s16] =	stream.linear.scatter [tilespmem:s18], [sflag:$0x8], $0x1000, $0x38;
	[tilespmem:$0x1F040] =	vst v63  }
0x112: {  	s14 =	sld [smem:$0x7E1]  }
0x113: {  	[spmem:s30] =	stream.linear.scatter [tilespmem:s18], [sflag:$0x8], $0x1000, $0x38;
	[tilespmem:$0x1F040] =	vst v63  }
0x114: {  	s16 =	sld [smem:$0x7E2]  }
0x115: {  	[spmem:s14] =	stream.linear.scatter [tilespmem:s18], [sflag:$0x8], $0x1000, $0x38;
	[tilespmem:$0x1F040] =	vst v63  }
0x116: {  	s30 =	sld [smem:$0x7E3]  }
0x117: {  	[spmem:s16] =	stream.linear.scatter [tilespmem:s18], [sflag:$0x8], $0x1000, $0x38;
	[tilespmem:$0x1F040] =	vst v63  }
0x118: {  	s14 =	sld [smem:$0x7E4]  }
0x119: {  	[spmem:s30] =	stream.linear.scatter [tilespmem:s18], [sflag:$0x8], $0x1000, $0x38;
	[tilespmem:$0x1F040] =	vst v63  }
0x11a: {  	s16 =	sld [smem:$0x7E5]  }
0x11b: {  	[spmem:s14] =	stream.linear.scatter [tilespmem:s18], [sflag:$0x8], $0x1000, $0x38;
	[tilespmem:$0x1F040] =	vst v63  }
0x11c: {  	s30 =	sld [smem:$0x7E6]  }
0x11d: {  	[spmem:s16] =	stream.linear.scatter [tilespmem:s18], [sflag:$0x8], $0x1000, $0x38;
	[tilespmem:$0x1F040] =	vst v63  }
0x11e: {  	s14 =	sld [smem:$0x7E7]  }
0x11f: {  	[spmem:s30] =	stream.linear.scatter [tilespmem:s18], [sflag:$0x8], $0x1000, $0x38;
	[tilespmem:$0x1F040] =	vst v63  }
0x120: {  	s16 =	sld [smem:$0x7E8]  }
0x121: {  	[spmem:s14] =	stream.linear.scatter [tilespmem:s18], [sflag:$0x8], $0x1000, $0x38;
	[tilespmem:$0x1F040] =	vst v63  }
0x122: {  	s30 =	sld [smem:$0x7E9]  }
0x123: {  	[spmem:s16] =	stream.linear.scatter [tilespmem:s18], [sflag:$0x8], $0x1000, $0x38;
	[tilespmem:$0x1F040] =	vst v63  }
0x124: {  	s14 =	sld [smem:$0x7EA]  }
0x125: {  	[spmem:s30] =	stream.linear.scatter [tilespmem:s18], [sflag:$0x8], $0x1000, $0x38;
	[tilespmem:$0x1F040] =	vst v63  }
0x126: {  	s16 =	sld [smem:$0x7EB]  }
0x127: {  	[spmem:s14] =	stream.linear.scatter [tilespmem:s18], [sflag:$0x8], $0x1000, $0x38;
	[tilespmem:$0x1F040] =	vst v63  }
0x128: {  	s30 =	sld [smem:$0x7EC]  }
0x129: {  	[spmem:s16] =	stream.linear.scatter [tilespmem:s18], [sflag:$0x8], $0x1000, $0x38;
	[tilespmem:$0x1F040] =	vst v63  }
0x12a: {  	s14 =	sld [smem:$0x7ED]  }
0x12b: {  	[spmem:s30] =	stream.linear.scatter [tilespmem:s18], [sflag:$0x8], $0x1000, $0x38;
	[tilespmem:$0x1F040] =	vst v63  }
0x12c: {  	_ = 	snop  }
0x12d: {  	[spmem:s14] =	stream.linear.scatter [tilespmem:s18], [sflag:$0x8], $0x1000, $0x38;
	[tilespmem:$0x1F040] =	vst v63  }
0x12e: {  	s16 =	sld [smem:$0x7EE]  }
0x12f: {  	[spmem:s22] =	stream.linear.scatter [tilespmem:s18], [sflag:$0x8], $0x1000, $0x38;
	[tilespmem:$0x1F040] =	vst v63  }
0x130: {  	_ = 	snop  }
0x131: {  	[spmem:s16] =	stream.linear.scatter [tilespmem:s18], [sflag:$0x8], $0x1000, $0x38;
	[tilespmem:$0x1F040] =	vst v63  }
0x132: {  	s22 =	sld [smem:$0x7EF]  }
0x133: {  	[spmem:s21] =	stream.linear.scatter [tilespmem:s18], [sflag:$0x8], $0x1000, $0x38;
	[tilespmem:$0x1F040] =	vst v63  }
0x134: {  	s30 =	sld [smem:$0x7F0]  }
0x135: {  	[spmem:s22] =	stream.linear.scatter [tilespmem:s18], [sflag:$0x8], $0x1000, $0x38;
	[tilespmem:$0x1F040] =	vst v63  }
0x136: {  	_ = 	snop  }
0x137: {  	[spmem:s30] =	stream.linear.scatter [tilespmem:s18], [sflag:$0x8], $0x1000, $0x38;
	[tilespmem:$0x1F040] =	vst v63  }
0x138: {  	_ =	swait.ge [sflag:s19], $0x1000  }
0x139: {  	[sflag:s19] =	ssyncset.done $0x0  }
0x13a: {  	[sflag:s19] =	ssyncadd.s32 $0xFFFFF000  }
0x13b: {  	_ =	swait.ge [sflag:s19], $0x1000  }
0x13c: {  	[sflag:s19] =	ssyncset.done $0x0  }
0x13d: {  	[sflag:s19] =	ssyncadd.s32 $0xFFFFF000  }
0x13e: {  	_ =	swait.ge [sflag:s19], $0x1000  }
0x13f: {  	[sflag:s19] =	ssyncset.done $0x0  }
0x140: {  	[sflag:s19] =	ssyncadd.s32 $0xFFFFF000  }
0x141: {  	_ =	swait.ge [sflag:s19], $0x1000  }
0x142: {  	[sflag:s19] =	ssyncset.done $0x0  }
0x143: {  	[sflag:s19] =	ssyncadd.s32 $0xFFFFF000  }
0x144: {  	_ =	swait.ge [sflag:s19], $0x1000  }
0x145: {  	[sflag:s19] =	ssyncset.done $0x0  }
0x146: {  	[sflag:s19] =	ssyncadd.s32 $0xFFFFF000  }
0x147: {  	_ =	swait.ge [sflag:s19], $0x1000  }
0x148: {  	[sflag:s19] =	ssyncset.done $0x0  }
0x149: {  	[sflag:s19] =	ssyncadd.s32 $0xFFFFF000  }
0x14a: {  	_ =	swait.ge [sflag:s19], $0x1000  }
0x14b: {  	[sflag:s19] =	ssyncset.done $0x0  }
0x14c: {  	[sflag:s19] =	ssyncadd.s32 $0xFFFFF000  }
0x14d: {  	_ =	swait.ge [sflag:s19], $0x1000  }
0x14e: {  	[sflag:s19] =	ssyncset.done $0x0  }
0x14f: {  	[sflag:s19] =	ssyncadd.s32 $0xFFFFF000  }
0x150: {  	_ =	swait.ge [sflag:s19], $0x1000  }
0x151: {  	[sflag:s19] =	ssyncset.done $0x0  }
0x152: {  	[sflag:s19] =	ssyncadd.s32 $0xFFFFF000  }
0x153: {  	_ =	swait.ge [sflag:s19], $0x1000  }
0x154: {  	[sflag:s19] =	ssyncset.done $0x0  }
0x155: {  	[sflag:s19] =	ssyncadd.s32 $0xFFFFF000  }
0x156: {  	_ =	swait.ge [sflag:s19], $0x1000  }
0x157: {  	[sflag:s19] =	ssyncset.done $0x0  }
0x158: {  	[sflag:s19] =	ssyncadd.s32 $0xFFFFF000  }
0x159: {  	_ =	swait.ge [sflag:s19], $0x1000  }
0x15a: {  	[sflag:s19] =	ssyncset.done $0x0  }
0x15b: {  	[sflag:s19] =	ssyncadd.s32 $0xFFFFF000  }
0x15c: {  	_ =	swait.ge [sflag:s19], $0x1000  }
0x15d: {  	[sflag:s19] =	ssyncset.done $0x0  }
0x15e: {  	[sflag:s19] =	ssyncadd.s32 $0xFFFFF000  }
0x15f: {  	_ =	swait.ge [sflag:s19], $0x1000  }
0x160: {  	[sflag:s19] =	ssyncset.done $0x0  }
0x161: {  	[sflag:s19] =	ssyncadd.s32 $0xFFFFF000  }
0x162: {  	_ =	swait.ge [sflag:s19], $0x1000  }
0x163: {  	[sflag:s19] =	ssyncset.done $0x0  }
0x164: {  	[sflag:s19] =	ssyncadd.s32 $0xFFFFF000  }
0x165: {  	_ =	swait.ge [sflag:s19], $0x1000  }
0x166: {  	[sflag:s19] =	ssyncset.done $0x0  }
0x167: {  	[sflag:s19] =	ssyncadd.s32 $0xFFFFF000  }
0x168: {  	_ =	swait.ge [sflag:s19], $0x1000  }
0x169: {  	[sflag:s19] =	ssyncset.done $0x0  }
0x16a: {  	[sflag:s19] =	ssyncadd.s32 $0xFFFFF000  }
0x16b: {  	_ =	swait.ge [sflag:s19], $0x1000  }
0x16c: {  	[sflag:s19] =	ssyncset.done $0x0  }
0x16d: {  	[sflag:s19] =	ssyncadd.s32 $0xFFFFF000  }
0x16e: {  	_ =	swait.ge [sflag:s19], $0x1000  }
0x16f: {  	[sflag:s19] =	ssyncset.done $0x0  }
0x170: {  	[sflag:s19] =	ssyncadd.s32 $0xFFFFF000  }
0x171: {  	_ =	swait.ge [sflag:s19], $0x1000  }
0x172: {  	[sflag:s19] =	ssyncset.done $0x0  }
0x173: {  	[sflag:s19] =	ssyncadd.s32 $0xFFFFF000  }
0x174: {  	s16 =	simm.s32 $0x0;
	[bflag:$0x0] =	sbarrier.arrive $0xFFFF  }
.LBB2_4:
0x175: {  	s0 =	simm.s32 $0xB  }
0x176: {  	_ =	swait.ge [sflag:s0], $0x20  }
0x177: {  	s30 =	simm.s32 $0x4E60;
	[sflag:s0] =	ssyncset.done $0x0  }
0x178: {  	s14 =	simm.s32 $0x6040;
	s21 =	simm.s32 $0x11;
	[sflag:s0] =	ssyncadd.s32 $0xFFFFFFE0  }
0x179: {  	[tilespmem:s14], [sflag:$0x3] =	stream.indirect.gather [hbm4b:s23+s15], $0x40, s30, s15, $0xb8;
	[tilespmem:$0x1F040] =	vst v63  }
0x17a: {  	_ =	swait.ge [sflag:s21], $0x20  }
0x17b: {  	[sflag:s21] =	ssyncset.done $0x0  }
0x17c: {  	[sflag:s21] =	ssyncadd.s32 $0xFFFFFFE0  }
0x17d: {  	v9 =	vld [tilespmem:$0x4F20];
	_ =	sdelay $0x1  }
0x17e: {  	v10 =	vld [tilespmem:$0x4E20];
	_ =	sdelay $0x2  }
0x17f: {  	vm0 =	vlt.s32 v9, $0x270F  }
0x180: {  	v9 =	vnsel vm0, $0x270F, v9;
	_ =	sdelay $0x3  }
0x181: {  	v10 =	vld.idx.msk [tilespmem:v10+s2+$0x0], $0xffff  }
0x182: {  	v9 =	vld.idx.msk [tilespmem:v9+s8+$0x0], $0xffff;
	_ =	sdelay $0x4  }
0x183: {  	v9 =	vadd.f32 v9, v10;
	_ =	sdelay $0x1  }
0x184: {  	v10 =	vmul.f32 $9.999999770e-03, v9;
	_ =	sdelay $0x1  }
0x185: {  	v9 =	vmax.f32 v9, v10  }
0x186: {  	v9 =	vsub.f32 $0.0e+00, v9;
	_ =	sdelay $0x1  }
0x187: {  	v9 =	vmul.f32 $1.442695020e+00, v9;
	_ =	sdelay $0x1  }
0x188: {  	(erf) = vpow2.f32 v9;
	_ =	sdelay $0x8  }
0x189: {  	v9 =	vpop (erf)  }
0x18a: {  	v9 =	vadd.f32 $1.000000000e+00, v9;
	_ =	sdelay $0x1  }
0x18b: {  	(erf) = vrcp.f32 v9  }
0x18c: {  	v9 =	vld [tilespmem:$0x4F30];
	_ =	sdelay $0x1  }
0x18d: {  	v10 =	vld [tilespmem:$0x4E30];
	_ =	sdelay $0x2  }
0x18e: {  	vm15 =	vlt.s32 v9, $0x270F  }
0x18f: {  	v9 =	vnsel vm15, $0x270F, v9;
	_ =	sdelay $0x1  }
0x190: {  	v11 =	vpop (erf)  }
0x191: {  	[tilespmem:$0x5020] =	vst v11  }
0x192: {  	v10 =	vld.idx.msk [tilespmem:v10+s2+$0x0], $0xffff  }
0x193: {  	v9 =	vld.idx.msk [tilespmem:v9+s8+$0x0], $0xffff;
	_ =	sdelay $0x4  }
0x194: {  	v9 =	vadd.f32 v9, v10;
	_ =	sdelay $0x1  }
0x195: {  	v10 =	vmul.f32 $9.999999770e-03, v9;
	_ =	sdelay $0x1  }
0x196: {  	v9 =	vmax.f32 v9, v10  }
0x197: {  	v9 =	vsub.f32 $0.0e+00, v9;
	_ =	sdelay $0x1  }
0x198: {  	v9 =	vmul.f32 $1.442695020e+00, v9;
	_ =	sdelay $0x1  }
0x199: {  	(erf) = vpow2.f32 v9;
	_ =	sdelay $0x8  }
0x19a: {  	v9 =	vpop (erf)  }
0x19b: {  	v9 =	vadd.f32 $1.000000000e+00, v9;
	_ =	sdelay $0x1  }
0x19c: {  	(erf) = vrcp.f32 v9;
	_ =	sdelay $0x8  }
0x19d: {  	v9 =	vpop (erf)  }
0x19e: {  	[tilespmem:$0x5030] =	vst v9  }
0x19f: {  	_ =	swait.ge [sflag:s28], $0x800  }
0x1a0: {  	p0 =	seq.s32 s16, $0x0;
	s22 =	simm.s32 $0x0;
	[sflag:s28] =	ssyncset.done $0x0  }
0x1a1: {  	s0 =	simm.s32 @!p0 $0x5;
	v9 =	vmov s22;
	[sflag:s28] =	ssyncadd.s32 $0xFFFFF800  }
0x1a2: {  	_ =	swait.ge @!p0 [sflag:s0], $0x1000  }
0x1a3: {  	[sflag:s0] =	ssyncset.done @!p0 $0x0  }
0x1a4: {  	[sflag:s0] =	ssyncadd.s32 @!p0 $0xFFFFF000;
	s0 =	simm.s32 $0x5060  }
0x1a5: {  	v10 =	vld [tilespmem:s0+$0xFFFFFFE0]  }
0x1a6: {  	v12 =	vld.idx.msk [tilespmem:v9+s29+$0x0], $0xffff  }
0x1a7: {  	v9 =	vshll.u32 v9, $0x7  }
0x1a8: {  	v11 =	vor.u32 v0, v9  }
0x1a9: {  	v13 =	vor.u32 v2, v9  }
0x1aa: {  	v14 =	vunpack.i.l.bf16.f32 v10  }
0x1ab: {  	v10 =	vunpack.i.u.bf16.f32 v10;
	v14 =	vmul.f32 v14, v12  }
0x1ac: {  	v10 =	vmul.f32 v10, v12  }
0x1ad: {  	[tilespmem:v11+s7+$0x0] =	vst.idx.msk $0xffff, v14  }
0x1ae: {  	[tilespmem:v13+s7+$0x0] =	vst.idx.msk $0xffff, v10  }
0x1af: {  	v10 =	vld [tilespmem:s0+$0xFFFFFFF0];
	_ =	sdelay $0x2  }
0x1b0: {  	v11 =	vor.u32 v3, v9  }
0x1b1: {  	v13 =	vor.u32 v4, v9  }
0x1b2: {  	v14 =	vunpack.i.l.bf16.f32 v10  }
0x1b3: {  	v10 =	vunpack.i.u.bf16.f32 v10;
	v14 =	vmul.f32 v14, v12  }
0x1b4: {  	v10 =	vmul.f32 v10, v12  }
0x1b5: {  	[tilespmem:v11+s7+$0x0] =	vst.idx.msk $0xffff, v14  }
0x1b6: {  	[tilespmem:v13+s7+$0x0] =	vst.idx.msk $0xffff, v10  }
0x1b7: {  	v10 =	vld [tilespmem:s0+$0x0];
	_ =	sdelay $0x2  }
0x1b8: {  	v11 =	vor.u32 v5, v9  }
0x1b9: {  	v13 =	vor.u32 v6, v9  }
0x1ba: {  	v14 =	vunpack.i.l.bf16.f32 v10  }
0x1bb: {  	v10 =	vunpack.i.u.bf16.f32 v10;
	v14 =	vmul.f32 v14, v12  }
0x1bc: {  	v10 =	vmul.f32 v10, v12  }
0x1bd: {  	[tilespmem:v11+s7+$0x0] =	vst.idx.msk $0xffff, v14  }
0x1be: {  	[tilespmem:v13+s7+$0x0] =	vst.idx.msk $0xffff, v10  }
0x1bf: {  	v10 =	vld [tilespmem:s0+$0x10];
	_ =	sdelay $0x3  }
0x1c0: {  	v13 =	vor.u32 v7, v9  }
0x1c1: {  	v11 =	vunpack.i.l.bf16.f32 v10  }
0x1c2: {  	v14 =	vmul.f32 v11, v12;
	v11 =	vor.u32 v8, v9  }
0x1c3: {  	s30 =	simm.s32 $0x1  }
0x1c4: {  	v15 =	vunpack.i.u.bf16.f32 v10;
	v10 =	vmov s30  }
0x1c5: {  	s14 =	simm.s32 $0x2;
	s21 =	sshll.u32 s16, $0x8;
	v12 =	vmul.f32 v15, v12;
	v9 =	vshll.u32 v10, $0x7;
	[tilespmem:v13+s7+$0x0] =	vst.idx.msk $0xffff, v14  }
.LBB2_5:
0x1c6: {  	p1 =	sne.s32 s14, $0x1F  }
0x1c7: {  	[tilespmem:v11+s7+$0x0] =	vst.idx.msk $0xffff, v12;
	s0 =	sadd.s32 $0x40, s0;
	s22 =	smov.u32 s14;
	s14 =	sadd.s32 $0x1, s14  }
0x1c8: {  	v11 =	vld [tilespmem:s0+$0xFFFFFFE0]  }
0x1c9: {  	v12 =	vld.idx.msk [tilespmem:v10+s29+$0x0], $0xffff;
	_ =	sdelay $0x2  }
0x1ca: {  	v10 =	vor.u32 v0, v9  }
0x1cb: {  	v13 =	vor.u32 v2, v9  }
0x1cc: {  	v14 =	vunpack.i.l.bf16.f32 v11  }
0x1cd: {  	v11 =	vunpack.i.u.bf16.f32 v11;
	v14 =	vmul.f32 v14, v12  }
0x1ce: {  	v11 =	vmul.f32 v11, v12  }
0x1cf: {  	[tilespmem:v10+s7+$0x0] =	vst.idx.msk $0xffff, v14  }
0x1d0: {  	[tilespmem:v13+s7+$0x0] =	vst.idx.msk $0xffff, v11  }
0x1d1: {  	v10 =	vld [tilespmem:s0+$0xFFFFFFF0];
	_ =	sdelay $0x2  }
0x1d2: {  	v11 =	vor.u32 v3, v9  }
0x1d3: {  	v13 =	vor.u32 v4, v9  }
0x1d4: {  	v14 =	vunpack.i.u.bf16.f32 v10;
	v10 =	vunpack.i.l.bf16.f32 v10  }
0x1d5: {  	v10 =	vmul.f32 v10, v12;
	v14 =	vmul.f32 v14, v12;
	_ =	sdelay $0x1  }
0x1d6: {  	[tilespmem:v11+s7+$0x0] =	vst.idx.msk $0xffff, v10  }
0x1d7: {  	[tilespmem:v13+s7+$0x0] =	vst.idx.msk $0xffff, v14  }
0x1d8: {  	v10 =	vld [tilespmem:s0+$0x0];
	_ =	sdelay $0x2  }
0x1d9: {  	v11 =	vor.u32 v5, v9  }
0x1da: {  	v13 =	vor.u32 v6, v9  }
0x1db: {  	v14 =	vunpack.i.u.bf16.f32 v10;
	v10 =	vunpack.i.l.bf16.f32 v10  }
0x1dc: {  	v10 =	vmul.f32 v10, v12;
	v14 =	vmul.f32 v14, v12;
	_ =	sdelay $0x1  }
0x1dd: {  	[tilespmem:v11+s7+$0x0] =	vst.idx.msk $0xffff, v10  }
0x1de: {  	[tilespmem:v13+s7+$0x0] =	vst.idx.msk $0xffff, v14  }
0x1df: {  	v10 =	vld [tilespmem:s0+$0x10];
	_ =	sdelay $0x2  }
0x1e0: {  	v13 =	vor.u32 v7, v9  }
.Ltmp3:
0x1e1: {  	v11 =	vor.u32 v8, v9;
	(pc) =	sbr.rel @p1 .LBB2_5-.Ltmp3, $4  }
0x1e2: {  	v9 =	vunpack.i.u.bf16.f32 v10;
	v14 =	vunpack.i.l.bf16.f32 v10  }
0x1e3: {  	v10 =	vmov s22;
	v14 =	vmul.f32 v14, v12;
	v12 =	vmul.f32 v9, v12  }
0x1e4: {  	v9 =	vshll.u32 v10, $0x7  }
0x1e5: {  	[tilespmem:v13+s7+$0x0] =	vst.idx.msk $0xffff, v14  }
0x1e6: {  	_ =	sdelay $0x3  }
0x1e7: {  	[tilespmem:v11+s7+$0x0] =	vst.idx.msk $0xffff, v12;
	s0 =	sadd.s32 $0x40, s0  }
0x1e8: {  	v11 =	vld [tilespmem:s0+$0xFFFFFFE0]  }
0x1e9: {  	v10 =	vld.idx.msk [tilespmem:v10+s29+$0x0], $0xffff;
	_ =	sdelay $0x1  }
0x1ea: {  	v12 =	vor.u32 v0, v9  }
0x1eb: {  	v13 =	vor.u32 v2, v9  }
0x1ec: {  	v14 =	vunpack.i.l.bf16.f32 v11  }
0x1ed: {  	v11 =	vunpack.i.u.bf16.f32 v11;
	v14 =	vmul.f32 v14, v10  }
0x1ee: {  	v11 =	vmul.f32 v11, v10  }
0x1ef: {  	[tilespmem:v12+s7+$0x0] =	vst.idx.msk $0xffff, v14  }
0x1f0: {  	[tilespmem:v13+s7+$0x0] =	vst.idx.msk $0xffff, v11  }
0x1f1: {  	v11 =	vld [tilespmem:s0+$0xFFFFFFF0];
	_ =	sdelay $0x2  }
0x1f2: {  	v12 =	vor.u32 v3, v9  }
0x1f3: {  	v13 =	vor.u32 v4, v9  }
0x1f4: {  	v14 =	vunpack.i.l.bf16.f32 v11  }
0x1f5: {  	v11 =	vunpack.i.u.bf16.f32 v11;
	v14 =	vmul.f32 v14, v10  }
0x1f6: {  	v11 =	vmul.f32 v11, v10  }
0x1f7: {  	[tilespmem:v12+s7+$0x0] =	vst.idx.msk $0xffff, v14  }
0x1f8: {  	[tilespmem:v13+s7+$0x0] =	vst.idx.msk $0xffff, v11  }
0x1f9: {  	v11 =	vld [tilespmem:s0+$0x0];
	_ =	sdelay $0x2  }
0x1fa: {  	v12 =	vor.u32 v5, v9  }
0x1fb: {  	v13 =	vor.u32 v6, v9  }
0x1fc: {  	v14 =	vunpack.i.l.bf16.f32 v11  }
0x1fd: {  	v11 =	vunpack.i.u.bf16.f32 v11;
	v14 =	vmul.f32 v14, v10  }
0x1fe: {  	v11 =	vmul.f32 v11, v10  }
0x1ff: {  	[tilespmem:v12+s7+$0x0] =	vst.idx.msk $0xffff, v14  }
0x200: {  	[tilespmem:v13+s7+$0x0] =	vst.idx.msk $0xffff, v11  }
0x201: {  	v11 =	vld [tilespmem:s0+$0x10];
	_ =	sdelay $0x2  }
0x202: {  	v12 =	vor.u32 v7, v9  }
0x203: {  	v9 =	vor.u32 v8, v9  }
0x204: {  	s22 =	sld [smem:$0x7F1];
	v13 =	vunpack.i.l.bf16.f32 v11  }
0x205: {  	v11 =	vunpack.i.u.bf16.f32 v11;
	v13 =	vmul.f32 v13, v10  }
0x206: {  	v10 =	vmul.f32 v11, v10  }
0x207: {  	s0 =	sadd.s32 s21, s22;
	[tilespmem:v12+s7+$0x0] =	vst.idx.msk $0xffff, v13  }
0x208: {  	s14 =	simm.s32 $0x4F20;
	s0 =	sshrl.u32 s0, $0x3;
	[tilespmem:v9+s7+$0x0] =	vst.idx.msk $0xffff, v10  }
0x209: {  	[spmem:s24] =	stream.indirect.scatter.add.f32 [tilespmem:s7], [sflag:$0x5], $0x80, s14, s15, $0xb8;
	[tilespmem:$0x1F040] =	vst v63  }
0x20a: {  	s22 =	simm.s32 $0x4EA0;
	s14 =	sadd.s32 s25, s0  }
0x20b: {  	[tilespmem:s22], [sflag:$0xD] =	stream.linear.gather [hbm4b:s14+s2], $0x20, $0x38;
	[tilespmem:$0x1F040] =	vst v63  }
0x20c: {  	s30 =	simm.s32 $0x4FA0;
	s0 =	sadd.s32 s1, s0;
	s14 =	simm.s32 $0xC  }
0x20d: {  	[tilespmem:s30], [sflag:$0x15] =	stream.linear.gather [hbm4b:s0+s2], $0x20, $0x38;
	[tilespmem:$0x1F040] =	vst v63  }
0x20e: {  	_ =	swait.ge [sflag:s14], $0x20  }
0x20f: {  	s22 =	simm.s32 $0x4E80;
	[sflag:s14] =	ssyncset.done $0x0  }
0x210: {  	s30 =	simm.s32 $0x6840;
	[sflag:s14] =	ssyncadd.s32 $0xFFFFFFE0;
	s14 =	simm.s32 $0x12  }
0x211: {  	[tilespmem:s30], [sflag:$0x4] =	stream.indirect.gather [hbm4b:s23+s15], $0x40, s22, s15, $0xb8;
	[tilespmem:$0x1F040] =	vst v63  }
0x212: {  	_ =	swait.ge [sflag:s14], $0x20  }
0x213: {  	[sflag:s14] =	ssyncset.done $0x0  }
0x214: {  	[sflag:s14] =	ssyncadd.s32 $0xFFFFFFE0  }
0x215: {  	v9 =	vld [tilespmem:$0x4F40];
	_ =	sdelay $0x1  }
0x216: {  	v10 =	vld [tilespmem:$0x4E40];
	_ =	sdelay $0x2  }
0x217: {  	vm0 =	vlt.s32 v9, $0x270F  }
0x218: {  	v9 =	vnsel vm0, $0x270F, v9;
	_ =	sdelay $0x3  }
0x219: {  	v10 =	vld.idx.msk [tilespmem:v10+s2+$0x0], $0xffff  }
0x21a: {  	v9 =	vld.idx.msk [tilespmem:v9+s8+$0x0], $0xffff;
	_ =	sdelay $0x4  }
0x21b: {  	v9 =	vadd.f32 v9, v10;
	_ =	sdelay $0x1  }
0x21c: {  	v10 =	vmul.f32 $9.999999770e-03, v9;
	_ =	sdelay $0x1  }
0x21d: {  	v9 =	vmax.f32 v9, v10  }
0x21e: {  	v9 =	vsub.f32 $0.0e+00, v9;
	_ =	sdelay $0x1  }
0x21f: {  	v9 =	vmul.f32 $1.442695020e+00, v9;
	_ =	sdelay $0x1  }
0x220: {  	(erf) = vpow2.f32 v9;
	_ =	sdelay $0x8  }
0x221: {  	v9 =	vpop (erf)  }
0x222: {  	v9 =	vadd.f32 $1.000000000e+00, v9;
	_ =	sdelay $0x1  }
0x223: {  	(erf) = vrcp.f32 v9  }
0x224: {  	v9 =	vld [tilespmem:$0x4F50];
	_ =	sdelay $0x1  }
0x225: {  	v10 =	vld [tilespmem:$0x4E50];
	_ =	sdelay $0x2  }
0x226: {  	vm15 =	vlt.s32 v9, $0x270F  }
0x227: {  	v9 =	vnsel vm15, $0x270F, v9;
	_ =	sdelay $0x1  }
0x228: {  	v11 =	vpop (erf)  }
0x229: {  	[tilespmem:$0x5020] =	vst v11  }
0x22a: {  	v10 =	vld.idx.msk [tilespmem:v10+s2+$0x0], $0xffff  }
0x22b: {  	v9 =	vld.idx.msk [tilespmem:v9+s8+$0x0], $0xffff;
	_ =	sdelay $0x4  }
0x22c: {  	v9 =	vadd.f32 v9, v10;
	_ =	sdelay $0x1  }
0x22d: {  	v10 =	vmul.f32 $9.999999770e-03, v9;
	_ =	sdelay $0x1  }
0x22e: {  	v9 =	vmax.f32 v9, v10  }
0x22f: {  	v9 =	vsub.f32 $0.0e+00, v9;
	_ =	sdelay $0x1  }
0x230: {  	v9 =	vmul.f32 $1.442695020e+00, v9;
	_ =	sdelay $0x1  }
0x231: {  	(erf) = vpow2.f32 v9;
	_ =	sdelay $0x8  }
0x232: {  	v9 =	vpop (erf)  }
0x233: {  	v9 =	vadd.f32 $1.000000000e+00, v9;
	_ =	sdelay $0x1  }
0x234: {  	(erf) = vrcp.f32 v9;
	_ =	sdelay $0x8  }
0x235: {  	v9 =	vpop (erf)  }
0x236: {  	[tilespmem:$0x5030] =	vst v9  }
0x237: {  	_ =	swait.ge [sflag:s17], $0x800  }
0x238: {  	s22 =	simm.s32 $0x0;
	[sflag:s17] =	ssyncset.done $0x0  }
0x239: {  	s14 =	simm.s32 @!p0 $0x6;
	v9 =	vmov s22;
	[sflag:s17] =	ssyncadd.s32 $0xFFFFF800  }
0x23a: {  	_ =	swait.ge @!p0 [sflag:s14], $0x1000  }
0x23b: {  	[sflag:s14] =	ssyncset.done @!p0 $0x0  }
0x23c: {  	s0 =	simm.s32 $0x5860;
	[sflag:s14] =	ssyncadd.s32 @!p0 $0xFFFFF000  }
0x23d: {  	v10 =	vld [tilespmem:s0+$0xFFFFFFE0]  }
0x23e: {  	v12 =	vld.idx.msk [tilespmem:v9+s29+$0x0], $0xffff  }
0x23f: {  	v9 =	vshll.u32 v9, $0x7  }
0x240: {  	v11 =	vor.u32 v0, v9  }
0x241: {  	v13 =	vor.u32 v2, v9  }
0x242: {  	v14 =	vunpack.i.l.bf16.f32 v10  }
0x243: {  	v10 =	vunpack.i.u.bf16.f32 v10;
	v14 =	vmul.f32 v14, v12  }
0x244: {  	v10 =	vmul.f32 v10, v12  }
0x245: {  	[tilespmem:v11+s6+$0x0] =	vst.idx.msk $0xffff, v14  }
0x246: {  	[tilespmem:v13+s6+$0x0] =	vst.idx.msk $0xffff, v10  }
0x247: {  	v10 =	vld [tilespmem:s0+$0xFFFFFFF0];
	_ =	sdelay $0x2  }
0x248: {  	v11 =	vor.u32 v3, v9  }
0x249: {  	v13 =	vor.u32 v4, v9  }
0x24a: {  	v14 =	vunpack.i.l.bf16.f32 v10  }
0x24b: {  	v10 =	vunpack.i.u.bf16.f32 v10;
	v14 =	vmul.f32 v14, v12  }
0x24c: {  	v10 =	vmul.f32 v10, v12  }
0x24d: {  	[tilespmem:v11+s6+$0x0] =	vst.idx.msk $0xffff, v14  }
0x24e: {  	[tilespmem:v13+s6+$0x0] =	vst.idx.msk $0xffff, v10  }
0x24f: {  	v10 =	vld [tilespmem:s0+$0x0];
	_ =	sdelay $0x2  }
0x250: {  	v11 =	vor.u32 v5, v9  }
0x251: {  	v13 =	vor.u32 v6, v9  }
0x252: {  	v14 =	vunpack.i.l.bf16.f32 v10  }
0x253: {  	v10 =	vunpack.i.u.bf16.f32 v10;
	v14 =	vmul.f32 v14, v12  }
0x254: {  	v10 =	vmul.f32 v10, v12  }
0x255: {  	[tilespmem:v11+s6+$0x0] =	vst.idx.msk $0xffff, v14  }
0x256: {  	[tilespmem:v13+s6+$0x0] =	vst.idx.msk $0xffff, v10  }
0x257: {  	v10 =	vld [tilespmem:s0+$0x10];
	_ =	sdelay $0x3  }
0x258: {  	v13 =	vor.u32 v7, v9  }
0x259: {  	v11 =	vunpack.i.l.bf16.f32 v10  }
0x25a: {  	v14 =	vmul.f32 v11, v12;
	v11 =	vor.u32 v8, v9  }
0x25b: {  	s30 =	simm.s32 $0x1  }
0x25c: {  	v15 =	vunpack.i.u.bf16.f32 v10;
	v10 =	vmov s30  }
0x25d: {  	s14 =	simm.s32 $0x2;
	v12 =	vmul.f32 v15, v12;
	v9 =	vshll.u32 v10, $0x7;
	[tilespmem:v13+s6+$0x0] =	vst.idx.msk $0xffff, v14  }
.LBB2_7:
0x25e: {  	p1 =	sne.s32 s14, $0x1F  }
0x25f: {  	[tilespmem:v11+s6+$0x0] =	vst.idx.msk $0xffff, v12;
	s0 =	sadd.s32 $0x40, s0;
	s22 =	smov.u32 s14;
	s14 =	sadd.s32 $0x1, s14  }
0x260: {  	v11 =	vld [tilespmem:s0+$0xFFFFFFE0]  }
0x261: {  	v12 =	vld.idx.msk [tilespmem:v10+s29+$0x0], $0xffff;
	_ =	sdelay $0x2  }
0x262: {  	v10 =	vor.u32 v0, v9  }
0x263: {  	v13 =	vor.u32 v2, v9  }
0x264: {  	v14 =	vunpack.i.l.bf16.f32 v11  }
0x265: {  	v11 =	vunpack.i.u.bf16.f32 v11;
	v14 =	vmul.f32 v14, v12  }
0x266: {  	v11 =	vmul.f32 v11, v12  }
0x267: {  	[tilespmem:v10+s6+$0x0] =	vst.idx.msk $0xffff, v14  }
0x268: {  	[tilespmem:v13+s6+$0x0] =	vst.idx.msk $0xffff, v11  }
0x269: {  	v10 =	vld [tilespmem:s0+$0xFFFFFFF0];
	_ =	sdelay $0x2  }
0x26a: {  	v11 =	vor.u32 v3, v9  }
0x26b: {  	v13 =	vor.u32 v4, v9  }
0x26c: {  	v14 =	vunpack.i.u.bf16.f32 v10;
	v10 =	vunpack.i.l.bf16.f32 v10  }
0x26d: {  	v10 =	vmul.f32 v10, v12;
	v14 =	vmul.f32 v14, v12;
	_ =	sdelay $0x1  }
0x26e: {  	[tilespmem:v11+s6+$0x0] =	vst.idx.msk $0xffff, v10  }
0x26f: {  	[tilespmem:v13+s6+$0x0] =	vst.idx.msk $0xffff, v14  }
0x270: {  	v10 =	vld [tilespmem:s0+$0x0];
	_ =	sdelay $0x2  }
0x271: {  	v11 =	vor.u32 v5, v9  }
0x272: {  	v13 =	vor.u32 v6, v9  }
0x273: {  	v14 =	vunpack.i.u.bf16.f32 v10;
	v10 =	vunpack.i.l.bf16.f32 v10  }
0x274: {  	v10 =	vmul.f32 v10, v12;
	v14 =	vmul.f32 v14, v12;
	_ =	sdelay $0x1  }
0x275: {  	[tilespmem:v11+s6+$0x0] =	vst.idx.msk $0xffff, v10  }
0x276: {  	[tilespmem:v13+s6+$0x0] =	vst.idx.msk $0xffff, v14  }
0x277: {  	v10 =	vld [tilespmem:s0+$0x10];
	_ =	sdelay $0x2  }
0x278: {  	v13 =	vor.u32 v7, v9  }
.Ltmp4:
0x279: {  	v11 =	vor.u32 v8, v9;
	(pc) =	sbr.rel @p1 .LBB2_7-.Ltmp4, $4  }
0x27a: {  	v9 =	vunpack.i.u.bf16.f32 v10;
	v14 =	vunpack.i.l.bf16.f32 v10  }
0x27b: {  	v10 =	vmov s22;
	v14 =	vmul.f32 v14, v12;
	v12 =	vmul.f32 v9, v12  }
0x27c: {  	v9 =	vshll.u32 v10, $0x7  }
0x27d: {  	[tilespmem:v13+s6+$0x0] =	vst.idx.msk $0xffff, v14  }
0x27e: {  	_ =	sdelay $0x3  }
0x27f: {  	[tilespmem:v11+s6+$0x0] =	vst.idx.msk $0xffff, v12;
	s0 =	sadd.s32 $0x40, s0  }
0x280: {  	v11 =	vld [tilespmem:s0+$0xFFFFFFE0]  }
0x281: {  	v10 =	vld.idx.msk [tilespmem:v10+s29+$0x0], $0xffff;
	_ =	sdelay $0x1  }
0x282: {  	v12 =	vor.u32 v0, v9  }
0x283: {  	v13 =	vor.u32 v2, v9  }
0x284: {  	v14 =	vunpack.i.l.bf16.f32 v11  }
0x285: {  	v11 =	vunpack.i.u.bf16.f32 v11;
	v14 =	vmul.f32 v14, v10  }
0x286: {  	v11 =	vmul.f32 v11, v10  }
0x287: {  	[tilespmem:v12+s6+$0x0] =	vst.idx.msk $0xffff, v14  }
0x288: {  	[tilespmem:v13+s6+$0x0] =	vst.idx.msk $0xffff, v11  }
0x289: {  	v11 =	vld [tilespmem:s0+$0xFFFFFFF0];
	_ =	sdelay $0x2  }
0x28a: {  	v12 =	vor.u32 v3, v9  }
0x28b: {  	v13 =	vor.u32 v4, v9  }
0x28c: {  	v14 =	vunpack.i.l.bf16.f32 v11  }
0x28d: {  	v11 =	vunpack.i.u.bf16.f32 v11;
	v14 =	vmul.f32 v14, v10  }
0x28e: {  	v11 =	vmul.f32 v11, v10  }
0x28f: {  	[tilespmem:v12+s6+$0x0] =	vst.idx.msk $0xffff, v14  }
0x290: {  	[tilespmem:v13+s6+$0x0] =	vst.idx.msk $0xffff, v11  }
0x291: {  	v11 =	vld [tilespmem:s0+$0x0];
	_ =	sdelay $0x2  }
0x292: {  	v12 =	vor.u32 v5, v9  }
0x293: {  	v13 =	vor.u32 v6, v9  }
0x294: {  	v14 =	vunpack.i.l.bf16.f32 v11  }
0x295: {  	v11 =	vunpack.i.u.bf16.f32 v11;
	v14 =	vmul.f32 v14, v10  }
0x296: {  	v11 =	vmul.f32 v11, v10  }
0x297: {  	[tilespmem:v12+s6+$0x0] =	vst.idx.msk $0xffff, v14  }
0x298: {  	[tilespmem:v13+s6+$0x0] =	vst.idx.msk $0xffff, v11  }
0x299: {  	v11 =	vld [tilespmem:s0+$0x10];
	_ =	sdelay $0x2  }
0x29a: {  	v12 =	vor.u32 v7, v9  }
0x29b: {  	v9 =	vor.u32 v8, v9  }
0x29c: {  	s22 =	sld [smem:$0x7F2];
	v13 =	vunpack.i.l.bf16.f32 v11  }
0x29d: {  	v11 =	vunpack.i.u.bf16.f32 v11;
	v13 =	vmul.f32 v13, v10  }
0x29e: {  	v10 =	vmul.f32 v11, v10  }
0x29f: {  	s0 =	sadd.s32 s21, s22;
	[tilespmem:v12+s6+$0x0] =	vst.idx.msk $0xffff, v13  }
0x2a0: {  	s14 =	simm.s32 $0x4F40;
	s0 =	sshrl.u32 s0, $0x3;
	[tilespmem:v9+s6+$0x0] =	vst.idx.msk $0xffff, v10  }
0x2a1: {  	[spmem:s24] =	stream.indirect.scatter.add.f32 [tilespmem:s6], [sflag:$0x6], $0x80, s14, s15, $0xb8;
	[tilespmem:$0x1F040] =	vst v63  }
0x2a2: {  	s22 =	simm.s32 $0x4EC0;
	s14 =	sadd.s32 s25, s0  }
0x2a3: {  	[tilespmem:s22], [sflag:$0xE] =	stream.linear.gather [hbm4b:s14+s2], $0x20, $0x38;
	[tilespmem:$0x1F040] =	vst v63  }
0x2a4: {  	s30 =	simm.s32 $0x4FC0;
	s0 =	sadd.s32 s1, s0;
	s14 =	simm.s32 $0xD  }
0x2a5: {  	[tilespmem:s30], [sflag:$0x16] =	stream.linear.gather [hbm4b:s0+s2], $0x20, $0x38;
	[tilespmem:$0x1F040] =	vst v63  }
0x2a6: {  	_ =	swait.ge [sflag:s14], $0x20  }
0x2a7: {  	s22 =	simm.s32 $0x5040;
	[sflag:s14] =	ssyncset.done $0x0  }
0x2a8: {  	s30 =	simm.s32 $0x4EA0;
	[sflag:s14] =	ssyncadd.s32 $0xFFFFFFE0;
	s14 =	simm.s32 $0x13  }
0x2a9: {  	[tilespmem:s22], [sflag:$0x1] =	stream.indirect.gather [hbm4b:s23+s15], $0x40, s30, s15, $0xb8;
	[tilespmem:$0x1F040] =	vst v63  }
0x2aa: {  	_ =	swait.ge [sflag:s14], $0x20  }
0x2ab: {  	[sflag:s14] =	ssyncset.done $0x0  }
0x2ac: {  	[sflag:s14] =	ssyncadd.s32 $0xFFFFFFE0  }
0x2ad: {  	v9 =	vld [tilespmem:$0x4F60];
	_ =	sdelay $0x1  }
0x2ae: {  	v10 =	vld [tilespmem:$0x4E60];
	_ =	sdelay $0x2  }
0x2af: {  	vm0 =	vlt.s32 v9, $0x270F  }
0x2b0: {  	v9 =	vnsel vm0, $0x270F, v9;
	_ =	sdelay $0x3  }
0x2b1: {  	v10 =	vld.idx.msk [tilespmem:v10+s2+$0x0], $0xffff  }
0x2b2: {  	v9 =	vld.idx.msk [tilespmem:v9+s8+$0x0], $0xffff;
	_ =	sdelay $0x4  }
0x2b3: {  	v9 =	vadd.f32 v9, v10;
	_ =	sdelay $0x1  }
0x2b4: {  	v10 =	vmul.f32 $9.999999770e-03, v9;
	_ =	sdelay $0x1  }
0x2b5: {  	v9 =	vmax.f32 v9, v10  }
0x2b6: {  	v9 =	vsub.f32 $0.0e+00, v9;
	_ =	sdelay $0x1  }
0x2b7: {  	v9 =	vmul.f32 $1.442695020e+00, v9;
	_ =	sdelay $0x1  }
0x2b8: {  	(erf) = vpow2.f32 v9;
	_ =	sdelay $0x8  }
0x2b9: {  	v9 =	vpop (erf)  }
0x2ba: {  	v9 =	vadd.f32 $1.000000000e+00, v9;
	_ =	sdelay $0x1  }
0x2bb: {  	(erf) = vrcp.f32 v9  }
0x2bc: {  	v9 =	vld [tilespmem:$0x4F70];
	_ =	sdelay $0x1  }
0x2bd: {  	v10 =	vld [tilespmem:$0x4E70];
	_ =	sdelay $0x2  }
0x2be: {  	vm15 =	vlt.s32 v9, $0x270F  }
0x2bf: {  	v9 =	vnsel vm15, $0x270F, v9;
	_ =	sdelay $0x1  }
0x2c0: {  	v11 =	vpop (erf)  }
0x2c1: {  	[tilespmem:$0x5020] =	vst v11  }
0x2c2: {  	v10 =	vld.idx.msk [tilespmem:v10+s2+$0x0], $0xffff  }
0x2c3: {  	v9 =	vld.idx.msk [tilespmem:v9+s8+$0x0], $0xffff;
	_ =	sdelay $0x4  }
0x2c4: {  	v9 =	vadd.f32 v9, v10;
	_ =	sdelay $0x1  }
0x2c5: {  	v10 =	vmul.f32 $9.999999770e-03, v9;
	_ =	sdelay $0x1  }
0x2c6: {  	v9 =	vmax.f32 v9, v10  }
0x2c7: {  	v9 =	vsub.f32 $0.0e+00, v9;
	_ =	sdelay $0x1  }
0x2c8: {  	v9 =	vmul.f32 $1.442695020e+00, v9;
	_ =	sdelay $0x1  }
0x2c9: {  	(erf) = vpow2.f32 v9;
	_ =	sdelay $0x8  }
0x2ca: {  	v9 =	vpop (erf)  }
0x2cb: {  	v9 =	vadd.f32 $1.000000000e+00, v9;
	_ =	sdelay $0x1  }
0x2cc: {  	(erf) = vrcp.f32 v9;
	_ =	sdelay $0x8  }
0x2cd: {  	v9 =	vpop (erf)  }
0x2ce: {  	[tilespmem:$0x5030] =	vst v9  }
0x2cf: {  	_ =	swait.ge [sflag:s3], $0x800  }
0x2d0: {  	s22 =	simm.s32 $0x0;
	[sflag:s3] =	ssyncset.done $0x0  }
0x2d1: {  	s14 =	simm.s32 @!p0 $0x7;
	v9 =	vmov s22;
	[sflag:s3] =	ssyncadd.s32 $0xFFFFF800  }
0x2d2: {  	_ =	swait.ge @!p0 [sflag:s14], $0x1000  }
0x2d3: {  	[sflag:s14] =	ssyncset.done @!p0 $0x0  }
0x2d4: {  	s0 =	simm.s32 $0x6060;
	[sflag:s14] =	ssyncadd.s32 @!p0 $0xFFFFF000  }
0x2d5: {  	v10 =	vld [tilespmem:s0+$0xFFFFFFE0]  }
0x2d6: {  	v12 =	vld.idx.msk [tilespmem:v9+s29+$0x0], $0xffff  }
0x2d7: {  	v9 =	vshll.u32 v9, $0x7  }
0x2d8: {  	v11 =	vor.u32 v0, v9  }
0x2d9: {  	v13 =	vor.u32 v2, v9  }
0x2da: {  	v14 =	vunpack.i.l.bf16.f32 v10  }
0x2db: {  	v10 =	vunpack.i.u.bf16.f32 v10;
	v14 =	vmul.f32 v14, v12  }
0x2dc: {  	v10 =	vmul.f32 v10, v12  }
0x2dd: {  	[tilespmem:v11+s4+$0x0] =	vst.idx.msk $0xffff, v14  }
0x2de: {  	[tilespmem:v13+s4+$0x0] =	vst.idx.msk $0xffff, v10  }
0x2df: {  	v10 =	vld [tilespmem:s0+$0xFFFFFFF0];
	_ =	sdelay $0x2  }
0x2e0: {  	v11 =	vor.u32 v3, v9  }
0x2e1: {  	v13 =	vor.u32 v4, v9  }
0x2e2: {  	v14 =	vunpack.i.l.bf16.f32 v10  }
0x2e3: {  	v10 =	vunpack.i.u.bf16.f32 v10;
	v14 =	vmul.f32 v14, v12  }
0x2e4: {  	v10 =	vmul.f32 v10, v12  }
0x2e5: {  	[tilespmem:v11+s4+$0x0] =	vst.idx.msk $0xffff, v14  }
0x2e6: {  	[tilespmem:v13+s4+$0x0] =	vst.idx.msk $0xffff, v10  }
0x2e7: {  	v10 =	vld [tilespmem:s0+$0x0];
	_ =	sdelay $0x2  }
0x2e8: {  	v11 =	vor.u32 v5, v9  }
0x2e9: {  	v13 =	vor.u32 v6, v9  }
0x2ea: {  	v14 =	vunpack.i.l.bf16.f32 v10  }
0x2eb: {  	v10 =	vunpack.i.u.bf16.f32 v10;
	v14 =	vmul.f32 v14, v12  }
0x2ec: {  	v10 =	vmul.f32 v10, v12  }
0x2ed: {  	[tilespmem:v11+s4+$0x0] =	vst.idx.msk $0xffff, v14  }
0x2ee: {  	[tilespmem:v13+s4+$0x0] =	vst.idx.msk $0xffff, v10  }
0x2ef: {  	v10 =	vld [tilespmem:s0+$0x10];
	_ =	sdelay $0x3  }
0x2f0: {  	v13 =	vor.u32 v7, v9  }
0x2f1: {  	v11 =	vunpack.i.l.bf16.f32 v10  }
0x2f2: {  	v14 =	vmul.f32 v11, v12;
	v11 =	vor.u32 v8, v9  }
0x2f3: {  	s30 =	simm.s32 $0x1  }
0x2f4: {  	v15 =	vunpack.i.u.bf16.f32 v10;
	v10 =	vmov s30  }
0x2f5: {  	s14 =	simm.s32 $0x2;
	v12 =	vmul.f32 v15, v12;
	v9 =	vshll.u32 v10, $0x7;
	[tilespmem:v13+s4+$0x0] =	vst.idx.msk $0xffff, v14  }
.LBB2_9:
0x2f6: {  	p1 =	sne.s32 s14, $0x1F  }
0x2f7: {  	[tilespmem:v11+s4+$0x0] =	vst.idx.msk $0xffff, v12;
	s0 =	sadd.s32 $0x40, s0;
	s22 =	smov.u32 s14;
	s14 =	sadd.s32 $0x1, s14  }
0x2f8: {  	v11 =	vld [tilespmem:s0+$0xFFFFFFE0]  }
0x2f9: {  	v12 =	vld.idx.msk [tilespmem:v10+s29+$0x0], $0xffff;
	_ =	sdelay $0x2  }
0x2fa: {  	v10 =	vor.u32 v0, v9  }
0x2fb: {  	v13 =	vor.u32 v2, v9  }
0x2fc: {  	v14 =	vunpack.i.l.bf16.f32 v11  }
0x2fd: {  	v11 =	vunpack.i.u.bf16.f32 v11;
	v14 =	vmul.f32 v14, v12  }
0x2fe: {  	v11 =	vmul.f32 v11, v12  }
0x2ff: {  	[tilespmem:v10+s4+$0x0] =	vst.idx.msk $0xffff, v14  }
0x300: {  	[tilespmem:v13+s4+$0x0] =	vst.idx.msk $0xffff, v11  }
0x301: {  	v10 =	vld [tilespmem:s0+$0xFFFFFFF0];
	_ =	sdelay $0x2  }
0x302: {  	v11 =	vor.u32 v3, v9  }
0x303: {  	v13 =	vor.u32 v4, v9  }
0x304: {  	v14 =	vunpack.i.u.bf16.f32 v10;
	v10 =	vunpack.i.l.bf16.f32 v10  }
0x305: {  	v10 =	vmul.f32 v10, v12;
	v14 =	vmul.f32 v14, v12;
	_ =	sdelay $0x1  }
0x306: {  	[tilespmem:v11+s4+$0x0] =	vst.idx.msk $0xffff, v10  }
0x307: {  	[tilespmem:v13+s4+$0x0] =	vst.idx.msk $0xffff, v14  }
0x308: {  	v10 =	vld [tilespmem:s0+$0x0];
	_ =	sdelay $0x2  }
0x309: {  	v11 =	vor.u32 v5, v9  }
0x30a: {  	v13 =	vor.u32 v6, v9  }
0x30b: {  	v14 =	vunpack.i.u.bf16.f32 v10;
	v10 =	vunpack.i.l.bf16.f32 v10  }
0x30c: {  	v10 =	vmul.f32 v10, v12;
	v14 =	vmul.f32 v14, v12;
	_ =	sdelay $0x1  }
0x30d: {  	[tilespmem:v11+s4+$0x0] =	vst.idx.msk $0xffff, v10  }
0x30e: {  	[tilespmem:v13+s4+$0x0] =	vst.idx.msk $0xffff, v14  }
0x30f: {  	v10 =	vld [tilespmem:s0+$0x10];
	_ =	sdelay $0x2  }
0x310: {  	v13 =	vor.u32 v7, v9  }
.Ltmp5:
0x311: {  	v11 =	vor.u32 v8, v9;
	(pc) =	sbr.rel @p1 .LBB2_9-.Ltmp5, $4  }
0x312: {  	v9 =	vunpack.i.u.bf16.f32 v10;
	v14 =	vunpack.i.l.bf16.f32 v10  }
0x313: {  	v10 =	vmov s22;
	v14 =	vmul.f32 v14, v12;
	v12 =	vmul.f32 v9, v12  }
0x314: {  	v9 =	vshll.u32 v10, $0x7  }
0x315: {  	[tilespmem:v13+s4+$0x0] =	vst.idx.msk $0xffff, v14  }
0x316: {  	_ =	sdelay $0x3  }
0x317: {  	[tilespmem:v11+s4+$0x0] =	vst.idx.msk $0xffff, v12;
	s0 =	sadd.s32 $0x40, s0  }
0x318: {  	v11 =	vld [tilespmem:s0+$0xFFFFFFE0]  }
0x319: {  	v10 =	vld.idx.msk [tilespmem:v10+s29+$0x0], $0xffff;
	_ =	sdelay $0x1  }
0x31a: {  	v12 =	vor.u32 v0, v9  }
0x31b: {  	v13 =	vor.u32 v2, v9  }
0x31c: {  	v14 =	vunpack.i.l.bf16.f32 v11  }
0x31d: {  	v11 =	vunpack.i.u.bf16.f32 v11;
	v14 =	vmul.f32 v14, v10  }
0x31e: {  	v11 =	vmul.f32 v11, v10  }
0x31f: {  	[tilespmem:v12+s4+$0x0] =	vst.idx.msk $0xffff, v14  }
0x320: {  	[tilespmem:v13+s4+$0x0] =	vst.idx.msk $0xffff, v11  }
0x321: {  	v11 =	vld [tilespmem:s0+$0xFFFFFFF0];
	_ =	sdelay $0x2  }
0x322: {  	v12 =	vor.u32 v3, v9  }
0x323: {  	v13 =	vor.u32 v4, v9  }
0x324: {  	v14 =	vunpack.i.l.bf16.f32 v11  }
0x325: {  	v11 =	vunpack.i.u.bf16.f32 v11;
	v14 =	vmul.f32 v14, v10  }
0x326: {  	v11 =	vmul.f32 v11, v10  }
0x327: {  	[tilespmem:v12+s4+$0x0] =	vst.idx.msk $0xffff, v14  }
0x328: {  	[tilespmem:v13+s4+$0x0] =	vst.idx.msk $0xffff, v11  }
0x329: {  	v11 =	vld [tilespmem:s0+$0x0];
	_ =	sdelay $0x2  }
0x32a: {  	v12 =	vor.u32 v5, v9  }
0x32b: {  	v13 =	vor.u32 v6, v9  }
0x32c: {  	v14 =	vunpack.i.l.bf16.f32 v11  }
0x32d: {  	v11 =	vunpack.i.u.bf16.f32 v11;
	v14 =	vmul.f32 v14, v10  }
0x32e: {  	v11 =	vmul.f32 v11, v10  }
0x32f: {  	[tilespmem:v12+s4+$0x0] =	vst.idx.msk $0xffff, v14  }
0x330: {  	[tilespmem:v13+s4+$0x0] =	vst.idx.msk $0xffff, v11  }
0x331: {  	v11 =	vld [tilespmem:s0+$0x10];
	_ =	sdelay $0x2  }
0x332: {  	v12 =	vor.u32 v7, v9  }
0x333: {  	v9 =	vor.u32 v8, v9  }
0x334: {  	s22 =	sld [smem:$0x7F3];
	v13 =	vunpack.i.l.bf16.f32 v11  }
0x335: {  	v11 =	vunpack.i.u.bf16.f32 v11;
	v13 =	vmul.f32 v13, v10  }
0x336: {  	v10 =	vmul.f32 v11, v10  }
0x337: {  	s0 =	sadd.s32 s21, s22;
	[tilespmem:v12+s4+$0x0] =	vst.idx.msk $0xffff, v13  }
0x338: {  	s14 =	simm.s32 $0x4F60;
	s0 =	sshrl.u32 s0, $0x3;
	[tilespmem:v9+s4+$0x0] =	vst.idx.msk $0xffff, v10  }
0x339: {  	[spmem:s24] =	stream.indirect.scatter.add.f32 [tilespmem:s4], [sflag:$0x7], $0x80, s14, s15, $0xb8;
	[tilespmem:$0x1F040] =	vst v63  }
0x33a: {  	s22 =	simm.s32 $0x4EE0;
	s14 =	sadd.s32 s25, s0  }
0x33b: {  	[tilespmem:s22], [sflag:$0xF] =	stream.linear.gather [hbm4b:s14+s2], $0x20, $0x38;
	[tilespmem:$0x1F040] =	vst v63  }
0x33c: {  	s30 =	simm.s32 $0x4FE0;
	s0 =	sadd.s32 s1, s0;
	s14 =	simm.s32 $0xE  }
0x33d: {  	[tilespmem:s30], [sflag:$0x17] =	stream.linear.gather [hbm4b:s0+s2], $0x20, $0x38;
	[tilespmem:$0x1F040] =	vst v63  }
0x33e: {  	_ =	swait.ge [sflag:s14], $0x20  }
0x33f: {  	s22 =	simm.s32 $0x5840;
	[sflag:s14] =	ssyncset.done $0x0  }
0x340: {  	s30 =	simm.s32 $0x4EC0;
	[sflag:s14] =	ssyncadd.s32 $0xFFFFFFE0;
	s14 =	simm.s32 $0x14  }
0x341: {  	[tilespmem:s22], [sflag:$0x2] =	stream.indirect.gather [hbm4b:s23+s15], $0x40, s30, s15, $0xb8;
	[tilespmem:$0x1F040] =	vst v63  }
0x342: {  	_ =	swait.ge [sflag:s14], $0x20  }
0x343: {  	[sflag:s14] =	ssyncset.done $0x0  }
0x344: {  	[sflag:s14] =	ssyncadd.s32 $0xFFFFFFE0  }
0x345: {  	v9 =	vld [tilespmem:$0x4F80];
	_ =	sdelay $0x1  }
0x346: {  	v10 =	vld [tilespmem:$0x4E80];
	_ =	sdelay $0x2  }
0x347: {  	vm0 =	vlt.s32 v9, $0x270F  }
0x348: {  	v9 =	vnsel vm0, $0x270F, v9;
	_ =	sdelay $0x3  }
0x349: {  	v10 =	vld.idx.msk [tilespmem:v10+s2+$0x0], $0xffff  }
0x34a: {  	v9 =	vld.idx.msk [tilespmem:v9+s8+$0x0], $0xffff;
	_ =	sdelay $0x4  }
0x34b: {  	v9 =	vadd.f32 v9, v10;
	_ =	sdelay $0x1  }
0x34c: {  	v10 =	vmul.f32 $9.999999770e-03, v9;
	_ =	sdelay $0x1  }
0x34d: {  	v9 =	vmax.f32 v9, v10  }
0x34e: {  	v9 =	vsub.f32 $0.0e+00, v9;
	_ =	sdelay $0x1  }
0x34f: {  	v9 =	vmul.f32 $1.442695020e+00, v9;
	_ =	sdelay $0x1  }
0x350: {  	(erf) = vpow2.f32 v9;
	_ =	sdelay $0x8  }
0x351: {  	v9 =	vpop (erf)  }
0x352: {  	v9 =	vadd.f32 $1.000000000e+00, v9;
	_ =	sdelay $0x1  }
0x353: {  	(erf) = vrcp.f32 v9  }
0x354: {  	v9 =	vld [tilespmem:$0x4F90];
	_ =	sdelay $0x1  }
0x355: {  	v10 =	vld [tilespmem:$0x4E90];
	_ =	sdelay $0x2  }
0x356: {  	vm15 =	vlt.s32 v9, $0x270F  }
0x357: {  	v9 =	vnsel vm15, $0x270F, v9;
	_ =	sdelay $0x1  }
0x358: {  	v11 =	vpop (erf)  }
0x359: {  	[tilespmem:$0x5020] =	vst v11  }
0x35a: {  	v10 =	vld.idx.msk [tilespmem:v10+s2+$0x0], $0xffff  }
0x35b: {  	v9 =	vld.idx.msk [tilespmem:v9+s8+$0x0], $0xffff;
	_ =	sdelay $0x4  }
0x35c: {  	v9 =	vadd.f32 v9, v10;
	_ =	sdelay $0x1  }
0x35d: {  	v10 =	vmul.f32 $9.999999770e-03, v9;
	_ =	sdelay $0x1  }
0x35e: {  	v9 =	vmax.f32 v9, v10  }
0x35f: {  	v9 =	vsub.f32 $0.0e+00, v9;
	_ =	sdelay $0x1  }
0x360: {  	v9 =	vmul.f32 $1.442695020e+00, v9;
	_ =	sdelay $0x1  }
0x361: {  	(erf) = vpow2.f32 v9;
	_ =	sdelay $0x8  }
0x362: {  	v9 =	vpop (erf)  }
0x363: {  	v9 =	vadd.f32 $1.000000000e+00, v9;
	_ =	sdelay $0x1  }
0x364: {  	(erf) = vrcp.f32 v9;
	_ =	sdelay $0x8  }
0x365: {  	v9 =	vpop (erf)  }
0x366: {  	[tilespmem:$0x5030] =	vst v9  }
0x367: {  	_ =	swait.ge [sflag:s9], $0x800  }
0x368: {  	s22 =	simm.s32 $0x0;
	[sflag:s9] =	ssyncset.done $0x0  }
0x369: {  	s14 =	simm.s32 @!p0 $0x8;
	v9 =	vmov s22;
	[sflag:s9] =	ssyncadd.s32 $0xFFFFF800  }
0x36a: {  	_ =	swait.ge @!p0 [sflag:s14], $0x1000  }
0x36b: {  	[sflag:s14] =	ssyncset.done @!p0 $0x0  }
0x36c: {  	s0 =	simm.s32 $0x6860;
	[sflag:s14] =	ssyncadd.s32 @!p0 $0xFFFFF000  }
0x36d: {  	v10 =	vld [tilespmem:s0+$0xFFFFFFE0]  }
0x36e: {  	v12 =	vld.idx.msk [tilespmem:v9+s29+$0x0], $0xffff  }
0x36f: {  	v9 =	vshll.u32 v9, $0x7  }
0x370: {  	v11 =	vor.u32 v0, v9  }
0x371: {  	v13 =	vor.u32 v2, v9  }
0x372: {  	v14 =	vunpack.i.l.bf16.f32 v10  }
0x373: {  	v10 =	vunpack.i.u.bf16.f32 v10;
	v14 =	vmul.f32 v14, v12  }
0x374: {  	v10 =	vmul.f32 v10, v12  }
0x375: {  	[tilespmem:v11+s18+$0x0] =	vst.idx.msk $0xffff, v14  }
0x376: {  	[tilespmem:v13+s18+$0x0] =	vst.idx.msk $0xffff, v10  }
0x377: {  	v10 =	vld [tilespmem:s0+$0xFFFFFFF0];
	_ =	sdelay $0x2  }
0x378: {  	v11 =	vor.u32 v3, v9  }
0x379: {  	v13 =	vor.u32 v4, v9  }
0x37a: {  	v14 =	vunpack.i.l.bf16.f32 v10  }
0x37b: {  	v10 =	vunpack.i.u.bf16.f32 v10;
	v14 =	vmul.f32 v14, v12  }
0x37c: {  	v10 =	vmul.f32 v10, v12  }
0x37d: {  	[tilespmem:v11+s18+$0x0] =	vst.idx.msk $0xffff, v14  }
0x37e: {  	[tilespmem:v13+s18+$0x0] =	vst.idx.msk $0xffff, v10  }
0x37f: {  	v10 =	vld [tilespmem:s0+$0x0];
	_ =	sdelay $0x2  }
0x380: {  	v11 =	vor.u32 v5, v9  }
0x381: {  	v13 =	vor.u32 v6, v9  }
0x382: {  	v14 =	vunpack.i.l.bf16.f32 v10  }
0x383: {  	v10 =	vunpack.i.u.bf16.f32 v10;
	v14 =	vmul.f32 v14, v12  }
0x384: {  	v10 =	vmul.f32 v10, v12  }
0x385: {  	[tilespmem:v11+s18+$0x0] =	vst.idx.msk $0xffff, v14  }
0x386: {  	[tilespmem:v13+s18+$0x0] =	vst.idx.msk $0xffff, v10  }
0x387: {  	v10 =	vld [tilespmem:s0+$0x10];
	_ =	sdelay $0x3  }
0x388: {  	v13 =	vor.u32 v7, v9  }
0x389: {  	v11 =	vunpack.i.l.bf16.f32 v10  }
0x38a: {  	v14 =	vmul.f32 v11, v12;
	v11 =	vor.u32 v8, v9  }
0x38b: {  	s30 =	simm.s32 $0x1  }
0x38c: {  	v15 =	vunpack.i.u.bf16.f32 v10;
	v10 =	vmov s30  }
0x38d: {  	s14 =	simm.s32 $0x2;
	v12 =	vmul.f32 v15, v12;
	v9 =	vshll.u32 v10, $0x7;
	[tilespmem:v13+s18+$0x0] =	vst.idx.msk $0xffff, v14  }
.LBB2_11:
0x38e: {  	p0 =	sne.s32 s14, $0x1F  }
0x38f: {  	[tilespmem:v11+s18+$0x0] =	vst.idx.msk $0xffff, v12;
	s0 =	sadd.s32 $0x40, s0;
	s22 =	smov.u32 s14;
	s14 =	sadd.s32 $0x1, s14  }
0x390: {  	v11 =	vld [tilespmem:s0+$0xFFFFFFE0]  }
0x391: {  	v12 =	vld.idx.msk [tilespmem:v10+s29+$0x0], $0xffff;
	_ =	sdelay $0x2  }
0x392: {  	v10 =	vor.u32 v0, v9  }
0x393: {  	v13 =	vor.u32 v2, v9  }
0x394: {  	v14 =	vunpack.i.l.bf16.f32 v11  }
0x395: {  	v11 =	vunpack.i.u.bf16.f32 v11;
	v14 =	vmul.f32 v14, v12  }
0x396: {  	v11 =	vmul.f32 v11, v12  }
0x397: {  	[tilespmem:v10+s18+$0x0] =	vst.idx.msk $0xffff, v14  }
0x398: {  	[tilespmem:v13+s18+$0x0] =	vst.idx.msk $0xffff, v11  }
0x399: {  	v10 =	vld [tilespmem:s0+$0xFFFFFFF0];
	_ =	sdelay $0x2  }
0x39a: {  	v11 =	vor.u32 v3, v9  }
0x39b: {  	v13 =	vor.u32 v4, v9  }
0x39c: {  	v14 =	vunpack.i.u.bf16.f32 v10;
	v10 =	vunpack.i.l.bf16.f32 v10  }
0x39d: {  	v10 =	vmul.f32 v10, v12;
	v14 =	vmul.f32 v14, v12;
	_ =	sdelay $0x1  }
0x39e: {  	[tilespmem:v11+s18+$0x0] =	vst.idx.msk $0xffff, v10  }
0x39f: {  	[tilespmem:v13+s18+$0x0] =	vst.idx.msk $0xffff, v14  }
0x3a0: {  	v10 =	vld [tilespmem:s0+$0x0];
	_ =	sdelay $0x2  }
0x3a1: {  	v11 =	vor.u32 v5, v9  }
0x3a2: {  	v13 =	vor.u32 v6, v9  }
0x3a3: {  	v14 =	vunpack.i.u.bf16.f32 v10;
	v10 =	vunpack.i.l.bf16.f32 v10  }
0x3a4: {  	v10 =	vmul.f32 v10, v12;
	v14 =	vmul.f32 v14, v12;
	_ =	sdelay $0x1  }
0x3a5: {  	[tilespmem:v11+s18+$0x0] =	vst.idx.msk $0xffff, v10  }
0x3a6: {  	[tilespmem:v13+s18+$0x0] =	vst.idx.msk $0xffff, v14  }
0x3a7: {  	v10 =	vld [tilespmem:s0+$0x10];
	_ =	sdelay $0x2  }
0x3a8: {  	v13 =	vor.u32 v7, v9  }
.Ltmp6:
0x3a9: {  	v11 =	vor.u32 v8, v9;
	(pc) =	sbr.rel @p0 .LBB2_11-.Ltmp6, $4  }
0x3aa: {  	v9 =	vunpack.i.u.bf16.f32 v10;
	v14 =	vunpack.i.l.bf16.f32 v10  }
0x3ab: {  	v10 =	vmov s22;
	v14 =	vmul.f32 v14, v12;
	v12 =	vmul.f32 v9, v12  }
0x3ac: {  	v9 =	vshll.u32 v10, $0x7  }
0x3ad: {  	[tilespmem:v13+s18+$0x0] =	vst.idx.msk $0xffff, v14  }
0x3ae: {  	_ =	sdelay $0x3  }
0x3af: {  	[tilespmem:v11+s18+$0x0] =	vst.idx.msk $0xffff, v12;
	s0 =	sadd.s32 $0x40, s0  }
0x3b0: {  	v11 =	vld [tilespmem:s0+$0xFFFFFFE0]  }
0x3b1: {  	v10 =	vld.idx.msk [tilespmem:v10+s29+$0x0], $0xffff;
	_ =	sdelay $0x1  }
0x3b2: {  	v12 =	vor.u32 v0, v9  }
0x3b3: {  	v13 =	vor.u32 v2, v9  }
0x3b4: {  	v14 =	vunpack.i.l.bf16.f32 v11  }
0x3b5: {  	v11 =	vunpack.i.u.bf16.f32 v11;
	v14 =	vmul.f32 v14, v10  }
0x3b6: {  	v11 =	vmul.f32 v11, v10  }
0x3b7: {  	[tilespmem:v12+s18+$0x0] =	vst.idx.msk $0xffff, v14  }
0x3b8: {  	[tilespmem:v13+s18+$0x0] =	vst.idx.msk $0xffff, v11  }
0x3b9: {  	v11 =	vld [tilespmem:s0+$0xFFFFFFF0];
	_ =	sdelay $0x2  }
0x3ba: {  	v12 =	vor.u32 v3, v9  }
0x3bb: {  	v13 =	vor.u32 v4, v9  }
0x3bc: {  	v14 =	vunpack.i.l.bf16.f32 v11  }
0x3bd: {  	v11 =	vunpack.i.u.bf16.f32 v11;
	v14 =	vmul.f32 v14, v10  }
0x3be: {  	v11 =	vmul.f32 v11, v10  }
0x3bf: {  	[tilespmem:v12+s18+$0x0] =	vst.idx.msk $0xffff, v14  }
0x3c0: {  	[tilespmem:v13+s18+$0x0] =	vst.idx.msk $0xffff, v11  }
0x3c1: {  	v11 =	vld [tilespmem:s0+$0x0];
	_ =	sdelay $0x2  }
0x3c2: {  	v12 =	vor.u32 v5, v9  }
0x3c3: {  	v13 =	vor.u32 v6, v9  }
0x3c4: {  	v14 =	vunpack.i.l.bf16.f32 v11  }
0x3c5: {  	v11 =	vunpack.i.u.bf16.f32 v11;
	v14 =	vmul.f32 v14, v10  }
0x3c6: {  	v11 =	vmul.f32 v11, v10  }
0x3c7: {  	[tilespmem:v12+s18+$0x0] =	vst.idx.msk $0xffff, v14  }
0x3c8: {  	[tilespmem:v13+s18+$0x0] =	vst.idx.msk $0xffff, v11  }
0x3c9: {  	v11 =	vld [tilespmem:s0+$0x10];
	_ =	sdelay $0x2  }
0x3ca: {  	v12 =	vor.u32 v7, v9  }
0x3cb: {  	v9 =	vor.u32 v8, v9  }
0x3cc: {  	s22 =	sld [smem:$0x7F4];
	v13 =	vunpack.i.l.bf16.f32 v11  }
0x3cd: {  	v11 =	vunpack.i.u.bf16.f32 v11;
	v13 =	vmul.f32 v13, v10  }
0x3ce: {  	v10 =	vmul.f32 v11, v10  }
0x3cf: {  	s0 =	sadd.s32 s21, s22;
	[tilespmem:v12+s18+$0x0] =	vst.idx.msk $0xffff, v13  }
0x3d0: {  	s14 =	simm.s32 $0x4F80;
	s0 =	sshrl.u32 s0, $0x3;
	[tilespmem:v9+s18+$0x0] =	vst.idx.msk $0xffff, v10  }
0x3d1: {  	[spmem:s24] =	stream.indirect.scatter.add.f32 [tilespmem:s18], [sflag:$0x8], $0x80, s14, s15, $0xb8;
	[tilespmem:$0x1F040] =	vst v63  }
0x3d2: {  	s30 =	simm.s32 $0x4F00;
	s22 =	simm.s32 $0x0;
	s14 =	sadd.s32 s25, s0  }
0x3d3: {  	[tilespmem:s30], [sflag:$0x10] =	stream.linear.gather [hbm4b:s14+s22], $0x20, $0x38;
	[tilespmem:$0x1F040] =	vst v63  }
0x3d4: {  	s0 =	sadd.s32 s1, s0;
	s30 =	simm.s32 $0x5000  }
0x3d5: {  	[tilespmem:s30], [sflag:$0x18] =	stream.linear.gather [hbm4b:s0+s22], $0x20, $0x38;
	[tilespmem:$0x1F040] =	vst v63  }
0x3d6: {  	s30 =	simm.s32 $0xF  }
0x3d7: {  	_ =	swait.ge [sflag:s30], $0x20  }
0x3d8: {  	[sflag:s30] =	ssyncset.done $0x0  }
0x3d9: {  	s14 =	simm.s32 $0x6040;
	[sflag:s30] =	ssyncadd.s32 $0xFFFFFFE0;
	s30 =	simm.s32 $0x4EE0  }
0x3da: {  	[tilespmem:s14], [sflag:$0x3] =	stream.indirect.gather [hbm4b:s23+s15], $0x40, s30, s15, $0xb8;
	[tilespmem:$0x1F040] =	vst v63  }
0x3db: {  	_ =	swait.ge [sflag:s31], $0x20  }
0x3dc: {  	[sflag:s31] =	ssyncset.done $0x0  }
0x3dd: {  	[sflag:s31] =	ssyncadd.s32 $0xFFFFFFE0  }
0x3de: {  	v9 =	vld [tilespmem:$0x4FA0];
	_ =	sdelay $0x1  }
0x3df: {  	v10 =	vld [tilespmem:$0x4EA0];
	_ =	sdelay $0x2  }
0x3e0: {  	vm0 =	vlt.s32 v9, $0x270F  }
0x3e1: {  	v9 =	vnsel vm0, $0x270F, v9;
	_ =	sdelay $0x3  }
0x3e2: {  	v10 =	vld.idx.msk [tilespmem:v10+s22+$0x0], $0xffff  }
0x3e3: {  	v9 =	vld.idx.msk [tilespmem:v9+s8+$0x0], $0xffff;
	_ =	sdelay $0x4  }
0x3e4: {  	v9 =	vadd.f32 v9, v10;
	_ =	sdelay $0x1  }
0x3e5: {  	v10 =	vmul.f32 $9.999999770e-03, v9;
	_ =	sdelay $0x1  }
0x3e6: {  	v9 =	vmax.f32 v9, v10  }
0x3e7: {  	v9 =	vsub.f32 $0.0e+00, v9;
	_ =	sdelay $0x1  }
0x3e8: {  	v9 =	vmul.f32 $1.442695020e+00, v9;
	_ =	sdelay $0x1  }
0x3e9: {  	(erf) = vpow2.f32 v9;
	_ =	sdelay $0x8  }
0x3ea: {  	v9 =	vpop (erf)  }
0x3eb: {  	v9 =	vadd.f32 $1.000000000e+00, v9;
	_ =	sdelay $0x1  }
0x3ec: {  	(erf) = vrcp.f32 v9  }
0x3ed: {  	v9 =	vld [tilespmem:$0x4FB0];
	_ =	sdelay $0x1  }
0x3ee: {  	v10 =	vld [tilespmem:$0x4EB0];
	_ =	sdelay $0x2  }
0x3ef: {  	vm15 =	vlt.s32 v9, $0x270F  }
0x3f0: {  	v9 =	vnsel vm15, $0x270F, v9;
	_ =	sdelay $0x1  }
0x3f1: {  	v11 =	vpop (erf)  }
0x3f2: {  	[tilespmem:$0x5020] =	vst v11  }
0x3f3: {  	v10 =	vld.idx.msk [tilespmem:v10+s22+$0x0], $0xffff  }
0x3f4: {  	v9 =	vld.idx.msk [tilespmem:v9+s8+$0x0], $0xffff;
	_ =	sdelay $0x4  }
0x3f5: {  	v9 =	vadd.f32 v9, v10;
	_ =	sdelay $0x1  }
0x3f6: {  	v10 =	vmul.f32 $9.999999770e-03, v9;
	_ =	sdelay $0x1  }
0x3f7: {  	v9 =	vmax.f32 v9, v10  }
0x3f8: {  	v9 =	vsub.f32 $0.0e+00, v9;
	_ =	sdelay $0x1  }
0x3f9: {  	v9 =	vmul.f32 $1.442695020e+00, v9;
	_ =	sdelay $0x1  }
0x3fa: {  	(erf) = vpow2.f32 v9;
	_ =	sdelay $0x8  }
0x3fb: {  	v9 =	vpop (erf)  }
0x3fc: {  	v9 =	vadd.f32 $1.000000000e+00, v9;
	_ =	sdelay $0x1  }
0x3fd: {  	(erf) = vrcp.f32 v9;
	_ =	sdelay $0x8  }
0x3fe: {  	v9 =	vpop (erf)  }
0x3ff: {  	[tilespmem:$0x5030] =	vst v9  }
0x400: {  	_ =	swait.ge [sflag:s28], $0x800  }
0x401: {  	[sflag:s28] =	ssyncset.done $0x0  }
0x402: {  	v9 =	vmov s22;
	[sflag:s28] =	ssyncadd.s32 $0xFFFFF800  }
0x403: {  	_ =	swait.ge [sflag:s5], $0x1000  }
0x404: {  	[sflag:s5] =	ssyncset.done $0x0  }
0x405: {  	s0 =	simm.s32 $0x5060;
	[sflag:s5] =	ssyncadd.s32 $0xFFFFF000  }
0x406: {  	v10 =	vld [tilespmem:s0+$0xFFFFFFE0]  }
0x407: {  	v12 =	vld.idx.msk [tilespmem:v9+s29+$0x0], $0xffff  }
0x408: {  	v9 =	vshll.u32 v9, $0x7  }
0x409: {  	v11 =	vor.u32 v0, v9  }
0x40a: {  	v13 =	vor.u32 v2, v9  }
0x40b: {  	v14 =	vunpack.i.l.bf16.f32 v10  }
0x40c: {  	v10 =	vunpack.i.u.bf16.f32 v10;
	v14 =	vmul.f32 v14, v12  }
0x40d: {  	v10 =	vmul.f32 v10, v12  }
0x40e: {  	[tilespmem:v11+s7+$0x0] =	vst.idx.msk $0xffff, v14  }
0x40f: {  	[tilespmem:v13+s7+$0x0] =	vst.idx.msk $0xffff, v10  }
0x410: {  	v10 =	vld [tilespmem:s0+$0xFFFFFFF0];
	_ =	sdelay $0x2  }
0x411: {  	v11 =	vor.u32 v3, v9  }
0x412: {  	v13 =	vor.u32 v4, v9  }
0x413: {  	v14 =	vunpack.i.l.bf16.f32 v10  }
0x414: {  	v10 =	vunpack.i.u.bf16.f32 v10;
	v14 =	vmul.f32 v14, v12  }
0x415: {  	v10 =	vmul.f32 v10, v12  }
0x416: {  	[tilespmem:v11+s7+$0x0] =	vst.idx.msk $0xffff, v14  }
0x417: {  	[tilespmem:v13+s7+$0x0] =	vst.idx.msk $0xffff, v10  }
0x418: {  	v10 =	vld [tilespmem:s0+$0x0];
	_ =	sdelay $0x2  }
0x419: {  	v11 =	vor.u32 v5, v9  }
0x41a: {  	v13 =	vor.u32 v6, v9  }
0x41b: {  	v14 =	vunpack.i.l.bf16.f32 v10  }
0x41c: {  	v10 =	vunpack.i.u.bf16.f32 v10;
	v14 =	vmul.f32 v14, v12  }
0x41d: {  	v10 =	vmul.f32 v10, v12  }
0x41e: {  	[tilespmem:v11+s7+$0x0] =	vst.idx.msk $0xffff, v14  }
0x41f: {  	[tilespmem:v13+s7+$0x0] =	vst.idx.msk $0xffff, v10  }
0x420: {  	v10 =	vld [tilespmem:s0+$0x10];
	_ =	sdelay $0x3  }
0x421: {  	v13 =	vor.u32 v7, v9  }
0x422: {  	v11 =	vunpack.i.l.bf16.f32 v10  }
0x423: {  	v14 =	vmul.f32 v11, v12;
	v11 =	vor.u32 v8, v9  }
0x424: {  	s30 =	simm.s32 $0x1  }
0x425: {  	v15 =	vunpack.i.u.bf16.f32 v10;
	v10 =	vmov s30  }
0x426: {  	s14 =	simm.s32 $0x2;
	v12 =	vmul.f32 v15, v12;
	v9 =	vshll.u32 v10, $0x7;
	[tilespmem:v13+s7+$0x0] =	vst.idx.msk $0xffff, v14  }
.LBB2_13:
0x427: {  	p0 =	sne.s32 s14, $0x1F  }
0x428: {  	[tilespmem:v11+s7+$0x0] =	vst.idx.msk $0xffff, v12;
	s0 =	sadd.s32 $0x40, s0;
	s22 =	smov.u32 s14;
	s14 =	sadd.s32 $0x1, s14  }
0x429: {  	v11 =	vld [tilespmem:s0+$0xFFFFFFE0]  }
0x42a: {  	v12 =	vld.idx.msk [tilespmem:v10+s29+$0x0], $0xffff;
	_ =	sdelay $0x2  }
0x42b: {  	v10 =	vor.u32 v0, v9  }
0x42c: {  	v13 =	vor.u32 v2, v9  }
0x42d: {  	v14 =	vunpack.i.l.bf16.f32 v11  }
0x42e: {  	v11 =	vunpack.i.u.bf16.f32 v11;
	v14 =	vmul.f32 v14, v12  }
0x42f: {  	v11 =	vmul.f32 v11, v12  }
0x430: {  	[tilespmem:v10+s7+$0x0] =	vst.idx.msk $0xffff, v14  }
0x431: {  	[tilespmem:v13+s7+$0x0] =	vst.idx.msk $0xffff, v11  }
0x432: {  	v10 =	vld [tilespmem:s0+$0xFFFFFFF0];
	_ =	sdelay $0x2  }
0x433: {  	v11 =	vor.u32 v3, v9  }
0x434: {  	v13 =	vor.u32 v4, v9  }
0x435: {  	v14 =	vunpack.i.u.bf16.f32 v10;
	v10 =	vunpack.i.l.bf16.f32 v10  }
0x436: {  	v10 =	vmul.f32 v10, v12;
	v14 =	vmul.f32 v14, v12;
	_ =	sdelay $0x1  }
0x437: {  	[tilespmem:v11+s7+$0x0] =	vst.idx.msk $0xffff, v10  }
0x438: {  	[tilespmem:v13+s7+$0x0] =	vst.idx.msk $0xffff, v14  }
0x439: {  	v10 =	vld [tilespmem:s0+$0x0];
	_ =	sdelay $0x2  }
0x43a: {  	v11 =	vor.u32 v5, v9  }
0x43b: {  	v13 =	vor.u32 v6, v9  }
0x43c: {  	v14 =	vunpack.i.u.bf16.f32 v10;
	v10 =	vunpack.i.l.bf16.f32 v10  }
0x43d: {  	v10 =	vmul.f32 v10, v12;
	v14 =	vmul.f32 v14, v12;
	_ =	sdelay $0x1  }
0x43e: {  	[tilespmem:v11+s7+$0x0] =	vst.idx.msk $0xffff, v10  }
0x43f: {  	[tilespmem:v13+s7+$0x0] =	vst.idx.msk $0xffff, v14  }
0x440: {  	v10 =	vld [tilespmem:s0+$0x10];
	_ =	sdelay $0x2  }
0x441: {  	v13 =	vor.u32 v7, v9  }
.Ltmp7:
0x442: {  	v11 =	vor.u32 v8, v9;
	(pc) =	sbr.rel @p0 .LBB2_13-.Ltmp7, $4  }
0x443: {  	v9 =	vunpack.i.u.bf16.f32 v10;
	v14 =	vunpack.i.l.bf16.f32 v10  }
0x444: {  	v10 =	vmov s22;
	v14 =	vmul.f32 v14, v12;
	v12 =	vmul.f32 v9, v12  }
0x445: {  	v9 =	vshll.u32 v10, $0x7  }
0x446: {  	[tilespmem:v13+s7+$0x0] =	vst.idx.msk $0xffff, v14  }
0x447: {  	_ =	sdelay $0x3  }
0x448: {  	[tilespmem:v11+s7+$0x0] =	vst.idx.msk $0xffff, v12;
	s0 =	sadd.s32 $0x40, s0  }
0x449: {  	v11 =	vld [tilespmem:s0+$0xFFFFFFE0]  }
0x44a: {  	v10 =	vld.idx.msk [tilespmem:v10+s29+$0x0], $0xffff;
	_ =	sdelay $0x1  }
0x44b: {  	v12 =	vor.u32 v0, v9  }
0x44c: {  	v13 =	vor.u32 v2, v9  }
0x44d: {  	v14 =	vunpack.i.l.bf16.f32 v11  }
0x44e: {  	v11 =	vunpack.i.u.bf16.f32 v11;
	v14 =	vmul.f32 v14, v10  }
0x44f: {  	v11 =	vmul.f32 v11, v10  }
0x450: {  	[tilespmem:v12+s7+$0x0] =	vst.idx.msk $0xffff, v14  }
0x451: {  	[tilespmem:v13+s7+$0x0] =	vst.idx.msk $0xffff, v11  }
0x452: {  	v11 =	vld [tilespmem:s0+$0xFFFFFFF0];
	_ =	sdelay $0x2  }
0x453: {  	v12 =	vor.u32 v3, v9  }
0x454: {  	v13 =	vor.u32 v4, v9  }
0x455: {  	v14 =	vunpack.i.l.bf16.f32 v11  }
0x456: {  	v11 =	vunpack.i.u.bf16.f32 v11;
	v14 =	vmul.f32 v14, v10  }
0x457: {  	v11 =	vmul.f32 v11, v10  }
0x458: {  	[tilespmem:v12+s7+$0x0] =	vst.idx.msk $0xffff, v14  }
0x459: {  	[tilespmem:v13+s7+$0x0] =	vst.idx.msk $0xffff, v11  }
0x45a: {  	v11 =	vld [tilespmem:s0+$0x0];
	_ =	sdelay $0x2  }
0x45b: {  	v12 =	vor.u32 v5, v9  }
0x45c: {  	v13 =	vor.u32 v6, v9  }
0x45d: {  	v14 =	vunpack.i.l.bf16.f32 v11  }
0x45e: {  	v11 =	vunpack.i.u.bf16.f32 v11;
	v14 =	vmul.f32 v14, v10  }
0x45f: {  	v11 =	vmul.f32 v11, v10  }
0x460: {  	[tilespmem:v12+s7+$0x0] =	vst.idx.msk $0xffff, v14  }
0x461: {  	[tilespmem:v13+s7+$0x0] =	vst.idx.msk $0xffff, v11  }
0x462: {  	v11 =	vld [tilespmem:s0+$0x10];
	_ =	sdelay $0x2  }
0x463: {  	v12 =	vor.u32 v7, v9  }
0x464: {  	v9 =	vor.u32 v8, v9  }
0x465: {  	s0 =	sld [smem:$0x7F5];
	v13 =	vunpack.i.l.bf16.f32 v11  }
0x466: {  	v11 =	vunpack.i.u.bf16.f32 v11;
	v13 =	vmul.f32 v13, v10  }
0x467: {  	p0 =	seq.s32 s16, $0x27;
	v10 =	vmul.f32 v11, v10  }
0x468: {  	s0 =	sadd.s32 @!p0 s21, s0;
	[tilespmem:v12+s7+$0x0] =	vst.idx.msk $0xffff, v13  }
0x469: {  	s14 =	simm.s32 $0x4FA0;
	s0 =	sshrl.u32 @!p0 s0, $0x3;
	[tilespmem:v9+s7+$0x0] =	vst.idx.msk $0xffff, v10  }
0x46a: {  	[spmem:s24] =	stream.indirect.scatter.add.f32 [tilespmem:s7], [sflag:$0x5], $0x80, s14, s15, $0xb8;
	[tilespmem:$0x1F040] =	vst v63  }
0x46b: {  	s22 =	simm.s32 @!p0 $0x0;
	s30 =	simm.s32 @!p0 $0x4E20;
	s14 =	sadd.s32 @!p0 s25, s0  }
0x46c: {  	[tilespmem:s30], [sflag:$0x9] =	stream.linear.gather @!p0 [hbm4b:s14+s22], $0x20, $0x38;
	[tilespmem:$0x1F040] =	vst v63  }
0x46d: {  	s0 =	sadd.s32 @!p0 s1, s0;
	s14 =	simm.s32 @!p0 $0x4F20  }
0x46e: {  	[tilespmem:s14], [sflag:$0x11] =	stream.linear.gather @!p0 [hbm4b:s0+s22], $0x20, $0x38;
	[tilespmem:$0x1F040] =	vst v63  }
0x46f: {  	_ =	swait.ge [sflag:s13], $0x20  }
0x470: {  	[sflag:s13] =	ssyncset.done $0x0  }
0x471: {  	s30 =	simm.s32 $0x4F00;
	s22 =	simm.s32 $0x6840;
	[sflag:s13] =	ssyncadd.s32 $0xFFFFFFE0  }
0x472: {  	[tilespmem:s22], [sflag:$0x4] =	stream.indirect.gather [hbm4b:s23+s15], $0x40, s30, s15, $0xb8;
	[tilespmem:$0x1F040] =	vst v63  }
0x473: {  	_ =	swait.ge [sflag:s10], $0x20  }
0x474: {  	[sflag:s10] =	ssyncset.done $0x0  }
0x475: {  	[sflag:s10] =	ssyncadd.s32 $0xFFFFFFE0  }
0x476: {  	v9 =	vld [tilespmem:$0x4FC0];
	_ =	sdelay $0x1  }
0x477: {  	v10 =	vld [tilespmem:$0x4EC0];
	_ =	sdelay $0x2  }
0x478: {  	vm0 =	vlt.s32 v9, $0x270F  }
0x479: {  	v9 =	vnsel vm0, $0x270F, v9;
	_ =	sdelay $0x2  }
0x47a: {  	s22 =	simm.s32 $0x0  }
0x47b: {  	v10 =	vld.idx.msk [tilespmem:v10+s22+$0x0], $0xffff  }
0x47c: {  	v9 =	vld.idx.msk [tilespmem:v9+s8+$0x0], $0xffff;
	_ =	sdelay $0x4  }
0x47d: {  	v9 =	vadd.f32 v9, v10;
	_ =	sdelay $0x1  }
0x47e: {  	v10 =	vmul.f32 $9.999999770e-03, v9;
	_ =	sdelay $0x1  }
0x47f: {  	v9 =	vmax.f32 v9, v10  }
0x480: {  	v9 =	vsub.f32 $0.0e+00, v9;
	_ =	sdelay $0x1  }
0x481: {  	v9 =	vmul.f32 $1.442695020e+00, v9;
	_ =	sdelay $0x1  }
0x482: {  	(erf) = vpow2.f32 v9;
	_ =	sdelay $0x8  }
0x483: {  	v9 =	vpop (erf)  }
0x484: {  	v9 =	vadd.f32 $1.000000000e+00, v9;
	_ =	sdelay $0x1  }
0x485: {  	(erf) = vrcp.f32 v9  }
0x486: {  	v9 =	vld [tilespmem:$0x4FD0];
	_ =	sdelay $0x1  }
0x487: {  	v10 =	vld [tilespmem:$0x4ED0];
	_ =	sdelay $0x2  }
0x488: {  	vm15 =	vlt.s32 v9, $0x270F  }
0x489: {  	v9 =	vnsel vm15, $0x270F, v9;
	_ =	sdelay $0x1  }
0x48a: {  	v11 =	vpop (erf)  }
0x48b: {  	[tilespmem:$0x5020] =	vst v11  }
0x48c: {  	v10 =	vld.idx.msk [tilespmem:v10+s22+$0x0], $0xffff  }
0x48d: {  	v9 =	vld.idx.msk [tilespmem:v9+s8+$0x0], $0xffff;
	_ =	sdelay $0x4  }
0x48e: {  	v9 =	vadd.f32 v9, v10;
	_ =	sdelay $0x1  }
0x48f: {  	v10 =	vmul.f32 $9.999999770e-03, v9;
	_ =	sdelay $0x1  }
0x490: {  	v9 =	vmax.f32 v9, v10  }
0x491: {  	v9 =	vsub.f32 $0.0e+00, v9;
	_ =	sdelay $0x1  }
0x492: {  	v9 =	vmul.f32 $1.442695020e+00, v9;
	_ =	sdelay $0x1  }
0x493: {  	(erf) = vpow2.f32 v9;
	_ =	sdelay $0x8  }
0x494: {  	v9 =	vpop (erf)  }
0x495: {  	v9 =	vadd.f32 $1.000000000e+00, v9;
	_ =	sdelay $0x1  }
0x496: {  	(erf) = vrcp.f32 v9;
	_ =	sdelay $0x8  }
0x497: {  	v9 =	vpop (erf)  }
0x498: {  	[tilespmem:$0x5030] =	vst v9  }
0x499: {  	_ =	swait.ge [sflag:s17], $0x800  }
0x49a: {  	[sflag:s17] =	ssyncset.done $0x0  }
0x49b: {  	v9 =	vmov s22;
	[sflag:s17] =	ssyncadd.s32 $0xFFFFF800  }
0x49c: {  	_ =	swait.ge [sflag:s12], $0x1000  }
0x49d: {  	[sflag:s12] =	ssyncset.done $0x0  }
0x49e: {  	s0 =	simm.s32 $0x5860;
	[sflag:s12] =	ssyncadd.s32 $0xFFFFF000  }
0x49f: {  	v10 =	vld [tilespmem:s0+$0xFFFFFFE0]  }
0x4a0: {  	v12 =	vld.idx.msk [tilespmem:v9+s29+$0x0], $0xffff  }
0x4a1: {  	v9 =	vshll.u32 v9, $0x7  }
0x4a2: {  	v11 =	vor.u32 v0, v9  }
0x4a3: {  	v13 =	vor.u32 v2, v9  }
0x4a4: {  	v14 =	vunpack.i.l.bf16.f32 v10  }
0x4a5: {  	v10 =	vunpack.i.u.bf16.f32 v10;
	v14 =	vmul.f32 v14, v12  }
0x4a6: {  	v10 =	vmul.f32 v10, v12  }
0x4a7: {  	[tilespmem:v11+s6+$0x0] =	vst.idx.msk $0xffff, v14  }
0x4a8: {  	[tilespmem:v13+s6+$0x0] =	vst.idx.msk $0xffff, v10  }
0x4a9: {  	v10 =	vld [tilespmem:s0+$0xFFFFFFF0];
	_ =	sdelay $0x2  }
0x4aa: {  	v11 =	vor.u32 v3, v9  }
0x4ab: {  	v13 =	vor.u32 v4, v9  }
0x4ac: {  	v14 =	vunpack.i.l.bf16.f32 v10  }
0x4ad: {  	v10 =	vunpack.i.u.bf16.f32 v10;
	v14 =	vmul.f32 v14, v12  }
0x4ae: {  	v10 =	vmul.f32 v10, v12  }
0x4af: {  	[tilespmem:v11+s6+$0x0] =	vst.idx.msk $0xffff, v14  }
0x4b0: {  	[tilespmem:v13+s6+$0x0] =	vst.idx.msk $0xffff, v10  }
0x4b1: {  	v10 =	vld [tilespmem:s0+$0x0];
	_ =	sdelay $0x2  }
0x4b2: {  	v11 =	vor.u32 v5, v9  }
0x4b3: {  	v13 =	vor.u32 v6, v9  }
0x4b4: {  	v14 =	vunpack.i.l.bf16.f32 v10  }
0x4b5: {  	v10 =	vunpack.i.u.bf16.f32 v10;
	v14 =	vmul.f32 v14, v12  }
0x4b6: {  	v10 =	vmul.f32 v10, v12  }
0x4b7: {  	[tilespmem:v11+s6+$0x0] =	vst.idx.msk $0xffff, v14  }
0x4b8: {  	[tilespmem:v13+s6+$0x0] =	vst.idx.msk $0xffff, v10  }
0x4b9: {  	v10 =	vld [tilespmem:s0+$0x10];
	_ =	sdelay $0x3  }
0x4ba: {  	v13 =	vor.u32 v7, v9  }
0x4bb: {  	v11 =	vunpack.i.l.bf16.f32 v10  }
0x4bc: {  	v14 =	vmul.f32 v11, v12;
	v11 =	vor.u32 v8, v9  }
0x4bd: {  	s30 =	simm.s32 $0x1  }
0x4be: {  	v15 =	vunpack.i.u.bf16.f32 v10;
	v10 =	vmov s30  }
0x4bf: {  	s14 =	simm.s32 $0x2;
	v12 =	vmul.f32 v15, v12;
	v9 =	vshll.u32 v10, $0x7;
	[tilespmem:v13+s6+$0x0] =	vst.idx.msk $0xffff, v14  }
.LBB2_15:
0x4c0: {  	p1 =	sne.s32 s14, $0x1F  }
0x4c1: {  	[tilespmem:v11+s6+$0x0] =	vst.idx.msk $0xffff, v12;
	s0 =	sadd.s32 $0x40, s0;
	s22 =	smov.u32 s14;
	s14 =	sadd.s32 $0x1, s14  }
0x4c2: {  	v11 =	vld [tilespmem:s0+$0xFFFFFFE0]  }
0x4c3: {  	v12 =	vld.idx.msk [tilespmem:v10+s29+$0x0], $0xffff;
	_ =	sdelay $0x2  }
0x4c4: {  	v10 =	vor.u32 v0, v9  }
0x4c5: {  	v13 =	vor.u32 v2, v9  }
0x4c6: {  	v14 =	vunpack.i.l.bf16.f32 v11  }
0x4c7: {  	v11 =	vunpack.i.u.bf16.f32 v11;
	v14 =	vmul.f32 v14, v12  }
0x4c8: {  	v11 =	vmul.f32 v11, v12  }
0x4c9: {  	[tilespmem:v10+s6+$0x0] =	vst.idx.msk $0xffff, v14  }
0x4ca: {  	[tilespmem:v13+s6+$0x0] =	vst.idx.msk $0xffff, v11  }
0x4cb: {  	v10 =	vld [tilespmem:s0+$0xFFFFFFF0];
	_ =	sdelay $0x2  }
0x4cc: {  	v11 =	vor.u32 v3, v9  }
0x4cd: {  	v13 =	vor.u32 v4, v9  }
0x4ce: {  	v14 =	vunpack.i.u.bf16.f32 v10;
	v10 =	vunpack.i.l.bf16.f32 v10  }
0x4cf: {  	v10 =	vmul.f32 v10, v12;
	v14 =	vmul.f32 v14, v12;
	_ =	sdelay $0x1  }
0x4d0: {  	[tilespmem:v11+s6+$0x0] =	vst.idx.msk $0xffff, v10  }
0x4d1: {  	[tilespmem:v13+s6+$0x0] =	vst.idx.msk $0xffff, v14  }
0x4d2: {  	v10 =	vld [tilespmem:s0+$0x0];
	_ =	sdelay $0x2  }
0x4d3: {  	v11 =	vor.u32 v5, v9  }
0x4d4: {  	v13 =	vor.u32 v6, v9  }
0x4d5: {  	v14 =	vunpack.i.u.bf16.f32 v10;
	v10 =	vunpack.i.l.bf16.f32 v10  }
0x4d6: {  	v10 =	vmul.f32 v10, v12;
	v14 =	vmul.f32 v14, v12;
	_ =	sdelay $0x1  }
0x4d7: {  	[tilespmem:v11+s6+$0x0] =	vst.idx.msk $0xffff, v10  }
0x4d8: {  	[tilespmem:v13+s6+$0x0] =	vst.idx.msk $0xffff, v14  }
0x4d9: {  	v10 =	vld [tilespmem:s0+$0x10];
	_ =	sdelay $0x2  }
0x4da: {  	v13 =	vor.u32 v7, v9  }
.Ltmp8:
0x4db: {  	v11 =	vor.u32 v8, v9;
	(pc) =	sbr.rel @p1 .LBB2_15-.Ltmp8, $4  }
0x4dc: {  	v9 =	vunpack.i.u.bf16.f32 v10;
	v14 =	vunpack.i.l.bf16.f32 v10  }
0x4dd: {  	v10 =	vmov s22;
	v14 =	vmul.f32 v14, v12;
	v12 =	vmul.f32 v9, v12  }
0x4de: {  	v9 =	vshll.u32 v10, $0x7  }
0x4df: {  	[tilespmem:v13+s6+$0x0] =	vst.idx.msk $0xffff, v14  }
0x4e0: {  	_ =	sdelay $0x3  }
0x4e1: {  	[tilespmem:v11+s6+$0x0] =	vst.idx.msk $0xffff, v12;
	s0 =	sadd.s32 $0x40, s0  }
0x4e2: {  	v11 =	vld [tilespmem:s0+$0xFFFFFFE0]  }
0x4e3: {  	v10 =	vld.idx.msk [tilespmem:v10+s29+$0x0], $0xffff;
	_ =	sdelay $0x1  }
0x4e4: {  	v12 =	vor.u32 v0, v9  }
0x4e5: {  	v13 =	vor.u32 v2, v9  }
0x4e6: {  	v14 =	vunpack.i.l.bf16.f32 v11  }
0x4e7: {  	v11 =	vunpack.i.u.bf16.f32 v11;
	v14 =	vmul.f32 v14, v10  }
0x4e8: {  	v11 =	vmul.f32 v11, v10  }
0x4e9: {  	[tilespmem:v12+s6+$0x0] =	vst.idx.msk $0xffff, v14  }
0x4ea: {  	[tilespmem:v13+s6+$0x0] =	vst.idx.msk $0xffff, v11  }
0x4eb: {  	v11 =	vld [tilespmem:s0+$0xFFFFFFF0];
	_ =	sdelay $0x2  }
0x4ec: {  	v12 =	vor.u32 v3, v9  }
0x4ed: {  	v13 =	vor.u32 v4, v9  }
0x4ee: {  	v14 =	vunpack.i.l.bf16.f32 v11  }
0x4ef: {  	v11 =	vunpack.i.u.bf16.f32 v11;
	v14 =	vmul.f32 v14, v10  }
0x4f0: {  	v11 =	vmul.f32 v11, v10  }
0x4f1: {  	[tilespmem:v12+s6+$0x0] =	vst.idx.msk $0xffff, v14  }
0x4f2: {  	[tilespmem:v13+s6+$0x0] =	vst.idx.msk $0xffff, v11  }
0x4f3: {  	v11 =	vld [tilespmem:s0+$0x0];
	_ =	sdelay $0x2  }
0x4f4: {  	v12 =	vor.u32 v5, v9  }
0x4f5: {  	v13 =	vor.u32 v6, v9  }
0x4f6: {  	v14 =	vunpack.i.l.bf16.f32 v11  }
0x4f7: {  	v11 =	vunpack.i.u.bf16.f32 v11;
	v14 =	vmul.f32 v14, v10  }
0x4f8: {  	v11 =	vmul.f32 v11, v10  }
0x4f9: {  	[tilespmem:v12+s6+$0x0] =	vst.idx.msk $0xffff, v14  }
0x4fa: {  	[tilespmem:v13+s6+$0x0] =	vst.idx.msk $0xffff, v11  }
0x4fb: {  	v11 =	vld [tilespmem:s0+$0x10];
	_ =	sdelay $0x2  }
0x4fc: {  	v12 =	vor.u32 v7, v9  }
0x4fd: {  	v9 =	vor.u32 v8, v9  }
0x4fe: {  	s0 =	sld [smem:$0x7F6];
	v13 =	vunpack.i.l.bf16.f32 v11  }
0x4ff: {  	v11 =	vunpack.i.u.bf16.f32 v11;
	v13 =	vmul.f32 v13, v10  }
0x500: {  	v10 =	vmul.f32 v11, v10  }
0x501: {  	s0 =	sadd.s32 @!p0 s21, s0;
	[tilespmem:v12+s6+$0x0] =	vst.idx.msk $0xffff, v13  }
0x502: {  	s14 =	simm.s32 $0x4FC0;
	s0 =	sshrl.u32 @!p0 s0, $0x3;
	[tilespmem:v9+s6+$0x0] =	vst.idx.msk $0xffff, v10  }
0x503: {  	[spmem:s24] =	stream.indirect.scatter.add.f32 [tilespmem:s6], [sflag:$0x6], $0x80, s14, s15, $0xb8;
	[tilespmem:$0x1F040] =	vst v63  }
0x504: {  	s22 =	simm.s32 @!p0 $0x0;
	s30 =	simm.s32 @!p0 $0x4E40;
	s14 =	sadd.s32 @!p0 s25, s0  }
0x505: {  	[tilespmem:s30], [sflag:$0xA] =	stream.linear.gather @!p0 [hbm4b:s14+s22], $0x20, $0x38;
	[tilespmem:$0x1F040] =	vst v63  }
0x506: {  	s0 =	sadd.s32 @!p0 s1, s0;
	s14 =	simm.s32 @!p0 $0x4F40  }
0x507: {  	[tilespmem:s14], [sflag:$0x12] =	stream.linear.gather @!p0 [hbm4b:s0+s22], $0x20, $0x38;
	[tilespmem:$0x1F040] =	vst v63  }
0x508: {  	s0 =	simm.s32 @!p0 $0x9  }
0x509: {  	_ =	swait.ge @!p0 [sflag:s0], $0x20  }
0x50a: {  	s14 =	simm.s32 @!p0 $0x4E20;
	[sflag:s0] =	ssyncset.done @!p0 $0x0  }
0x50b: {  	s22 =	simm.s32 @!p0 $0x5040;
	[sflag:s0] =	ssyncadd.s32 @!p0 $0xFFFFFFE0;
	s0 =	simm.s32 @!p0 $0x20  }
0x50c: {  	[tilespmem:s22], [sflag:$0x1] =	stream.indirect.gather @!p0 [hbm4b:s23+s0], $0x40, s14, s0, $0xb8;
	[tilespmem:$0x1F040] =	vst v63  }
0x50d: {  	_ =	swait.ge [sflag:s20], $0x20  }
0x50e: {  	[sflag:s20] =	ssyncset.done $0x0  }
0x50f: {  	[sflag:s20] =	ssyncadd.s32 $0xFFFFFFE0  }
0x510: {  	v9 =	vld [tilespmem:$0x4FE0];
	_ =	sdelay $0x1  }
0x511: {  	v10 =	vld [tilespmem:$0x4EE0];
	_ =	sdelay $0x2  }
0x512: {  	vm0 =	vlt.s32 v9, $0x270F  }
0x513: {  	v9 =	vnsel vm0, $0x270F, v9;
	_ =	sdelay $0x2  }
0x514: {  	s22 =	simm.s32 $0x0  }
0x515: {  	v10 =	vld.idx.msk [tilespmem:v10+s22+$0x0], $0xffff  }
0x516: {  	v9 =	vld.idx.msk [tilespmem:v9+s8+$0x0], $0xffff;
	_ =	sdelay $0x4  }
0x517: {  	v9 =	vadd.f32 v9, v10;
	_ =	sdelay $0x1  }
0x518: {  	v10 =	vmul.f32 $9.999999770e-03, v9;
	_ =	sdelay $0x1  }
0x519: {  	v9 =	vmax.f32 v9, v10  }
0x51a: {  	v9 =	vsub.f32 $0.0e+00, v9;
	_ =	sdelay $0x1  }
0x51b: {  	v9 =	vmul.f32 $1.442695020e+00, v9;
	_ =	sdelay $0x1  }
0x51c: {  	(erf) = vpow2.f32 v9;
	_ =	sdelay $0x8  }
0x51d: {  	v9 =	vpop (erf)  }
0x51e: {  	v9 =	vadd.f32 $1.000000000e+00, v9;
	_ =	sdelay $0x1  }
0x51f: {  	(erf) = vrcp.f32 v9  }
0x520: {  	v9 =	vld [tilespmem:$0x4FF0];
	_ =	sdelay $0x1  }
0x521: {  	v10 =	vld [tilespmem:$0x4EF0];
	_ =	sdelay $0x2  }
0x522: {  	vm15 =	vlt.s32 v9, $0x270F  }
0x523: {  	v9 =	vnsel vm15, $0x270F, v9;
	_ =	sdelay $0x1  }
0x524: {  	v11 =	vpop (erf)  }
0x525: {  	[tilespmem:$0x5020] =	vst v11  }
0x526: {  	v10 =	vld.idx.msk [tilespmem:v10+s22+$0x0], $0xffff  }
0x527: {  	v9 =	vld.idx.msk [tilespmem:v9+s8+$0x0], $0xffff;
	_ =	sdelay $0x4  }
0x528: {  	v9 =	vadd.f32 v9, v10;
	_ =	sdelay $0x1  }
0x529: {  	v10 =	vmul.f32 $9.999999770e-03, v9;
	_ =	sdelay $0x1  }
0x52a: {  	v9 =	vmax.f32 v9, v10  }
0x52b: {  	v9 =	vsub.f32 $0.0e+00, v9;
	_ =	sdelay $0x1  }
0x52c: {  	v9 =	vmul.f32 $1.442695020e+00, v9;
	_ =	sdelay $0x1  }
0x52d: {  	(erf) = vpow2.f32 v9;
	_ =	sdelay $0x8  }
0x52e: {  	v9 =	vpop (erf)  }
0x52f: {  	v9 =	vadd.f32 $1.000000000e+00, v9;
	_ =	sdelay $0x1  }
0x530: {  	(erf) = vrcp.f32 v9;
	_ =	sdelay $0x8  }
0x531: {  	v9 =	vpop (erf)  }
0x532: {  	[tilespmem:$0x5030] =	vst v9  }
0x533: {  	_ =	swait.ge [sflag:s3], $0x800  }
0x534: {  	[sflag:s3] =	ssyncset.done $0x0  }
0x535: {  	v9 =	vmov s22;
	[sflag:s3] =	ssyncadd.s32 $0xFFFFF800  }
0x536: {  	_ =	swait.ge [sflag:s26], $0x1000  }
0x537: {  	[sflag:s26] =	ssyncset.done $0x0  }
0x538: {  	s0 =	simm.s32 $0x6060;
	[sflag:s26] =	ssyncadd.s32 $0xFFFFF000  }
0x539: {  	v10 =	vld [tilespmem:s0+$0xFFFFFFE0]  }
0x53a: {  	v12 =	vld.idx.msk [tilespmem:v9+s29+$0x0], $0xffff  }
0x53b: {  	v9 =	vshll.u32 v9, $0x7  }
0x53c: {  	v11 =	vor.u32 v0, v9  }
0x53d: {  	v13 =	vor.u32 v2, v9  }
0x53e: {  	v14 =	vunpack.i.l.bf16.f32 v10  }
0x53f: {  	v10 =	vunpack.i.u.bf16.f32 v10;
	v14 =	vmul.f32 v14, v12  }
0x540: {  	v10 =	vmul.f32 v10, v12  }
0x541: {  	[tilespmem:v11+s4+$0x0] =	vst.idx.msk $0xffff, v14  }
0x542: {  	[tilespmem:v13+s4+$0x0] =	vst.idx.msk $0xffff, v10  }
0x543: {  	v10 =	vld [tilespmem:s0+$0xFFFFFFF0];
	_ =	sdelay $0x2  }
0x544: {  	v11 =	vor.u32 v3, v9  }
0x545: {  	v13 =	vor.u32 v4, v9  }
0x546: {  	v14 =	vunpack.i.l.bf16.f32 v10  }
0x547: {  	v10 =	vunpack.i.u.bf16.f32 v10;
	v14 =	vmul.f32 v14, v12  }
0x548: {  	v10 =	vmul.f32 v10, v12  }
0x549: {  	[tilespmem:v11+s4+$0x0] =	vst.idx.msk $0xffff, v14  }
0x54a: {  	[tilespmem:v13+s4+$0x0] =	vst.idx.msk $0xffff, v10  }
0x54b: {  	v10 =	vld [tilespmem:s0+$0x0];
	_ =	sdelay $0x2  }
0x54c: {  	v11 =	vor.u32 v5, v9  }
0x54d: {  	v13 =	vor.u32 v6, v9  }
0x54e: {  	v14 =	vunpack.i.l.bf16.f32 v10  }
0x54f: {  	v10 =	vunpack.i.u.bf16.f32 v10;
	v14 =	vmul.f32 v14, v12  }
0x550: {  	v10 =	vmul.f32 v10, v12  }
0x551: {  	[tilespmem:v11+s4+$0x0] =	vst.idx.msk $0xffff, v14  }
0x552: {  	[tilespmem:v13+s4+$0x0] =	vst.idx.msk $0xffff, v10  }
0x553: {  	v10 =	vld [tilespmem:s0+$0x10];
	_ =	sdelay $0x3  }
0x554: {  	v13 =	vor.u32 v7, v9  }
0x555: {  	v11 =	vunpack.i.l.bf16.f32 v10  }
0x556: {  	v14 =	vmul.f32 v11, v12;
	v11 =	vor.u32 v8, v9  }
0x557: {  	s30 =	simm.s32 $0x1  }
0x558: {  	v15 =	vunpack.i.u.bf16.f32 v10;
	v10 =	vmov s30  }
0x559: {  	s14 =	simm.s32 $0x2;
	v12 =	vmul.f32 v15, v12;
	v9 =	vshll.u32 v10, $0x7;
	[tilespmem:v13+s4+$0x0] =	vst.idx.msk $0xffff, v14  }
.LBB2_17:
0x55a: {  	p1 =	sne.s32 s14, $0x1F  }
0x55b: {  	[tilespmem:v11+s4+$0x0] =	vst.idx.msk $0xffff, v12;
	s0 =	sadd.s32 $0x40, s0;
	s22 =	smov.u32 s14;
	s14 =	sadd.s32 $0x1, s14  }
0x55c: {  	v11 =	vld [tilespmem:s0+$0xFFFFFFE0]  }
0x55d: {  	v12 =	vld.idx.msk [tilespmem:v10+s29+$0x0], $0xffff;
	_ =	sdelay $0x2  }
0x55e: {  	v10 =	vor.u32 v0, v9  }
0x55f: {  	v13 =	vor.u32 v2, v9  }
0x560: {  	v14 =	vunpack.i.l.bf16.f32 v11  }
0x561: {  	v11 =	vunpack.i.u.bf16.f32 v11;
	v14 =	vmul.f32 v14, v12  }
0x562: {  	v11 =	vmul.f32 v11, v12  }
0x563: {  	[tilespmem:v10+s4+$0x0] =	vst.idx.msk $0xffff, v14  }
0x564: {  	[tilespmem:v13+s4+$0x0] =	vst.idx.msk $0xffff, v11  }
0x565: {  	v10 =	vld [tilespmem:s0+$0xFFFFFFF0];
	_ =	sdelay $0x2  }
0x566: {  	v11 =	vor.u32 v3, v9  }
0x567: {  	v13 =	vor.u32 v4, v9  }
0x568: {  	v14 =	vunpack.i.u.bf16.f32 v10;
	v10 =	vunpack.i.l.bf16.f32 v10  }
0x569: {  	v10 =	vmul.f32 v10, v12;
	v14 =	vmul.f32 v14, v12;
	_ =	sdelay $0x1  }
0x56a: {  	[tilespmem:v11+s4+$0x0] =	vst.idx.msk $0xffff, v10  }
0x56b: {  	[tilespmem:v13+s4+$0x0] =	vst.idx.msk $0xffff, v14  }
0x56c: {  	v10 =	vld [tilespmem:s0+$0x0];
	_ =	sdelay $0x2  }
0x56d: {  	v11 =	vor.u32 v5, v9  }
0x56e: {  	v13 =	vor.u32 v6, v9  }
0x56f: {  	v14 =	vunpack.i.u.bf16.f32 v10;
	v10 =	vunpack.i.l.bf16.f32 v10  }
0x570: {  	v10 =	vmul.f32 v10, v12;
	v14 =	vmul.f32 v14, v12;
	_ =	sdelay $0x1  }
0x571: {  	[tilespmem:v11+s4+$0x0] =	vst.idx.msk $0xffff, v10  }
0x572: {  	[tilespmem:v13+s4+$0x0] =	vst.idx.msk $0xffff, v14  }
0x573: {  	v10 =	vld [tilespmem:s0+$0x10];
	_ =	sdelay $0x2  }
0x574: {  	v13 =	vor.u32 v7, v9  }
.Ltmp9:
0x575: {  	v11 =	vor.u32 v8, v9;
	(pc) =	sbr.rel @p1 .LBB2_17-.Ltmp9, $4  }
0x576: {  	v9 =	vunpack.i.u.bf16.f32 v10;
	v14 =	vunpack.i.l.bf16.f32 v10  }
0x577: {  	v10 =	vmov s22;
	v14 =	vmul.f32 v14, v12;
	v12 =	vmul.f32 v9, v12  }
0x578: {  	v9 =	vshll.u32 v10, $0x7  }
0x579: {  	[tilespmem:v13+s4+$0x0] =	vst.idx.msk $0xffff, v14  }
0x57a: {  	_ =	sdelay $0x3  }
0x57b: {  	[tilespmem:v11+s4+$0x0] =	vst.idx.msk $0xffff, v12;
	s0 =	sadd.s32 $0x40, s0  }
0x57c: {  	v11 =	vld [tilespmem:s0+$0xFFFFFFE0]  }
0x57d: {  	v10 =	vld.idx.msk [tilespmem:v10+s29+$0x0], $0xffff;
	_ =	sdelay $0x1  }
0x57e: {  	v12 =	vor.u32 v0, v9  }
0x57f: {  	v13 =	vor.u32 v2, v9  }
0x580: {  	v14 =	vunpack.i.l.bf16.f32 v11  }
0x581: {  	v11 =	vunpack.i.u.bf16.f32 v11;
	v14 =	vmul.f32 v14, v10  }
0x582: {  	v11 =	vmul.f32 v11, v10  }
0x583: {  	[tilespmem:v12+s4+$0x0] =	vst.idx.msk $0xffff, v14  }
0x584: {  	[tilespmem:v13+s4+$0x0] =	vst.idx.msk $0xffff, v11  }
0x585: {  	v11 =	vld [tilespmem:s0+$0xFFFFFFF0];
	_ =	sdelay $0x2  }
0x586: {  	v12 =	vor.u32 v3, v9  }
0x587: {  	v13 =	vor.u32 v4, v9  }
0x588: {  	v14 =	vunpack.i.l.bf16.f32 v11  }
0x589: {  	v11 =	vunpack.i.u.bf16.f32 v11;
	v14 =	vmul.f32 v14, v10  }
0x58a: {  	v11 =	vmul.f32 v11, v10  }
0x58b: {  	[tilespmem:v12+s4+$0x0] =	vst.idx.msk $0xffff, v14  }
0x58c: {  	[tilespmem:v13+s4+$0x0] =	vst.idx.msk $0xffff, v11  }
0x58d: {  	v11 =	vld [tilespmem:s0+$0x0];
	_ =	sdelay $0x2  }
0x58e: {  	v12 =	vor.u32 v5, v9  }
0x58f: {  	v13 =	vor.u32 v6, v9  }
0x590: {  	v14 =	vunpack.i.l.bf16.f32 v11  }
0x591: {  	v11 =	vunpack.i.u.bf16.f32 v11;
	v14 =	vmul.f32 v14, v10  }
0x592: {  	v11 =	vmul.f32 v11, v10  }
0x593: {  	[tilespmem:v12+s4+$0x0] =	vst.idx.msk $0xffff, v14  }
0x594: {  	[tilespmem:v13+s4+$0x0] =	vst.idx.msk $0xffff, v11  }
0x595: {  	v11 =	vld [tilespmem:s0+$0x10];
	_ =	sdelay $0x2  }
0x596: {  	v12 =	vor.u32 v7, v9  }
0x597: {  	v9 =	vor.u32 v8, v9  }
0x598: {  	s0 =	sld [smem:$0x7F7];
	v13 =	vunpack.i.l.bf16.f32 v11  }
0x599: {  	v11 =	vunpack.i.u.bf16.f32 v11;
	v13 =	vmul.f32 v13, v10  }
0x59a: {  	v10 =	vmul.f32 v11, v10  }
0x59b: {  	s0 =	sadd.s32 @!p0 s21, s0;
	[tilespmem:v12+s4+$0x0] =	vst.idx.msk $0xffff, v13  }
0x59c: {  	s14 =	simm.s32 $0x4FE0;
	s0 =	sshrl.u32 @!p0 s0, $0x3;
	[tilespmem:v9+s4+$0x0] =	vst.idx.msk $0xffff, v10  }
0x59d: {  	[spmem:s24] =	stream.indirect.scatter.add.f32 [tilespmem:s4], [sflag:$0x7], $0x80, s14, s15, $0xb8;
	[tilespmem:$0x1F040] =	vst v63  }
0x59e: {  	s22 =	simm.s32 @!p0 $0x0;
	s30 =	simm.s32 @!p0 $0x4E60;
	s14 =	sadd.s32 @!p0 s25, s0  }
0x59f: {  	[tilespmem:s30], [sflag:$0xB] =	stream.linear.gather @!p0 [hbm4b:s14+s22], $0x20, $0x38;
	[tilespmem:$0x1F040] =	vst v63  }
0x5a0: {  	s0 =	sadd.s32 @!p0 s1, s0;
	s14 =	simm.s32 @!p0 $0x4F60  }
0x5a1: {  	[tilespmem:s14], [sflag:$0x13] =	stream.linear.gather @!p0 [hbm4b:s0+s22], $0x20, $0x38;
	[tilespmem:$0x1F040] =	vst v63  }
0x5a2: {  	s0 =	simm.s32 @!p0 $0xA  }
0x5a3: {  	_ =	swait.ge @!p0 [sflag:s0], $0x20  }
0x5a4: {  	s14 =	simm.s32 @!p0 $0x4E40;
	[sflag:s0] =	ssyncset.done @!p0 $0x0  }
0x5a5: {  	s22 =	simm.s32 @!p0 $0x5840;
	[sflag:s0] =	ssyncadd.s32 @!p0 $0xFFFFFFE0;
	s0 =	simm.s32 @!p0 $0x20  }
0x5a6: {  	[tilespmem:s22], [sflag:$0x2] =	stream.indirect.gather @!p0 [hbm4b:s23+s0], $0x40, s14, s0, $0xb8;
	[tilespmem:$0x1F040] =	vst v63  }
0x5a7: {  	_ =	swait.ge [sflag:s11], $0x20  }
0x5a8: {  	[sflag:s11] =	ssyncset.done $0x0  }
0x5a9: {  	[sflag:s11] =	ssyncadd.s32 $0xFFFFFFE0  }
0x5aa: {  	v9 =	vld [tilespmem:$0x5000];
	_ =	sdelay $0x1  }
0x5ab: {  	v10 =	vld [tilespmem:$0x4F00];
	_ =	sdelay $0x2  }
0x5ac: {  	vm0 =	vlt.s32 v9, $0x270F  }
0x5ad: {  	v9 =	vnsel vm0, $0x270F, v9;
	_ =	sdelay $0x2  }
0x5ae: {  	s22 =	simm.s32 $0x0  }
0x5af: {  	v10 =	vld.idx.msk [tilespmem:v10+s22+$0x0], $0xffff  }
0x5b0: {  	v9 =	vld.idx.msk [tilespmem:v9+s8+$0x0], $0xffff;
	_ =	sdelay $0x4  }
0x5b1: {  	v9 =	vadd.f32 v9, v10;
	_ =	sdelay $0x1  }
0x5b2: {  	v10 =	vmul.f32 $9.999999770e-03, v9;
	_ =	sdelay $0x1  }
0x5b3: {  	v9 =	vmax.f32 v9, v10  }
0x5b4: {  	v9 =	vsub.f32 $0.0e+00, v9;
	_ =	sdelay $0x1  }
0x5b5: {  	v9 =	vmul.f32 $1.442695020e+00, v9;
	_ =	sdelay $0x1  }
0x5b6: {  	(erf) = vpow2.f32 v9;
	_ =	sdelay $0x8  }
0x5b7: {  	v9 =	vpop (erf)  }
0x5b8: {  	v9 =	vadd.f32 $1.000000000e+00, v9;
	_ =	sdelay $0x1  }
0x5b9: {  	(erf) = vrcp.f32 v9  }
0x5ba: {  	v9 =	vld [tilespmem:$0x5010];
	_ =	sdelay $0x1  }
0x5bb: {  	v10 =	vld [tilespmem:$0x4F10];
	_ =	sdelay $0x2  }
0x5bc: {  	vm15 =	vlt.s32 v9, $0x270F  }
0x5bd: {  	v9 =	vnsel vm15, $0x270F, v9;
	_ =	sdelay $0x1  }
0x5be: {  	v11 =	vpop (erf)  }
0x5bf: {  	[tilespmem:$0x5020] =	vst v11  }
0x5c0: {  	v10 =	vld.idx.msk [tilespmem:v10+s22+$0x0], $0xffff  }
0x5c1: {  	v9 =	vld.idx.msk [tilespmem:v9+s8+$0x0], $0xffff;
	_ =	sdelay $0x4  }
0x5c2: {  	v9 =	vadd.f32 v9, v10;
	_ =	sdelay $0x1  }
0x5c3: {  	v10 =	vmul.f32 $9.999999770e-03, v9;
	_ =	sdelay $0x1  }
0x5c4: {  	v9 =	vmax.f32 v9, v10  }
0x5c5: {  	v9 =	vsub.f32 $0.0e+00, v9;
	_ =	sdelay $0x1  }
0x5c6: {  	v9 =	vmul.f32 $1.442695020e+00, v9;
	_ =	sdelay $0x1  }
0x5c7: {  	(erf) = vpow2.f32 v9;
	_ =	sdelay $0x8  }
0x5c8: {  	v9 =	vpop (erf)  }
0x5c9: {  	v9 =	vadd.f32 $1.000000000e+00, v9;
	_ =	sdelay $0x1  }
0x5ca: {  	(erf) = vrcp.f32 v9;
	_ =	sdelay $0x8  }
0x5cb: {  	v9 =	vpop (erf)  }
0x5cc: {  	[tilespmem:$0x5030] =	vst v9  }
0x5cd: {  	_ =	swait.ge [sflag:s9], $0x800  }
0x5ce: {  	[sflag:s9] =	ssyncset.done $0x0  }
0x5cf: {  	v9 =	vmov s22;
	[sflag:s9] =	ssyncadd.s32 $0xFFFFF800  }
0x5d0: {  	_ =	swait.ge [sflag:s19], $0x1000  }
0x5d1: {  	[sflag:s19] =	ssyncset.done $0x0  }
0x5d2: {  	s0 =	simm.s32 $0x6860;
	[sflag:s19] =	ssyncadd.s32 $0xFFFFF000  }
0x5d3: {  	v10 =	vld [tilespmem:s0+$0xFFFFFFE0]  }
0x5d4: {  	v12 =	vld.idx.msk [tilespmem:v9+s29+$0x0], $0xffff  }
0x5d5: {  	v9 =	vshll.u32 v9, $0x7  }
0x5d6: {  	v11 =	vor.u32 v0, v9  }
0x5d7: {  	v13 =	vor.u32 v2, v9  }
0x5d8: {  	v14 =	vunpack.i.l.bf16.f32 v10  }
0x5d9: {  	v10 =	vunpack.i.u.bf16.f32 v10;
	v14 =	vmul.f32 v14, v12  }
0x5da: {  	v10 =	vmul.f32 v10, v12  }
0x5db: {  	[tilespmem:v11+s18+$0x0] =	vst.idx.msk $0xffff, v14  }
0x5dc: {  	[tilespmem:v13+s18+$0x0] =	vst.idx.msk $0xffff, v10  }
0x5dd: {  	v10 =	vld [tilespmem:s0+$0xFFFFFFF0];
	_ =	sdelay $0x2  }
0x5de: {  	v11 =	vor.u32 v3, v9  }
0x5df: {  	v13 =	vor.u32 v4, v9  }
0x5e0: {  	v14 =	vunpack.i.l.bf16.f32 v10  }
0x5e1: {  	v10 =	vunpack.i.u.bf16.f32 v10;
	v14 =	vmul.f32 v14, v12  }
0x5e2: {  	v10 =	vmul.f32 v10, v12  }
0x5e3: {  	[tilespmem:v11+s18+$0x0] =	vst.idx.msk $0xffff, v14  }
0x5e4: {  	[tilespmem:v13+s18+$0x0] =	vst.idx.msk $0xffff, v10  }
0x5e5: {  	v10 =	vld [tilespmem:s0+$0x0];
	_ =	sdelay $0x2  }
0x5e6: {  	v11 =	vor.u32 v5, v9  }
0x5e7: {  	v13 =	vor.u32 v6, v9  }
0x5e8: {  	v14 =	vunpack.i.l.bf16.f32 v10  }
0x5e9: {  	v10 =	vunpack.i.u.bf16.f32 v10;
	v14 =	vmul.f32 v14, v12  }
0x5ea: {  	v10 =	vmul.f32 v10, v12  }
0x5eb: {  	[tilespmem:v11+s18+$0x0] =	vst.idx.msk $0xffff, v14  }
0x5ec: {  	[tilespmem:v13+s18+$0x0] =	vst.idx.msk $0xffff, v10  }
0x5ed: {  	v10 =	vld [tilespmem:s0+$0x10];
	_ =	sdelay $0x3  }
0x5ee: {  	v13 =	vor.u32 v7, v9  }
0x5ef: {  	v11 =	vunpack.i.l.bf16.f32 v10  }
0x5f0: {  	v14 =	vmul.f32 v11, v12;
	v11 =	vor.u32 v8, v9  }
0x5f1: {  	s30 =	simm.s32 $0x1  }
0x5f2: {  	v15 =	vunpack.i.u.bf16.f32 v10;
	v10 =	vmov s30  }
0x5f3: {  	s14 =	simm.s32 $0x2;
	v12 =	vmul.f32 v15, v12;
	v9 =	vshll.u32 v10, $0x7;
	[tilespmem:v13+s18+$0x0] =	vst.idx.msk $0xffff, v14  }
.LBB2_19:
0x5f4: {  	p1 =	sne.s32 s14, $0x1F  }
0x5f5: {  	[tilespmem:v11+s18+$0x0] =	vst.idx.msk $0xffff, v12;
	s0 =	sadd.s32 $0x40, s0;
	s22 =	smov.u32 s14;
	s14 =	sadd.s32 $0x1, s14  }
0x5f6: {  	v11 =	vld [tilespmem:s0+$0xFFFFFFE0]  }
0x5f7: {  	v12 =	vld.idx.msk [tilespmem:v10+s29+$0x0], $0xffff;
	_ =	sdelay $0x2  }
0x5f8: {  	v10 =	vor.u32 v0, v9  }
0x5f9: {  	v13 =	vor.u32 v2, v9  }
0x5fa: {  	v14 =	vunpack.i.l.bf16.f32 v11  }
0x5fb: {  	v11 =	vunpack.i.u.bf16.f32 v11;
	v14 =	vmul.f32 v14, v12  }
0x5fc: {  	v11 =	vmul.f32 v11, v12  }
0x5fd: {  	[tilespmem:v10+s18+$0x0] =	vst.idx.msk $0xffff, v14  }
0x5fe: {  	[tilespmem:v13+s18+$0x0] =	vst.idx.msk $0xffff, v11  }
0x5ff: {  	v10 =	vld [tilespmem:s0+$0xFFFFFFF0];
	_ =	sdelay $0x2  }
0x600: {  	v11 =	vor.u32 v3, v9  }
0x601: {  	v13 =	vor.u32 v4, v9  }
0x602: {  	v14 =	vunpack.i.u.bf16.f32 v10;
	v10 =	vunpack.i.l.bf16.f32 v10  }
0x603: {  	v10 =	vmul.f32 v10, v12;
	v14 =	vmul.f32 v14, v12;
	_ =	sdelay $0x1  }
0x604: {  	[tilespmem:v11+s18+$0x0] =	vst.idx.msk $0xffff, v10  }
0x605: {  	[tilespmem:v13+s18+$0x0] =	vst.idx.msk $0xffff, v14  }
0x606: {  	v10 =	vld [tilespmem:s0+$0x0];
	_ =	sdelay $0x2  }
0x607: {  	v11 =	vor.u32 v5, v9  }
0x608: {  	v13 =	vor.u32 v6, v9  }
0x609: {  	v14 =	vunpack.i.u.bf16.f32 v10;
	v10 =	vunpack.i.l.bf16.f32 v10  }
0x60a: {  	v10 =	vmul.f32 v10, v12;
	v14 =	vmul.f32 v14, v12;
	_ =	sdelay $0x1  }
0x60b: {  	[tilespmem:v11+s18+$0x0] =	vst.idx.msk $0xffff, v10  }
0x60c: {  	[tilespmem:v13+s18+$0x0] =	vst.idx.msk $0xffff, v14  }
0x60d: {  	v10 =	vld [tilespmem:s0+$0x10];
	_ =	sdelay $0x2  }
0x60e: {  	v13 =	vor.u32 v7, v9  }
.Ltmp10:
0x60f: {  	v11 =	vor.u32 v8, v9;
	(pc) =	sbr.rel @p1 .LBB2_19-.Ltmp10, $4  }
0x610: {  	v9 =	vunpack.i.u.bf16.f32 v10;
	v14 =	vunpack.i.l.bf16.f32 v10  }
0x611: {  	v10 =	vmov s22;
	v14 =	vmul.f32 v14, v12;
	v12 =	vmul.f32 v9, v12  }
0x612: {  	v9 =	vshll.u32 v10, $0x7  }
0x613: {  	[tilespmem:v13+s18+$0x0] =	vst.idx.msk $0xffff, v14  }
0x614: {  	_ =	sdelay $0x3  }
0x615: {  	[tilespmem:v11+s18+$0x0] =	vst.idx.msk $0xffff, v12;
	s0 =	sadd.s32 $0x40, s0  }
0x616: {  	v11 =	vld [tilespmem:s0+$0xFFFFFFE0]  }
0x617: {  	v10 =	vld.idx.msk [tilespmem:v10+s29+$0x0], $0xffff;
	_ =	sdelay $0x1  }
0x618: {  	v55 =	vor.u32 v0, v9  }
0x619: {  	v13 =	vor.u32 v2, v9  }
0x61a: {  	v14 =	vunpack.i.l.bf16.f32 v11  }
0x61b: {  	v11 =	vunpack.i.u.bf16.f32 v11;
	v14 =	vmul.f32 v14, v10  }
0x61c: {  	v11 =	vmul.f32 v11, v10  }
0x61d: {  	[tilespmem:v55+s18+$0x0] =	vst.idx.msk $0xffff, v14  }
0x61e: {  	[tilespmem:v13+s18+$0x0] =	vst.idx.msk $0xffff, v11  }
0x61f: {  	v11 =	vld [tilespmem:s0+$0xFFFFFFF0];
	_ =	sdelay $0x2  }
0x620: {  	v56 =	vor.u32 v3, v9  }
0x621: {  	v57 =	vor.u32 v4, v9  }
0x622: {  	v58 =	vunpack.i.l.bf16.f32 v11  }
0x623: {  	v11 =	vunpack.i.u.bf16.f32 v11;
	v14 =	vmul.f32 v58, v10  }
0x624: {  	v11 =	vmul.f32 v11, v10  }
0x625: {  	[tilespmem:v56+s18+$0x0] =	vst.idx.msk $0xffff, v14  }
0x626: {  	[tilespmem:v57+s18+$0x0] =	vst.idx.msk $0xffff, v11  }
0x627: {  	v11 =	vld [tilespmem:s0+$0x0];
	_ =	sdelay $0x2  }
0x628: {  	v59 =	vor.u32 v5, v9  }
0x629: {  	v60 =	vor.u32 v6, v9  }
0x62a: {  	v61 =	vunpack.i.l.bf16.f32 v11  }
0x62b: {  	v11 =	vunpack.i.u.bf16.f32 v11;
	v14 =	vmul.f32 v61, v10  }
0x62c: {  	v11 =	vmul.f32 v11, v10  }
0x62d: {  	[tilespmem:v59+s18+$0x0] =	vst.idx.msk $0xffff, v14  }
0x62e: {  	[tilespmem:v60+s18+$0x0] =	vst.idx.msk $0xffff, v11  }
0x62f: {  	v11 =	vld [tilespmem:s0+$0x10];
	_ =	sdelay $0x2  }
0x630: {  	v62 =	vor.u32 v7, v9  }
0x631: {  	v9 =	vor.u32 v8, v9  }
0x632: {  	v63 =	vunpack.i.l.bf16.f32 v11  }
.Ltmp11:
0x633: {  	v11 =	vunpack.i.u.bf16.f32 v11;
	v13 =	vmul.f32 v63, v10;
	(pc) =	sbr.rel @p0 .LBB2_22-.Ltmp11, $4  }
0x634: {  	v10 =	vmul.f32 v11, v10  }
0x635: {  	[tilespmem:v62+s18+$0x0] =	vst.idx.msk $0xffff, v13  }
0x636: {  	s30 =	simm.s32 $0x5000;
	[tilespmem:v9+s18+$0x0] =	vst.idx.msk $0xffff, v10  }
0x637: {  	[spmem:s24] =	stream.indirect.scatter.add.f32 [tilespmem:s18], [sflag:$0x8], $0x80, s30, s15, $0xb8;
	[tilespmem:$0x1F040] =	vst v63  }
0x638: {  	s0 =	sld [smem:$0x7F8];
	_ =	sdelay $0x2  }
0x639: {  	s0 =	sadd.s32 s21, s0  }
.Ltmp12:
0x63a: {  	s0 =	sshrl.u32 s0, $0x3;
	(pc) =	sbr.rel .LBB2_4-.Ltmp12, $4  }
0x63b: {  	s22 =	simm.s32 $0x4E80;
	s14 =	sadd.s32 s25, s0  }
0x63c: {  	[tilespmem:s22], [sflag:$0xC] =	stream.linear.gather [hbm4b:s14+s2], $0x20, $0x38;
	[tilespmem:$0x1F040] =	vst v63  }
0x63d: {  	s30 =	simm.s32 $0x4F80;
	s16 =	sadd.s32 $0x1, s16;
	s0 =	sadd.s32 s1, s0  }
0x63e: {  	[tilespmem:s30], [sflag:$0x14] =	stream.linear.gather [hbm4b:s0+s2], $0x20, $0x38;
	[tilespmem:$0x1F040] =	vst v63  }
.LBB2_23:
0x63f: {  	_ =	sfence.sel $0x180000  }
0x640: {  	[bflag:$0x0] =	sbarrier.arrive $0xFFFF  }
0x641: {  	_ =	strace $0x90000047  }
0x642: {  	s0 =	stileid.u32;
	[bflag:$0x2] =	sbarrier.arrive $0xFFFF  }
0x643: {  	p0 =	sne.s32 s0, $0x0;
	s0 =	rddreg [dreg:$0x3]  }
0x644: {  	s0 =	sadd.s32 @!p0 $0x100000, s0  }
0x645: {  	[sflag:s0] =	ssyncadd.tile.s32 @!p0 $0x1;
	_ =	shalt  }
.Lfunc_end2:
_tile_overlayer_lowered:
.L_overlay_start_2:
0x646: {  	(tag) =	ssettag $0x2  }
0x647: {  	s0 =	rddreg [dreg:$0x0];
	s2 =	stileid.u32  }
0x648: {  	s1 =	rddreg [dreg:$0x1];
	p0 =	sne.s32 s2, $0x0  }
0x649: {  	s3 =	rddreg [dreg:$0x2];
	[bflag:$0x3] =	sbarrier.arrive $0xFFFF;
	s2 =	simm.s32 @!p0 $0x1C19  }
0x64a: {  	[timem:s3], [sflag:s2] =	dma.local @!p0 [hbm:s0], s1  }
0x64b: {  	s0 =	simm.s32 @!p0 $0x19  }
0x64c: {  	_ =	swait.ge @!p0 [sflag:s0], s1  }
0x64d: {  	s1 =	ssub.s32 @!p0 $0x0, s1;
	[sflag:s0] =	ssyncset.done @!p0 $0x0  }
0x64e: {  	[sflag:s0] =	ssyncadd.s32 @!p0 s1  }
0x64f: {  	[bflag:$0x3] =	sbarrier.arrive $0xFFFF  }
0x650: {  	_ =	shalt  }

</sc_bundles>
